<compile_context>
chip_gen: v7x
topology: tpu7x:2x2x1
jax: 0.10.2.dev20260603
libtpu: 0.0.44.dev20260713+nightly
codegen_flags: <defaults>
</compile_context>

<pallas_src>
import functools

import jax
import jax.numpy as jnp
from jax import lax
from jax.experimental import pallas as pl
from jax.experimental.pallas import tpu as pltpu
from jax.experimental.pallas import tpu_sc as plsc

N = 10000
E = 320000
D_IN = 128
H = 32
A = 3

CH = 128
NC, NS = 2, 16
NW = NC * NS
CPW = 80
NCH = NW * CPW
EP = NCH * CH
NP = 10240
ROWS = 1024
GRID = NP // ROWS
K = 16

_mesh = plsc.VectorSubcoreMesh(core_axis_name="c", subcore_axis_name="s")


@functools.partial(
    pl.kernel,
    out_type=jax.ShapeDtypeStruct((NC, NP), jnp.float32),
    mesh=_mesh,
    scratch_types=[
        pltpu.VMEM((CPW, CH), jnp.int32),
        pltpu.VMEM((CH,), jnp.float32),
        pltpu.SemaphoreType.DMA,
        pltpu.VMEM_SHARED((NP,), jnp.float32),
    ],
    compiler_params=pltpu.CompilerParams(use_tc_tiling_on_sc=False),
)
def _deg_kernel(edges, zeros_n, deg_out, didx, ones_v, sem_s, deg_sh):
    cid = lax.axis_index("c")
    sid = lax.axis_index("s")
    wid = sid * NC + cid
    for i in range(CH // 16):
        ones_v[pl.ds(i * 16, 16)] = jnp.ones((16,), jnp.float32)

    @pl.when(sid == 0)
    def _():
        pltpu.sync_copy(zeros_n, deg_sh)

    pltpu.sync_copy(edges.at[1, pl.ds(wid * CPW, CPW)], didx)
    plsc.subcore_barrier()

    def body(p, carry):
        descs = []
        for b in range(K):
            j = p * K + b
            descs.append(pltpu.async_copy(
                ones_v, deg_sh.at[didx.at[j]], sem_s, add=True))
        for d in descs:
            d.wait()
        return carry

    lax.fori_loop(0, CPW // K, body, 0)
    plsc.subcore_barrier()

    @pl.when(sid == 0)
    def _():
        pltpu.sync_copy(deg_sh, deg_out.at[cid])


@functools.partial(
    pl.kernel,
    out_type=(
        jax.ShapeDtypeStruct((NC, NP, H), jnp.float32),
        jax.ShapeDtypeStruct((NC, NP), jnp.float32),
    ),
    mesh=_mesh,
    scratch_types=[
        pltpu.VMEM((CPW, CH), jnp.int32),
        pltpu.VMEM((CPW, CH), jnp.int32),
        pltpu.VMEM((K, CH, H), jnp.float32),
        pltpu.VMEM((K, CH), jnp.float32),
        pltpu.SemaphoreType.DMA,
        pltpu.SemaphoreType.DMA,
        pltpu.SemaphoreType.DMA,
        pltpu.SemaphoreType.DMA,
        pltpu.VMEM_SHARED((NP, H), jnp.float32),
        pltpu.VMEM_SHARED((NP,), jnp.float32),
    ],
    compiler_params=pltpu.CompilerParams(use_tc_tiling_on_sc=False),
)
def _agg_kernel(edges, g1, dinv, zeros_nh, zeros_n, agg_out, c_out,
                sidx, didx, rows, dvals, sem_g, sem_d, sem_s, sem_c,
                agg_sh, c_sh):
    cid = lax.axis_index("c")
    sid = lax.axis_index("s")
    wid = sid * NC + cid

    @pl.when(sid == 0)
    def _():
        pltpu.sync_copy(zeros_nh, agg_sh)
        pltpu.sync_copy(zeros_n, c_sh)

    pltpu.sync_copy(edges.at[0, pl.ds(wid * CPW, CPW)], sidx)
    pltpu.sync_copy(edges.at[1, pl.ds(wid * CPW, CPW)], didx)
    plsc.subcore_barrier()

    def body(p, carry):
        dg, dd = [], []
        for b in range(K):
            j = p * K + b
            dg.append(pltpu.async_copy(g1.at[sidx.at[j]], rows.at[b], sem_g))
            dd.append(pltpu.async_copy(dinv.at[didx.at[j]], dvals.at[b], sem_d))
        ds = []
        for b in range(K):
            j = p * K + b
            dg[b].wait()
            ds.append(pltpu.async_copy(
                rows.at[b], agg_sh.at[didx.at[j]], sem_s, add=True))
            dd[b].wait()
            ds.append(pltpu.async_copy(
                dvals.at[b], c_sh.at[sidx.at[j]], sem_c, add=True))
        for d in ds:
            d.wait()
        return carry

    lax.fori_loop(0, CPW // K, body, 0)
    plsc.subcore_barrier()

    @pl.when(sid == 0)
    def _():
        pltpu.sync_copy(agg_sh, agg_out.at[cid])
        pltpu.sync_copy(c_sh, c_out.at[cid])


def _dense1_body(x_ref, w1_ref, deg_ref, g1_ref, dinv_ref):
    deg = deg_ref[0] + deg_ref[1] + 1.0
    dinv = lax.rsqrt(deg)
    h = jnp.dot(x_ref[...], w1_ref[...], preferred_element_type=jnp.float32)
    g1_ref[...] = h * dinv
    dinv_ref[...] = dinv


def _dense1(x, W1, deg_p):
    return pl.pallas_call(
        _dense1_body,
        grid=(GRID,),
        in_specs=[
            pl.BlockSpec((ROWS, D_IN), lambda i: (i, 0)),
            pl.BlockSpec((D_IN, H), lambda i: (0, 0)),
            pl.BlockSpec((NC, ROWS, 1), lambda i: (0, i, 0)),
        ],
        out_specs=[
            pl.BlockSpec((ROWS, H), lambda i: (i, 0)),
            pl.BlockSpec((ROWS, 1), lambda i: (i, 0)),
        ],
        out_shape=[
            jax.ShapeDtypeStruct((NP, H), jnp.float32),
            jax.ShapeDtypeStruct((NP, 1), jnp.float32),
        ],
    )(x, W1, deg_p)


def _head_body(agg_ref, c_ref, g1_ref, dinv_ref, b1_ref, w2_ref, b2_ref,
               w3_ref, b3_ref, out_ref, acc):
    k = pl.program_id(0)

    @pl.when(k == 0)
    def _():
        acc[...] = jnp.zeros_like(acc)

    dinv = dinv_ref[...]
    agg = agg_ref[0] + agg_ref[1] + g1_ref[...]
    out1 = jnp.maximum(agg * dinv + b1_ref[...], 0.0)
    w = dinv * (c_ref[0] + c_ref[1] + dinv)
    row = k * ROWS + lax.broadcasted_iota(jnp.int32, (ROWS, 1), 0)
    w = jnp.where(row < N, w, 0.0)
    acc[...] += jnp.sum(out1 * w, axis=0, keepdims=True)

    @pl.when(k == GRID - 1)
    def _():
        r = jnp.dot(acc[...], w2_ref[...],
                    preferred_element_type=jnp.float32) * (1.0 / N) + b2_ref[...]
        lg = jnp.dot(r, w3_ref[...],
                     preferred_element_type=jnp.float32) + b3_ref[...]
        m = jnp.max(lg, axis=1, keepdims=True)
        e = jnp.exp(lg - m)
        out_ref[...] = e / jnp.sum(e, axis=1, keepdims=True)


def _head(agg_p, c_p, g1, dinv, b1, W2, b2, W3, b3):
    return pl.pallas_call(
        _head_body,
        grid=(GRID,),
        in_specs=[
            pl.BlockSpec((NC, ROWS, H), lambda i: (0, i, 0)),
            pl.BlockSpec((NC, ROWS, 1), lambda i: (0, i, 0)),
            pl.BlockSpec((ROWS, H), lambda i: (i, 0)),
            pl.BlockSpec((ROWS, 1), lambda i: (i, 0)),
            pl.BlockSpec((1, H), lambda i: (0, 0)),
            pl.BlockSpec((H, H), lambda i: (0, 0)),
            pl.BlockSpec((1, H), lambda i: (0, 0)),
            pl.BlockSpec((H, A), lambda i: (0, 0)),
            pl.BlockSpec((1, A), lambda i: (0, 0)),
        ],
        out_specs=pl.BlockSpec((1, A), lambda i: (0, 0)),
        out_shape=jax.ShapeDtypeStruct((1, A), jnp.float32),
        scratch_shapes=[pltpu.VMEM((1, H), jnp.float32)],
    )(agg_p, c_p, g1, dinv, b1, W2, b2, W3, b3)


def kernel(x, edge_index, W1, b1, W2, b2, W3, b3):
    pad = N + jnp.tile(jnp.arange(EP - E, dtype=jnp.int32) % (NP - N), (2, 1))
    edges = jnp.concatenate([edge_index, pad], axis=1).reshape(2, NCH, CH)
    x_pad = jnp.pad(x, ((0, NP - N), (0, 0)))
    zeros_n = jnp.zeros((NP,), jnp.float32)
    zeros_nh = jnp.zeros((NP, H), jnp.float32)
    deg_p = _deg_kernel(edges, zeros_n)
    g1, dinv = _dense1(x_pad, W1, deg_p.reshape(NC, NP, 1))
    agg_p, c_p = _agg_kernel(edges, g1, dinv.reshape(NP), zeros_nh, zeros_n)
    out = _head(agg_p, c_p.reshape(NC, NP, 1), g1, dinv,
                b1.reshape(1, H), W2, b2.reshape(1, H), W3, b3.reshape(1, A))
    return out

# --- scband reference (transcript-rebuilt; emitter-appended) ---
"""Pipeline reference for scband-grid-gnn-11897059409948 (READ-ONLY COPY).

The authoritative reference and input builder live on the scoring server;
editing this copy changes nothing except your own understanding.
"""

import jax, jax.numpy as jnp
import numpy as np

N = 10000
E = 320000
D_IN = 128
H = 32
A = 3


def setup_inputs(seed: int = 0) -> dict:
    key = jax.random.key(seed)
    ks = jax.random.split(key, 8)
    x = jax.random.normal(ks[0], (N, D_IN), dtype=jnp.float32)
    edge_index = jax.random.randint(ks[1], (2, E), 0, N, dtype=jnp.int32)
    W1 = jax.random.normal(ks[2], (D_IN, H), dtype=jnp.float32) * (1.0 / np.sqrt(D_IN))
    b1 = jnp.zeros((H,), dtype=jnp.float32)
    W2 = jax.random.normal(ks[3], (H, H), dtype=jnp.float32) * (1.0 / np.sqrt(H))
    b2 = jnp.zeros((H,), dtype=jnp.float32)
    W3 = jax.random.normal(ks[4], (H, A), dtype=jnp.float32) * (1.0 / np.sqrt(H))
    b3 = jnp.zeros((A,), dtype=jnp.float32)
    return {"x": x, "edge_index": edge_index, "W1": W1, "b1": b1, "W2": W2, "b2": b2, "W3": W3, "b3": b3}


def gcn_conv(x, edge_index, W, b):
    # Faithful PyG GCNConv: add self-loops, symmetric deg normalization, sum-aggregate.
    n = x.shape[0]
    loop = jnp.arange(n, dtype=edge_index.dtype)
    src = jnp.concatenate([edge_index[0], loop])
    dst = jnp.concatenate([edge_index[1], loop])
    h = x @ W
    ones = jnp.ones(src.shape[0], dtype=h.dtype)
    deg = jax.ops.segment_sum(ones, dst, num_segments=n)
    dinv = jnp.where(deg > 0, 1.0 / jnp.sqrt(deg), 0.0)
    norm = dinv[src] * dinv[dst]
    msg = h[src] * norm[:, None]
    out = jax.ops.segment_sum(msg, dst, num_segments=n)
    return out + b


def reference(x, edge_index, W1, b1, W2, b2, W3, b3):
    h = jax.nn.relu(gcn_conv(x, edge_index, W1, b1))
    h = gcn_conv(h, edge_index, W2, b2)
    # batch is None in forward -> all nodes belong to graph 0 -> global mean pool = mean over nodes
    pooled = jnp.mean(h, axis=0, keepdims=True)
    logits = pooled @ W3 + b3
    return jax.nn.softmax(logits, axis=1)

if __name__ == "__main__":
    import jax
    _d = setup_inputs()
    print(jax.jit(kernel)(*tuple(_d.values())))

</pallas_src>

<mosaic_0001>
#map = affine_map<(d0, d1) -> (0, 0, 0)>
#map1 = affine_map<(d0, d1) -> (0)>
#map2 = affine_map<(d0, d1) -> (0, 0)>
module attributes {stable_mosaic.version = 14 : i64} {
  func.func @_deg_kernel(%arg0: i32, %arg1: i32, %arg2: memref<2x2560x128xi32, #tpu.memory_space<hbm>>, %arg3: memref<10240xf32, #tpu.memory_space<hbm>>, %arg4: memref<2x10240xf32, #tpu.memory_space<hbm>>, %arg5: memref<80x128xi32, #tpu.memory_space<vmem>>, %arg6: memref<128xf32, #tpu.memory_space<vmem>>, %arg7: memref<!tpu.dma_semaphore, #tpu.memory_space<semaphore_mem>>, %arg8: memref<10240xf32, #tpu.memory_space<vmem_shared>>) attributes {dimension_semantics = [#tpu.dimension_semantics<core_parallel>, #tpu.dimension_semantics<subcore_parallel>], iteration_bounds = array<i64: 2, 16>, scalar_prefetch = 0 : i64, scratch_operands = 4 : i64, tpu.core_type = #tpu.core_type<sc_vector_subcore>, window_params = [{transform_indices = #map}, {transform_indices = #map1}, {transform_indices = #map2}]} {
    %mul3A = arith.constant 2 : i32
    %mul3A_0 = arith.muli %arg1, %mul3A : i32
    %add3A = arith.addi %mul3A_0, %arg0 : i32
    %broadcast_in_dim3A = arith.constant 1.000000e+00 : f32
    %broadcast_in_dim3A_1 = vector.broadcast %broadcast_in_dim3A : f32 to vector<16xf32>
    %swap3A = arith.constant 0 : index
    %swap3A_2 = tpu.vector_load %arg6[%swap3A] {strides = array<i32>} : memref<128xf32, #tpu.memory_space<vmem>>, vector<16xf32>,
    %swap3A_3 = vector.shape_cast %swap3A_2 : vector<16xf32> to vector<16xf32>
    %swap3A_4 = vector.shape_cast %broadcast_in_dim3A_1 : vector<16xf32> to vector<16xf32>
    tpu.vector_store %arg6[%swap3A], %swap3A_4 {strides = array<i32>} : memref<128xf32, #tpu.memory_space<vmem>>, vector<16xf32>,
    %broadcast_in_dim3A_5 = arith.constant 1.000000e+00 : f32
    %broadcast_in_dim3A_6 = vector.broadcast %broadcast_in_dim3A_5 : f32 to vector<16xf32>
    %swap3A_7 = arith.constant 16 : index
    %swap3A_8 = tpu.vector_load %arg6[%swap3A_7] {strides = array<i32>} : memref<128xf32, #tpu.memory_space<vmem>>, vector<16xf32>,
    %swap3A_9 = vector.shape_cast %swap3A_8 : vector<16xf32> to vector<16xf32>
    %swap3A_10 = vector.shape_cast %broadcast_in_dim3A_6 : vector<16xf32> to vector<16xf32>
    tpu.vector_store %arg6[%swap3A_7], %swap3A_10 {strides = array<i32>} : memref<128xf32, #tpu.memory_space<vmem>>, vector<16xf32>,
    %broadcast_in_dim3A_11 = arith.constant 1.000000e+00 : f32
    %broadcast_in_dim3A_12 = vector.broadcast %broadcast_in_dim3A_11 : f32 to vector<16xf32>
    %swap3A_13 = arith.constant 32 : index
    %swap3A_14 = tpu.vector_load %arg6[%swap3A_13] {strides = array<i32>} : memref<128xf32, #tpu.memory_space<vmem>>, vector<16xf32>,
    %swap3A_15 = vector.shape_cast %swap3A_14 : vector<16xf32> to vector<16xf32>
    %swap3A_16 = vector.shape_cast %broadcast_in_dim3A_12 : vector<16xf32> to vector<16xf32>
    tpu.vector_store %arg6[%swap3A_13], %swap3A_16 {strides = array<i32>} : memref<128xf32, #tpu.memory_space<vmem>>, vector<16xf32>,
    %broadcast_in_dim3A_17 = arith.constant 1.000000e+00 : f32
    %broadcast_in_dim3A_18 = vector.broadcast %broadcast_in_dim3A_17 : f32 to vector<16xf32>
    %swap3A_19 = arith.constant 48 : index
    %swap3A_20 = tpu.vector_load %arg6[%swap3A_19] {strides = array<i32>} : memref<128xf32, #tpu.memory_space<vmem>>, vector<16xf32>,
    %swap3A_21 = vector.shape_cast %swap3A_20 : vector<16xf32> to vector<16xf32>
    %swap3A_22 = vector.shape_cast %broadcast_in_dim3A_18 : vector<16xf32> to vector<16xf32>
    tpu.vector_store %arg6[%swap3A_19], %swap3A_22 {strides = array<i32>} : memref<128xf32, #tpu.memory_space<vmem>>, vector<16xf32>,
    %broadcast_in_dim3A_23 = arith.constant 1.000000e+00 : f32
    %broadcast_in_dim3A_24 = vector.broadcast %broadcast_in_dim3A_23 : f32 to vector<16xf32>
    %swap3A_25 = arith.constant 64 : index
    %swap3A_26 = tpu.vector_load %arg6[%swap3A_25] {strides = array<i32>} : memref<128xf32, #tpu.memory_space<vmem>>, vector<16xf32>,
    %swap3A_27 = vector.shape_cast %swap3A_26 : vector<16xf32> to vector<16xf32>
    %swap3A_28 = vector.shape_cast %broadcast_in_dim3A_24 : vector<16xf32> to vector<16xf32>
    tpu.vector_store %arg6[%swap3A_25], %swap3A_28 {strides = array<i32>} : memref<128xf32, #tpu.memory_space<vmem>>, vector<16xf32>,
    %broadcast_in_dim3A_29 = arith.constant 1.000000e+00 : f32
    %broadcast_in_dim3A_30 = vector.broadcast %broadcast_in_dim3A_29 : f32 to vector<16xf32>
    %swap3A_31 = arith.constant 80 : index
    %swap3A_32 = tpu.vector_load %arg6[%swap3A_31] {strides = array<i32>} : memref<128xf32, #tpu.memory_space<vmem>>, vector<16xf32>,
    %swap3A_33 = vector.shape_cast %swap3A_32 : vector<16xf32> to vector<16xf32>
    %swap3A_34 = vector.shape_cast %broadcast_in_dim3A_30 : vector<16xf32> to vector<16xf32>
    tpu.vector_store %arg6[%swap3A_31], %swap3A_34 {strides = array<i32>} : memref<128xf32, #tpu.memory_space<vmem>>, vector<16xf32>,
    %broadcast_in_dim3A_35 = arith.constant 1.000000e+00 : f32
    %broadcast_in_dim3A_36 = vector.broadcast %broadcast_in_dim3A_35 : f32 to vector<16xf32>
    %swap3A_37 = arith.constant 96 : index
    %swap3A_38 = tpu.vector_load %arg6[%swap3A_37] {strides = array<i32>} : memref<128xf32, #tpu.memory_space<vmem>>, vector<16xf32>,
    %swap3A_39 = vector.shape_cast %swap3A_38 : vector<16xf32> to vector<16xf32>
    %swap3A_40 = vector.shape_cast %broadcast_in_dim3A_36 : vector<16xf32> to vector<16xf32>
    tpu.vector_store %arg6[%swap3A_37], %swap3A_40 {strides = array<i32>} : memref<128xf32, #tpu.memory_space<vmem>>, vector<16xf32>,
    %broadcast_in_dim3A_41 = arith.constant 1.000000e+00 : f32
    %broadcast_in_dim3A_42 = vector.broadcast %broadcast_in_dim3A_41 : f32 to vector<16xf32>
    %swap3A_43 = arith.constant 112 : index
    %swap3A_44 = tpu.vector_load %arg6[%swap3A_43] {strides = array<i32>} : memref<128xf32, #tpu.memory_space<vmem>>, vector<16xf32>,
    %swap3A_45 = vector.shape_cast %swap3A_44 : vector<16xf32> to vector<16xf32>
    %swap3A_46 = vector.shape_cast %broadcast_in_dim3A_42 : vector<16xf32> to vector<16xf32>
    tpu.vector_store %arg6[%swap3A_43], %swap3A_46 {strides = array<i32>} : memref<128xf32, #tpu.memory_space<vmem>>, vector<16xf32>,
    %eq3A = arith.constant 0 : i32
    %eq3A_47 = arith.cmpi eq, %arg1, %eq3A : i32
    %convert_element_type3A = arith.extui %eq3A_47 : i1 to i32
    %cond3A = arith.constant 0 : i32
    %cond3A_48 = arith.cmpi ne, %convert_element_type3A, %cond3A : i32
    scf.if %cond3A_48 {
      "tpu.region"() ({
        %run_scoped3A_62 = tpu.sem_alloc : memref<!tpu.dma_semaphore, #tpu.memory_space<semaphore_mem>>
        tpu.enqueue_dma source(%arg3 : memref<10240xf32, #tpu.memory_space<hbm>>) target(%arg8 : memref<10240xf32, #tpu.memory_space<vmem_shared>>) target_semaphore(%run_scoped3A_62 : memref<!tpu.dma_semaphore, #tpu.memory_space<semaphore_mem>>)
        tpu.wait_dma2 semaphore(%run_scoped3A_62 : memref<!tpu.dma_semaphore, #tpu.memory_space<semaphore_mem>>) src(%arg3 : memref<10240xf32, #tpu.memory_space<hbm>>) dst(%arg8 : memref<10240xf32, #tpu.memory_space<vmem_shared>>)
        tpu.yield
      }) : () -> ()
    } else {
    }
    %mul3A_49 = arith.constant 80 : i32
    %mul3A_50 = arith.muli %add3A, %mul3A_49 : i32
    %run_scoped3A = arith.constant 1 : i32
    "tpu.region"() ({
      %run_scoped3A_62 = tpu.sem_alloc : memref<!tpu.dma_semaphore, #tpu.memory_space<semaphore_mem>>
      %dma_start3A = arith.constant 0 : i32
      %dma_start3A_63 = tpu.memref_slice %arg2[%run_scoped3A, %mul3A_50, %dma_start3A] : memref<2x2560x128xi32, #tpu.memory_space<hbm>> -> memref<1x80x128xi32, #tpu.memory_space<hbm>>
      %dma_start3A_64 = tpu.memref_squeeze %dma_start3A_63 : memref<1x80x128xi32, #tpu.memory_space<hbm>> -> memref<80x128xi32, #tpu.memory_space<hbm>>
      %dma_start3A_65 = arith.constant 0 : i32
      %dma_start3A_66 = tpu.memref_slice %arg2[%run_scoped3A, %mul3A_50, %dma_start3A_65] : memref<2x2560x128xi32, #tpu.memory_space<hbm>> -> memref<1x80x128xi32, #tpu.memory_space<hbm>>
      %dma_start3A_67 = tpu.memref_squeeze %dma_start3A_66 : memref<1x80x128xi32, #tpu.memory_space<hbm>> -> memref<80x128xi32, #tpu.memory_space<hbm>>
      tpu.enqueue_dma source(%dma_start3A_67 : memref<80x128xi32, #tpu.memory_space<hbm>>) target(%arg5 : memref<80x128xi32, #tpu.memory_space<vmem>>) target_semaphore(%run_scoped3A_62 : memref<!tpu.dma_semaphore, #tpu.memory_space<semaphore_mem>>)
      %dma_wait3A = arith.constant 0 : i32
      %dma_wait3A_68 = tpu.memref_slice %arg2[%run_scoped3A, %mul3A_50, %dma_wait3A] : memref<2x2560x128xi32, #tpu.memory_space<hbm>> -> memref<1x80x128xi32, #tpu.memory_space<hbm>>
      %dma_wait3A_69 = tpu.memref_squeeze %dma_wait3A_68 : memref<1x80x128xi32, #tpu.memory_space<hbm>> -> memref<80x128xi32, #tpu.memory_space<hbm>>
      %dma_wait3A_70 = arith.constant 0 : i32
      %dma_wait3A_71 = tpu.memref_slice %arg2[%run_scoped3A, %mul3A_50, %dma_wait3A_70] : memref<2x2560x128xi32, #tpu.memory_space<hbm>> -> memref<1x80x128xi32, #tpu.memory_space<hbm>>
      %dma_wait3A_72 = tpu.memref_squeeze %dma_wait3A_71 : memref<1x80x128xi32, #tpu.memory_space<hbm>> -> memref<80x128xi32, #tpu.memory_space<hbm>>
      tpu.wait_dma2 semaphore(%run_scoped3A_62 : memref<!tpu.dma_semaphore, #tpu.memory_space<semaphore_mem>>) src(%dma_wait3A_72 : memref<80x128xi32, #tpu.memory_space<hbm>>) dst(%arg5 : memref<80x128xi32, #tpu.memory_space<vmem>>)
      tpu.yield
    }) : () -> ()
    %barrier3A = arith.constant 0 : index
    tpu.barrier barrier_id(%barrier3A)
    %scan3A = arith.constant 0 : i32
    %scan3A_51 = arith.constant 0 : i32
    %scan3A_52 = arith.constant 5 : i32
    %scan3A_53 = arith.addi %scan3A_51, %scan3A_52 : i32
    %scan3A_54 = arith.constant 1 : i32
    scf.for %scan3A_62 = %scan3A_51 to %scan3A_53 step %scan3A_54  : i32 {
      %mul3A_63 = arith.constant 16 : i32
      %mul3A_64 = arith.muli %scan3A_62, %mul3A_63 : i32
      %add3A_65 = arith.constant 0 : i32
      %add3A_66 = arith.addi %mul3A_64, %add3A_65 : i32
      %dma_start3A = arith.constant 0 : i32
      %dma_start3A_67 = tpu.memref_slice %arg5[%add3A_66, %dma_start3A] : memref<80x128xi32, #tpu.memory_space<vmem>> -> memref<1x128xi32, #tpu.memory_space<vmem>>
      %dma_start3A_68 = tpu.memref_squeeze %dma_start3A_67 : memref<1x128xi32, #tpu.memory_space<vmem>> -> memref<128xi32, #tpu.memory_space<vmem>>
      %dma_start3A_69 = arith.constant 0 : i32
      %dma_start3A_70 = tpu.memref_slice %arg8[%dma_start3A_69] : memref<10240xf32, #tpu.memory_space<vmem_shared>> -> memref<10240xf32, #tpu.memory_space<vmem_shared>>
      tpu.enqueue_indirect_dma source(%arg6 : memref<128xf32, #tpu.memory_space<vmem>>) target(%dma_start3A_70 : memref<10240xf32, #tpu.memory_space<vmem_shared>>) offsets(%dma_start3A_68 : memref<128xi32, #tpu.memory_space<vmem>>) semaphore(%arg7 : memref<!tpu.dma_semaphore, #tpu.memory_space<semaphore_mem>>) {add = true}
      %mul3A_71 = arith.constant 16 : i32
      %mul3A_72 = arith.muli %scan3A_62, %mul3A_71 : i32
      %add3A_73 = arith.constant 1 : i32
      %add3A_74 = arith.addi %mul3A_72, %add3A_73 : i32
      %dma_start3A_75 = arith.constant 0 : i32
      %dma_start3A_76 = tpu.memref_slice %arg5[%add3A_74, %dma_start3A_75] : memref<80x128xi32, #tpu.memory_space<vmem>> -> memref<1x128xi32, #tpu.memory_space<vmem>>
      %dma_start3A_77 = tpu.memref_squeeze %dma_start3A_76 : memref<1x128xi32, #tpu.memory_space<vmem>> -> memref<128xi32, #tpu.memory_space<vmem>>
      %dma_start3A_78 = arith.constant 0 : i32
      %dma_start3A_79 = tpu.memref_slice %arg8[%dma_start3A_78] : memref<10240xf32, #tpu.memory_space<vmem_shared>> -> memref<10240xf32, #tpu.memory_space<vmem_shared>>
      tpu.enqueue_indirect_dma source(%arg6 : memref<128xf32, #tpu.memory_space<vmem>>) target(%dma_start3A_79 : memref<10240xf32, #tpu.memory_space<vmem_shared>>) offsets(%dma_start3A_77 : memref<128xi32, #tpu.memory_space<vmem>>) semaphore(%arg7 : memref<!tpu.dma_semaphore, #tpu.memory_space<semaphore_mem>>) {add = true}
      %mul3A_80 = arith.constant 16 : i32
      %mul3A_81 = arith.muli %scan3A_62, %mul3A_80 : i32
      %add3A_82 = arith.constant 2 : i32
      %add3A_83 = arith.addi %mul3A_81, %add3A_82 : i32
      %dma_start3A_84 = arith.constant 0 : i32
      %dma_start3A_85 = tpu.memref_slice %arg5[%add3A_83, %dma_start3A_84] : memref<80x128xi32, #tpu.memory_space<vmem>> -> memref<1x128xi32, #tpu.memory_space<vmem>>
      %dma_start3A_86 = tpu.memref_squeeze %dma_start3A_85 : memref<1x128xi32, #tpu.memory_space<vmem>> -> memref<128xi32, #tpu.memory_space<vmem>>
      %dma_start3A_87 = arith.constant 0 : i32
      %dma_start3A_88 = tpu.memref_slice %arg8[%dma_start3A_87] : memref<10240xf32, #tpu.memory_space<vmem_shared>> -> memref<10240xf32, #tpu.memory_space<vmem_shared>>
      tpu.enqueue_indirect_dma source(%arg6 : memref<128xf32, #tpu.memory_space<vmem>>) target(%dma_start3A_88 : memref<10240xf32, #tpu.memory_space<vmem_shared>>) offsets(%dma_start3A_86 : memref<128xi32, #tpu.memory_space<vmem>>) semaphore(%arg7 : memref<!tpu.dma_semaphore, #tpu.memory_space<semaphore_mem>>) {add = true}
      %mul3A_89 = arith.constant 16 : i32
      %mul3A_90 = arith.muli %scan3A_62, %mul3A_89 : i32
      %add3A_91 = arith.constant 3 : i32
      %add3A_92 = arith.addi %mul3A_90, %add3A_91 : i32
      %dma_start3A_93 = arith.constant 0 : i32
      %dma_start3A_94 = tpu.memref_slice %arg5[%add3A_92, %dma_start3A_93] : memref<80x128xi32, #tpu.memory_space<vmem>> -> memref<1x128xi32, #tpu.memory_space<vmem>>
      %dma_start3A_95 = tpu.memref_squeeze %dma_start3A_94 : memref<1x128xi32, #tpu.memory_space<vmem>> -> memref<128xi32, #tpu.memory_space<vmem>>
      %dma_start3A_96 = arith.constant 0 : i32
      %dma_start3A_97 = tpu.memref_slice %arg8[%dma_start3A_96] : memref<10240xf32, #tpu.memory_space<vmem_shared>> -> memref<10240xf32, #tpu.memory_space<vmem_shared>>
      tpu.enqueue_indirect_dma source(%arg6 : memref<128xf32, #tpu.memory_space<vmem>>) target(%dma_start3A_97 : memref<10240xf32, #tpu.memory_space<vmem_shared>>) offsets(%dma_start3A_95 : memref<128xi32, #tpu.memory_space<vmem>>) semaphore(%arg7 : memref<!tpu.dma_semaphore, #tpu.memory_space<semaphore_mem>>) {add = true}
      %mul3A_98 = arith.constant 16 : i32
      %mul3A_99 = arith.muli %scan3A_62, %mul3A_98 : i32
      %add3A_100 = arith.constant 4 : i32
      %add3A_101 = arith.addi %mul3A_99, %add3A_100 : i32
      %dma_start3A_102 = arith.constant 0 : i32
      %dma_start3A_103 = tpu.memref_slice %arg5[%add3A_101, %dma_start3A_102] : memref<80x128xi32, #tpu.memory_space<vmem>> -> memref<1x128xi32, #tpu.memory_space<vmem>>
      %dma_start3A_104 = tpu.memref_squeeze %dma_start3A_103 : memref<1x128xi32, #tpu.memory_space<vmem>> -> memref<128xi32, #tpu.memory_space<vmem>>
      %dma_start3A_105 = arith.constant 0 : i32
      %dma_start3A_106 = tpu.memref_slice %arg8[%dma_start3A_105] : memref<10240xf32, #tpu.memory_space<vmem_shared>> -> memref<10240xf32, #tpu.memory_space<vmem_shared>>
      tpu.enqueue_indirect_dma source(%arg6 : memref<128xf32, #tpu.memory_space<vmem>>) target(%dma_start3A_106 : memref<10240xf32, #tpu.memory_space<vmem_shared>>) offsets(%dma_start3A_104 : memref<128xi32, #tpu.memory_space<vmem>>) semaphore(%arg7 : memref<!tpu.dma_semaphore, #tpu.memory_space<semaphore_mem>>) {add = true}
      %mul3A_107 = arith.constant 16 : i32
      %mul3A_108 = arith.muli %scan3A_62, %mul3A_107 : i32
      %add3A_109 = arith.constant 5 : i32
      %add3A_110 = arith.addi %mul3A_108, %add3A_109 : i32
      %dma_start3A_111 = arith.constant 0 : i32
      %dma_start3A_112 = tpu.memref_slice %arg5[%add3A_110, %dma_start3A_111] : memref<80x128xi32, #tpu.memory_space<vmem>> -> memref<1x128xi32, #tpu.memory_space<vmem>>
      %dma_start3A_113 = tpu.memref_squeeze %dma_start3A_112 : memref<1x128xi32, #tpu.memory_space<vmem>> -> memref<128xi32, #tpu.memory_space<vmem>>
      %dma_start3A_114 = arith.constant 0 : i32
      %dma_start3A_115 = tpu.memref_slice %arg8[%dma_start3A_114] : memref<10240xf32, #tpu.memory_space<vmem_shared>> -> memref<10240xf32, #tpu.memory_space<vmem_shared>>
      tpu.enqueue_indirect_dma source(%arg6 : memref<128xf32, #tpu.memory_space<vmem>>) target(%dma_start3A_115 : memref<10240xf32, #tpu.memory_space<vmem_shared>>) offsets(%dma_start3A_113 : memref<128xi32, #tpu.memory_space<vmem>>) semaphore(%arg7 : memref<!tpu.dma_semaphore, #tpu.memory_space<semaphore_mem>>) {add = true}
      %mul3A_116 = arith.constant 16 : i32
      %mul3A_117 = arith.muli %scan3A_62, %mul3A_116 : i32
      %add3A_118 = arith.constant 6 : i32
      %add3A_119 = arith.addi %mul3A_117, %add3A_118 : i32
      %dma_start3A_120 = arith.constant 0 : i32
      %dma_start3A_121 = tpu.memref_slice %arg5[%add3A_119, %dma_start3A_120] : memref<80x128xi32, #tpu.memory_space<vmem>> -> memref<1x128xi32, #tpu.memory_space<vmem>>
      %dma_start3A_122 = tpu.memref_squeeze %dma_start3A_121 : memref<1x128xi32, #tpu.memory_space<vmem>> -> memref<128xi32, #tpu.memory_space<vmem>>
      %dma_start3A_123 = arith.constant 0 : i32
      %dma_start3A_124 = tpu.memref_slice %arg8[%dma_start3A_123] : memref<10240xf32, #tpu.memory_space<vmem_shared>> -> memref<10240xf32, #tpu.memory_space<vmem_shared>>
      tpu.enqueue_indirect_dma source(%arg6 : memref<128xf32, #tpu.memory_space<vmem>>) target(%dma_start3A_124 : memref<10240xf32, #tpu.memory_space<vmem_shared>>) offsets(%dma_start3A_122 : memref<128xi32, #tpu.memory_space<vmem>>) semaphore(%arg7 : memref<!tpu.dma_semaphore, #tpu.memory_space<semaphore_mem>>) {add = true}
      %mul3A_125 = arith.constant 16 : i32
      %mul3A_126 = arith.muli %scan3A_62, %mul3A_125 : i32
      %add3A_127 = arith.constant 7 : i32
      %add3A_128 = arith.addi %mul3A_126, %add3A_127 : i32
      %dma_start3A_129 = arith.constant 0 : i32
      %dma_start3A_130 = tpu.memref_slice %arg5[%add3A_128, %dma_start3A_129] : memref<80x128xi32, #tpu.memory_space<vmem>> -> memref<1x128xi32, #tpu.memory_space<vmem>>
      %dma_start3A_131 = tpu.memref_squeeze %dma_start3A_130 : memref<1x128xi32, #tpu.memory_space<vmem>> -> memref<128xi32, #tpu.memory_space<vmem>>
      %dma_start3A_132 = arith.constant 0 : i32
      %dma_start3A_133 = tpu.memref_slice %arg8[%dma_start3A_132] : memref<10240xf32, #tpu.memory_space<vmem_shared>> -> memref<10240xf32, #tpu.memory_space<vmem_shared>>
      tpu.enqueue_indirect_dma source(%arg6 : memref<128xf32, #tpu.memory_space<vmem>>) target(%dma_start3A_133 : memref<10240xf32, #tpu.memory_space<vmem_shared>>) offsets(%dma_start3A_131 : memref<128xi32, #tpu.memory_space<vmem>>) semaphore(%arg7 : memref<!tpu.dma_semaphore, #tpu.memory_space<semaphore_mem>>) {add = true}
      %mul3A_134 = arith.constant 16 : i32
      %mul3A_135 = arith.muli %scan3A_62, %mul3A_134 : i32
      %add3A_136 = arith.constant 8 : i32
      %add3A_137 = arith.addi %mul3A_135, %add3A_136 : i32
      %dma_start3A_138 = arith.constant 0 : i32
      %dma_start3A_139 = tpu.memref_slice %arg5[%add3A_137, %dma_start3A_138] : memref<80x128xi32, #tpu.memory_space<vmem>> -> memref<1x128xi32, #tpu.memory_space<vmem>>
      %dma_start3A_140 = tpu.memref_squeeze %dma_start3A_139 : memref<1x128xi32, #tpu.memory_space<vmem>> -> memref<128xi32, #tpu.memory_space<vmem>>
      %dma_start3A_141 = arith.constant 0 : i32
      %dma_start3A_142 = tpu.memref_slice %arg8[%dma_start3A_141] : memref<10240xf32, #tpu.memory_space<vmem_shared>> -> memref<10240xf32, #tpu.memory_space<vmem_shared>>
      tpu.enqueue_indirect_dma source(%arg6 : memref<128xf32, #tpu.memory_space<vmem>>) target(%dma_start3A_142 : memref<10240xf32, #tpu.memory_space<vmem_shared>>) offsets(%dma_start3A_140 : memref<128xi32, #tpu.memory_space<vmem>>) semaphore(%arg7 : memref<!tpu.dma_semaphore, #tpu.memory_space<semaphore_mem>>) {add = true}
      %mul3A_143 = arith.constant 16 : i32
      %mul3A_144 = arith.muli %scan3A_62, %mul3A_143 : i32
      %add3A_145 = arith.constant 9 : i32
      %add3A_146 = arith.addi %mul3A_144, %add3A_145 : i32
      %dma_start3A_147 = arith.constant 0 : i32
      %dma_start3A_148 = tpu.memref_slice %arg5[%add3A_146, %dma_start3A_147] : memref<80x128xi32, #tpu.memory_space<vmem>> -> memref<1x128xi32, #tpu.memory_space<vmem>>
      %dma_start3A_149 = tpu.memref_squeeze %dma_start3A_148 : memref<1x128xi32, #tpu.memory_space<vmem>> -> memref<128xi32, #tpu.memory_space<vmem>>
      %dma_start3A_150 = arith.constant 0 : i32
      %dma_start3A_151 = tpu.memref_slice %arg8[%dma_start3A_150] : memref<10240xf32, #tpu.memory_space<vmem_shared>> -> memref<10240xf32, #tpu.memory_space<vmem_shared>>
      tpu.enqueue_indirect_dma source(%arg6 : memref<128xf32, #tpu.memory_space<vmem>>) target(%dma_start3A_151 : memref<10240xf32, #tpu.memory_space<vmem_shared>>) offsets(%dma_start3A_149 : memref<128xi32, #tpu.memory_space<vmem>>) semaphore(%arg7 : memref<!tpu.dma_semaphore, #tpu.memory_space<semaphore_mem>>) {add = true}
      %mul3A_152 = arith.constant 16 : i32
      %mul3A_153 = arith.muli %scan3A_62, %mul3A_152 : i32
      %add3A_154 = arith.constant 10 : i32
      %add3A_155 = arith.addi %mul3A_153, %add3A_154 : i32
      %dma_start3A_156 = arith.constant 0 : i32
      %dma_start3A_157 = tpu.memref_slice %arg5[%add3A_155, %dma_start3A_156] : memref<80x128xi32, #tpu.memory_space<vmem>> -> memref<1x128xi32, #tpu.memory_space<vmem>>
      %dma_start3A_158 = tpu.memref_squeeze %dma_start3A_157 : memref<1x128xi32, #tpu.memory_space<vmem>> -> memref<128xi32, #tpu.memory_space<vmem>>
      %dma_start3A_159 = arith.constant 0 : i32
      %dma_start3A_160 = tpu.memref_slice %arg8[%dma_start3A_159] : memref<10240xf32, #tpu.memory_space<vmem_shared>> -> memref<10240xf32, #tpu.memory_space<vmem_shared>>
      tpu.enqueue_indirect_dma source(%arg6 : memref<128xf32, #tpu.memory_space<vmem>>) target(%dma_start3A_160 : memref<10240xf32, #tpu.memory_space<vmem_shared>>) offsets(%dma_start3A_158 : memref<128xi32, #tpu.memory_space<vmem>>) semaphore(%arg7 : memref<!tpu.dma_semaphore, #tpu.memory_space<semaphore_mem>>) {add = true}
      %mul3A_161 = arith.constant 16 : i32
      %mul3A_162 = arith.muli %scan3A_62, %mul3A_161 : i32
      %add3A_163 = arith.constant 11 : i32
      %add3A_164 = arith.addi %mul3A_162, %add3A_163 : i32
      %dma_start3A_165 = arith.constant 0 : i32
      %dma_start3A_166 = tpu.memref_slice %arg5[%add3A_164, %dma_start3A_165] : memref<80x128xi32, #tpu.memory_space<vmem>> -> memref<1x128xi32, #tpu.memory_space<vmem>>
      %dma_start3A_167 = tpu.memref_squeeze %dma_start3A_166 : memref<1x128xi32, #tpu.memory_space<vmem>> -> memref<128xi32, #tpu.memory_space<vmem>>
      %dma_start3A_168 = arith.constant 0 : i32
      %dma_start3A_169 = tpu.memref_slice %arg8[%dma_start3A_168] : memref<10240xf32, #tpu.memory_space<vmem_shared>> -> memref<10240xf32, #tpu.memory_space<vmem_shared>>
      tpu.enqueue_indirect_dma source(%arg6 : memref<128xf32, #tpu.memory_space<vmem>>) target(%dma_start3A_169 : memref<10240xf32, #tpu.memory_space<vmem_shared>>) offsets(%dma_start3A_167 : memref<128xi32, #tpu.memory_space<vmem>>) semaphore(%arg7 : memref<!tpu.dma_semaphore, #tpu.memory_space<semaphore_mem>>) {add = true}
      %mul3A_170 = arith.constant 16 : i32
      %mul3A_171 = arith.muli %scan3A_62, %mul3A_170 : i32
      %add3A_172 = arith.constant 12 : i32
      %add3A_173 = arith.addi %mul3A_171, %add3A_172 : i32
      %dma_start3A_174 = arith.constant 0 : i32
      %dma_start3A_175 = tpu.memref_slice %arg5[%add3A_173, %dma_start3A_174] : memref<80x128xi32, #tpu.memory_space<vmem>> -> memref<1x128xi32, #tpu.memory_space<vmem>>
      %dma_start3A_176 = tpu.memref_squeeze %dma_start3A_175 : memref<1x128xi32, #tpu.memory_space<vmem>> -> memref<128xi32, #tpu.memory_space<vmem>>
      %dma_start3A_177 = arith.constant 0 : i32
      %dma_start3A_178 = tpu.memref_slice %arg8[%dma_start3A_177] : memref<10240xf32, #tpu.memory_space<vmem_shared>> -> memref<10240xf32, #tpu.memory_space<vmem_shared>>
      tpu.enqueue_indirect_dma source(%arg6 : memref<128xf32, #tpu.memory_space<vmem>>) target(%dma_start3A_178 : memref<10240xf32, #tpu.memory_space<vmem_shared>>) offsets(%dma_start3A_176 : memref<128xi32, #tpu.memory_space<vmem>>) semaphore(%arg7 : memref<!tpu.dma_semaphore, #tpu.memory_space<semaphore_mem>>) {add = true}
      %mul3A_179 = arith.constant 16 : i32
      %mul3A_180 = arith.muli %scan3A_62, %mul3A_179 : i32
      %add3A_181 = arith.constant 13 : i32
      %add3A_182 = arith.addi %mul3A_180, %add3A_181 : i32
      %dma_start3A_183 = arith.constant 0 : i32
      %dma_start3A_184 = tpu.memref_slice %arg5[%add3A_182, %dma_start3A_183] : memref<80x128xi32, #tpu.memory_space<vmem>> -> memref<1x128xi32, #tpu.memory_space<vmem>>
      %dma_start3A_185 = tpu.memref_squeeze %dma_start3A_184 : memref<1x128xi32, #tpu.memory_space<vmem>> -> memref<128xi32, #tpu.memory_space<vmem>>
      %dma_start3A_186 = arith.constant 0 : i32
      %dma_start3A_187 = tpu.memref_slice %arg8[%dma_start3A_186] : memref<10240xf32, #tpu.memory_space<vmem_shared>> -> memref<10240xf32, #tpu.memory_space<vmem_shared>>
      tpu.enqueue_indirect_dma source(%arg6 : memref<128xf32, #tpu.memory_space<vmem>>) target(%dma_start3A_187 : memref<10240xf32, #tpu.memory_space<vmem_shared>>) offsets(%dma_start3A_185 : memref<128xi32, #tpu.memory_space<vmem>>) semaphore(%arg7 : memref<!tpu.dma_semaphore, #tpu.memory_space<semaphore_mem>>) {add = true}
      %mul3A_188 = arith.constant 16 : i32
      %mul3A_189 = arith.muli %scan3A_62, %mul3A_188 : i32
      %add3A_190 = arith.constant 14 : i32
      %add3A_191 = arith.addi %mul3A_189, %add3A_190 : i32
      %dma_start3A_192 = arith.constant 0 : i32
      %dma_start3A_193 = tpu.memref_slice %arg5[%add3A_191, %dma_start3A_192] : memref<80x128xi32, #tpu.memory_space<vmem>> -> memref<1x128xi32, #tpu.memory_space<vmem>>
      %dma_start3A_194 = tpu.memref_squeeze %dma_start3A_193 : memref<1x128xi32, #tpu.memory_space<vmem>> -> memref<128xi32, #tpu.memory_space<vmem>>
      %dma_start3A_195 = arith.constant 0 : i32
      %dma_start3A_196 = tpu.memref_slice %arg8[%dma_start3A_195] : memref<10240xf32, #tpu.memory_space<vmem_shared>> -> memref<10240xf32, #tpu.memory_space<vmem_shared>>
      tpu.enqueue_indirect_dma source(%arg6 : memref<128xf32, #tpu.memory_space<vmem>>) target(%dma_start3A_196 : memref<10240xf32, #tpu.memory_space<vmem_shared>>) offsets(%dma_start3A_194 : memref<128xi32, #tpu.memory_space<vmem>>) semaphore(%arg7 : memref<!tpu.dma_semaphore, #tpu.memory_space<semaphore_mem>>) {add = true}
      %mul3A_197 = arith.constant 16 : i32
      %mul3A_198 = arith.muli %scan3A_62, %mul3A_197 : i32
      %add3A_199 = arith.constant 15 : i32
      %add3A_200 = arith.addi %mul3A_198, %add3A_199 : i32
      %dma_start3A_201 = arith.constant 0 : i32
      %dma_start3A_202 = tpu.memref_slice %arg5[%add3A_200, %dma_start3A_201] : memref<80x128xi32, #tpu.memory_space<vmem>> -> memref<1x128xi32, #tpu.memory_space<vmem>>
      %dma_start3A_203 = tpu.memref_squeeze %dma_start3A_202 : memref<1x128xi32, #tpu.memory_space<vmem>> -> memref<128xi32, #tpu.memory_space<vmem>>
      %dma_start3A_204 = arith.constant 0 : i32
      %dma_start3A_205 = tpu.memref_slice %arg8[%dma_start3A_204] : memref<10240xf32, #tpu.memory_space<vmem_shared>> -> memref<10240xf32, #tpu.memory_space<vmem_shared>>
      tpu.enqueue_indirect_dma source(%arg6 : memref<128xf32, #tpu.memory_space<vmem>>) target(%dma_start3A_205 : memref<10240xf32, #tpu.memory_space<vmem_shared>>) offsets(%dma_start3A_203 : memref<128xi32, #tpu.memory_space<vmem>>) semaphore(%arg7 : memref<!tpu.dma_semaphore, #tpu.memory_space<semaphore_mem>>) {add = true}
      %dma_wait3A = arith.constant 0 : i32
      %dma_wait3A_206 = tpu.memref_slice %arg5[%add3A_66, %dma_wait3A] : memref<80x128xi32, #tpu.memory_space<vmem>> -> memref<1x128xi32, #tpu.memory_space<vmem>>
      %dma_wait3A_207 = tpu.memref_squeeze %dma_wait3A_206 : memref<1x128xi32, #tpu.memory_space<vmem>> -> memref<128xi32, #tpu.memory_space<vmem>>
      %dma_wait3A_208 = arith.constant 0 : i32
      %dma_wait3A_209 = tpu.memref_slice %arg8[%dma_wait3A_208] : memref<10240xf32, #tpu.memory_space<vmem_shared>> -> memref<10240xf32, #tpu.memory_space<vmem_shared>>
      tpu.wait_indirect_dma semaphore(%arg7 : memref<!tpu.dma_semaphore, #tpu.memory_space<semaphore_mem>>) src(%arg6 : memref<128xf32, #tpu.memory_space<vmem>>) dst(%dma_wait3A_209 : memref<10240xf32, #tpu.memory_space<vmem_shared>>)
      %dma_wait3A_210 = arith.constant 0 : i32
      %dma_wait3A_211 = tpu.memref_slice %arg5[%add3A_74, %dma_wait3A_210] : memref<80x128xi32, #tpu.memory_space<vmem>> -> memref<1x128xi32, #tpu.memory_space<vmem>>
      %dma_wait3A_212 = tpu.memref_squeeze %dma_wait3A_211 : memref<1x128xi32, #tpu.memory_space<vmem>> -> memref<128xi32, #tpu.memory_space<vmem>>
      %dma_wait3A_213 = arith.constant 0 : i32
      %dma_wait3A_214 = tpu.memref_slice %arg8[%dma_wait3A_213] : memref<10240xf32, #tpu.memory_space<vmem_shared>> -> memref<10240xf32, #tpu.memory_space<vmem_shared>>
      tpu.wait_indirect_dma semaphore(%arg7 : memref<!tpu.dma_semaphore, #tpu.memory_space<semaphore_mem>>) src(%arg6 : memref<128xf32, #tpu.memory_space<vmem>>) dst(%dma_wait3A_214 : memref<10240xf32, #tpu.memory_space<vmem_shared>>)
      %dma_wait3A_215 = arith.constant 0 : i32
      %dma_wait3A_216 = tpu.memref_slice %arg5[%add3A_83, %dma_wait3A_215] : memref<80x128xi32, #tpu.memory_space<vmem>> -> memref<1x128xi32, #tpu.memory_space<vmem>>
      %dma_wait3A_217 = tpu.memref_squeeze %dma_wait3A_216 : memref<1x128xi32, #tpu.memory_space<vmem>> -> memref<128xi32, #tpu.memory_space<vmem>>
      %dma_wait3A_218 = arith.constant 0 : i32
      %dma_wait3A_219 = tpu.memref_slice %arg8[%dma_wait3A_218] : memref<10240xf32, #tpu.memory_space<vmem_shared>> -> memref<10240xf32, #tpu.memory_space<vmem_shared>>
      tpu.wait_indirect_dma semaphore(%arg7 : memref<!tpu.dma_semaphore, #tpu.memory_space<semaphore_mem>>) src(%arg6 : memref<128xf32, #tpu.memory_space<vmem>>) dst(%dma_wait3A_219 : memref<10240xf32, #tpu.memory_space<vmem_shared>>)
      %dma_wait3A_220 = arith.constant 0 : i32
      %dma_wait3A_221 = tpu.memref_slice %arg5[%add3A_92, %dma_wait3A_220] : memref<80x128xi32, #tpu.memory_space<vmem>> -> memref<1x128xi32, #tpu.memory_space<vmem>>
      %dma_wait3A_222 = tpu.memref_squeeze %dma_wait3A_221 : memref<1x128xi32, #tpu.memory_space<vmem>> -> memref<128xi32, #tpu.memory_space<vmem>>
      %dma_wait3A_223 = arith.constant 0 : i32
      %dma_wait3A_224 = tpu.memref_slice %arg8[%dma_wait3A_223] : memref<10240xf32, #tpu.memory_space<vmem_shared>> -> memref<10240xf32, #tpu.memory_space<vmem_shared>>
      tpu.wait_indirect_dma semaphore(%arg7 : memref<!tpu.dma_semaphore, #tpu.memory_space<semaphore_mem>>) src(%arg6 : memref<128xf32, #tpu.memory_space<vmem>>) dst(%dma_wait3A_224 : memref<10240xf32, #tpu.memory_space<vmem_shared>>)
      %dma_wait3A_225 = arith.constant 0 : i32
      %dma_wait3A_226 = tpu.memref_slice %arg5[%add3A_101, %dma_wait3A_225] : memref<80x128xi32, #tpu.memory_space<vmem>> -> memref<1x128xi32, #tpu.memory_space<vmem>>
      %dma_wait3A_227 = tpu.memref_squeeze %dma_wait3A_226 : memref<1x128xi32, #tpu.memory_space<vmem>> -> memref<128xi32, #tpu.memory_space<vmem>>
      %dma_wait3A_228 = arith.constant 0 : i32
      %dma_wait3A_229 = tpu.memref_slice %arg8[%dma_wait3A_228] : memref<10240xf32, #tpu.memory_space<vmem_shared>> -> memref<10240xf32, #tpu.memory_space<vmem_shared>>
      tpu.wait_indirect_dma semaphore(%arg7 : memref<!tpu.dma_semaphore, #tpu.memory_space<semaphore_mem>>) src(%arg6 : memref<128xf32, #tpu.memory_space<vmem>>) dst(%dma_wait3A_229 : memref<10240xf32, #tpu.memory_space<vmem_shared>>)
      %dma_wait3A_230 = arith.constant 0 : i32
      %dma_wait3A_231 = tpu.memref_slice %arg5[%add3A_110, %dma_wait3A_230] : memref<80x128xi32, #tpu.memory_space<vmem>> -> memref<1x128xi32, #tpu.memory_space<vmem>>
      %dma_wait3A_232 = tpu.memref_squeeze %dma_wait3A_231 : memref<1x128xi32, #tpu.memory_space<vmem>> -> memref<128xi32, #tpu.memory_space<vmem>>
      %dma_wait3A_233 = arith.constant 0 : i32
      %dma_wait3A_234 = tpu.memref_slice %arg8[%dma_wait3A_233] : memref<10240xf32, #tpu.memory_space<vmem_shared>> -> memref<10240xf32, #tpu.memory_space<vmem_shared>>
      tpu.wait_indirect_dma semaphore(%arg7 : memref<!tpu.dma_semaphore, #tpu.memory_space<semaphore_mem>>) src(%arg6 : memref<128xf32, #tpu.memory_space<vmem>>) dst(%dma_wait3A_234 : memref<10240xf32, #tpu.memory_space<vmem_shared>>)
      %dma_wait3A_235 = arith.constant 0 : i32
      %dma_wait3A_236 = tpu.memref_slice %arg5[%add3A_119, %dma_wait3A_235] : memref<80x128xi32, #tpu.memory_space<vmem>> -> memref<1x128xi32, #tpu.memory_space<vmem>>
      %dma_wait3A_237 = tpu.memref_squeeze %dma_wait3A_236 : memref<1x128xi32, #tpu.memory_space<vmem>> -> memref<128xi32, #tpu.memory_space<vmem>>
      %dma_wait3A_238 = arith.constant 0 : i32
      %dma_wait3A_239 = tpu.memref_slice %arg8[%dma_wait3A_238] : memref<10240xf32, #tpu.memory_space<vmem_shared>> -> memref<10240xf32, #tpu.memory_space<vmem_shared>>
      tpu.wait_indirect_dma semaphore(%arg7 : memref<!tpu.dma_semaphore, #tpu.memory_space<semaphore_mem>>) src(%arg6 : memref<128xf32, #tpu.memory_space<vmem>>) dst(%dma_wait3A_239 : memref<10240xf32, #tpu.memory_space<vmem_shared>>)
      %dma_wait3A_240 = arith.constant 0 : i32
      %dma_wait3A_241 = tpu.memref_slice %arg5[%add3A_128, %dma_wait3A_240] : memref<80x128xi32, #tpu.memory_space<vmem>> -> memref<1x128xi32, #tpu.memory_space<vmem>>
      %dma_wait3A_242 = tpu.memref_squeeze %dma_wait3A_241 : memref<1x128xi32, #tpu.memory_space<vmem>> -> memref<128xi32, #tpu.memory_space<vmem>>
      %dma_wait3A_243 = arith.constant 0 : i32
      %dma_wait3A_244 = tpu.memref_slice %arg8[%dma_wait3A_243] : memref<10240xf32, #tpu.memory_space<vmem_shared>> -> memref<10240xf32, #tpu.memory_space<vmem_shared>>
      tpu.wait_indirect_dma semaphore(%arg7 : memref<!tpu.dma_semaphore, #tpu.memory_space<semaphore_mem>>) src(%arg6 : memref<128xf32, #tpu.memory_space<vmem>>) dst(%dma_wait3A_244 : memref<10240xf32, #tpu.memory_space<vmem_shared>>)
      %dma_wait3A_245 = arith.constant 0 : i32
      %dma_wait3A_246 = tpu.memref_slice %arg5[%add3A_137, %dma_wait3A_245] : memref<80x128xi32, #tpu.memory_space<vmem>> -> memref<1x128xi32, #tpu.memory_space<vmem>>
      %dma_wait3A_247 = tpu.memref_squeeze %dma_wait3A_246 : memref<1x128xi32, #tpu.memory_space<vmem>> -> memref<128xi32, #tpu.memory_space<vmem>>
      %dma_wait3A_248 = arith.constant 0 : i32
      %dma_wait3A_249 = tpu.memref_slice %arg8[%dma_wait3A_248] : memref<10240xf32, #tpu.memory_space<vmem_shared>> -> memref<10240xf32, #tpu.memory_space<vmem_shared>>
      tpu.wait_indirect_dma semaphore(%arg7 : memref<!tpu.dma_semaphore, #tpu.memory_space<semaphore_mem>>) src(%arg6 : memref<128xf32, #tpu.memory_space<vmem>>) dst(%dma_wait3A_249 : memref<10240xf32, #tpu.memory_space<vmem_shared>>)
      %dma_wait3A_250 = arith.constant 0 : i32
      %dma_wait3A_251 = tpu.memref_slice %arg5[%add3A_146, %dma_wait3A_250] : memref<80x128xi32, #tpu.memory_space<vmem>> -> memref<1x128xi32, #tpu.memory_space<vmem>>
      %dma_wait3A_252 = tpu.memref_squeeze %dma_wait3A_251 : memref<1x128xi32, #tpu.memory_space<vmem>> -> memref<128xi32, #tpu.memory_space<vmem>>
      %dma_wait3A_253 = arith.constant 0 : i32
      %dma_wait3A_254 = tpu.memref_slice %arg8[%dma_wait3A_253] : memref<10240xf32, #tpu.memory_space<vmem_shared>> -> memref<10240xf32, #tpu.memory_space<vmem_shared>>
      tpu.wait_indirect_dma semaphore(%arg7 : memref<!tpu.dma_semaphore, #tpu.memory_space<semaphore_mem>>) src(%arg6 : memref<128xf32, #tpu.memory_space<vmem>>) dst(%dma_wait3A_254 : memref<10240xf32, #tpu.memory_space<vmem_shared>>)
      %dma_wait3A_255 = arith.constant 0 : i32
      %dma_wait3A_256 = tpu.memref_slice %arg5[%add3A_155, %dma_wait3A_255] : memref<80x128xi32, #tpu.memory_space<vmem>> -> memref<1x128xi32, #tpu.memory_space<vmem>>
      %dma_wait3A_257 = tpu.memref_squeeze %dma_wait3A_256 : memref<1x128xi32, #tpu.memory_space<vmem>> -> memref<128xi32, #tpu.memory_space<vmem>>
      %dma_wait3A_258 = arith.constant 0 : i32
      %dma_wait3A_259 = tpu.memref_slice %arg8[%dma_wait3A_258] : memref<10240xf32, #tpu.memory_space<vmem_shared>> -> memref<10240xf32, #tpu.memory_space<vmem_shared>>
      tpu.wait_indirect_dma semaphore(%arg7 : memref<!tpu.dma_semaphore, #tpu.memory_space<semaphore_mem>>) src(%arg6 : memref<128xf32, #tpu.memory_space<vmem>>) dst(%dma_wait3A_259 : memref<10240xf32, #tpu.memory_space<vmem_shared>>)
      %dma_wait3A_260 = arith.constant 0 : i32
      %dma_wait3A_261 = tpu.memref_slice %arg5[%add3A_164, %dma_wait3A_260] : memref<80x128xi32, #tpu.memory_space<vmem>> -> memref<1x128xi32, #tpu.memory_space<vmem>>
      %dma_wait3A_262 = tpu.memref_squeeze %dma_wait3A_261 : memref<1x128xi32, #tpu.memory_space<vmem>> -> memref<128xi32, #tpu.memory_space<vmem>>
      %dma_wait3A_263 = arith.constant 0 : i32
      %dma_wait3A_264 = tpu.memref_slice %arg8[%dma_wait3A_263] : memref<10240xf32, #tpu.memory_space<vmem_shared>> -> memref<10240xf32, #tpu.memory_space<vmem_shared>>
      tpu.wait_indirect_dma semaphore(%arg7 : memref<!tpu.dma_semaphore, #tpu.memory_space<semaphore_mem>>) src(%arg6 : memref<128xf32, #tpu.memory_space<vmem>>) dst(%dma_wait3A_264 : memref<10240xf32, #tpu.memory_space<vmem_shared>>)
      %dma_wait3A_265 = arith.constant 0 : i32
      %dma_wait3A_266 = tpu.memref_slice %arg5[%add3A_173, %dma_wait3A_265] : memref<80x128xi32, #tpu.memory_space<vmem>> -> memref<1x128xi32, #tpu.memory_space<vmem>>
      %dma_wait3A_267 = tpu.memref_squeeze %dma_wait3A_266 : memref<1x128xi32, #tpu.memory_space<vmem>> -> memref<128xi32, #tpu.memory_space<vmem>>
      %dma_wait3A_268 = arith.constant 0 : i32
      %dma_wait3A_269 = tpu.memref_slice %arg8[%dma_wait3A_268] : memref<10240xf32, #tpu.memory_space<vmem_shared>> -> memref<10240xf32, #tpu.memory_space<vmem_shared>>
      tpu.wait_indirect_dma semaphore(%arg7 : memref<!tpu.dma_semaphore, #tpu.memory_space<semaphore_mem>>) src(%arg6 : memref<128xf32, #tpu.memory_space<vmem>>) dst(%dma_wait3A_269 : memref<10240xf32, #tpu.memory_space<vmem_shared>>)
      %dma_wait3A_270 = arith.constant 0 : i32
      %dma_wait3A_271 = tpu.memref_slice %arg5[%add3A_182, %dma_wait3A_270] : memref<80x128xi32, #tpu.memory_space<vmem>> -> memref<1x128xi32, #tpu.memory_space<vmem>>
      %dma_wait3A_272 = tpu.memref_squeeze %dma_wait3A_271 : memref<1x128xi32, #tpu.memory_space<vmem>> -> memref<128xi32, #tpu.memory_space<vmem>>
      %dma_wait3A_273 = arith.constant 0 : i32
      %dma_wait3A_274 = tpu.memref_slice %arg8[%dma_wait3A_273] : memref<10240xf32, #tpu.memory_space<vmem_shared>> -> memref<10240xf32, #tpu.memory_space<vmem_shared>>
      tpu.wait_indirect_dma semaphore(%arg7 : memref<!tpu.dma_semaphore, #tpu.memory_space<semaphore_mem>>) src(%arg6 : memref<128xf32, #tpu.memory_space<vmem>>) dst(%dma_wait3A_274 : memref<10240xf32, #tpu.memory_space<vmem_shared>>)
      %dma_wait3A_275 = arith.constant 0 : i32
      %dma_wait3A_276 = tpu.memref_slice %arg5[%add3A_191, %dma_wait3A_275] : memref<80x128xi32, #tpu.memory_space<vmem>> -> memref<1x128xi32, #tpu.memory_space<vmem>>
      %dma_wait3A_277 = tpu.memref_squeeze %dma_wait3A_276 : memref<1x128xi32, #tpu.memory_space<vmem>> -> memref<128xi32, #tpu.memory_space<vmem>>
      %dma_wait3A_278 = arith.constant 0 : i32
      %dma_wait3A_279 = tpu.memref_slice %arg8[%dma_wait3A_278] : memref<10240xf32, #tpu.memory_space<vmem_shared>> -> memref<10240xf32, #tpu.memory_space<vmem_shared>>
      tpu.wait_indirect_dma semaphore(%arg7 : memref<!tpu.dma_semaphore, #tpu.memory_space<semaphore_mem>>) src(%arg6 : memref<128xf32, #tpu.memory_space<vmem>>) dst(%dma_wait3A_279 : memref<10240xf32, #tpu.memory_space<vmem_shared>>)
      %dma_wait3A_280 = arith.constant 0 : i32
      %dma_wait3A_281 = tpu.memref_slice %arg5[%add3A_200, %dma_wait3A_280] : memref<80x128xi32, #tpu.memory_space<vmem>> -> memref<1x128xi32, #tpu.memory_space<vmem>>
      %dma_wait3A_282 = tpu.memref_squeeze %dma_wait3A_281 : memref<1x128xi32, #tpu.memory_space<vmem>> -> memref<128xi32, #tpu.memory_space<vmem>>
      %dma_wait3A_283 = arith.constant 0 : i32
      %dma_wait3A_284 = tpu.memref_slice %arg8[%dma_wait3A_283] : memref<10240xf32, #tpu.memory_space<vmem_shared>> -> memref<10240xf32, #tpu.memory_space<vmem_shared>>
      tpu.wait_indirect_dma semaphore(%arg7 : memref<!tpu.dma_semaphore, #tpu.memory_space<semaphore_mem>>) src(%arg6 : memref<128xf32, #tpu.memory_space<vmem>>) dst(%dma_wait3A_284 : memref<10240xf32, #tpu.memory_space<vmem_shared>>)
    }
    %scan3A_55 = arith.constant 5 : i32
    %barrier3A_56 = arith.constant 0 : index
    tpu.barrier barrier_id(%barrier3A_56)
    %eq3A_57 = arith.constant 0 : i32
    %eq3A_58 = arith.cmpi eq, %arg1, %eq3A_57 : i32
    %convert_element_type3A_59 = arith.extui %eq3A_58 : i1 to i32
    %cond3A_60 = arith.constant 0 : i32
    %cond3A_61 = arith.cmpi ne, %convert_element_type3A_59, %cond3A_60 : i32
    scf.if %cond3A_61 {
      "tpu.region"() ({
        %run_scoped3A_62 = tpu.sem_alloc : memref<!tpu.dma_semaphore, #tpu.memory_space<semaphore_mem>>
        %dma_start3A = arith.constant 0 : i32
        %dma_start3A_63 = tpu.memref_slice %arg4[%arg0, %dma_start3A] : memref<2x10240xf32, #tpu.memory_space<hbm>> -> memref<1x10240xf32, #tpu.memory_space<hbm>>
        %dma_start3A_64 = tpu.memref_squeeze %dma_start3A_63 : memref<1x10240xf32, #tpu.memory_space<hbm>> -> memref<10240xf32, #tpu.memory_space<hbm>>
        tpu.enqueue_dma source(%arg8 : memref<10240xf32, #tpu.memory_space<vmem_shared>>) target(%dma_start3A_64 : memref<10240xf32, #tpu.memory_space<hbm>>) target_semaphore(%run_scoped3A_62 : memref<!tpu.dma_semaphore, #tpu.memory_space<semaphore_mem>>)
        %dma_wait3A = arith.constant 0 : i32
        %dma_wait3A_65 = tpu.memref_slice %arg4[%arg0, %dma_wait3A] : memref<2x10240xf32, #tpu.memory_space<hbm>> -> memref<1x10240xf32, #tpu.memory_space<hbm>>
        %dma_wait3A_66 = tpu.memref_squeeze %dma_wait3A_65 : memref<1x10240xf32, #tpu.memory_space<hbm>> -> memref<10240xf32, #tpu.memory_space<hbm>>
        tpu.wait_dma2 semaphore(%run_scoped3A_62 : memref<!tpu.dma_semaphore, #tpu.memory_space<semaphore_mem>>) src(%arg8 : memref<10240xf32, #tpu.memory_space<vmem_shared>>) dst(%dma_wait3A_66 : memref<10240xf32, #tpu.memory_space<hbm>>)
        tpu.yield
      }) : () -> ()
    } else {
    }
    return
  }
}

#map = affine_map<(d0, d1) -> (0, 0, 0)>
#map1 = affine_map<(d0, d1) -> (0, 0)>
#map2 = affine_map<(d0, d1) -> (0)>
module attributes {stable_mosaic.version = 14 : i64} {
  func.func @_agg_kernel(%arg0: i32, %arg1: i32, %arg2: memref<2x2560x128xi32, #tpu.memory_space<hbm>>, %arg3: memref<10240x32xf32, #tpu.memory_space<hbm>>, %arg4: memref<10240xf32, #tpu.memory_space<hbm>>, %arg5: memref<10240x32xf32, #tpu.memory_space<hbm>>, %arg6: memref<10240xf32, #tpu.memory_space<hbm>>, %arg7: memref<2x10240x32xf32, #tpu.memory_space<hbm>>, %arg8: memref<2x10240xf32, #tpu.memory_space<hbm>>, %arg9: memref<80x128xi32, #tpu.memory_space<vmem>>, %arg10: memref<80x128xi32, #tpu.memory_space<vmem>>, %arg11: memref<16x128x32xf32, #tpu.memory_space<vmem>>, %arg12: memref<16x128xf32, #tpu.memory_space<vmem>>, %arg13: memref<!tpu.dma_semaphore, #tpu.memory_space<semaphore_mem>>, %arg14: memref<!tpu.dma_semaphore, #tpu.memory_space<semaphore_mem>>, %arg15: memref<!tpu.dma_semaphore, #tpu.memory_space<semaphore_mem>>, %arg16: memref<!tpu.dma_semaphore, #tpu.memory_space<semaphore_mem>>, %arg17: memref<10240x32xf32, #tpu.memory_space<vmem_shared>>, %arg18: memref<10240xf32, #tpu.memory_space<vmem_shared>>) attributes {dimension_semantics = [#tpu.dimension_semantics<core_parallel>, #tpu.dimension_semantics<subcore_parallel>], iteration_bounds = array<i64: 2, 16>, scalar_prefetch = 0 : i64, scratch_operands = 10 : i64, tpu.core_type = #tpu.core_type<sc_vector_subcore>, window_params = [{transform_indices = #map}, {transform_indices = #map1}, {transform_indices = #map2}, {transform_indices = #map1}, {transform_indices = #map2}, {transform_indices = #map}, {transform_indices = #map1}]} {
    %mul3A = arith.constant 2 : i32
    %mul3A_0 = arith.muli %arg1, %mul3A : i32
    %add3A = arith.addi %mul3A_0, %arg0 : i32
    %eq3A = arith.constant 0 : i32
    %eq3A_1 = arith.cmpi eq, %arg1, %eq3A : i32
    %convert_element_type3A = arith.extui %eq3A_1 : i1 to i32
    %cond3A = arith.constant 0 : i32
    %cond3A_2 = arith.cmpi ne, %convert_element_type3A, %cond3A : i32
    scf.if %cond3A_2 {
      "tpu.region"() ({
        %run_scoped3A_19 = tpu.sem_alloc : memref<!tpu.dma_semaphore, #tpu.memory_space<semaphore_mem>>
        tpu.enqueue_dma source(%arg5 : memref<10240x32xf32, #tpu.memory_space<hbm>>) target(%arg17 : memref<10240x32xf32, #tpu.memory_space<vmem_shared>>) target_semaphore(%run_scoped3A_19 : memref<!tpu.dma_semaphore, #tpu.memory_space<semaphore_mem>>)
        tpu.wait_dma2 semaphore(%run_scoped3A_19 : memref<!tpu.dma_semaphore, #tpu.memory_space<semaphore_mem>>) src(%arg5 : memref<10240x32xf32, #tpu.memory_space<hbm>>) dst(%arg17 : memref<10240x32xf32, #tpu.memory_space<vmem_shared>>)
        tpu.yield
      }) : () -> ()
      "tpu.region"() ({
        %run_scoped3A_19 = tpu.sem_alloc : memref<!tpu.dma_semaphore, #tpu.memory_space<semaphore_mem>>
        tpu.enqueue_dma source(%arg6 : memref<10240xf32, #tpu.memory_space<hbm>>) target(%arg18 : memref<10240xf32, #tpu.memory_space<vmem_shared>>) target_semaphore(%run_scoped3A_19 : memref<!tpu.dma_semaphore, #tpu.memory_space<semaphore_mem>>)
        tpu.wait_dma2 semaphore(%run_scoped3A_19 : memref<!tpu.dma_semaphore, #tpu.memory_space<semaphore_mem>>) src(%arg6 : memref<10240xf32, #tpu.memory_space<hbm>>) dst(%arg18 : memref<10240xf32, #tpu.memory_space<vmem_shared>>)
        tpu.yield
      }) : () -> ()
    } else {
    }
    %mul3A_3 = arith.constant 80 : i32
    %mul3A_4 = arith.muli %add3A, %mul3A_3 : i32
    %run_scoped3A = arith.constant 0 : i32
    "tpu.region"() ({
      %run_scoped3A_19 = tpu.sem_alloc : memref<!tpu.dma_semaphore, #tpu.memory_space<semaphore_mem>>
      %dma_start3A = arith.constant 0 : i32
      %dma_start3A_20 = tpu.memref_slice %arg2[%run_scoped3A, %mul3A_4, %dma_start3A] : memref<2x2560x128xi32, #tpu.memory_space<hbm>> -> memref<1x80x128xi32, #tpu.memory_space<hbm>>
      %dma_start3A_21 = tpu.memref_squeeze %dma_start3A_20 : memref<1x80x128xi32, #tpu.memory_space<hbm>> -> memref<80x128xi32, #tpu.memory_space<hbm>>
      %dma_start3A_22 = arith.constant 0 : i32
      %dma_start3A_23 = tpu.memref_slice %arg2[%run_scoped3A, %mul3A_4, %dma_start3A_22] : memref<2x2560x128xi32, #tpu.memory_space<hbm>> -> memref<1x80x128xi32, #tpu.memory_space<hbm>>
      %dma_start3A_24 = tpu.memref_squeeze %dma_start3A_23 : memref<1x80x128xi32, #tpu.memory_space<hbm>> -> memref<80x128xi32, #tpu.memory_space<hbm>>
      tpu.enqueue_dma source(%dma_start3A_24 : memref<80x128xi32, #tpu.memory_space<hbm>>) target(%arg9 : memref<80x128xi32, #tpu.memory_space<vmem>>) target_semaphore(%run_scoped3A_19 : memref<!tpu.dma_semaphore, #tpu.memory_space<semaphore_mem>>)
      %dma_wait3A = arith.constant 0 : i32
      %dma_wait3A_25 = tpu.memref_slice %arg2[%run_scoped3A, %mul3A_4, %dma_wait3A] : memref<2x2560x128xi32, #tpu.memory_space<hbm>> -> memref<1x80x128xi32, #tpu.memory_space<hbm>>
      %dma_wait3A_26 = tpu.memref_squeeze %dma_wait3A_25 : memref<1x80x128xi32, #tpu.memory_space<hbm>> -> memref<80x128xi32, #tpu.memory_space<hbm>>
      %dma_wait3A_27 = arith.constant 0 : i32
      %dma_wait3A_28 = tpu.memref_slice %arg2[%run_scoped3A, %mul3A_4, %dma_wait3A_27] : memref<2x2560x128xi32, #tpu.memory_space<hbm>> -> memref<1x80x128xi32, #tpu.memory_space<hbm>>
      %dma_wait3A_29 = tpu.memref_squeeze %dma_wait3A_28 : memref<1x80x128xi32, #tpu.memory_space<hbm>> -> memref<80x128xi32, #tpu.memory_space<hbm>>
      tpu.wait_dma2 semaphore(%run_scoped3A_19 : memref<!tpu.dma_semaphore, #tpu.memory_space<semaphore_mem>>) src(%dma_wait3A_29 : memref<80x128xi32, #tpu.memory_space<hbm>>) dst(%arg9 : memref<80x128xi32, #tpu.memory_space<vmem>>)
      tpu.yield
    }) : () -> ()
    %mul3A_5 = arith.constant 80 : i32
    %mul3A_6 = arith.muli %add3A, %mul3A_5 : i32
    %run_scoped3A_7 = arith.constant 1 : i32
    "tpu.region"() ({
      %run_scoped3A_19 = tpu.sem_alloc : memref<!tpu.dma_semaphore, #tpu.memory_space<semaphore_mem>>
      %dma_start3A = arith.constant 0 : i32
      %dma_start3A_20 = tpu.memref_slice %arg2[%run_scoped3A_7, %mul3A_6, %dma_start3A] : memref<2x2560x128xi32, #tpu.memory_space<hbm>> -> memref<1x80x128xi32, #tpu.memory_space<hbm>>
      %dma_start3A_21 = tpu.memref_squeeze %dma_start3A_20 : memref<1x80x128xi32, #tpu.memory_space<hbm>> -> memref<80x128xi32, #tpu.memory_space<hbm>>
      %dma_start3A_22 = arith.constant 0 : i32
      %dma_start3A_23 = tpu.memref_slice %arg2[%run_scoped3A_7, %mul3A_6, %dma_start3A_22] : memref<2x2560x128xi32, #tpu.memory_space<hbm>> -> memref<1x80x128xi32, #tpu.memory_space<hbm>>
      %dma_start3A_24 = tpu.memref_squeeze %dma_start3A_23 : memref<1x80x128xi32, #tpu.memory_space<hbm>> -> memref<80x128xi32, #tpu.memory_space<hbm>>
      tpu.enqueue_dma source(%dma_start3A_24 : memref<80x128xi32, #tpu.memory_space<hbm>>) target(%arg10 : memref<80x128xi32, #tpu.memory_space<vmem>>) target_semaphore(%run_scoped3A_19 : memref<!tpu.dma_semaphore, #tpu.memory_space<semaphore_mem>>)
      %dma_wait3A = arith.constant 0 : i32
      %dma_wait3A_25 = tpu.memref_slice %arg2[%run_scoped3A_7, %mul3A_6, %dma_wait3A] : memref<2x2560x128xi32, #tpu.memory_space<hbm>> -> memref<1x80x128xi32, #tpu.memory_space<hbm>>
      %dma_wait3A_26 = tpu.memref_squeeze %dma_wait3A_25 : memref<1x80x128xi32, #tpu.memory_space<hbm>> -> memref<80x128xi32, #tpu.memory_space<hbm>>
      %dma_wait3A_27 = arith.constant 0 : i32
      %dma_wait3A_28 = tpu.memref_slice %arg2[%run_scoped3A_7, %mul3A_6, %dma_wait3A_27] : memref<2x2560x128xi32, #tpu.memory_space<hbm>> -> memref<1x80x128xi32, #tpu.memory_space<hbm>>
      %dma_wait3A_29 = tpu.memref_squeeze %dma_wait3A_28 : memref<1x80x128xi32, #tpu.memory_space<hbm>> -> memref<80x128xi32, #tpu.memory_space<hbm>>
      tpu.wait_dma2 semaphore(%run_scoped3A_19 : memref<!tpu.dma_semaphore, #tpu.memory_space<semaphore_mem>>) src(%dma_wait3A_29 : memref<80x128xi32, #tpu.memory_space<hbm>>) dst(%arg10 : memref<80x128xi32, #tpu.memory_space<vmem>>)
      tpu.yield
    }) : () -> ()
    %barrier3A = arith.constant 0 : index
    tpu.barrier barrier_id(%barrier3A)
    %scan3A = arith.constant 0 : i32
    %scan3A_8 = arith.constant 0 : i32
    %scan3A_9 = arith.constant 5 : i32
    %scan3A_10 = arith.addi %scan3A_8, %scan3A_9 : i32
    %scan3A_11 = arith.constant 1 : i32
    scf.for %scan3A_19 = %scan3A_8 to %scan3A_10 step %scan3A_11  : i32 {
      %mul3A_20 = arith.constant 16 : i32
      %mul3A_21 = arith.muli %scan3A_19, %mul3A_20 : i32
      %add3A_22 = arith.constant 0 : i32
      %add3A_23 = arith.addi %mul3A_21, %add3A_22 : i32
      %dma_start3A = arith.constant 0 : i32
      %dma_start3A_24 = arith.constant 0 : i32
      %dma_start3A_25 = arith.constant 0 : i32
      %dma_start3A_26 = tpu.memref_slice %arg11[%dma_start3A, %dma_start3A_24, %dma_start3A_25] : memref<16x128x32xf32, #tpu.memory_space<vmem>> -> memref<1x128x32xf32, #tpu.memory_space<vmem>>
      %dma_start3A_27 = tpu.memref_squeeze %dma_start3A_26 : memref<1x128x32xf32, #tpu.memory_space<vmem>> -> memref<128x32xf32, #tpu.memory_space<vmem>>
      %dma_start3A_28 = arith.constant 0 : i32
      %dma_start3A_29 = tpu.memref_slice %arg9[%add3A_23, %dma_start3A_28] : memref<80x128xi32, #tpu.memory_space<vmem>> -> memref<1x128xi32, #tpu.memory_space<vmem>>
      %dma_start3A_30 = tpu.memref_squeeze %dma_start3A_29 : memref<1x128xi32, #tpu.memory_space<vmem>> -> memref<128xi32, #tpu.memory_space<vmem>>
      %dma_start3A_31 = arith.constant 0 : i32
      %dma_start3A_32 = arith.constant 0 : i32
      %dma_start3A_33 = tpu.memref_slice %arg3[%dma_start3A_31, %dma_start3A_32] : memref<10240x32xf32, #tpu.memory_space<hbm>> -> memref<10240x32xf32, #tpu.memory_space<hbm>>
      tpu.enqueue_indirect_dma source(%dma_start3A_33 : memref<10240x32xf32, #tpu.memory_space<hbm>>) target(%dma_start3A_27 : memref<128x32xf32, #tpu.memory_space<vmem>>) offsets(%dma_start3A_30 : memref<128xi32, #tpu.memory_space<vmem>>) semaphore(%arg13 : memref<!tpu.dma_semaphore, #tpu.memory_space<semaphore_mem>>)
      %dma_start3A_34 = arith.constant 0 : i32
      %dma_start3A_35 = arith.constant 0 : i32
      %dma_start3A_36 = tpu.memref_slice %arg12[%dma_start3A_34, %dma_start3A_35] : memref<16x128xf32, #tpu.memory_space<vmem>> -> memref<1x128xf32, #tpu.memory_space<vmem>>
      %dma_start3A_37 = tpu.memref_squeeze %dma_start3A_36 : memref<1x128xf32, #tpu.memory_space<vmem>> -> memref<128xf32, #tpu.memory_space<vmem>>
      %dma_start3A_38 = arith.constant 0 : i32
      %dma_start3A_39 = tpu.memref_slice %arg10[%add3A_23, %dma_start3A_38] : memref<80x128xi32, #tpu.memory_space<vmem>> -> memref<1x128xi32, #tpu.memory_space<vmem>>
      %dma_start3A_40 = tpu.memref_squeeze %dma_start3A_39 : memref<1x128xi32, #tpu.memory_space<vmem>> -> memref<128xi32, #tpu.memory_space<vmem>>
      %dma_start3A_41 = arith.constant 0 : i32
      %dma_start3A_42 = tpu.memref_slice %arg4[%dma_start3A_41] : memref<10240xf32, #tpu.memory_space<hbm>> -> memref<10240xf32, #tpu.memory_space<hbm>>
      tpu.enqueue_indirect_dma source(%dma_start3A_42 : memref<10240xf32, #tpu.memory_space<hbm>>) target(%dma_start3A_37 : memref<128xf32, #tpu.memory_space<vmem>>) offsets(%dma_start3A_40 : memref<128xi32, #tpu.memory_space<vmem>>) semaphore(%arg14 : memref<!tpu.dma_semaphore, #tpu.memory_space<semaphore_mem>>)
      %mul3A_43 = arith.constant 16 : i32
      %mul3A_44 = arith.muli %scan3A_19, %mul3A_43 : i32
      %add3A_45 = arith.constant 1 : i32
      %add3A_46 = arith.addi %mul3A_44, %add3A_45 : i32
      %dma_start3A_47 = arith.constant 1 : i32
      %dma_start3A_48 = arith.constant 0 : i32
      %dma_start3A_49 = arith.constant 0 : i32
      %dma_start3A_50 = tpu.memref_slice %arg11[%dma_start3A_47, %dma_start3A_48, %dma_start3A_49] : memref<16x128x32xf32, #tpu.memory_space<vmem>> -> memref<1x128x32xf32, #tpu.memory_space<vmem>>
      %dma_start3A_51 = tpu.memref_squeeze %dma_start3A_50 : memref<1x128x32xf32, #tpu.memory_space<vmem>> -> memref<128x32xf32, #tpu.memory_space<vmem>>
      %dma_start3A_52 = arith.constant 0 : i32
      %dma_start3A_53 = tpu.memref_slice %arg9[%add3A_46, %dma_start3A_52] : memref<80x128xi32, #tpu.memory_space<vmem>> -> memref<1x128xi32, #tpu.memory_space<vmem>>
      %dma_start3A_54 = tpu.memref_squeeze %dma_start3A_53 : memref<1x128xi32, #tpu.memory_space<vmem>> -> memref<128xi32, #tpu.memory_space<vmem>>
      %dma_start3A_55 = arith.constant 0 : i32
      %dma_start3A_56 = arith.constant 0 : i32
      %dma_start3A_57 = tpu.memref_slice %arg3[%dma_start3A_55, %dma_start3A_56] : memref<10240x32xf32, #tpu.memory_space<hbm>> -> memref<10240x32xf32, #tpu.memory_space<hbm>>
      tpu.enqueue_indirect_dma source(%dma_start3A_57 : memref<10240x32xf32, #tpu.memory_space<hbm>>) target(%dma_start3A_51 : memref<128x32xf32, #tpu.memory_space<vmem>>) offsets(%dma_start3A_54 : memref<128xi32, #tpu.memory_space<vmem>>) semaphore(%arg13 : memref<!tpu.dma_semaphore, #tpu.memory_space<semaphore_mem>>)
      %dma_start3A_58 = arith.constant 1 : i32
      %dma_start3A_59 = arith.constant 0 : i32
      %dma_start3A_60 = tpu.memref_slice %arg12[%dma_start3A_58, %dma_start3A_59] : memref<16x128xf32, #tpu.memory_space<vmem>> -> memref<1x128xf32, #tpu.memory_space<vmem>>
      %dma_start3A_61 = tpu.memref_squeeze %dma_start3A_60 : memref<1x128xf32, #tpu.memory_space<vmem>> -> memref<128xf32, #tpu.memory_space<vmem>>
      %dma_start3A_62 = arith.constant 0 : i32
      %dma_start3A_63 = tpu.memref_slice %arg10[%add3A_46, %dma_start3A_62] : memref<80x128xi32, #tpu.memory_space<vmem>> -> memref<1x128xi32, #tpu.memory_space<vmem>>
      %dma_start3A_64 = tpu.memref_squeeze %dma_start3A_63 : memref<1x128xi32, #tpu.memory_space<vmem>> -> memref<128xi32, #tpu.memory_space<vmem>>
      %dma_start3A_65 = arith.constant 0 : i32
      %dma_start3A_66 = tpu.memref_slice %arg4[%dma_start3A_65] : memref<10240xf32, #tpu.memory_space<hbm>> -> memref<10240xf32, #tpu.memory_space<hbm>>
      tpu.enqueue_indirect_dma source(%dma_start3A_66 : memref<10240xf32, #tpu.memory_space<hbm>>) target(%dma_start3A_61 : memref<128xf32, #tpu.memory_space<vmem>>) offsets(%dma_start3A_64 : memref<128xi32, #tpu.memory_space<vmem>>) semaphore(%arg14 : memref<!tpu.dma_semaphore, #tpu.memory_space<semaphore_mem>>)
      %mul3A_67 = arith.constant 16 : i32
      %mul3A_68 = arith.muli %scan3A_19, %mul3A_67 : i32
      %add3A_69 = arith.constant 2 : i32
      %add3A_70 = arith.addi %mul3A_68, %add3A_69 : i32
      %dma_start3A_71 = arith.constant 2 : i32
      %dma_start3A_72 = arith.constant 0 : i32
      %dma_start3A_73 = arith.constant 0 : i32
      %dma_start3A_74 = tpu.memref_slice %arg11[%dma_start3A_71, %dma_start3A_72, %dma_start3A_73] : memref<16x128x32xf32, #tpu.memory_space<vmem>> -> memref<1x128x32xf32, #tpu.memory_space<vmem>>
      %dma_start3A_75 = tpu.memref_squeeze %dma_start3A_74 : memref<1x128x32xf32, #tpu.memory_space<vmem>> -> memref<128x32xf32, #tpu.memory_space<vmem>>
      %dma_start3A_76 = arith.constant 0 : i32
      %dma_start3A_77 = tpu.memref_slice %arg9[%add3A_70, %dma_start3A_76] : memref<80x128xi32, #tpu.memory_space<vmem>> -> memref<1x128xi32, #tpu.memory_space<vmem>>
      %dma_start3A_78 = tpu.memref_squeeze %dma_start3A_77 : memref<1x128xi32, #tpu.memory_space<vmem>> -> memref<128xi32, #tpu.memory_space<vmem>>
      %dma_start3A_79 = arith.constant 0 : i32
      %dma_start3A_80 = arith.constant 0 : i32
      %dma_start3A_81 = tpu.memref_slice %arg3[%dma_start3A_79, %dma_start3A_80] : memref<10240x32xf32, #tpu.memory_space<hbm>> -> memref<10240x32xf32, #tpu.memory_space<hbm>>
      tpu.enqueue_indirect_dma source(%dma_start3A_81 : memref<10240x32xf32, #tpu.memory_space<hbm>>) target(%dma_start3A_75 : memref<128x32xf32, #tpu.memory_space<vmem>>) offsets(%dma_start3A_78 : memref<128xi32, #tpu.memory_space<vmem>>) semaphore(%arg13 : memref<!tpu.dma_semaphore, #tpu.memory_space<semaphore_mem>>)
      %dma_start3A_82 = arith.constant 2 : i32
      %dma_start3A_83 = arith.constant 0 : i32
      %dma_start3A_84 = tpu.memref_slice %arg12[%dma_start3A_82, %dma_start3A_83] : memref<16x128xf32, #tpu.memory_space<vmem>> -> memref<1x128xf32, #tpu.memory_space<vmem>>
      %dma_start3A_85 = tpu.memref_squeeze %dma_start3A_84 : memref<1x128xf32, #tpu.memory_space<vmem>> -> memref<128xf32, #tpu.memory_space<vmem>>
      %dma_start3A_86 = arith.constant 0 : i32
      %dma_start3A_87 = tpu.memref_slice %arg10[%add3A_70, %dma_start3A_86] : memref<80x128xi32, #tpu.memory_space<vmem>> -> memref<1x128xi32, #tpu.memory_space<vmem>>
      %dma_start3A_88 = tpu.memref_squeeze %dma_start3A_87 : memref<1x128xi32, #tpu.memory_space<vmem>> -> memref<128xi32, #tpu.memory_space<vmem>>
      %dma_start3A_89 = arith.constant 0 : i32
      %dma_start3A_90 = tpu.memref_slice %arg4[%dma_start3A_89] : memref<10240xf32, #tpu.memory_space<hbm>> -> memref<10240xf32, #tpu.memory_space<hbm>>
      tpu.enqueue_indirect_dma source(%dma_start3A_90 : memref<10240xf32, #tpu.memory_space<hbm>>) target(%dma_start3A_85 : memref<128xf32, #tpu.memory_space<vmem>>) offsets(%dma_start3A_88 : memref<128xi32, #tpu.memory_space<vmem>>) semaphore(%arg14 : memref<!tpu.dma_semaphore, #tpu.memory_space<semaphore_mem>>)
      %mul3A_91 = arith.constant 16 : i32
      %mul3A_92 = arith.muli %scan3A_19, %mul3A_91 : i32
      %add3A_93 = arith.constant 3 : i32
      %add3A_94 = arith.addi %mul3A_92, %add3A_93 : i32
      %dma_start3A_95 = arith.constant 3 : i32
      %dma_start3A_96 = arith.constant 0 : i32
      %dma_start3A_97 = arith.constant 0 : i32
      %dma_start3A_98 = tpu.memref_slice %arg11[%dma_start3A_95, %dma_start3A_96, %dma_start3A_97] : memref<16x128x32xf32, #tpu.memory_space<vmem>> -> memref<1x128x32xf32, #tpu.memory_space<vmem>>
      %dma_start3A_99 = tpu.memref_squeeze %dma_start3A_98 : memref<1x128x32xf32, #tpu.memory_space<vmem>> -> memref<128x32xf32, #tpu.memory_space<vmem>>
      %dma_start3A_100 = arith.constant 0 : i32
      %dma_start3A_101 = tpu.memref_slice %arg9[%add3A_94, %dma_start3A_100] : memref<80x128xi32, #tpu.memory_space<vmem>> -> memref<1x128xi32, #tpu.memory_space<vmem>>
      %dma_start3A_102 = tpu.memref_squeeze %dma_start3A_101 : memref<1x128xi32, #tpu.memory_space<vmem>> -> memref<128xi32, #tpu.memory_space<vmem>>
      %dma_start3A_103 = arith.constant 0 : i32
      %dma_start3A_104 = arith.constant 0 : i32
      %dma_start3A_105 = tpu.memref_slice %arg3[%dma_start3A_103, %dma_start3A_104] : memref<10240x32xf32, #tpu.memory_space<hbm>> -> memref<10240x32xf32, #tpu.memory_space<hbm>>
      tpu.enqueue_indirect_dma source(%dma_start3A_105 : memref<10240x32xf32, #tpu.memory_space<hbm>>) target(%dma_start3A_99 : memref<128x32xf32, #tpu.memory_space<vmem>>) offsets(%dma_start3A_102 : memref<128xi32, #tpu.memory_space<vmem>>) semaphore(%arg13 : memref<!tpu.dma_semaphore, #tpu.memory_space<semaphore_mem>>)
      %dma_start3A_106 = arith.constant 3 : i32
      %dma_start3A_107 = arith.constant 0 : i32
      %dma_start3A_108 = tpu.memref_slice %arg12[%dma_start3A_106, %dma_start3A_107] : memref<16x128xf32, #tpu.memory_space<vmem>> -> memref<1x128xf32, #tpu.memory_space<vmem>>
      %dma_start3A_109 = tpu.memref_squeeze %dma_start3A_108 : memref<1x128xf32, #tpu.memory_space<vmem>> -> memref<128xf32, #tpu.memory_space<vmem>>
      %dma_start3A_110 = arith.constant 0 : i32
      %dma_start3A_111 = tpu.memref_slice %arg10[%add3A_94, %dma_start3A_110] : memref<80x128xi32, #tpu.memory_space<vmem>> -> memref<1x128xi32, #tpu.memory_space<vmem>>
      %dma_start3A_112 = tpu.memref_squeeze %dma_start3A_111 : memref<1x128xi32, #tpu.memory_space<vmem>> -> memref<128xi32, #tpu.memory_space<vmem>>
      %dma_start3A_113 = arith.constant 0 : i32
      %dma_start3A_114 = tpu.memref_slice %arg4[%dma_start3A_113] : memref<10240xf32, #tpu.memory_space<hbm>> -> memref<10240xf32, #tpu.memory_space<hbm>>
      tpu.enqueue_indirect_dma source(%dma_start3A_114 : memref<10240xf32, #tpu.memory_space<hbm>>) target(%dma_start3A_109 : memref<128xf32, #tpu.memory_space<vmem>>) offsets(%dma_start3A_112 : memref<128xi32, #tpu.memory_space<vmem>>) semaphore(%arg14 : memref<!tpu.dma_semaphore, #tpu.memory_space<semaphore_mem>>)
      %mul3A_115 = arith.constant 16 : i32
      %mul3A_116 = arith.muli %scan3A_19, %mul3A_115 : i32
      %add3A_117 = arith.constant 4 : i32
      %add3A_118 = arith.addi %mul3A_116, %add3A_117 : i32
      %dma_start3A_119 = arith.constant 4 : i32
      %dma_start3A_120 = arith.constant 0 : i32
      %dma_start3A_121 = arith.constant 0 : i32
      %dma_start3A_122 = tpu.memref_slice %arg11[%dma_start3A_119, %dma_start3A_120, %dma_start3A_121] : memref<16x128x32xf32, #tpu.memory_space<vmem>> -> memref<1x128x32xf32, #tpu.memory_space<vmem>>
      %dma_start3A_123 = tpu.memref_squeeze %dma_start3A_122 : memref<1x128x32xf32, #tpu.memory_space<vmem>> -> memref<128x32xf32, #tpu.memory_space<vmem>>
      %dma_start3A_124 = arith.constant 0 : i32
      %dma_start3A_125 = tpu.memref_slice %arg9[%add3A_118, %dma_start3A_124] : memref<80x128xi32, #tpu.memory_space<vmem>> -> memref<1x128xi32, #tpu.memory_space<vmem>>
      %dma_start3A_126 = tpu.memref_squeeze %dma_start3A_125 : memref<1x128xi32, #tpu.memory_space<vmem>> -> memref<128xi32, #tpu.memory_space<vmem>>
      %dma_start3A_127 = arith.constant 0 : i32
      %dma_start3A_128 = arith.constant 0 : i32
      %dma_start3A_129 = tpu.memref_slice %arg3[%dma_start3A_127, %dma_start3A_128] : memref<10240x32xf32, #tpu.memory_space<hbm>> -> memref<10240x32xf32, #tpu.memory_space<hbm>>
      tpu.enqueue_indirect_dma source(%dma_start3A_129 : memref<10240x32xf32, #tpu.memory_space<hbm>>) target(%dma_start3A_123 : memref<128x32xf32, #tpu.memory_space<vmem>>) offsets(%dma_start3A_126 : memref<128xi32, #tpu.memory_space<vmem>>) semaphore(%arg13 : memref<!tpu.dma_semaphore, #tpu.memory_space<semaphore_mem>>)
      %dma_start3A_130 = arith.constant 4 : i32
      %dma_start3A_131 = arith.constant 0 : i32
      %dma_start3A_132 = tpu.memref_slice %arg12[%dma_start3A_130, %dma_start3A_131] : memref<16x128xf32, #tpu.memory_space<vmem>> -> memref<1x128xf32, #tpu.memory_space<vmem>>
      %dma_start3A_133 = tpu.memref_squeeze %dma_start3A_132 : memref<1x128xf32, #tpu.memory_space<vmem>> -> memref<128xf32, #tpu.memory_space<vmem>>
      %dma_start3A_134 = arith.constant 0 : i32
      %dma_start3A_135 = tpu.memref_slice %arg10[%add3A_118, %dma_start3A_134] : memref<80x128xi32, #tpu.memory_space<vmem>> -> memref<1x128xi32, #tpu.memory_space<vmem>>
      %dma_start3A_136 = tpu.memref_squeeze %dma_start3A_135 : memref<1x128xi32, #tpu.memory_space<vmem>> -> memref<128xi32, #tpu.memory_space<vmem>>
      %dma_start3A_137 = arith.constant 0 : i32
      %dma_start3A_138 = tpu.memref_slice %arg4[%dma_start3A_137] : memref<10240xf32, #tpu.memory_space<hbm>> -> memref<10240xf32, #tpu.memory_space<hbm>>
      tpu.enqueue_indirect_dma source(%dma_start3A_138 : memref<10240xf32, #tpu.memory_space<hbm>>) target(%dma_start3A_133 : memref<128xf32, #tpu.memory_space<vmem>>) offsets(%dma_start3A_136 : memref<128xi32, #tpu.memory_space<vmem>>) semaphore(%arg14 : memref<!tpu.dma_semaphore, #tpu.memory_space<semaphore_mem>>)
      %mul3A_139 = arith.constant 16 : i32
      %mul3A_140 = arith.muli %scan3A_19, %mul3A_139 : i32
      %add3A_141 = arith.constant 5 : i32
      %add3A_142 = arith.addi %mul3A_140, %add3A_141 : i32
      %dma_start3A_143 = arith.constant 5 : i32
      %dma_start3A_144 = arith.constant 0 : i32
      %dma_start3A_145 = arith.constant 0 : i32
      %dma_start3A_146 = tpu.memref_slice %arg11[%dma_start3A_143, %dma_start3A_144, %dma_start3A_145] : memref<16x128x32xf32, #tpu.memory_space<vmem>> -> memref<1x128x32xf32, #tpu.memory_space<vmem>>
      %dma_start3A_147 = tpu.memref_squeeze %dma_start3A_146 : memref<1x128x32xf32, #tpu.memory_space<vmem>> -> memref<128x32xf32, #tpu.memory_space<vmem>>
      %dma_start3A_148 = arith.constant 0 : i32
      %dma_start3A_149 = tpu.memref_slice %arg9[%add3A_142, %dma_start3A_148] : memref<80x128xi32, #tpu.memory_space<vmem>> -> memref<1x128xi32, #tpu.memory_space<vmem>>
      %dma_start3A_150 = tpu.memref_squeeze %dma_start3A_149 : memref<1x128xi32, #tpu.memory_space<vmem>> -> memref<128xi32, #tpu.memory_space<vmem>>
      %dma_start3A_151 = arith.constant 0 : i32
      %dma_start3A_152 = arith.constant 0 : i32
      %dma_start3A_153 = tpu.memref_slice %arg3[%dma_start3A_151, %dma_start3A_152] : memref<10240x32xf32, #tpu.memory_space<hbm>> -> memref<10240x32xf32, #tpu.memory_space<hbm>>
      tpu.enqueue_indirect_dma source(%dma_start3A_153 : memref<10240x32xf32, #tpu.memory_space<hbm>>) target(%dma_start3A_147 : memref<128x32xf32, #tpu.memory_space<vmem>>) offsets(%dma_start3A_150 : memref<128xi32, #tpu.memory_space<vmem>>) semaphore(%arg13 : memref<!tpu.dma_semaphore, #tpu.memory_space<semaphore_mem>>)
      %dma_start3A_154 = arith.constant 5 : i32
      %dma_start3A_155 = arith.constant 0 : i32
      %dma_start3A_156 = tpu.memref_slice %arg12[%dma_start3A_154, %dma_start3A_155] : memref<16x128xf32, #tpu.memory_space<vmem>> -> memref<1x128xf32, #tpu.memory_space<vmem>>
      %dma_start3A_157 = tpu.memref_squeeze %dma_start3A_156 : memref<1x128xf32, #tpu.memory_space<vmem>> -> memref<128xf32, #tpu.memory_space<vmem>>
      %dma_start3A_158 = arith.constant 0 : i32
      %dma_start3A_159 = tpu.memref_slice %arg10[%add3A_142, %dma_start3A_158] : memref<80x128xi32, #tpu.memory_space<vmem>> -> memref<1x128xi32, #tpu.memory_space<vmem>>
      %dma_start3A_160 = tpu.memref_squeeze %dma_start3A_159 : memref<1x128xi32, #tpu.memory_space<vmem>> -> memref<128xi32, #tpu.memory_space<vmem>>
      %dma_start3A_161 = arith.constant 0 : i32
      %dma_start3A_162 = tpu.memref_slice %arg4[%dma_start3A_161] : memref<10240xf32, #tpu.memory_space<hbm>> -> memref<10240xf32, #tpu.memory_space<hbm>>
      tpu.enqueue_indirect_dma source(%dma_start3A_162 : memref<10240xf32, #tpu.memory_space<hbm>>) target(%dma_start3A_157 : memref<128xf32, #tpu.memory_space<vmem>>) offsets(%dma_start3A_160 : memref<128xi32, #tpu.memory_space<vmem>>) semaphore(%arg14 : memref<!tpu.dma_semaphore, #tpu.memory_space<semaphore_mem>>)
      %mul3A_163 = arith.constant 16 : i32
      %mul3A_164 = arith.muli %scan3A_19, %mul3A_163 : i32
      %add3A_165 = arith.constant 6 : i32
      %add3A_166 = arith.addi %mul3A_164, %add3A_165 : i32
      %dma_start3A_167 = arith.constant 6 : i32
      %dma_start3A_168 = arith.constant 0 : i32
      %dma_start3A_169 = arith.constant 0 : i32
      %dma_start3A_170 = tpu.memref_slice %arg11[%dma_start3A_167, %dma_start3A_168, %dma_start3A_169] : memref<16x128x32xf32, #tpu.memory_space<vmem>> -> memref<1x128x32xf32, #tpu.memory_space<vmem>>
      %dma_start3A_171 = tpu.memref_squeeze %dma_start3A_170 : memref<1x128x32xf32, #tpu.memory_space<vmem>> -> memref<128x32xf32, #tpu.memory_space<vmem>>
      %dma_start3A_172 = arith.constant 0 : i32
      %dma_start3A_173 = tpu.memref_slice %arg9[%add3A_166, %dma_start3A_172] : memref<80x128xi32, #tpu.memory_space<vmem>> -> memref<1x128xi32, #tpu.memory_space<vmem>>
      %dma_start3A_174 = tpu.memref_squeeze %dma_start3A_173 : memref<1x128xi32, #tpu.memory_space<vmem>> -> memref<128xi32, #tpu.memory_space<vmem>>
      %dma_start3A_175 = arith.constant 0 : i32
      %dma_start3A_176 = arith.constant 0 : i32
      %dma_start3A_177 = tpu.memref_slice %arg3[%dma_start3A_175, %dma_start3A_176] : memref<10240x32xf32, #tpu.memory_space<hbm>> -> memref<10240x32xf32, #tpu.memory_space<hbm>>
      tpu.enqueue_indirect_dma source(%dma_start3A_177 : memref<10240x32xf32, #tpu.memory_space<hbm>>) target(%dma_start3A_171 : memref<128x32xf32, #tpu.memory_space<vmem>>) offsets(%dma_start3A_174 : memref<128xi32, #tpu.memory_space<vmem>>) semaphore(%arg13 : memref<!tpu.dma_semaphore, #tpu.memory_space<semaphore_mem>>)
      %dma_start3A_178 = arith.constant 6 : i32
      %dma_start3A_179 = arith.constant 0 : i32
      %dma_start3A_180 = tpu.memref_slice %arg12[%dma_start3A_178, %dma_start3A_179] : memref<16x128xf32, #tpu.memory_space<vmem>> -> memref<1x128xf32, #tpu.memory_space<vmem>>
      %dma_start3A_181 = tpu.memref_squeeze %dma_start3A_180 : memref<1x128xf32, #tpu.memory_space<vmem>> -> memref<128xf32, #tpu.memory_space<vmem>>
      %dma_start3A_182 = arith.constant 0 : i32
      %dma_start3A_183 = tpu.memref_slice %arg10[%add3A_166, %dma_start3A_182] : memref<80x128xi32, #tpu.memory_space<vmem>> -> memref<1x128xi32, #tpu.memory_space<vmem>>
      %dma_start3A_184 = tpu.memref_squeeze %dma_start3A_183 : memref<1x128xi32, #tpu.memory_space<vmem>> -> memref<128xi32, #tpu.memory_space<vmem>>
      %dma_start3A_185 = arith.constant 0 : i32
      %dma_start3A_186 = tpu.memref_slice %arg4[%dma_start3A_185] : memref<10240xf32, #tpu.memory_space<hbm>> -> memref<10240xf32, #tpu.memory_space<hbm>>
      tpu.enqueue_indirect_dma source(%dma_start3A_186 : memref<10240xf32, #tpu.memory_space<hbm>>) target(%dma_start3A_181 : memref<128xf32, #tpu.memory_space<vmem>>) offsets(%dma_start3A_184 : memref<128xi32, #tpu.memory_space<vmem>>) semaphore(%arg14 : memref<!tpu.dma_semaphore, #tpu.memory_space<semaphore_mem>>)
      %mul3A_187 = arith.constant 16 : i32
      %mul3A_188 = arith.muli %scan3A_19, %mul3A_187 : i32
      %add3A_189 = arith.constant 7 : i32
      %add3A_190 = arith.addi %mul3A_188, %add3A_189 : i32
      %dma_start3A_191 = arith.constant 7 : i32
      %dma_start3A_192 = arith.constant 0 : i32
      %dma_start3A_193 = arith.constant 0 : i32
      %dma_start3A_194 = tpu.memref_slice %arg11[%dma_start3A_191, %dma_start3A_192, %dma_start3A_193] : memref<16x128x32xf32, #tpu.memory_space<vmem>> -> memref<1x128x32xf32, #tpu.memory_space<vmem>>
      %dma_start3A_195 = tpu.memref_squeeze %dma_start3A_194 : memref<1x128x32xf32, #tpu.memory_space<vmem>> -> memref<128x32xf32, #tpu.memory_space<vmem>>
      %dma_start3A_196 = arith.constant 0 : i32
      %dma_start3A_197 = tpu.memref_slice %arg9[%add3A_190, %dma_start3A_196] : memref<80x128xi32, #tpu.memory_space<vmem>> -> memref<1x128xi32, #tpu.memory_space<vmem>>
      %dma_start3A_198 = tpu.memref_squeeze %dma_start3A_197 : memref<1x128xi32, #tpu.memory_space<vmem>> -> memref<128xi32, #tpu.memory_space<vmem>>
      %dma_start3A_199 = arith.constant 0 : i32
      %dma_start3A_200 = arith.constant 0 : i32
      %dma_start3A_201 = tpu.memref_slice %arg3[%dma_start3A_199, %dma_start3A_200] : memref<10240x32xf32, #tpu.memory_space<hbm>> -> memref<10240x32xf32, #tpu.memory_space<hbm>>
      tpu.enqueue_indirect_dma source(%dma_start3A_201 : memref<10240x32xf32, #tpu.memory_space<hbm>>) target(%dma_start3A_195 : memref<128x32xf32, #tpu.memory_space<vmem>>) offsets(%dma_start3A_198 : memref<128xi32, #tpu.memory_space<vmem>>) semaphore(%arg13 : memref<!tpu.dma_semaphore, #tpu.memory_space<semaphore_mem>>)
      %dma_start3A_202 = arith.constant 7 : i32
      %dma_start3A_203 = arith.constant 0 : i32
      %dma_start3A_204 = tpu.memref_slice %arg12[%dma_start3A_202, %dma_start3A_203] : memref<16x128xf32, #tpu.memory_space<vmem>> -> memref<1x128xf32, #tpu.memory_space<vmem>>
      %dma_start3A_205 = tpu.memref_squeeze %dma_start3A_204 : memref<1x128xf32, #tpu.memory_space<vmem>> -> memref<128xf32, #tpu.memory_space<vmem>>
      %dma_start3A_206 = arith.constant 0 : i32
      %dma_start3A_207 = tpu.memref_slice %arg10[%add3A_190, %dma_start3A_206] : memref<80x128xi32, #tpu.memory_space<vmem>> -> memref<1x128xi32, #tpu.memory_space<vmem>>
      %dma_start3A_208 = tpu.memref_squeeze %dma_start3A_207 : memref<1x128xi32, #tpu.memory_space<vmem>> -> memref<128xi32, #tpu.memory_space<vmem>>
      %dma_start3A_209 = arith.constant 0 : i32
      %dma_start3A_210 = tpu.memref_slice %arg4[%dma_start3A_209] : memref<10240xf32, #tpu.memory_space<hbm>> -> memref<10240xf32, #tpu.memory_space<hbm>>
      tpu.enqueue_indirect_dma source(%dma_start3A_210 : memref<10240xf32, #tpu.memory_space<hbm>>) target(%dma_start3A_205 : memref<128xf32, #tpu.memory_space<vmem>>) offsets(%dma_start3A_208 : memref<128xi32, #tpu.memory_space<vmem>>) semaphore(%arg14 : memref<!tpu.dma_semaphore, #tpu.memory_space<semaphore_mem>>)
      %mul3A_211 = arith.constant 16 : i32
      %mul3A_212 = arith.muli %scan3A_19, %mul3A_211 : i32
      %add3A_213 = arith.constant 8 : i32
      %add3A_214 = arith.addi %mul3A_212, %add3A_213 : i32
      %dma_start3A_215 = arith.constant 8 : i32
      %dma_start3A_216 = arith.constant 0 : i32
      %dma_start3A_217 = arith.constant 0 : i32
      %dma_start3A_218 = tpu.memref_slice %arg11[%dma_start3A_215, %dma_start3A_216, %dma_start3A_217] : memref<16x128x32xf32, #tpu.memory_space<vmem>> -> memref<1x128x32xf32, #tpu.memory_space<vmem>>
      %dma_start3A_219 = tpu.memref_squeeze %dma_start3A_218 : memref<1x128x32xf32, #tpu.memory_space<vmem>> -> memref<128x32xf32, #tpu.memory_space<vmem>>
      %dma_start3A_220 = arith.constant 0 : i32
      %dma_start3A_221 = tpu.memref_slice %arg9[%add3A_214, %dma_start3A_220] : memref<80x128xi32, #tpu.memory_space<vmem>> -> memref<1x128xi32, #tpu.memory_space<vmem>>
      %dma_start3A_222 = tpu.memref_squeeze %dma_start3A_221 : memref<1x128xi32, #tpu.memory_space<vmem>> -> memref<128xi32, #tpu.memory_space<vmem>>
      %dma_start3A_223 = arith.constant 0 : i32
      %dma_start3A_224 = arith.constant 0 : i32
      %dma_start3A_225 = tpu.memref_slice %arg3[%dma_start3A_223, %dma_start3A_224] : memref<10240x32xf32, #tpu.memory_space<hbm>> -> memref<10240x32xf32, #tpu.memory_space<hbm>>
      tpu.enqueue_indirect_dma source(%dma_start3A_225 : memref<10240x32xf32, #tpu.memory_space<hbm>>) target(%dma_start3A_219 : memref<128x32xf32, #tpu.memory_space<vmem>>) offsets(%dma_start3A_222 : memref<128xi32, #tpu.memory_space<vmem>>) semaphore(%arg13 : memref<!tpu.dma_semaphore, #tpu.memory_space<semaphore_mem>>)
      %dma_start3A_226 = arith.constant 8 : i32
      %dma_start3A_227 = arith.constant 0 : i32
      %dma_start3A_228 = tpu.memref_slice %arg12[%dma_start3A_226, %dma_start3A_227] : memref<16x128xf32, #tpu.memory_space<vmem>> -> memref<1x128xf32, #tpu.memory_space<vmem>>
      %dma_start3A_229 = tpu.memref_squeeze %dma_start3A_228 : memref<1x128xf32, #tpu.memory_space<vmem>> -> memref<128xf32, #tpu.memory_space<vmem>>
      %dma_start3A_230 = arith.constant 0 : i32
      %dma_start3A_231 = tpu.memref_slice %arg10[%add3A_214, %dma_start3A_230] : memref<80x128xi32, #tpu.memory_space<vmem>> -> memref<1x128xi32, #tpu.memory_space<vmem>>
      %dma_start3A_232 = tpu.memref_squeeze %dma_start3A_231 : memref<1x128xi32, #tpu.memory_space<vmem>> -> memref<128xi32, #tpu.memory_space<vmem>>
      %dma_start3A_233 = arith.constant 0 : i32
      %dma_start3A_234 = tpu.memref_slice %arg4[%dma_start3A_233] : memref<10240xf32, #tpu.memory_space<hbm>> -> memref<10240xf32, #tpu.memory_space<hbm>>
      tpu.enqueue_indirect_dma source(%dma_start3A_234 : memref<10240xf32, #tpu.memory_space<hbm>>) target(%dma_start3A_229 : memref<128xf32, #tpu.memory_space<vmem>>) offsets(%dma_start3A_232 : memref<128xi32, #tpu.memory_space<vmem>>) semaphore(%arg14 : memref<!tpu.dma_semaphore, #tpu.memory_space<semaphore_mem>>)
      %mul3A_235 = arith.constant 16 : i32
      %mul3A_236 = arith.muli %scan3A_19, %mul3A_235 : i32
      %add3A_237 = arith.constant 9 : i32
      %add3A_238 = arith.addi %mul3A_236, %add3A_237 : i32
      %dma_start3A_239 = arith.constant 9 : i32
      %dma_start3A_240 = arith.constant 0 : i32
      %dma_start3A_241 = arith.constant 0 : i32
      %dma_start3A_242 = tpu.memref_slice %arg11[%dma_start3A_239, %dma_start3A_240, %dma_start3A_241] : memref<16x128x32xf32, #tpu.memory_space<vmem>> -> memref<1x128x32xf32, #tpu.memory_space<vmem>>
      %dma_start3A_243 = tpu.memref_squeeze %dma_start3A_242 : memref<1x128x32xf32, #tpu.memory_space<vmem>> -> memref<128x32xf32, #tpu.memory_space<vmem>>
      %dma_start3A_244 = arith.constant 0 : i32
      %dma_start3A_245 = tpu.memref_slice %arg9[%add3A_238, %dma_start3A_244] : memref<80x128xi32, #tpu.memory_space<vmem>> -> memref<1x128xi32, #tpu.memory_space<vmem>>
      %dma_start3A_246 = tpu.memref_squeeze %dma_start3A_245 : memref<1x128xi32, #tpu.memory_space<vmem>> -> memref<128xi32, #tpu.memory_space<vmem>>
      %dma_start3A_247 = arith.constant 0 : i32
      %dma_start3A_248 = arith.constant 0 : i32
      %dma_start3A_249 = tpu.memref_slice %arg3[%dma_start3A_247, %dma_start3A_248] : memref<10240x32xf32, #tpu.memory_space<hbm>> -> memref<10240x32xf32, #tpu.memory_space<hbm>>
      tpu.enqueue_indirect_dma source(%dma_start3A_249 : memref<10240x32xf32, #tpu.memory_space<hbm>>) target(%dma_start3A_243 : memref<128x32xf32, #tpu.memory_space<vmem>>) offsets(%dma_start3A_246 : memref<128xi32, #tpu.memory_space<vmem>>) semaphore(%arg13 : memref<!tpu.dma_semaphore, #tpu.memory_space<semaphore_mem>>)
      %dma_start3A_250 = arith.constant 9 : i32
      %dma_start3A_251 = arith.constant 0 : i32
      %dma_start3A_252 = tpu.memref_slice %arg12[%dma_start3A_250, %dma_start3A_251] : memref<16x128xf32, #tpu.memory_space<vmem>> -> memref<1x128xf32, #tpu.memory_space<vmem>>
      %dma_start3A_253 = tpu.memref_squeeze %dma_start3A_252 : memref<1x128xf32, #tpu.memory_space<vmem>> -> memref<128xf32, #tpu.memory_space<vmem>>
      %dma_start3A_254 = arith.constant 0 : i32
      %dma_start3A_255 = tpu.memref_slice %arg10[%add3A_238, %dma_start3A_254] : memref<80x128xi32, #tpu.memory_space<vmem>> -> memref<1x128xi32, #tpu.memory_space<vmem>>
      %dma_start3A_256 = tpu.memref_squeeze %dma_start3A_255 : memref<1x128xi32, #tpu.memory_space<vmem>> -> memref<128xi32, #tpu.memory_space<vmem>>
      %dma_start3A_257 = arith.constant 0 : i32
      %dma_start3A_258 = tpu.memref_slice %arg4[%dma_start3A_257] : memref<10240xf32, #tpu.memory_space<hbm>> -> memref<10240xf32, #tpu.memory_space<hbm>>
      tpu.enqueue_indirect_dma source(%dma_start3A_258 : memref<10240xf32, #tpu.memory_space<hbm>>) target(%dma_start3A_253 : memref<128xf32, #tpu.memory_space<vmem>>) offsets(%dma_start3A_256 : memref<128xi32, #tpu.memory_space<vmem>>) semaphore(%arg14 : memref<!tpu.dma_semaphore, #tpu.memory_space<semaphore_mem>>)
      %mul3A_259 = arith.constant 16 : i32
      %mul3A_260 = arith.muli %scan3A_19, %mul3A_259 : i32
      %add3A_261 = arith.constant 10 : i32
      %add3A_262 = arith.addi %mul3A_260, %add3A_261 : i32
      %dma_start3A_263 = arith.constant 10 : i32
      %dma_start3A_264 = arith.constant 0 : i32
      %dma_start3A_265 = arith.constant 0 : i32
      %dma_start3A_266 = tpu.memref_slice %arg11[%dma_start3A_263, %dma_start3A_264, %dma_start3A_265] : memref<16x128x32xf32, #tpu.memory_space<vmem>> -> memref<1x128x32xf32, #tpu.memory_space<vmem>>
      %dma_start3A_267 = tpu.memref_squeeze %dma_start3A_266 : memref<1x128x32xf32, #tpu.memory_space<vmem>> -> memref<128x32xf32, #tpu.memory_space<vmem>>
      %dma_start3A_268 = arith.constant 0 : i32
      %dma_start3A_269 = tpu.memref_slice %arg9[%add3A_262, %dma_start3A_268] : memref<80x128xi32, #tpu.memory_space<vmem>> -> memref<1x128xi32, #tpu.memory_space<vmem>>
      %dma_start3A_270 = tpu.memref_squeeze %dma_start3A_269 : memref<1x128xi32, #tpu.memory_space<vmem>> -> memref<128xi32, #tpu.memory_space<vmem>>
      %dma_start3A_271 = arith.constant 0 : i32
      %dma_start3A_272 = arith.constant 0 : i32
      %dma_start3A_273 = tpu.memref_slice %arg3[%dma_start3A_271, %dma_start3A_272] : memref<10240x32xf32, #tpu.memory_space<hbm>> -> memref<10240x32xf32, #tpu.memory_space<hbm>>
      tpu.enqueue_indirect_dma source(%dma_start3A_273 : memref<10240x32xf32, #tpu.memory_space<hbm>>) target(%dma_start3A_267 : memref<128x32xf32, #tpu.memory_space<vmem>>) offsets(%dma_start3A_270 : memref<128xi32, #tpu.memory_space<vmem>>) semaphore(%arg13 : memref<!tpu.dma_semaphore, #tpu.memory_space<semaphore_mem>>)
      %dma_start3A_274 = arith.constant 10 : i32
      %dma_start3A_275 = arith.constant 0 : i32
      %dma_start3A_276 = tpu.memref_slice %arg12[%dma_start3A_274, %dma_start3A_275] : memref<16x128xf32, #tpu.memory_space<vmem>> -> memref<1x128xf32, #tpu.memory_space<vmem>>
      %dma_start3A_277 = tpu.memref_squeeze %dma_start3A_276 : memref<1x128xf32, #tpu.memory_space<vmem>> -> memref<128xf32, #tpu.memory_space<vmem>>
      %dma_start3A_278 = arith.constant 0 : i32
      %dma_start3A_279 = tpu.memref_slice %arg10[%add3A_262, %dma_start3A_278] : memref<80x128xi32, #tpu.memory_space<vmem>> -> memref<1x128xi32, #tpu.memory_space<vmem>>
      %dma_start3A_280 = tpu.memref_squeeze %dma_start3A_279 : memref<1x128xi32, #tpu.memory_space<vmem>> -> memref<128xi32, #tpu.memory_space<vmem>>
      %dma_start3A_281 = arith.constant 0 : i32
      %dma_start3A_282 = tpu.memref_slice %arg4[%dma_start3A_281] : memref<10240xf32, #tpu.memory_space<hbm>> -> memref<10240xf32, #tpu.memory_space<hbm>>
      tpu.enqueue_indirect_dma source(%dma_start3A_282 : memref<10240xf32, #tpu.memory_space<hbm>>) target(%dma_start3A_277 : memref<128xf32, #tpu.memory_space<vmem>>) offsets(%dma_start3A_280 : memref<128xi32, #tpu.memory_space<vmem>>) semaphore(%arg14 : memref<!tpu.dma_semaphore, #tpu.memory_space<semaphore_mem>>)
      %mul3A_283 = arith.constant 16 : i32
      %mul3A_284 = arith.muli %scan3A_19, %mul3A_283 : i32
      %add3A_285 = arith.constant 11 : i32
      %add3A_286 = arith.addi %mul3A_284, %add3A_285 : i32
      %dma_start3A_287 = arith.constant 11 : i32
      %dma_start3A_288 = arith.constant 0 : i32
      %dma_start3A_289 = arith.constant 0 : i32
      %dma_start3A_290 = tpu.memref_slice %arg11[%dma_start3A_287, %dma_start3A_288, %dma_start3A_289] : memref<16x128x32xf32, #tpu.memory_space<vmem>> -> memref<1x128x32xf32, #tpu.memory_space<vmem>>
      %dma_start3A_291 = tpu.memref_squeeze %dma_start3A_290 : memref<1x128x32xf32, #tpu.memory_space<vmem>> -> memref<128x32xf32, #tpu.memory_space<vmem>>
      %dma_start3A_292 = arith.constant 0 : i32
      %dma_start3A_293 = tpu.memref_slice %arg9[%add3A_286, %dma_start3A_292] : memref<80x128xi32, #tpu.memory_space<vmem>> -> memref<1x128xi32, #tpu.memory_space<vmem>>
      %dma_start3A_294 = tpu.memref_squeeze %dma_start3A_293 : memref<1x128xi32, #tpu.memory_space<vmem>> -> memref<128xi32, #tpu.memory_space<vmem>>
      %dma_start3A_295 = arith.constant 0 : i32
      %dma_start3A_296 = arith.constant 0 : i32
      %dma_start3A_297 = tpu.memref_slice %arg3[%dma_start3A_295, %dma_start3A_296] : memref<10240x32xf32, #tpu.memory_space<hbm>> -> memref<10240x32xf32, #tpu.memory_space<hbm>>
      tpu.enqueue_indirect_dma source(%dma_start3A_297 : memref<10240x32xf32, #tpu.memory_space<hbm>>) target(%dma_start3A_291 : memref<128x32xf32, #tpu.memory_space<vmem>>) offsets(%dma_start3A_294 : memref<128xi32, #tpu.memory_space<vmem>>) semaphore(%arg13 : memref<!tpu.dma_semaphore, #tpu.memory_space<semaphore_mem>>)
      %dma_start3A_298 = arith.constant 11 : i32
      %dma_start3A_299 = arith.constant 0 : i32
      %dma_start3A_300 = tpu.memref_slice %arg12[%dma_start3A_298, %dma_start3A_299] : memref<16x128xf32, #tpu.memory_space<vmem>> -> memref<1x128xf32, #tpu.memory_space<vmem>>
      %dma_start3A_301 = tpu.memref_squeeze %dma_start3A_300 : memref<1x128xf32, #tpu.memory_space<vmem>> -> memref<128xf32, #tpu.memory_space<vmem>>
      %dma_start3A_302 = arith.constant 0 : i32
      %dma_start3A_303 = tpu.memref_slice %arg10[%add3A_286, %dma_start3A_302] : memref<80x128xi32, #tpu.memory_space<vmem>> -> memref<1x128xi32, #tpu.memory_space<vmem>>
      %dma_start3A_304 = tpu.memref_squeeze %dma_start3A_303 : memref<1x128xi32, #tpu.memory_space<vmem>> -> memref<128xi32, #tpu.memory_space<vmem>>
      %dma_start3A_305 = arith.constant 0 : i32
      %dma_start3A_306 = tpu.memref_slice %arg4[%dma_start3A_305] : memref<10240xf32, #tpu.memory_space<hbm>> -> memref<10240xf32, #tpu.memory_space<hbm>>
      tpu.enqueue_indirect_dma source(%dma_start3A_306 : memref<10240xf32, #tpu.memory_space<hbm>>) target(%dma_start3A_301 : memref<128xf32, #tpu.memory_space<vmem>>) offsets(%dma_start3A_304 : memref<128xi32, #tpu.memory_space<vmem>>) semaphore(%arg14 : memref<!tpu.dma_semaphore, #tpu.memory_space<semaphore_mem>>)
      %mul3A_307 = arith.constant 16 : i32
      %mul3A_308 = arith.muli %scan3A_19, %mul3A_307 : i32
      %add3A_309 = arith.constant 12 : i32
      %add3A_310 = arith.addi %mul3A_308, %add3A_309 : i32
      %dma_start3A_311 = arith.constant 12 : i32
      %dma_start3A_312 = arith.constant 0 : i32
      %dma_start3A_313 = arith.constant 0 : i32
      %dma_start3A_314 = tpu.memref_slice %arg11[%dma_start3A_311, %dma_start3A_312, %dma_start3A_313] : memref<16x128x32xf32, #tpu.memory_space<vmem>> -> memref<1x128x32xf32, #tpu.memory_space<vmem>>
      %dma_start3A_315 = tpu.memref_squeeze %dma_start3A_314 : memref<1x128x32xf32, #tpu.memory_space<vmem>> -> memref<128x32xf32, #tpu.memory_space<vmem>>
      %dma_start3A_316 = arith.constant 0 : i32
      %dma_start3A_317 = tpu.memref_slice %arg9[%add3A_310, %dma_start3A_316] : memref<80x128xi32, #tpu.memory_space<vmem>> -> memref<1x128xi32, #tpu.memory_space<vmem>>
      %dma_start3A_318 = tpu.memref_squeeze %dma_start3A_317 : memref<1x128xi32, #tpu.memory_space<vmem>> -> memref<128xi32, #tpu.memory_space<vmem>>
      %dma_start3A_319 = arith.constant 0 : i32
      %dma_start3A_320 = arith.constant 0 : i32
      %dma_start3A_321 = tpu.memref_slice %arg3[%dma_start3A_319, %dma_start3A_320] : memref<10240x32xf32, #tpu.memory_space<hbm>> -> memref<10240x32xf32, #tpu.memory_space<hbm>>
      tpu.enqueue_indirect_dma source(%dma_start3A_321 : memref<10240x32xf32, #tpu.memory_space<hbm>>) target(%dma_start3A_315 : memref<128x32xf32, #tpu.memory_space<vmem>>) offsets(%dma_start3A_318 : memref<128xi32, #tpu.memory_space<vmem>>) semaphore(%arg13 : memref<!tpu.dma_semaphore, #tpu.memory_space<semaphore_mem>>)
      %dma_start3A_322 = arith.constant 12 : i32
      %dma_start3A_323 = arith.constant 0 : i32
      %dma_start3A_324 = tpu.memref_slice %arg12[%dma_start3A_322, %dma_start3A_323] : memref<16x128xf32, #tpu.memory_space<vmem>> -> memref<1x128xf32, #tpu.memory_space<vmem>>
      %dma_start3A_325 = tpu.memref_squeeze %dma_start3A_324 : memref<1x128xf32, #tpu.memory_space<vmem>> -> memref<128xf32, #tpu.memory_space<vmem>>
      %dma_start3A_326 = arith.constant 0 : i32
      %dma_start3A_327 = tpu.memref_slice %arg10[%add3A_310, %dma_start3A_326] : memref<80x128xi32, #tpu.memory_space<vmem>> -> memref<1x128xi32, #tpu.memory_space<vmem>>
      %dma_start3A_328 = tpu.memref_squeeze %dma_start3A_327 : memref<1x128xi32, #tpu.memory_space<vmem>> -> memref<128xi32, #tpu.memory_space<vmem>>
      %dma_start3A_329 = arith.constant 0 : i32
      %dma_start3A_330 = tpu.memref_slice %arg4[%dma_start3A_329] : memref<10240xf32, #tpu.memory_space<hbm>> -> memref<10240xf32, #tpu.memory_space<hbm>>
      tpu.enqueue_indirect_dma source(%dma_start3A_330 : memref<10240xf32, #tpu.memory_space<hbm>>) target(%dma_start3A_325 : memref<128xf32, #tpu.memory_space<vmem>>) offsets(%dma_start3A_328 : memref<128xi32, #tpu.memory_space<vmem>>) semaphore(%arg14 : memref<!tpu.dma_semaphore, #tpu.memory_space<semaphore_mem>>)
      %mul3A_331 = arith.constant 16 : i32
      %mul3A_332 = arith.muli %scan3A_19, %mul3A_331 : i32
      %add3A_333 = arith.constant 13 : i32
      %add3A_334 = arith.addi %mul3A_332, %add3A_333 : i32
      %dma_start3A_335 = arith.constant 13 : i32
      %dma_start3A_336 = arith.constant 0 : i32
      %dma_start3A_337 = arith.constant 0 : i32
      %dma_start3A_338 = tpu.memref_slice %arg11[%dma_start3A_335, %dma_start3A_336, %dma_start3A_337] : memref<16x128x32xf32, #tpu.memory_space<vmem>> -> memref<1x128x32xf32, #tpu.memory_space<vmem>>
      %dma_start3A_339 = tpu.memref_squeeze %dma_start3A_338 : memref<1x128x32xf32, #tpu.memory_space<vmem>> -> memref<128x32xf32, #tpu.memory_space<vmem>>
      %dma_start3A_340 = arith.constant 0 : i32
      %dma_start3A_341 = tpu.memref_slice %arg9[%add3A_334, %dma_start3A_340] : memref<80x128xi32, #tpu.memory_space<vmem>> -> memref<1x128xi32, #tpu.memory_space<vmem>>
      %dma_start3A_342 = tpu.memref_squeeze %dma_start3A_341 : memref<1x128xi32, #tpu.memory_space<vmem>> -> memref<128xi32, #tpu.memory_space<vmem>>
      %dma_start3A_343 = arith.constant 0 : i32
      %dma_start3A_344 = arith.constant 0 : i32
      %dma_start3A_345 = tpu.memref_slice %arg3[%dma_start3A_343, %dma_start3A_344] : memref<10240x32xf32, #tpu.memory_space<hbm>> -> memref<10240x32xf32, #tpu.memory_space<hbm>>
      tpu.enqueue_indirect_dma source(%dma_start3A_345 : memref<10240x32xf32, #tpu.memory_space<hbm>>) target(%dma_start3A_339 : memref<128x32xf32, #tpu.memory_space<vmem>>) offsets(%dma_start3A_342 : memref<128xi32, #tpu.memory_space<vmem>>) semaphore(%arg13 : memref<!tpu.dma_semaphore, #tpu.memory_space<semaphore_mem>>)
      %dma_start3A_346 = arith.constant 13 : i32
      %dma_start3A_347 = arith.constant 0 : i32
      %dma_start3A_348 = tpu.memref_slice %arg12[%dma_start3A_346, %dma_start3A_347] : memref<16x128xf32, #tpu.memory_space<vmem>> -> memref<1x128xf32, #tpu.memory_space<vmem>>
      %dma_start3A_349 = tpu.memref_squeeze %dma_start3A_348 : memref<1x128xf32, #tpu.memory_space<vmem>> -> memref<128xf32, #tpu.memory_space<vmem>>
      %dma_start3A_350 = arith.constant 0 : i32
      %dma_start3A_351 = tpu.memref_slice %arg10[%add3A_334, %dma_start3A_350] : memref<80x128xi32, #tpu.memory_space<vmem>> -> memref<1x128xi32, #tpu.memory_space<vmem>>
      %dma_start3A_352 = tpu.memref_squeeze %dma_start3A_351 : memref<1x128xi32, #tpu.memory_space<vmem>> -> memref<128xi32, #tpu.memory_space<vmem>>
      %dma_start3A_353 = arith.constant 0 : i32
      %dma_start3A_354 = tpu.memref_slice %arg4[%dma_start3A_353] : memref<10240xf32, #tpu.memory_space<hbm>> -> memref<10240xf32, #tpu.memory_space<hbm>>
      tpu.enqueue_indirect_dma source(%dma_start3A_354 : memref<10240xf32, #tpu.memory_space<hbm>>) target(%dma_start3A_349 : memref<128xf32, #tpu.memory_space<vmem>>) offsets(%dma_start3A_352 : memref<128xi32, #tpu.memory_space<vmem>>) semaphore(%arg14 : memref<!tpu.dma_semaphore, #tpu.memory_space<semaphore_mem>>)
      %mul3A_355 = arith.constant 16 : i32
      %mul3A_356 = arith.muli %scan3A_19, %mul3A_355 : i32
      %add3A_357 = arith.constant 14 : i32
      %add3A_358 = arith.addi %mul3A_356, %add3A_357 : i32
      %dma_start3A_359 = arith.constant 14 : i32
      %dma_start3A_360 = arith.constant 0 : i32
      %dma_start3A_361 = arith.constant 0 : i32
      %dma_start3A_362 = tpu.memref_slice %arg11[%dma_start3A_359, %dma_start3A_360, %dma_start3A_361] : memref<16x128x32xf32, #tpu.memory_space<vmem>> -> memref<1x128x32xf32, #tpu.memory_space<vmem>>
      %dma_start3A_363 = tpu.memref_squeeze %dma_start3A_362 : memref<1x128x32xf32, #tpu.memory_space<vmem>> -> memref<128x32xf32, #tpu.memory_space<vmem>>
      %dma_start3A_364 = arith.constant 0 : i32
      %dma_start3A_365 = tpu.memref_slice %arg9[%add3A_358, %dma_start3A_364] : memref<80x128xi32, #tpu.memory_space<vmem>> -> memref<1x128xi32, #tpu.memory_space<vmem>>
      %dma_start3A_366 = tpu.memref_squeeze %dma_start3A_365 : memref<1x128xi32, #tpu.memory_space<vmem>> -> memref<128xi32, #tpu.memory_space<vmem>>
      %dma_start3A_367 = arith.constant 0 : i32
      %dma_start3A_368 = arith.constant 0 : i32
      %dma_start3A_369 = tpu.memref_slice %arg3[%dma_start3A_367, %dma_start3A_368] : memref<10240x32xf32, #tpu.memory_space<hbm>> -> memref<10240x32xf32, #tpu.memory_space<hbm>>
      tpu.enqueue_indirect_dma source(%dma_start3A_369 : memref<10240x32xf32, #tpu.memory_space<hbm>>) target(%dma_start3A_363 : memref<128x32xf32, #tpu.memory_space<vmem>>) offsets(%dma_start3A_366 : memref<128xi32, #tpu.memory_space<vmem>>) semaphore(%arg13 : memref<!tpu.dma_semaphore, #tpu.memory_space<semaphore_mem>>)
      %dma_start3A_370 = arith.constant 14 : i32
      %dma_start3A_371 = arith.constant 0 : i32
      %dma_start3A_372 = tpu.memref_slice %arg12[%dma_start3A_370, %dma_start3A_371] : memref<16x128xf32, #tpu.memory_space<vmem>> -> memref<1x128xf32, #tpu.memory_space<vmem>>
      %dma_start3A_373 = tpu.memref_squeeze %dma_start3A_372 : memref<1x128xf32, #tpu.memory_space<vmem>> -> memref<128xf32, #tpu.memory_space<vmem>>
      %dma_start3A_374 = arith.constant 0 : i32
      %dma_start3A_375 = tpu.memref_slice %arg10[%add3A_358, %dma_start3A_374] : memref<80x128xi32, #tpu.memory_space<vmem>> -> memref<1x128xi32, #tpu.memory_space<vmem>>
      %dma_start3A_376 = tpu.memref_squeeze %dma_start3A_375 : memref<1x128xi32, #tpu.memory_space<vmem>> -> memref<128xi32, #tpu.memory_space<vmem>>
      %dma_start3A_377 = arith.constant 0 : i32
      %dma_start3A_378 = tpu.memref_slice %arg4[%dma_start3A_377] : memref<10240xf32, #tpu.memory_space<hbm>> -> memref<10240xf32, #tpu.memory_space<hbm>>
      tpu.enqueue_indirect_dma source(%dma_start3A_378 : memref<10240xf32, #tpu.memory_space<hbm>>) target(%dma_start3A_373 : memref<128xf32, #tpu.memory_space<vmem>>) offsets(%dma_start3A_376 : memref<128xi32, #tpu.memory_space<vmem>>) semaphore(%arg14 : memref<!tpu.dma_semaphore, #tpu.memory_space<semaphore_mem>>)
      %mul3A_379 = arith.constant 16 : i32
      %mul3A_380 = arith.muli %scan3A_19, %mul3A_379 : i32
      %add3A_381 = arith.constant 15 : i32
      %add3A_382 = arith.addi %mul3A_380, %add3A_381 : i32
      %dma_start3A_383 = arith.constant 15 : i32
      %dma_start3A_384 = arith.constant 0 : i32
      %dma_start3A_385 = arith.constant 0 : i32
      %dma_start3A_386 = tpu.memref_slice %arg11[%dma_start3A_383, %dma_start3A_384, %dma_start3A_385] : memref<16x128x32xf32, #tpu.memory_space<vmem>> -> memref<1x128x32xf32, #tpu.memory_space<vmem>>
      %dma_start3A_387 = tpu.memref_squeeze %dma_start3A_386 : memref<1x128x32xf32, #tpu.memory_space<vmem>> -> memref<128x32xf32, #tpu.memory_space<vmem>>
      %dma_start3A_388 = arith.constant 0 : i32
      %dma_start3A_389 = tpu.memref_slice %arg9[%add3A_382, %dma_start3A_388] : memref<80x128xi32, #tpu.memory_space<vmem>> -> memref<1x128xi32, #tpu.memory_space<vmem>>
      %dma_start3A_390 = tpu.memref_squeeze %dma_start3A_389 : memref<1x128xi32, #tpu.memory_space<vmem>> -> memref<128xi32, #tpu.memory_space<vmem>>
      %dma_start3A_391 = arith.constant 0 : i32
      %dma_start3A_392 = arith.constant 0 : i32
      %dma_start3A_393 = tpu.memref_slice %arg3[%dma_start3A_391, %dma_start3A_392] : memref<10240x32xf32, #tpu.memory_space<hbm>> -> memref<10240x32xf32, #tpu.memory_space<hbm>>
      tpu.enqueue_indirect_dma source(%dma_start3A_393 : memref<10240x32xf32, #tpu.memory_space<hbm>>) target(%dma_start3A_387 : memref<128x32xf32, #tpu.memory_space<vmem>>) offsets(%dma_start3A_390 : memref<128xi32, #tpu.memory_space<vmem>>) semaphore(%arg13 : memref<!tpu.dma_semaphore, #tpu.memory_space<semaphore_mem>>)
      %dma_start3A_394 = arith.constant 15 : i32
      %dma_start3A_395 = arith.constant 0 : i32
      %dma_start3A_396 = tpu.memref_slice %arg12[%dma_start3A_394, %dma_start3A_395] : memref<16x128xf32, #tpu.memory_space<vmem>> -> memref<1x128xf32, #tpu.memory_space<vmem>>
      %dma_start3A_397 = tpu.memref_squeeze %dma_start3A_396 : memref<1x128xf32, #tpu.memory_space<vmem>> -> memref<128xf32, #tpu.memory_space<vmem>>
      %dma_start3A_398 = arith.constant 0 : i32
      %dma_start3A_399 = tpu.memref_slice %arg10[%add3A_382, %dma_start3A_398] : memref<80x128xi32, #tpu.memory_space<vmem>> -> memref<1x128xi32, #tpu.memory_space<vmem>>
      %dma_start3A_400 = tpu.memref_squeeze %dma_start3A_399 : memref<1x128xi32, #tpu.memory_space<vmem>> -> memref<128xi32, #tpu.memory_space<vmem>>
      %dma_start3A_401 = arith.constant 0 : i32
      %dma_start3A_402 = tpu.memref_slice %arg4[%dma_start3A_401] : memref<10240xf32, #tpu.memory_space<hbm>> -> memref<10240xf32, #tpu.memory_space<hbm>>
      tpu.enqueue_indirect_dma source(%dma_start3A_402 : memref<10240xf32, #tpu.memory_space<hbm>>) target(%dma_start3A_397 : memref<128xf32, #tpu.memory_space<vmem>>) offsets(%dma_start3A_400 : memref<128xi32, #tpu.memory_space<vmem>>) semaphore(%arg14 : memref<!tpu.dma_semaphore, #tpu.memory_space<semaphore_mem>>)
      %mul3A_403 = arith.constant 16 : i32
      %mul3A_404 = arith.muli %scan3A_19, %mul3A_403 : i32
      %add3A_405 = arith.constant 0 : i32
      %add3A_406 = arith.addi %mul3A_404, %add3A_405 : i32
      %dma_wait3A = arith.constant 0 : i32
      %dma_wait3A_407 = arith.constant 0 : i32
      %dma_wait3A_408 = arith.constant 0 : i32
      %dma_wait3A_409 = tpu.memref_slice %arg11[%dma_wait3A, %dma_wait3A_407, %dma_wait3A_408] : memref<16x128x32xf32, #tpu.memory_space<vmem>> -> memref<1x128x32xf32, #tpu.memory_space<vmem>>
      %dma_wait3A_410 = tpu.memref_squeeze %dma_wait3A_409 : memref<1x128x32xf32, #tpu.memory_space<vmem>> -> memref<128x32xf32, #tpu.memory_space<vmem>>
      %dma_wait3A_411 = arith.constant 0 : i32
      %dma_wait3A_412 = tpu.memref_slice %arg9[%add3A_23, %dma_wait3A_411] : memref<80x128xi32, #tpu.memory_space<vmem>> -> memref<1x128xi32, #tpu.memory_space<vmem>>
      %dma_wait3A_413 = tpu.memref_squeeze %dma_wait3A_412 : memref<1x128xi32, #tpu.memory_space<vmem>> -> memref<128xi32, #tpu.memory_space<vmem>>
      %dma_wait3A_414 = arith.constant 0 : i32
      %dma_wait3A_415 = arith.constant 0 : i32
      %dma_wait3A_416 = tpu.memref_slice %arg3[%dma_wait3A_414, %dma_wait3A_415] : memref<10240x32xf32, #tpu.memory_space<hbm>> -> memref<10240x32xf32, #tpu.memory_space<hbm>>
      tpu.wait_indirect_dma semaphore(%arg13 : memref<!tpu.dma_semaphore, #tpu.memory_space<semaphore_mem>>) src(%dma_wait3A_416 : memref<10240x32xf32, #tpu.memory_space<hbm>>) dst(%dma_wait3A_410 : memref<128x32xf32, #tpu.memory_space<vmem>>)
      %dma_start3A_417 = arith.constant 0 : i32
      %dma_start3A_418 = arith.constant 0 : i32
      %dma_start3A_419 = arith.constant 0 : i32
      %dma_start3A_420 = tpu.memref_slice %arg11[%dma_start3A_417, %dma_start3A_418, %dma_start3A_419] : memref<16x128x32xf32, #tpu.memory_space<vmem>> -> memref<1x128x32xf32, #tpu.memory_space<vmem>>
      %dma_start3A_421 = tpu.memref_squeeze %dma_start3A_420 : memref<1x128x32xf32, #tpu.memory_space<vmem>> -> memref<128x32xf32, #tpu.memory_space<vmem>>
      %dma_start3A_422 = arith.constant 0 : i32
      %dma_start3A_423 = tpu.memref_slice %arg10[%add3A_406, %dma_start3A_422] : memref<80x128xi32, #tpu.memory_space<vmem>> -> memref<1x128xi32, #tpu.memory_space<vmem>>
      %dma_start3A_424 = tpu.memref_squeeze %dma_start3A_423 : memref<1x128xi32, #tpu.memory_space<vmem>> -> memref<128xi32, #tpu.memory_space<vmem>>
      %dma_start3A_425 = arith.constant 0 : i32
      %dma_start3A_426 = arith.constant 0 : i32
      %dma_start3A_427 = tpu.memref_slice %arg17[%dma_start3A_425, %dma_start3A_426] : memref<10240x32xf32, #tpu.memory_space<vmem_shared>> -> memref<10240x32xf32, #tpu.memory_space<vmem_shared>>
      tpu.enqueue_indirect_dma source(%dma_start3A_421 : memref<128x32xf32, #tpu.memory_space<vmem>>) target(%dma_start3A_427 : memref<10240x32xf32, #tpu.memory_space<vmem_shared>>) offsets(%dma_start3A_424 : memref<128xi32, #tpu.memory_space<vmem>>) semaphore(%arg15 : memref<!tpu.dma_semaphore, #tpu.memory_space<semaphore_mem>>) {add = true}
      %dma_wait3A_428 = arith.constant 0 : i32
      %dma_wait3A_429 = arith.constant 0 : i32
      %dma_wait3A_430 = tpu.memref_slice %arg12[%dma_wait3A_428, %dma_wait3A_429] : memref<16x128xf32, #tpu.memory_space<vmem>> -> memref<1x128xf32, #tpu.memory_space<vmem>>
      %dma_wait3A_431 = tpu.memref_squeeze %dma_wait3A_430 : memref<1x128xf32, #tpu.memory_space<vmem>> -> memref<128xf32, #tpu.memory_space<vmem>>
      %dma_wait3A_432 = arith.constant 0 : i32
      %dma_wait3A_433 = tpu.memref_slice %arg10[%add3A_23, %dma_wait3A_432] : memref<80x128xi32, #tpu.memory_space<vmem>> -> memref<1x128xi32, #tpu.memory_space<vmem>>
      %dma_wait3A_434 = tpu.memref_squeeze %dma_wait3A_433 : memref<1x128xi32, #tpu.memory_space<vmem>> -> memref<128xi32, #tpu.memory_space<vmem>>
      %dma_wait3A_435 = arith.constant 0 : i32
      %dma_wait3A_436 = tpu.memref_slice %arg4[%dma_wait3A_435] : memref<10240xf32, #tpu.memory_space<hbm>> -> memref<10240xf32, #tpu.memory_space<hbm>>
      tpu.wait_indirect_dma semaphore(%arg14 : memref<!tpu.dma_semaphore, #tpu.memory_space<semaphore_mem>>) src(%dma_wait3A_436 : memref<10240xf32, #tpu.memory_space<hbm>>) dst(%dma_wait3A_431 : memref<128xf32, #tpu.memory_space<vmem>>)
      %dma_start3A_437 = arith.constant 0 : i32
      %dma_start3A_438 = arith.constant 0 : i32
      %dma_start3A_439 = tpu.memref_slice %arg12[%dma_start3A_437, %dma_start3A_438] : memref<16x128xf32, #tpu.memory_space<vmem>> -> memref<1x128xf32, #tpu.memory_space<vmem>>
      %dma_start3A_440 = tpu.memref_squeeze %dma_start3A_439 : memref<1x128xf32, #tpu.memory_space<vmem>> -> memref<128xf32, #tpu.memory_space<vmem>>
      %dma_start3A_441 = arith.constant 0 : i32
      %dma_start3A_442 = tpu.memref_slice %arg9[%add3A_406, %dma_start3A_441] : memref<80x128xi32, #tpu.memory_space<vmem>> -> memref<1x128xi32, #tpu.memory_space<vmem>>
      %dma_start3A_443 = tpu.memref_squeeze %dma_start3A_442 : memref<1x128xi32, #tpu.memory_space<vmem>> -> memref<128xi32, #tpu.memory_space<vmem>>
      %dma_start3A_444 = arith.constant 0 : i32
      %dma_start3A_445 = tpu.memref_slice %arg18[%dma_start3A_444] : memref<10240xf32, #tpu.memory_space<vmem_shared>> -> memref<10240xf32, #tpu.memory_space<vmem_shared>>
      tpu.enqueue_indirect_dma source(%dma_start3A_440 : memref<128xf32, #tpu.memory_space<vmem>>) target(%dma_start3A_445 : memref<10240xf32, #tpu.memory_space<vmem_shared>>) offsets(%dma_start3A_443 : memref<128xi32, #tpu.memory_space<vmem>>) semaphore(%arg16 : memref<!tpu.dma_semaphore, #tpu.memory_space<semaphore_mem>>) {add = true}
      %mul3A_446 = arith.constant 16 : i32
      %mul3A_447 = arith.muli %scan3A_19, %mul3A_446 : i32
      %add3A_448 = arith.constant 1 : i32
      %add3A_449 = arith.addi %mul3A_447, %add3A_448 : i32
      %dma_wait3A_450 = arith.constant 1 : i32
      %dma_wait3A_451 = arith.constant 0 : i32
      %dma_wait3A_452 = arith.constant 0 : i32
      %dma_wait3A_453 = tpu.memref_slice %arg11[%dma_wait3A_450, %dma_wait3A_451, %dma_wait3A_452] : memref<16x128x32xf32, #tpu.memory_space<vmem>> -> memref<1x128x32xf32, #tpu.memory_space<vmem>>
      %dma_wait3A_454 = tpu.memref_squeeze %dma_wait3A_453 : memref<1x128x32xf32, #tpu.memory_space<vmem>> -> memref<128x32xf32, #tpu.memory_space<vmem>>
      %dma_wait3A_455 = arith.constant 0 : i32
      %dma_wait3A_456 = tpu.memref_slice %arg9[%add3A_46, %dma_wait3A_455] : memref<80x128xi32, #tpu.memory_space<vmem>> -> memref<1x128xi32, #tpu.memory_space<vmem>>
      %dma_wait3A_457 = tpu.memref_squeeze %dma_wait3A_456 : memref<1x128xi32, #tpu.memory_space<vmem>> -> memref<128xi32, #tpu.memory_space<vmem>>
      %dma_wait3A_458 = arith.constant 0 : i32
      %dma_wait3A_459 = arith.constant 0 : i32
      %dma_wait3A_460 = tpu.memref_slice %arg3[%dma_wait3A_458, %dma_wait3A_459] : memref<10240x32xf32, #tpu.memory_space<hbm>> -> memref<10240x32xf32, #tpu.memory_space<hbm>>
      tpu.wait_indirect_dma semaphore(%arg13 : memref<!tpu.dma_semaphore, #tpu.memory_space<semaphore_mem>>) src(%dma_wait3A_460 : memref<10240x32xf32, #tpu.memory_space<hbm>>) dst(%dma_wait3A_454 : memref<128x32xf32, #tpu.memory_space<vmem>>)
      %dma_start3A_461 = arith.constant 1 : i32
      %dma_start3A_462 = arith.constant 0 : i32
      %dma_start3A_463 = arith.constant 0 : i32
      %dma_start3A_464 = tpu.memref_slice %arg11[%dma_start3A_461, %dma_start3A_462, %dma_start3A_463] : memref<16x128x32xf32, #tpu.memory_space<vmem>> -> memref<1x128x32xf32, #tpu.memory_space<vmem>>
      %dma_start3A_465 = tpu.memref_squeeze %dma_start3A_464 : memref<1x128x32xf32, #tpu.memory_space<vmem>> -> memref<128x32xf32, #tpu.memory_space<vmem>>
      %dma_start3A_466 = arith.constant 0 : i32
      %dma_start3A_467 = tpu.memref_slice %arg10[%add3A_449, %dma_start3A_466] : memref<80x128xi32, #tpu.memory_space<vmem>> -> memref<1x128xi32, #tpu.memory_space<vmem>>
      %dma_start3A_468 = tpu.memref_squeeze %dma_start3A_467 : memref<1x128xi32, #tpu.memory_space<vmem>> -> memref<128xi32, #tpu.memory_space<vmem>>
      %dma_start3A_469 = arith.constant 0 : i32
      %dma_start3A_470 = arith.constant 0 : i32
      %dma_start3A_471 = tpu.memref_slice %arg17[%dma_start3A_469, %dma_start3A_470] : memref<10240x32xf32, #tpu.memory_space<vmem_shared>> -> memref<10240x32xf32, #tpu.memory_space<vmem_shared>>
      tpu.enqueue_indirect_dma source(%dma_start3A_465 : memref<128x32xf32, #tpu.memory_space<vmem>>) target(%dma_start3A_471 : memref<10240x32xf32, #tpu.memory_space<vmem_shared>>) offsets(%dma_start3A_468 : memref<128xi32, #tpu.memory_space<vmem>>) semaphore(%arg15 : memref<!tpu.dma_semaphore, #tpu.memory_space<semaphore_mem>>) {add = true}
      %dma_wait3A_472 = arith.constant 1 : i32
      %dma_wait3A_473 = arith.constant 0 : i32
      %dma_wait3A_474 = tpu.memref_slice %arg12[%dma_wait3A_472, %dma_wait3A_473] : memref<16x128xf32, #tpu.memory_space<vmem>> -> memref<1x128xf32, #tpu.memory_space<vmem>>
      %dma_wait3A_475 = tpu.memref_squeeze %dma_wait3A_474 : memref<1x128xf32, #tpu.memory_space<vmem>> -> memref<128xf32, #tpu.memory_space<vmem>>
      %dma_wait3A_476 = arith.constant 0 : i32
      %dma_wait3A_477 = tpu.memref_slice %arg10[%add3A_46, %dma_wait3A_476] : memref<80x128xi32, #tpu.memory_space<vmem>> -> memref<1x128xi32, #tpu.memory_space<vmem>>
      %dma_wait3A_478 = tpu.memref_squeeze %dma_wait3A_477 : memref<1x128xi32, #tpu.memory_space<vmem>> -> memref<128xi32, #tpu.memory_space<vmem>>
      %dma_wait3A_479 = arith.constant 0 : i32
      %dma_wait3A_480 = tpu.memref_slice %arg4[%dma_wait3A_479] : memref<10240xf32, #tpu.memory_space<hbm>> -> memref<10240xf32, #tpu.memory_space<hbm>>
      tpu.wait_indirect_dma semaphore(%arg14 : memref<!tpu.dma_semaphore, #tpu.memory_space<semaphore_mem>>) src(%dma_wait3A_480 : memref<10240xf32, #tpu.memory_space<hbm>>) dst(%dma_wait3A_475 : memref<128xf32, #tpu.memory_space<vmem>>)
      %dma_start3A_481 = arith.constant 1 : i32
      %dma_start3A_482 = arith.constant 0 : i32
      %dma_start3A_483 = tpu.memref_slice %arg12[%dma_start3A_481, %dma_start3A_482] : memref<16x128xf32, #tpu.memory_space<vmem>> -> memref<1x128xf32, #tpu.memory_space<vmem>>
      %dma_start3A_484 = tpu.memref_squeeze %dma_start3A_483 : memref<1x128xf32, #tpu.memory_space<vmem>> -> memref<128xf32, #tpu.memory_space<vmem>>
      %dma_start3A_485 = arith.constant 0 : i32
      %dma_start3A_486 = tpu.memref_slice %arg9[%add3A_449, %dma_start3A_485] : memref<80x128xi32, #tpu.memory_space<vmem>> -> memref<1x128xi32, #tpu.memory_space<vmem>>
      %dma_start3A_487 = tpu.memref_squeeze %dma_start3A_486 : memref<1x128xi32, #tpu.memory_space<vmem>> -> memref<128xi32, #tpu.memory_space<vmem>>
      %dma_start3A_488 = arith.constant 0 : i32
      %dma_start3A_489 = tpu.memref_slice %arg18[%dma_start3A_488] : memref<10240xf32, #tpu.memory_space<vmem_shared>> -> memref<10240xf32, #tpu.memory_space<vmem_shared>>
      tpu.enqueue_indirect_dma source(%dma_start3A_484 : memref<128xf32, #tpu.memory_space<vmem>>) target(%dma_start3A_489 : memref<10240xf32, #tpu.memory_space<vmem_shared>>) offsets(%dma_start3A_487 : memref<128xi32, #tpu.memory_space<vmem>>) semaphore(%arg16 : memref<!tpu.dma_semaphore, #tpu.memory_space<semaphore_mem>>) {add = true}
      %mul3A_490 = arith.constant 16 : i32
      %mul3A_491 = arith.muli %scan3A_19, %mul3A_490 : i32
      %add3A_492 = arith.constant 2 : i32
      %add3A_493 = arith.addi %mul3A_491, %add3A_492 : i32
      %dma_wait3A_494 = arith.constant 2 : i32
      %dma_wait3A_495 = arith.constant 0 : i32
      %dma_wait3A_496 = arith.constant 0 : i32
      %dma_wait3A_497 = tpu.memref_slice %arg11[%dma_wait3A_494, %dma_wait3A_495, %dma_wait3A_496] : memref<16x128x32xf32, #tpu.memory_space<vmem>> -> memref<1x128x32xf32, #tpu.memory_space<vmem>>
      %dma_wait3A_498 = tpu.memref_squeeze %dma_wait3A_497 : memref<1x128x32xf32, #tpu.memory_space<vmem>> -> memref<128x32xf32, #tpu.memory_space<vmem>>
      %dma_wait3A_499 = arith.constant 0 : i32
      %dma_wait3A_500 = tpu.memref_slice %arg9[%add3A_70, %dma_wait3A_499] : memref<80x128xi32, #tpu.memory_space<vmem>> -> memref<1x128xi32, #tpu.memory_space<vmem>>
      %dma_wait3A_501 = tpu.memref_squeeze %dma_wait3A_500 : memref<1x128xi32, #tpu.memory_space<vmem>> -> memref<128xi32, #tpu.memory_space<vmem>>
      %dma_wait3A_502 = arith.constant 0 : i32
      %dma_wait3A_503 = arith.constant 0 : i32
      %dma_wait3A_504 = tpu.memref_slice %arg3[%dma_wait3A_502, %dma_wait3A_503] : memref<10240x32xf32, #tpu.memory_space<hbm>> -> memref<10240x32xf32, #tpu.memory_space<hbm>>
      tpu.wait_indirect_dma semaphore(%arg13 : memref<!tpu.dma_semaphore, #tpu.memory_space<semaphore_mem>>) src(%dma_wait3A_504 : memref<10240x32xf32, #tpu.memory_space<hbm>>) dst(%dma_wait3A_498 : memref<128x32xf32, #tpu.memory_space<vmem>>)
      %dma_start3A_505 = arith.constant 2 : i32
      %dma_start3A_506 = arith.constant 0 : i32
      %dma_start3A_507 = arith.constant 0 : i32
      %dma_start3A_508 = tpu.memref_slice %arg11[%dma_start3A_505, %dma_start3A_506, %dma_start3A_507] : memref<16x128x32xf32, #tpu.memory_space<vmem>> -> memref<1x128x32xf32, #tpu.memory_space<vmem>>
      %dma_start3A_509 = tpu.memref_squeeze %dma_start3A_508 : memref<1x128x32xf32, #tpu.memory_space<vmem>> -> memref<128x32xf32, #tpu.memory_space<vmem>>
      %dma_start3A_510 = arith.constant 0 : i32
      %dma_start3A_511 = tpu.memref_slice %arg10[%add3A_493, %dma_start3A_510] : memref<80x128xi32, #tpu.memory_space<vmem>> -> memref<1x128xi32, #tpu.memory_space<vmem>>
      %dma_start3A_512 = tpu.memref_squeeze %dma_start3A_511 : memref<1x128xi32, #tpu.memory_space<vmem>> -> memref<128xi32, #tpu.memory_space<vmem>>
      %dma_start3A_513 = arith.constant 0 : i32
      %dma_start3A_514 = arith.constant 0 : i32
      %dma_start3A_515 = tpu.memref_slice %arg17[%dma_start3A_513, %dma_start3A_514] : memref<10240x32xf32, #tpu.memory_space<vmem_shared>> -> memref<10240x32xf32, #tpu.memory_space<vmem_shared>>
      tpu.enqueue_indirect_dma source(%dma_start3A_509 : memref<128x32xf32, #tpu.memory_space<vmem>>) target(%dma_start3A_515 : memref<10240x32xf32, #tpu.memory_space<vmem_shared>>) offsets(%dma_start3A_512 : memref<128xi32, #tpu.memory_space<vmem>>) semaphore(%arg15 : memref<!tpu.dma_semaphore, #tpu.memory_space<semaphore_mem>>) {add = true}
      %dma_wait3A_516 = arith.constant 2 : i32
      %dma_wait3A_517 = arith.constant 0 : i32
      %dma_wait3A_518 = tpu.memref_slice %arg12[%dma_wait3A_516, %dma_wait3A_517] : memref<16x128xf32, #tpu.memory_space<vmem>> -> memref<1x128xf32, #tpu.memory_space<vmem>>
      %dma_wait3A_519 = tpu.memref_squeeze %dma_wait3A_518 : memref<1x128xf32, #tpu.memory_space<vmem>> -> memref<128xf32, #tpu.memory_space<vmem>>
      %dma_wait3A_520 = arith.constant 0 : i32
      %dma_wait3A_521 = tpu.memref_slice %arg10[%add3A_70, %dma_wait3A_520] : memref<80x128xi32, #tpu.memory_space<vmem>> -> memref<1x128xi32, #tpu.memory_space<vmem>>
      %dma_wait3A_522 = tpu.memref_squeeze %dma_wait3A_521 : memref<1x128xi32, #tpu.memory_space<vmem>> -> memref<128xi32, #tpu.memory_space<vmem>>
      %dma_wait3A_523 = arith.constant 0 : i32
      %dma_wait3A_524 = tpu.memref_slice %arg4[%dma_wait3A_523] : memref<10240xf32, #tpu.memory_space<hbm>> -> memref<10240xf32, #tpu.memory_space<hbm>>
      tpu.wait_indirect_dma semaphore(%arg14 : memref<!tpu.dma_semaphore, #tpu.memory_space<semaphore_mem>>) src(%dma_wait3A_524 : memref<10240xf32, #tpu.memory_space<hbm>>) dst(%dma_wait3A_519 : memref<128xf32, #tpu.memory_space<vmem>>)
      %dma_start3A_525 = arith.constant 2 : i32
      %dma_start3A_526 = arith.constant 0 : i32
      %dma_start3A_527 = tpu.memref_slice %arg12[%dma_start3A_525, %dma_start3A_526] : memref<16x128xf32, #tpu.memory_space<vmem>> -> memref<1x128xf32, #tpu.memory_space<vmem>>
      %dma_start3A_528 = tpu.memref_squeeze %dma_start3A_527 : memref<1x128xf32, #tpu.memory_space<vmem>> -> memref<128xf32, #tpu.memory_space<vmem>>
      %dma_start3A_529 = arith.constant 0 : i32
      %dma_start3A_530 = tpu.memref_slice %arg9[%add3A_493, %dma_start3A_529] : memref<80x128xi32, #tpu.memory_space<vmem>> -> memref<1x128xi32, #tpu.memory_space<vmem>>
      %dma_start3A_531 = tpu.memref_squeeze %dma_start3A_530 : memref<1x128xi32, #tpu.memory_space<vmem>> -> memref<128xi32, #tpu.memory_space<vmem>>
      %dma_start3A_532 = arith.constant 0 : i32
      %dma_start3A_533 = tpu.memref_slice %arg18[%dma_start3A_532] : memref<10240xf32, #tpu.memory_space<vmem_shared>> -> memref<10240xf32, #tpu.memory_space<vmem_shared>>
      tpu.enqueue_indirect_dma source(%dma_start3A_528 : memref<128xf32, #tpu.memory_space<vmem>>) target(%dma_start3A_533 : memref<10240xf32, #tpu.memory_space<vmem_shared>>) offsets(%dma_start3A_531 : memref<128xi32, #tpu.memory_space<vmem>>) semaphore(%arg16 : memref<!tpu.dma_semaphore, #tpu.memory_space<semaphore_mem>>) {add = true}
      %mul3A_534 = arith.constant 16 : i32
      %mul3A_535 = arith.muli %scan3A_19, %mul3A_534 : i32
      %add3A_536 = arith.constant 3 : i32
      %add3A_537 = arith.addi %mul3A_535, %add3A_536 : i32
      %dma_wait3A_538 = arith.constant 3 : i32
      %dma_wait3A_539 = arith.constant 0 : i32
      %dma_wait3A_540 = arith.constant 0 : i32
      %dma_wait3A_541 = tpu.memref_slice %arg11[%dma_wait3A_538, %dma_wait3A_539, %dma_wait3A_540] : memref<16x128x32xf32, #tpu.memory_space<vmem>> -> memref<1x128x32xf32, #tpu.memory_space<vmem>>
      %dma_wait3A_542 = tpu.memref_squeeze %dma_wait3A_541 : memref<1x128x32xf32, #tpu.memory_space<vmem>> -> memref<128x32xf32, #tpu.memory_space<vmem>>
      %dma_wait3A_543 = arith.constant 0 : i32
      %dma_wait3A_544 = tpu.memref_slice %arg9[%add3A_94, %dma_wait3A_543] : memref<80x128xi32, #tpu.memory_space<vmem>> -> memref<1x128xi32, #tpu.memory_space<vmem>>
      %dma_wait3A_545 = tpu.memref_squeeze %dma_wait3A_544 : memref<1x128xi32, #tpu.memory_space<vmem>> -> memref<128xi32, #tpu.memory_space<vmem>>
      %dma_wait3A_546 = arith.constant 0 : i32
      %dma_wait3A_547 = arith.constant 0 : i32
      %dma_wait3A_548 = tpu.memref_slice %arg3[%dma_wait3A_546, %dma_wait3A_547] : memref<10240x32xf32, #tpu.memory_space<hbm>> -> memref<10240x32xf32, #tpu.memory_space<hbm>>
      tpu.wait_indirect_dma semaphore(%arg13 : memref<!tpu.dma_semaphore, #tpu.memory_space<semaphore_mem>>) src(%dma_wait3A_548 : memref<10240x32xf32, #tpu.memory_space<hbm>>) dst(%dma_wait3A_542 : memref<128x32xf32, #tpu.memory_space<vmem>>)
      %dma_start3A_549 = arith.constant 3 : i32
      %dma_start3A_550 = arith.constant 0 : i32
      %dma_start3A_551 = arith.constant 0 : i32
      %dma_start3A_552 = tpu.memref_slice %arg11[%dma_start3A_549, %dma_start3A_550, %dma_start3A_551] : memref<16x128x32xf32, #tpu.memory_space<vmem>> -> memref<1x128x32xf32, #tpu.memory_space<vmem>>
      %dma_start3A_553 = tpu.memref_squeeze %dma_start3A_552 : memref<1x128x32xf32, #tpu.memory_space<vmem>> -> memref<128x32xf32, #tpu.memory_space<vmem>>
      %dma_start3A_554 = arith.constant 0 : i32
      %dma_start3A_555 = tpu.memref_slice %arg10[%add3A_537, %dma_start3A_554] : memref<80x128xi32, #tpu.memory_space<vmem>> -> memref<1x128xi32, #tpu.memory_space<vmem>>
      %dma_start3A_556 = tpu.memref_squeeze %dma_start3A_555 : memref<1x128xi32, #tpu.memory_space<vmem>> -> memref<128xi32, #tpu.memory_space<vmem>>
      %dma_start3A_557 = arith.constant 0 : i32
      %dma_start3A_558 = arith.constant 0 : i32
      %dma_start3A_559 = tpu.memref_slice %arg17[%dma_start3A_557, %dma_start3A_558] : memref<10240x32xf32, #tpu.memory_space<vmem_shared>> -> memref<10240x32xf32, #tpu.memory_space<vmem_shared>>
      tpu.enqueue_indirect_dma source(%dma_start3A_553 : memref<128x32xf32, #tpu.memory_space<vmem>>) target(%dma_start3A_559 : memref<10240x32xf32, #tpu.memory_space<vmem_shared>>) offsets(%dma_start3A_556 : memref<128xi32, #tpu.memory_space<vmem>>) semaphore(%arg15 : memref<!tpu.dma_semaphore, #tpu.memory_space<semaphore_mem>>) {add = true}
      %dma_wait3A_560 = arith.constant 3 : i32
      %dma_wait3A_561 = arith.constant 0 : i32
      %dma_wait3A_562 = tpu.memref_slice %arg12[%dma_wait3A_560, %dma_wait3A_561] : memref<16x128xf32, #tpu.memory_space<vmem>> -> memref<1x128xf32, #tpu.memory_space<vmem>>
      %dma_wait3A_563 = tpu.memref_squeeze %dma_wait3A_562 : memref<1x128xf32, #tpu.memory_space<vmem>> -> memref<128xf32, #tpu.memory_space<vmem>>
      %dma_wait3A_564 = arith.constant 0 : i32
      %dma_wait3A_565 = tpu.memref_slice %arg10[%add3A_94, %dma_wait3A_564] : memref<80x128xi32, #tpu.memory_space<vmem>> -> memref<1x128xi32, #tpu.memory_space<vmem>>
      %dma_wait3A_566 = tpu.memref_squeeze %dma_wait3A_565 : memref<1x128xi32, #tpu.memory_space<vmem>> -> memref<128xi32, #tpu.memory_space<vmem>>
      %dma_wait3A_567 = arith.constant 0 : i32
      %dma_wait3A_568 = tpu.memref_slice %arg4[%dma_wait3A_567] : memref<10240xf32, #tpu.memory_space<hbm>> -> memref<10240xf32, #tpu.memory_space<hbm>>
      tpu.wait_indirect_dma semaphore(%arg14 : memref<!tpu.dma_semaphore, #tpu.memory_space<semaphore_mem>>) src(%dma_wait3A_568 : memref<10240xf32, #tpu.memory_space<hbm>>) dst(%dma_wait3A_563 : memref<128xf32, #tpu.memory_space<vmem>>)
      %dma_start3A_569 = arith.constant 3 : i32
      %dma_start3A_570 = arith.constant 0 : i32
      %dma_start3A_571 = tpu.memref_slice %arg12[%dma_start3A_569, %dma_start3A_570] : memref<16x128xf32, #tpu.memory_space<vmem>> -> memref<1x128xf32, #tpu.memory_space<vmem>>
      %dma_start3A_572 = tpu.memref_squeeze %dma_start3A_571 : memref<1x128xf32, #tpu.memory_space<vmem>> -> memref<128xf32, #tpu.memory_space<vmem>>
      %dma_start3A_573 = arith.constant 0 : i32
      %dma_start3A_574 = tpu.memref_slice %arg9[%add3A_537, %dma_start3A_573] : memref<80x128xi32, #tpu.memory_space<vmem>> -> memref<1x128xi32, #tpu.memory_space<vmem>>
      %dma_start3A_575 = tpu.memref_squeeze %dma_start3A_574 : memref<1x128xi32, #tpu.memory_space<vmem>> -> memref<128xi32, #tpu.memory_space<vmem>>
      %dma_start3A_576 = arith.constant 0 : i32
      %dma_start3A_577 = tpu.memref_slice %arg18[%dma_start3A_576] : memref<10240xf32, #tpu.memory_space<vmem_shared>> -> memref<10240xf32, #tpu.memory_space<vmem_shared>>
      tpu.enqueue_indirect_dma source(%dma_start3A_572 : memref<128xf32, #tpu.memory_space<vmem>>) target(%dma_start3A_577 : memref<10240xf32, #tpu.memory_space<vmem_shared>>) offsets(%dma_start3A_575 : memref<128xi32, #tpu.memory_space<vmem>>) semaphore(%arg16 : memref<!tpu.dma_semaphore, #tpu.memory_space<semaphore_mem>>) {add = true}
      %mul3A_578 = arith.constant 16 : i32
      %mul3A_579 = arith.muli %scan3A_19, %mul3A_578 : i32
      %add3A_580 = arith.constant 4 : i32
      %add3A_581 = arith.addi %mul3A_579, %add3A_580 : i32
      %dma_wait3A_582 = arith.constant 4 : i32
      %dma_wait3A_583 = arith.constant 0 : i32
      %dma_wait3A_584 = arith.constant 0 : i32
      %dma_wait3A_585 = tpu.memref_slice %arg11[%dma_wait3A_582, %dma_wait3A_583, %dma_wait3A_584] : memref<16x128x32xf32, #tpu.memory_space<vmem>> -> memref<1x128x32xf32, #tpu.memory_space<vmem>>
      %dma_wait3A_586 = tpu.memref_squeeze %dma_wait3A_585 : memref<1x128x32xf32, #tpu.memory_space<vmem>> -> memref<128x32xf32, #tpu.memory_space<vmem>>
      %dma_wait3A_587 = arith.constant 0 : i32
      %dma_wait3A_588 = tpu.memref_slice %arg9[%add3A_118, %dma_wait3A_587] : memref<80x128xi32, #tpu.memory_space<vmem>> -> memref<1x128xi32, #tpu.memory_space<vmem>>
      %dma_wait3A_589 = tpu.memref_squeeze %dma_wait3A_588 : memref<1x128xi32, #tpu.memory_space<vmem>> -> memref<128xi32, #tpu.memory_space<vmem>>
      %dma_wait3A_590 = arith.constant 0 : i32
      %dma_wait3A_591 = arith.constant 0 : i32
      %dma_wait3A_592 = tpu.memref_slice %arg3[%dma_wait3A_590, %dma_wait3A_591] : memref<10240x32xf32, #tpu.memory_space<hbm>> -> memref<10240x32xf32, #tpu.memory_space<hbm>>
      tpu.wait_indirect_dma semaphore(%arg13 : memref<!tpu.dma_semaphore, #tpu.memory_space<semaphore_mem>>) src(%dma_wait3A_592 : memref<10240x32xf32, #tpu.memory_space<hbm>>) dst(%dma_wait3A_586 : memref<128x32xf32, #tpu.memory_space<vmem>>)
      %dma_start3A_593 = arith.constant 4 : i32
      %dma_start3A_594 = arith.constant 0 : i32
      %dma_start3A_595 = arith.constant 0 : i32
      %dma_start3A_596 = tpu.memref_slice %arg11[%dma_start3A_593, %dma_start3A_594, %dma_start3A_595] : memref<16x128x32xf32, #tpu.memory_space<vmem>> -> memref<1x128x32xf32, #tpu.memory_space<vmem>>
      %dma_start3A_597 = tpu.memref_squeeze %dma_start3A_596 : memref<1x128x32xf32, #tpu.memory_space<vmem>> -> memref<128x32xf32, #tpu.memory_space<vmem>>
      %dma_start3A_598 = arith.constant 0 : i32
      %dma_start3A_599 = tpu.memref_slice %arg10[%add3A_581, %dma_start3A_598] : memref<80x128xi32, #tpu.memory_space<vmem>> -> memref<1x128xi32, #tpu.memory_space<vmem>>
      %dma_start3A_600 = tpu.memref_squeeze %dma_start3A_599 : memref<1x128xi32, #tpu.memory_space<vmem>> -> memref<128xi32, #tpu.memory_space<vmem>>
      %dma_start3A_601 = arith.constant 0 : i32
      %dma_start3A_602 = arith.constant 0 : i32
      %dma_start3A_603 = tpu.memref_slice %arg17[%dma_start3A_601, %dma_start3A_602] : memref<10240x32xf32, #tpu.memory_space<vmem_shared>> -> memref<10240x32xf32, #tpu.memory_space<vmem_shared>>
      tpu.enqueue_indirect_dma source(%dma_start3A_597 : memref<128x32xf32, #tpu.memory_space<vmem>>) target(%dma_start3A_603 : memref<10240x32xf32, #tpu.memory_space<vmem_shared>>) offsets(%dma_start3A_600 : memref<128xi32, #tpu.memory_space<vmem>>) semaphore(%arg15 : memref<!tpu.dma_semaphore, #tpu.memory_space<semaphore_mem>>) {add = true}
      %dma_wait3A_604 = arith.constant 4 : i32
      %dma_wait3A_605 = arith.constant 0 : i32
      %dma_wait3A_606 = tpu.memref_slice %arg12[%dma_wait3A_604, %dma_wait3A_605] : memref<16x128xf32, #tpu.memory_space<vmem>> -> memref<1x128xf32, #tpu.memory_space<vmem>>
      %dma_wait3A_607 = tpu.memref_squeeze %dma_wait3A_606 : memref<1x128xf32, #tpu.memory_space<vmem>> -> memref<128xf32, #tpu.memory_space<vmem>>
      %dma_wait3A_608 = arith.constant 0 : i32
      %dma_wait3A_609 = tpu.memref_slice %arg10[%add3A_118, %dma_wait3A_608] : memref<80x128xi32, #tpu.memory_space<vmem>> -> memref<1x128xi32, #tpu.memory_space<vmem>>
      %dma_wait3A_610 = tpu.memref_squeeze %dma_wait3A_609 : memref<1x128xi32, #tpu.memory_space<vmem>> -> memref<128xi32, #tpu.memory_space<vmem>>
      %dma_wait3A_611 = arith.constant 0 : i32
      %dma_wait3A_612 = tpu.memref_slice %arg4[%dma_wait3A_611] : memref<10240xf32, #tpu.memory_space<hbm>> -> memref<10240xf32, #tpu.memory_space<hbm>>
      tpu.wait_indirect_dma semaphore(%arg14 : memref<!tpu.dma_semaphore, #tpu.memory_space<semaphore_mem>>) src(%dma_wait3A_612 : memref<10240xf32, #tpu.memory_space<hbm>>) dst(%dma_wait3A_607 : memref<128xf32, #tpu.memory_space<vmem>>)
      %dma_start3A_613 = arith.constant 4 : i32
      %dma_start3A_614 = arith.constant 0 : i32
      %dma_start3A_615 = tpu.memref_slice %arg12[%dma_start3A_613, %dma_start3A_614] : memref<16x128xf32, #tpu.memory_space<vmem>> -> memref<1x128xf32, #tpu.memory_space<vmem>>
      %dma_start3A_616 = tpu.memref_squeeze %dma_start3A_615 : memref<1x128xf32, #tpu.memory_space<vmem>> -> memref<128xf32, #tpu.memory_space<vmem>>
      %dma_start3A_617 = arith.constant 0 : i32
      %dma_start3A_618 = tpu.memref_slice %arg9[%add3A_581, %dma_start3A_617] : memref<80x128xi32, #tpu.memory_space<vmem>> -> memref<1x128xi32, #tpu.memory_space<vmem>>
      %dma_start3A_619 = tpu.memref_squeeze %dma_start3A_618 : memref<1x128xi32, #tpu.memory_space<vmem>> -> memref<128xi32, #tpu.memory_space<vmem>>
      %dma_start3A_620 = arith.constant 0 : i32
      %dma_start3A_621 = tpu.memref_slice %arg18[%dma_start3A_620] : memref<10240xf32, #tpu.memory_space<vmem_shared>> -> memref<10240xf32, #tpu.memory_space<vmem_shared>>
      tpu.enqueue_indirect_dma source(%dma_start3A_616 : memref<128xf32, #tpu.memory_space<vmem>>) target(%dma_start3A_621 : memref<10240xf32, #tpu.memory_space<vmem_shared>>) offsets(%dma_start3A_619 : memref<128xi32, #tpu.memory_space<vmem>>) semaphore(%arg16 : memref<!tpu.dma_semaphore, #tpu.memory_space<semaphore_mem>>) {add = true}
      %mul3A_622 = arith.constant 16 : i32
      %mul3A_623 = arith.muli %scan3A_19, %mul3A_622 : i32
      %add3A_624 = arith.constant 5 : i32
      %add3A_625 = arith.addi %mul3A_623, %add3A_624 : i32
      %dma_wait3A_626 = arith.constant 5 : i32
      %dma_wait3A_627 = arith.constant 0 : i32
      %dma_wait3A_628 = arith.constant 0 : i32
      %dma_wait3A_629 = tpu.memref_slice %arg11[%dma_wait3A_626, %dma_wait3A_627, %dma_wait3A_628] : memref<16x128x32xf32, #tpu.memory_space<vmem>> -> memref<1x128x32xf32, #tpu.memory_space<vmem>>
      %dma_wait3A_630 = tpu.memref_squeeze %dma_wait3A_629 : memref<1x128x32xf32, #tpu.memory_space<vmem>> -> memref<128x32xf32, #tpu.memory_space<vmem>>
      %dma_wait3A_631 = arith.constant 0 : i32
      %dma_wait3A_632 = tpu.memref_slice %arg9[%add3A_142, %dma_wait3A_631] : memref<80x128xi32, #tpu.memory_space<vmem>> -> memref<1x128xi32, #tpu.memory_space<vmem>>
      %dma_wait3A_633 = tpu.memref_squeeze %dma_wait3A_632 : memref<1x128xi32, #tpu.memory_space<vmem>> -> memref<128xi32, #tpu.memory_space<vmem>>
      %dma_wait3A_634 = arith.constant 0 : i32
      %dma_wait3A_635 = arith.constant 0 : i32
      %dma_wait3A_636 = tpu.memref_slice %arg3[%dma_wait3A_634, %dma_wait3A_635] : memref<10240x32xf32, #tpu.memory_space<hbm>> -> memref<10240x32xf32, #tpu.memory_space<hbm>>
      tpu.wait_indirect_dma semaphore(%arg13 : memref<!tpu.dma_semaphore, #tpu.memory_space<semaphore_mem>>) src(%dma_wait3A_636 : memref<10240x32xf32, #tpu.memory_space<hbm>>) dst(%dma_wait3A_630 : memref<128x32xf32, #tpu.memory_space<vmem>>)
      %dma_start3A_637 = arith.constant 5 : i32
      %dma_start3A_638 = arith.constant 0 : i32
      %dma_start3A_639 = arith.constant 0 : i32
      %dma_start3A_640 = tpu.memref_slice %arg11[%dma_start3A_637, %dma_start3A_638, %dma_start3A_639] : memref<16x128x32xf32, #tpu.memory_space<vmem>> -> memref<1x128x32xf32, #tpu.memory_space<vmem>>
      %dma_start3A_641 = tpu.memref_squeeze %dma_start3A_640 : memref<1x128x32xf32, #tpu.memory_space<vmem>> -> memref<128x32xf32, #tpu.memory_space<vmem>>
      %dma_start3A_642 = arith.constant 0 : i32
      %dma_start3A_643 = tpu.memref_slice %arg10[%add3A_625, %dma_start3A_642] : memref<80x128xi32, #tpu.memory_space<vmem>> -> memref<1x128xi32, #tpu.memory_space<vmem>>
      %dma_start3A_644 = tpu.memref_squeeze %dma_start3A_643 : memref<1x128xi32, #tpu.memory_space<vmem>> -> memref<128xi32, #tpu.memory_space<vmem>>
      %dma_start3A_645 = arith.constant 0 : i32
      %dma_start3A_646 = arith.constant 0 : i32
      %dma_start3A_647 = tpu.memref_slice %arg17[%dma_start3A_645, %dma_start3A_646] : memref<10240x32xf32, #tpu.memory_space<vmem_shared>> -> memref<10240x32xf32, #tpu.memory_space<vmem_shared>>
      tpu.enqueue_indirect_dma source(%dma_start3A_641 : memref<128x32xf32, #tpu.memory_space<vmem>>) target(%dma_start3A_647 : memref<10240x32xf32, #tpu.memory_space<vmem_shared>>) offsets(%dma_start3A_644 : memref<128xi32, #tpu.memory_space<vmem>>) semaphore(%arg15 : memref<!tpu.dma_semaphore, #tpu.memory_space<semaphore_mem>>) {add = true}
      %dma_wait3A_648 = arith.constant 5 : i32
      %dma_wait3A_649 = arith.constant 0 : i32
      %dma_wait3A_650 = tpu.memref_slice %arg12[%dma_wait3A_648, %dma_wait3A_649] : memref<16x128xf32, #tpu.memory_space<vmem>> -> memref<1x128xf32, #tpu.memory_space<vmem>>
      %dma_wait3A_651 = tpu.memref_squeeze %dma_wait3A_650 : memref<1x128xf32, #tpu.memory_space<vmem>> -> memref<128xf32, #tpu.memory_space<vmem>>
      %dma_wait3A_652 = arith.constant 0 : i32
      %dma_wait3A_653 = tpu.memref_slice %arg10[%add3A_142, %dma_wait3A_652] : memref<80x128xi32, #tpu.memory_space<vmem>> -> memref<1x128xi32, #tpu.memory_space<vmem>>
      %dma_wait3A_654 = tpu.memref_squeeze %dma_wait3A_653 : memref<1x128xi32, #tpu.memory_space<vmem>> -> memref<128xi32, #tpu.memory_space<vmem>>
      %dma_wait3A_655 = arith.constant 0 : i32
      %dma_wait3A_656 = tpu.memref_slice %arg4[%dma_wait3A_655] : memref<10240xf32, #tpu.memory_space<hbm>> -> memref<10240xf32, #tpu.memory_space<hbm>>
      tpu.wait_indirect_dma semaphore(%arg14 : memref<!tpu.dma_semaphore, #tpu.memory_space<semaphore_mem>>) src(%dma_wait3A_656 : memref<10240xf32, #tpu.memory_space<hbm>>) dst(%dma_wait3A_651 : memref<128xf32, #tpu.memory_space<vmem>>)
      %dma_start3A_657 = arith.constant 5 : i32
      %dma_start3A_658 = arith.constant 0 : i32
      %dma_start3A_659 = tpu.memref_slice %arg12[%dma_start3A_657, %dma_start3A_658] : memref<16x128xf32, #tpu.memory_space<vmem>> -> memref<1x128xf32, #tpu.memory_space<vmem>>
      %dma_start3A_660 = tpu.memref_squeeze %dma_start3A_659 : memref<1x128xf32, #tpu.memory_space<vmem>> -> memref<128xf32, #tpu.memory_space<vmem>>
      %dma_start3A_661 = arith.constant 0 : i32
      %dma_start3A_662 = tpu.memref_slice %arg9[%add3A_625, %dma_start3A_661] : memref<80x128xi32, #tpu.memory_space<vmem>> -> memref<1x128xi32, #tpu.memory_space<vmem>>
      %dma_start3A_663 = tpu.memref_squeeze %dma_start3A_662 : memref<1x128xi32, #tpu.memory_space<vmem>> -> memref<128xi32, #tpu.memory_space<vmem>>
      %dma_start3A_664 = arith.constant 0 : i32
      %dma_start3A_665 = tpu.memref_slice %arg18[%dma_start3A_664] : memref<10240xf32, #tpu.memory_space<vmem_shared>> -> memref<10240xf32, #tpu.memory_space<vmem_shared>>
      tpu.enqueue_indirect_dma source(%dma_start3A_660 : memref<128xf32, #tpu.memory_space<vmem>>) target(%dma_start3A_665 : memref<10240xf32, #tpu.memory_space<vmem_shared>>) offsets(%dma_start3A_663 : memref<128xi32, #tpu.memory_space<vmem>>) semaphore(%arg16 : memref<!tpu.dma_semaphore, #tpu.memory_space<semaphore_mem>>) {add = true}
      %mul3A_666 = arith.constant 16 : i32
      %mul3A_667 = arith.muli %scan3A_19, %mul3A_666 : i32
      %add3A_668 = arith.constant 6 : i32
      %add3A_669 = arith.addi %mul3A_667, %add3A_668 : i32
      %dma_wait3A_670 = arith.constant 6 : i32
      %dma_wait3A_671 = arith.constant 0 : i32
      %dma_wait3A_672 = arith.constant 0 : i32
      %dma_wait3A_673 = tpu.memref_slice %arg11[%dma_wait3A_670, %dma_wait3A_671, %dma_wait3A_672] : memref<16x128x32xf32, #tpu.memory_space<vmem>> -> memref<1x128x32xf32, #tpu.memory_space<vmem>>
      %dma_wait3A_674 = tpu.memref_squeeze %dma_wait3A_673 : memref<1x128x32xf32, #tpu.memory_space<vmem>> -> memref<128x32xf32, #tpu.memory_space<vmem>>
      %dma_wait3A_675 = arith.constant 0 : i32
      %dma_wait3A_676 = tpu.memref_slice %arg9[%add3A_166, %dma_wait3A_675] : memref<80x128xi32, #tpu.memory_space<vmem>> -> memref<1x128xi32, #tpu.memory_space<vmem>>
      %dma_wait3A_677 = tpu.memref_squeeze %dma_wait3A_676 : memref<1x128xi32, #tpu.memory_space<vmem>> -> memref<128xi32, #tpu.memory_space<vmem>>
      %dma_wait3A_678 = arith.constant 0 : i32
      %dma_wait3A_679 = arith.constant 0 : i32
      %dma_wait3A_680 = tpu.memref_slice %arg3[%dma_wait3A_678, %dma_wait3A_679] : memref<10240x32xf32, #tpu.memory_space<hbm>> -> memref<10240x32xf32, #tpu.memory_space<hbm>>
      tpu.wait_indirect_dma semaphore(%arg13 : memref<!tpu.dma_semaphore, #tpu.memory_space<semaphore_mem>>) src(%dma_wait3A_680 : memref<10240x32xf32, #tpu.memory_space<hbm>>) dst(%dma_wait3A_674 : memref<128x32xf32, #tpu.memory_space<vmem>>)
      %dma_start3A_681 = arith.constant 6 : i32
      %dma_start3A_682 = arith.constant 0 : i32
      %dma_start3A_683 = arith.constant 0 : i32
      %dma_start3A_684 = tpu.memref_slice %arg11[%dma_start3A_681, %dma_start3A_682, %dma_start3A_683] : memref<16x128x32xf32, #tpu.memory_space<vmem>> -> memref<1x128x32xf32, #tpu.memory_space<vmem>>
      %dma_start3A_685 = tpu.memref_squeeze %dma_start3A_684 : memref<1x128x32xf32, #tpu.memory_space<vmem>> -> memref<128x32xf32, #tpu.memory_space<vmem>>
      %dma_start3A_686 = arith.constant 0 : i32
      %dma_start3A_687 = tpu.memref_slice %arg10[%add3A_669, %dma_start3A_686] : memref<80x128xi32, #tpu.memory_space<vmem>> -> memref<1x128xi32, #tpu.memory_space<vmem>>
      %dma_start3A_688 = tpu.memref_squeeze %dma_start3A_687 : memref<1x128xi32, #tpu.memory_space<vmem>> -> memref<128xi32, #tpu.memory_space<vmem>>
      %dma_start3A_689 = arith.constant 0 : i32
      %dma_start3A_690 = arith.constant 0 : i32
      %dma_start3A_691 = tpu.memref_slice %arg17[%dma_start3A_689, %dma_start3A_690] : memref<10240x32xf32, #tpu.memory_space<vmem_shared>> -> memref<10240x32xf32, #tpu.memory_space<vmem_shared>>
      tpu.enqueue_indirect_dma source(%dma_start3A_685 : memref<128x32xf32, #tpu.memory_space<vmem>>) target(%dma_start3A_691 : memref<10240x32xf32, #tpu.memory_space<vmem_shared>>) offsets(%dma_start3A_688 : memref<128xi32, #tpu.memory_space<vmem>>) semaphore(%arg15 : memref<!tpu.dma_semaphore, #tpu.memory_space<semaphore_mem>>) {add = true}
      %dma_wait3A_692 = arith.constant 6 : i32
      %dma_wait3A_693 = arith.constant 0 : i32
      %dma_wait3A_694 = tpu.memref_slice %arg12[%dma_wait3A_692, %dma_wait3A_693] : memref<16x128xf32, #tpu.memory_space<vmem>> -> memref<1x128xf32, #tpu.memory_space<vmem>>
      %dma_wait3A_695 = tpu.memref_squeeze %dma_wait3A_694 : memref<1x128xf32, #tpu.memory_space<vmem>> -> memref<128xf32, #tpu.memory_space<vmem>>
      %dma_wait3A_696 = arith.constant 0 : i32
      %dma_wait3A_697 = tpu.memref_slice %arg10[%add3A_166, %dma_wait3A_696] : memref<80x128xi32, #tpu.memory_space<vmem>> -> memref<1x128xi32, #tpu.memory_space<vmem>>
      %dma_wait3A_698 = tpu.memref_squeeze %dma_wait3A_697 : memref<1x128xi32, #tpu.memory_space<vmem>> -> memref<128xi32, #tpu.memory_space<vmem>>
      %dma_wait3A_699 = arith.constant 0 : i32
      %dma_wait3A_700 = tpu.memref_slice %arg4[%dma_wait3A_699] : memref<10240xf32, #tpu.memory_space<hbm>> -> memref<10240xf32, #tpu.memory_space<hbm>>
      tpu.wait_indirect_dma semaphore(%arg14 : memref<!tpu.dma_semaphore, #tpu.memory_space<semaphore_mem>>) src(%dma_wait3A_700 : memref<10240xf32, #tpu.memory_space<hbm>>) dst(%dma_wait3A_695 : memref<128xf32, #tpu.memory_space<vmem>>)
      %dma_start3A_701 = arith.constant 6 : i32
      %dma_start3A_702 = arith.constant 0 : i32
      %dma_start3A_703 = tpu.memref_slice %arg12[%dma_start3A_701, %dma_start3A_702] : memref<16x128xf32, #tpu.memory_space<vmem>> -> memref<1x128xf32, #tpu.memory_space<vmem>>
      %dma_start3A_704 = tpu.memref_squeeze %dma_start3A_703 : memref<1x128xf32, #tpu.memory_space<vmem>> -> memref<128xf32, #tpu.memory_space<vmem>>
      %dma_start3A_705 = arith.constant 0 : i32
      %dma_start3A_706 = tpu.memref_slice %arg9[%add3A_669, %dma_start3A_705] : memref<80x128xi32, #tpu.memory_space<vmem>> -> memref<1x128xi32, #tpu.memory_space<vmem>>
      %dma_start3A_707 = tpu.memref_squeeze %dma_start3A_706 : memref<1x128xi32, #tpu.memory_space<vmem>> -> memref<128xi32, #tpu.memory_space<vmem>>
      %dma_start3A_708 = arith.constant 0 : i32
      %dma_start3A_709 = tpu.memref_slice %arg18[%dma_start3A_708] : memref<10240xf32, #tpu.memory_space<vmem_shared>> -> memref<10240xf32, #tpu.memory_space<vmem_shared>>
      tpu.enqueue_indirect_dma source(%dma_start3A_704 : memref<128xf32, #tpu.memory_space<vmem>>) target(%dma_start3A_709 : memref<10240xf32, #tpu.memory_space<vmem_shared>>) offsets(%dma_start3A_707 : memref<128xi32, #tpu.memory_space<vmem>>) semaphore(%arg16 : memref<!tpu.dma_semaphore, #tpu.memory_space<semaphore_mem>>) {add = true}
      %mul3A_710 = arith.constant 16 : i32
      %mul3A_711 = arith.muli %scan3A_19, %mul3A_710 : i32
      %add3A_712 = arith.constant 7 : i32
      %add3A_713 = arith.addi %mul3A_711, %add3A_712 : i32
      %dma_wait3A_714 = arith.constant 7 : i32
      %dma_wait3A_715 = arith.constant 0 : i32
      %dma_wait3A_716 = arith.constant 0 : i32
      %dma_wait3A_717 = tpu.memref_slice %arg11[%dma_wait3A_714, %dma_wait3A_715, %dma_wait3A_716] : memref<16x128x32xf32, #tpu.memory_space<vmem>> -> memref<1x128x32xf32, #tpu.memory_space<vmem>>
      %dma_wait3A_718 = tpu.memref_squeeze %dma_wait3A_717 : memref<1x128x32xf32, #tpu.memory_space<vmem>> -> memref<128x32xf32, #tpu.memory_space<vmem>>
      %dma_wait3A_719 = arith.constant 0 : i32
      %dma_wait3A_720 = tpu.memref_slice %arg9[%add3A_190, %dma_wait3A_719] : memref<80x128xi32, #tpu.memory_space<vmem>> -> memref<1x128xi32, #tpu.memory_space<vmem>>
      %dma_wait3A_721 = tpu.memref_squeeze %dma_wait3A_720 : memref<1x128xi32, #tpu.memory_space<vmem>> -> memref<128xi32, #tpu.memory_space<vmem>>
      %dma_wait3A_722 = arith.constant 0 : i32
      %dma_wait3A_723 = arith.constant 0 : i32
      %dma_wait3A_724 = tpu.memref_slice %arg3[%dma_wait3A_722, %dma_wait3A_723] : memref<10240x32xf32, #tpu.memory_space<hbm>> -> memref<10240x32xf32, #tpu.memory_space<hbm>>
      tpu.wait_indirect_dma semaphore(%arg13 : memref<!tpu.dma_semaphore, #tpu.memory_space<semaphore_mem>>) src(%dma_wait3A_724 : memref<10240x32xf32, #tpu.memory_space<hbm>>) dst(%dma_wait3A_718 : memref<128x32xf32, #tpu.memory_space<vmem>>)
      %dma_start3A_725 = arith.constant 7 : i32
      %dma_start3A_726 = arith.constant 0 : i32
      %dma_start3A_727 = arith.constant 0 : i32
      %dma_start3A_728 = tpu.memref_slice %arg11[%dma_start3A_725, %dma_start3A_726, %dma_start3A_727] : memref<16x128x32xf32, #tpu.memory_space<vmem>> -> memref<1x128x32xf32, #tpu.memory_space<vmem>>
      %dma_start3A_729 = tpu.memref_squeeze %dma_start3A_728 : memref<1x128x32xf32, #tpu.memory_space<vmem>> -> memref<128x32xf32, #tpu.memory_space<vmem>>
      %dma_start3A_730 = arith.constant 0 : i32
      %dma_start3A_731 = tpu.memref_slice %arg10[%add3A_713, %dma_start3A_730] : memref<80x128xi32, #tpu.memory_space<vmem>> -> memref<1x128xi32, #tpu.memory_space<vmem>>
      %dma_start3A_732 = tpu.memref_squeeze %dma_start3A_731 : memref<1x128xi32, #tpu.memory_space<vmem>> -> memref<128xi32, #tpu.memory_space<vmem>>
      %dma_start3A_733 = arith.constant 0 : i32
      %dma_start3A_734 = arith.constant 0 : i32
      %dma_start3A_735 = tpu.memref_slice %arg17[%dma_start3A_733, %dma_start3A_734] : memref<10240x32xf32, #tpu.memory_space<vmem_shared>> -> memref<10240x32xf32, #tpu.memory_space<vmem_shared>>
      tpu.enqueue_indirect_dma source(%dma_start3A_729 : memref<128x32xf32, #tpu.memory_space<vmem>>) target(%dma_start3A_735 : memref<10240x32xf32, #tpu.memory_space<vmem_shared>>) offsets(%dma_start3A_732 : memref<128xi32, #tpu.memory_space<vmem>>) semaphore(%arg15 : memref<!tpu.dma_semaphore, #tpu.memory_space<semaphore_mem>>) {add = true}
      %dma_wait3A_736 = arith.constant 7 : i32
      %dma_wait3A_737 = arith.constant 0 : i32
      %dma_wait3A_738 = tpu.memref_slice %arg12[%dma_wait3A_736, %dma_wait3A_737] : memref<16x128xf32, #tpu.memory_space<vmem>> -> memref<1x128xf32, #tpu.memory_space<vmem>>
      %dma_wait3A_739 = tpu.memref_squeeze %dma_wait3A_738 : memref<1x128xf32, #tpu.memory_space<vmem>> -> memref<128xf32, #tpu.memory_space<vmem>>
      %dma_wait3A_740 = arith.constant 0 : i32
      %dma_wait3A_741 = tpu.memref_slice %arg10[%add3A_190, %dma_wait3A_740] : memref<80x128xi32, #tpu.memory_space<vmem>> -> memref<1x128xi32, #tpu.memory_space<vmem>>
      %dma_wait3A_742 = tpu.memref_squeeze %dma_wait3A_741 : memref<1x128xi32, #tpu.memory_space<vmem>> -> memref<128xi32, #tpu.memory_space<vmem>>
      %dma_wait3A_743 = arith.constant 0 : i32
      %dma_wait3A_744 = tpu.memref_slice %arg4[%dma_wait3A_743] : memref<10240xf32, #tpu.memory_space<hbm>> -> memref<10240xf32, #tpu.memory_space<hbm>>
      tpu.wait_indirect_dma semaphore(%arg14 : memref<!tpu.dma_semaphore, #tpu.memory_space<semaphore_mem>>) src(%dma_wait3A_744 : memref<10240xf32, #tpu.memory_space<hbm>>) dst(%dma_wait3A_739 : memref<128xf32, #tpu.memory_space<vmem>>)
      %dma_start3A_745 = arith.constant 7 : i32
      %dma_start3A_746 = arith.constant 0 : i32
      %dma_start3A_747 = tpu.memref_slice %arg12[%dma_start3A_745, %dma_start3A_746] : memref<16x128xf32, #tpu.memory_space<vmem>> -> memref<1x128xf32, #tpu.memory_space<vmem>>
      %dma_start3A_748 = tpu.memref_squeeze %dma_start3A_747 : memref<1x128xf32, #tpu.memory_space<vmem>> -> memref<128xf32, #tpu.memory_space<vmem>>
      %dma_start3A_749 = arith.constant 0 : i32
      %dma_start3A_750 = tpu.memref_slice %arg9[%add3A_713, %dma_start3A_749] : memref<80x128xi32, #tpu.memory_space<vmem>> -> memref<1x128xi32, #tpu.memory_space<vmem>>
      %dma_start3A_751 = tpu.memref_squeeze %dma_start3A_750 : memref<1x128xi32, #tpu.memory_space<vmem>> -> memref<128xi32, #tpu.memory_space<vmem>>
      %dma_start3A_752 = arith.constant 0 : i32
      %dma_start3A_753 = tpu.memref_slice %arg18[%dma_start3A_752] : memref<10240xf32, #tpu.memory_space<vmem_shared>> -> memref<10240xf32, #tpu.memory_space<vmem_shared>>
      tpu.enqueue_indirect_dma source(%dma_start3A_748 : memref<128xf32, #tpu.memory_space<vmem>>) target(%dma_start3A_753 : memref<10240xf32, #tpu.memory_space<vmem_shared>>) offsets(%dma_start3A_751 : memref<128xi32, #tpu.memory_space<vmem>>) semaphore(%arg16 : memref<!tpu.dma_semaphore, #tpu.memory_space<semaphore_mem>>) {add = true}
      %mul3A_754 = arith.constant 16 : i32
      %mul3A_755 = arith.muli %scan3A_19, %mul3A_754 : i32
      %add3A_756 = arith.constant 8 : i32
      %add3A_757 = arith.addi %mul3A_755, %add3A_756 : i32
      %dma_wait3A_758 = arith.constant 8 : i32
      %dma_wait3A_759 = arith.constant 0 : i32
      %dma_wait3A_760 = arith.constant 0 : i32
      %dma_wait3A_761 = tpu.memref_slice %arg11[%dma_wait3A_758, %dma_wait3A_759, %dma_wait3A_760] : memref<16x128x32xf32, #tpu.memory_space<vmem>> -> memref<1x128x32xf32, #tpu.memory_space<vmem>>
      %dma_wait3A_762 = tpu.memref_squeeze %dma_wait3A_761 : memref<1x128x32xf32, #tpu.memory_space<vmem>> -> memref<128x32xf32, #tpu.memory_space<vmem>>
      %dma_wait3A_763 = arith.constant 0 : i32
      %dma_wait3A_764 = tpu.memref_slice %arg9[%add3A_214, %dma_wait3A_763] : memref<80x128xi32, #tpu.memory_space<vmem>> -> memref<1x128xi32, #tpu.memory_space<vmem>>
      %dma_wait3A_765 = tpu.memref_squeeze %dma_wait3A_764 : memref<1x128xi32, #tpu.memory_space<vmem>> -> memref<128xi32, #tpu.memory_space<vmem>>
      %dma_wait3A_766 = arith.constant 0 : i32
      %dma_wait3A_767 = arith.constant 0 : i32
      %dma_wait3A_768 = tpu.memref_slice %arg3[%dma_wait3A_766, %dma_wait3A_767] : memref<10240x32xf32, #tpu.memory_space<hbm>> -> memref<10240x32xf32, #tpu.memory_space<hbm>>
      tpu.wait_indirect_dma semaphore(%arg13 : memref<!tpu.dma_semaphore, #tpu.memory_space<semaphore_mem>>) src(%dma_wait3A_768 : memref<10240x32xf32, #tpu.memory_space<hbm>>) dst(%dma_wait3A_762 : memref<128x32xf32, #tpu.memory_space<vmem>>)
      %dma_start3A_769 = arith.constant 8 : i32
      %dma_start3A_770 = arith.constant 0 : i32
      %dma_start3A_771 = arith.constant 0 : i32
      %dma_start3A_772 = tpu.memref_slice %arg11[%dma_start3A_769, %dma_start3A_770, %dma_start3A_771] : memref<16x128x32xf32, #tpu.memory_space<vmem>> -> memref<1x128x32xf32, #tpu.memory_space<vmem>>
      %dma_start3A_773 = tpu.memref_squeeze %dma_start3A_772 : memref<1x128x32xf32, #tpu.memory_space<vmem>> -> memref<128x32xf32, #tpu.memory_space<vmem>>
      %dma_start3A_774 = arith.constant 0 : i32
      %dma_start3A_775 = tpu.memref_slice %arg10[%add3A_757, %dma_start3A_774] : memref<80x128xi32, #tpu.memory_space<vmem>> -> memref<1x128xi32, #tpu.memory_space<vmem>>
      %dma_start3A_776 = tpu.memref_squeeze %dma_start3A_775 : memref<1x128xi32, #tpu.memory_space<vmem>> -> memref<128xi32, #tpu.memory_space<vmem>>
      %dma_start3A_777 = arith.constant 0 : i32
      %dma_start3A_778 = arith.constant 0 : i32
      %dma_start3A_779 = tpu.memref_slice %arg17[%dma_start3A_777, %dma_start3A_778] : memref<10240x32xf32, #tpu.memory_space<vmem_shared>> -> memref<10240x32xf32, #tpu.memory_space<vmem_shared>>
      tpu.enqueue_indirect_dma source(%dma_start3A_773 : memref<128x32xf32, #tpu.memory_space<vmem>>) target(%dma_start3A_779 : memref<10240x32xf32, #tpu.memory_space<vmem_shared>>) offsets(%dma_start3A_776 : memref<128xi32, #tpu.memory_space<vmem>>) semaphore(%arg15 : memref<!tpu.dma_semaphore, #tpu.memory_space<semaphore_mem>>) {add = true}
      %dma_wait3A_780 = arith.constant 8 : i32
      %dma_wait3A_781 = arith.constant 0 : i32
      %dma_wait3A_782 = tpu.memref_slice %arg12[%dma_wait3A_780, %dma_wait3A_781] : memref<16x128xf32, #tpu.memory_space<vmem>> -> memref<1x128xf32, #tpu.memory_space<vmem>>
      %dma_wait3A_783 = tpu.memref_squeeze %dma_wait3A_782 : memref<1x128xf32, #tpu.memory_space<vmem>> -> memref<128xf32, #tpu.memory_space<vmem>>
      %dma_wait3A_784 = arith.constant 0 : i32
      %dma_wait3A_785 = tpu.memref_slice %arg10[%add3A_214, %dma_wait3A_784] : memref<80x128xi32, #tpu.memory_space<vmem>> -> memref<1x128xi32, #tpu.memory_space<vmem>>
      %dma_wait3A_786 = tpu.memref_squeeze %dma_wait3A_785 : memref<1x128xi32, #tpu.memory_space<vmem>> -> memref<128xi32, #tpu.memory_space<vmem>>
      %dma_wait3A_787 = arith.constant 0 : i32
      %dma_wait3A_788 = tpu.memref_slice %arg4[%dma_wait3A_787] : memref<10240xf32, #tpu.memory_space<hbm>> -> memref<10240xf32, #tpu.memory_space<hbm>>
      tpu.wait_indirect_dma semaphore(%arg14 : memref<!tpu.dma_semaphore, #tpu.memory_space<semaphore_mem>>) src(%dma_wait3A_788 : memref<10240xf32, #tpu.memory_space<hbm>>) dst(%dma_wait3A_783 : memref<128xf32, #tpu.memory_space<vmem>>)
      %dma_start3A_789 = arith.constant 8 : i32
      %dma_start3A_790 = arith.constant 0 : i32
      %dma_start3A_791 = tpu.memref_slice %arg12[%dma_start3A_789, %dma_start3A_790] : memref<16x128xf32, #tpu.memory_space<vmem>> -> memref<1x128xf32, #tpu.memory_space<vmem>>
      %dma_start3A_792 = tpu.memref_squeeze %dma_start3A_791 : memref<1x128xf32, #tpu.memory_space<vmem>> -> memref<128xf32, #tpu.memory_space<vmem>>
      %dma_start3A_793 = arith.constant 0 : i32
      %dma_start3A_794 = tpu.memref_slice %arg9[%add3A_757, %dma_start3A_793] : memref<80x128xi32, #tpu.memory_space<vmem>> -> memref<1x128xi32, #tpu.memory_space<vmem>>
      %dma_start3A_795 = tpu.memref_squeeze %dma_start3A_794 : memref<1x128xi32, #tpu.memory_space<vmem>> -> memref<128xi32, #tpu.memory_space<vmem>>
      %dma_start3A_796 = arith.constant 0 : i32
      %dma_start3A_797 = tpu.memref_slice %arg18[%dma_start3A_796] : memref<10240xf32, #tpu.memory_space<vmem_shared>> -> memref<10240xf32, #tpu.memory_space<vmem_shared>>
      tpu.enqueue_indirect_dma source(%dma_start3A_792 : memref<128xf32, #tpu.memory_space<vmem>>) target(%dma_start3A_797 : memref<10240xf32, #tpu.memory_space<vmem_shared>>) offsets(%dma_start3A_795 : memref<128xi32, #tpu.memory_space<vmem>>) semaphore(%arg16 : memref<!tpu.dma_semaphore, #tpu.memory_space<semaphore_mem>>) {add = true}
      %mul3A_798 = arith.constant 16 : i32
      %mul3A_799 = arith.muli %scan3A_19, %mul3A_798 : i32
      %add3A_800 = arith.constant 9 : i32
      %add3A_801 = arith.addi %mul3A_799, %add3A_800 : i32
      %dma_wait3A_802 = arith.constant 9 : i32
      %dma_wait3A_803 = arith.constant 0 : i32
      %dma_wait3A_804 = arith.constant 0 : i32
      %dma_wait3A_805 = tpu.memref_slice %arg11[%dma_wait3A_802, %dma_wait3A_803, %dma_wait3A_804] : memref<16x128x32xf32, #tpu.memory_space<vmem>> -> memref<1x128x32xf32, #tpu.memory_space<vmem>>
      %dma_wait3A_806 = tpu.memref_squeeze %dma_wait3A_805 : memref<1x128x32xf32, #tpu.memory_space<vmem>> -> memref<128x32xf32, #tpu.memory_space<vmem>>
      %dma_wait3A_807 = arith.constant 0 : i32
      %dma_wait3A_808 = tpu.memref_slice %arg9[%add3A_238, %dma_wait3A_807] : memref<80x128xi32, #tpu.memory_space<vmem>> -> memref<1x128xi32, #tpu.memory_space<vmem>>
      %dma_wait3A_809 = tpu.memref_squeeze %dma_wait3A_808 : memref<1x128xi32, #tpu.memory_space<vmem>> -> memref<128xi32, #tpu.memory_space<vmem>>
      %dma_wait3A_810 = arith.constant 0 : i32
      %dma_wait3A_811 = arith.constant 0 : i32
      %dma_wait3A_812 = tpu.memref_slice %arg3[%dma_wait3A_810, %dma_wait3A_811] : memref<10240x32xf32, #tpu.memory_space<hbm>> -> memref<10240x32xf32, #tpu.memory_space<hbm>>
      tpu.wait_indirect_dma semaphore(%arg13 : memref<!tpu.dma_semaphore, #tpu.memory_space<semaphore_mem>>) src(%dma_wait3A_812 : memref<10240x32xf32, #tpu.memory_space<hbm>>) dst(%dma_wait3A_806 : memref<128x32xf32, #tpu.memory_space<vmem>>)
      %dma_start3A_813 = arith.constant 9 : i32
      %dma_start3A_814 = arith.constant 0 : i32
      %dma_start3A_815 = arith.constant 0 : i32
      %dma_start3A_816 = tpu.memref_slice %arg11[%dma_start3A_813, %dma_start3A_814, %dma_start3A_815] : memref<16x128x32xf32, #tpu.memory_space<vmem>> -> memref<1x128x32xf32, #tpu.memory_space<vmem>>
      %dma_start3A_817 = tpu.memref_squeeze %dma_start3A_816 : memref<1x128x32xf32, #tpu.memory_space<vmem>> -> memref<128x32xf32, #tpu.memory_space<vmem>>
      %dma_start3A_818 = arith.constant 0 : i32
      %dma_start3A_819 = tpu.memref_slice %arg10[%add3A_801, %dma_start3A_818] : memref<80x128xi32, #tpu.memory_space<vmem>> -> memref<1x128xi32, #tpu.memory_space<vmem>>
      %dma_start3A_820 = tpu.memref_squeeze %dma_start3A_819 : memref<1x128xi32, #tpu.memory_space<vmem>> -> memref<128xi32, #tpu.memory_space<vmem>>
      %dma_start3A_821 = arith.constant 0 : i32
      %dma_start3A_822 = arith.constant 0 : i32
      %dma_start3A_823 = tpu.memref_slice %arg17[%dma_start3A_821, %dma_start3A_822] : memref<10240x32xf32, #tpu.memory_space<vmem_shared>> -> memref<10240x32xf32, #tpu.memory_space<vmem_shared>>
      tpu.enqueue_indirect_dma source(%dma_start3A_817 : memref<128x32xf32, #tpu.memory_space<vmem>>) target(%dma_start3A_823 : memref<10240x32xf32, #tpu.memory_space<vmem_shared>>) offsets(%dma_start3A_820 : memref<128xi32, #tpu.memory_space<vmem>>) semaphore(%arg15 : memref<!tpu.dma_semaphore, #tpu.memory_space<semaphore_mem>>) {add = true}
      %dma_wait3A_824 = arith.constant 9 : i32
      %dma_wait3A_825 = arith.constant 0 : i32
      %dma_wait3A_826 = tpu.memref_slice %arg12[%dma_wait3A_824, %dma_wait3A_825] : memref<16x128xf32, #tpu.memory_space<vmem>> -> memref<1x128xf32, #tpu.memory_space<vmem>>
      %dma_wait3A_827 = tpu.memref_squeeze %dma_wait3A_826 : memref<1x128xf32, #tpu.memory_space<vmem>> -> memref<128xf32, #tpu.memory_space<vmem>>
      %dma_wait3A_828 = arith.constant 0 : i32
      %dma_wait3A_829 = tpu.memref_slice %arg10[%add3A_238, %dma_wait3A_828] : memref<80x128xi32, #tpu.memory_space<vmem>> -> memref<1x128xi32, #tpu.memory_space<vmem>>
      %dma_wait3A_830 = tpu.memref_squeeze %dma_wait3A_829 : memref<1x128xi32, #tpu.memory_space<vmem>> -> memref<128xi32, #tpu.memory_space<vmem>>
      %dma_wait3A_831 = arith.constant 0 : i32
      %dma_wait3A_832 = tpu.memref_slice %arg4[%dma_wait3A_831] : memref<10240xf32, #tpu.memory_space<hbm>> -> memref<10240xf32, #tpu.memory_space<hbm>>
      tpu.wait_indirect_dma semaphore(%arg14 : memref<!tpu.dma_semaphore, #tpu.memory_space<semaphore_mem>>) src(%dma_wait3A_832 : memref<10240xf32, #tpu.memory_space<hbm>>) dst(%dma_wait3A_827 : memref<128xf32, #tpu.memory_space<vmem>>)
      %dma_start3A_833 = arith.constant 9 : i32
      %dma_start3A_834 = arith.constant 0 : i32
      %dma_start3A_835 = tpu.memref_slice %arg12[%dma_start3A_833, %dma_start3A_834] : memref<16x128xf32, #tpu.memory_space<vmem>> -> memref<1x128xf32, #tpu.memory_space<vmem>>
      %dma_start3A_836 = tpu.memref_squeeze %dma_start3A_835 : memref<1x128xf32, #tpu.memory_space<vmem>> -> memref<128xf32, #tpu.memory_space<vmem>>
      %dma_start3A_837 = arith.constant 0 : i32
      %dma_start3A_838 = tpu.memref_slice %arg9[%add3A_801, %dma_start3A_837] : memref<80x128xi32, #tpu.memory_space<vmem>> -> memref<1x128xi32, #tpu.memory_space<vmem>>
      %dma_start3A_839 = tpu.memref_squeeze %dma_start3A_838 : memref<1x128xi32, #tpu.memory_space<vmem>> -> memref<128xi32, #tpu.memory_space<vmem>>
      %dma_start3A_840 = arith.constant 0 : i32
      %dma_start3A_841 = tpu.memref_slice %arg18[%dma_start3A_840] : memref<10240xf32, #tpu.memory_space<vmem_shared>> -> memref<10240xf32, #tpu.memory_space<vmem_shared>>
      tpu.enqueue_indirect_dma source(%dma_start3A_836 : memref<128xf32, #tpu.memory_space<vmem>>) target(%dma_start3A_841 : memref<10240xf32, #tpu.memory_space<vmem_shared>>) offsets(%dma_start3A_839 : memref<128xi32, #tpu.memory_space<vmem>>) semaphore(%arg16 : memref<!tpu.dma_semaphore, #tpu.memory_space<semaphore_mem>>) {add = true}
      %mul3A_842 = arith.constant 16 : i32
      %mul3A_843 = arith.muli %scan3A_19, %mul3A_842 : i32
      %add3A_844 = arith.constant 10 : i32
      %add3A_845 = arith.addi %mul3A_843, %add3A_844 : i32
      %dma_wait3A_846 = arith.constant 10 : i32
      %dma_wait3A_847 = arith.constant 0 : i32
      %dma_wait3A_848 = arith.constant 0 : i32
      %dma_wait3A_849 = tpu.memref_slice %arg11[%dma_wait3A_846, %dma_wait3A_847, %dma_wait3A_848] : memref<16x128x32xf32, #tpu.memory_space<vmem>> -> memref<1x128x32xf32, #tpu.memory_space<vmem>>
      %dma_wait3A_850 = tpu.memref_squeeze %dma_wait3A_849 : memref<1x128x32xf32, #tpu.memory_space<vmem>> -> memref<128x32xf32, #tpu.memory_space<vmem>>
      %dma_wait3A_851 = arith.constant 0 : i32
      %dma_wait3A_852 = tpu.memref_slice %arg9[%add3A_262, %dma_wait3A_851] : memref<80x128xi32, #tpu.memory_space<vmem>> -> memref<1x128xi32, #tpu.memory_space<vmem>>
      %dma_wait3A_853 = tpu.memref_squeeze %dma_wait3A_852 : memref<1x128xi32, #tpu.memory_space<vmem>> -> memref<128xi32, #tpu.memory_space<vmem>>
      %dma_wait3A_854 = arith.constant 0 : i32
      %dma_wait3A_855 = arith.constant 0 : i32
      %dma_wait3A_856 = tpu.memref_slice %arg3[%dma_wait3A_854, %dma_wait3A_855] : memref<10240x32xf32, #tpu.memory_space<hbm>> -> memref<10240x32xf32, #tpu.memory_space<hbm>>
      tpu.wait_indirect_dma semaphore(%arg13 : memref<!tpu.dma_semaphore, #tpu.memory_space<semaphore_mem>>) src(%dma_wait3A_856 : memref<10240x32xf32, #tpu.memory_space<hbm>>) dst(%dma_wait3A_850 : memref<128x32xf32, #tpu.memory_space<vmem>>)
      %dma_start3A_857 = arith.constant 10 : i32
      %dma_start3A_858 = arith.constant 0 : i32
      %dma_start3A_859 = arith.constant 0 : i32
      %dma_start3A_860 = tpu.memref_slice %arg11[%dma_start3A_857, %dma_start3A_858, %dma_start3A_859] : memref<16x128x32xf32, #tpu.memory_space<vmem>> -> memref<1x128x32xf32, #tpu.memory_space<vmem>>
      %dma_start3A_861 = tpu.memref_squeeze %dma_start3A_860 : memref<1x128x32xf32, #tpu.memory_space<vmem>> -> memref<128x32xf32, #tpu.memory_space<vmem>>
      %dma_start3A_862 = arith.constant 0 : i32
      %dma_start3A_863 = tpu.memref_slice %arg10[%add3A_845, %dma_start3A_862] : memref<80x128xi32, #tpu.memory_space<vmem>> -> memref<1x128xi32, #tpu.memory_space<vmem>>
      %dma_start3A_864 = tpu.memref_squeeze %dma_start3A_863 : memref<1x128xi32, #tpu.memory_space<vmem>> -> memref<128xi32, #tpu.memory_space<vmem>>
      %dma_start3A_865 = arith.constant 0 : i32
      %dma_start3A_866 = arith.constant 0 : i32
      %dma_start3A_867 = tpu.memref_slice %arg17[%dma_start3A_865, %dma_start3A_866] : memref<10240x32xf32, #tpu.memory_space<vmem_shared>> -> memref<10240x32xf32, #tpu.memory_space<vmem_shared>>
      tpu.enqueue_indirect_dma source(%dma_start3A_861 : memref<128x32xf32, #tpu.memory_space<vmem>>) target(%dma_start3A_867 : memref<10240x32xf32, #tpu.memory_space<vmem_shared>>) offsets(%dma_start3A_864 : memref<128xi32, #tpu.memory_space<vmem>>) semaphore(%arg15 : memref<!tpu.dma_semaphore, #tpu.memory_space<semaphore_mem>>) {add = true}
      %dma_wait3A_868 = arith.constant 10 : i32
      %dma_wait3A_869 = arith.constant 0 : i32
      %dma_wait3A_870 = tpu.memref_slice %arg12[%dma_wait3A_868, %dma_wait3A_869] : memref<16x128xf32, #tpu.memory_space<vmem>> -> memref<1x128xf32, #tpu.memory_space<vmem>>
      %dma_wait3A_871 = tpu.memref_squeeze %dma_wait3A_870 : memref<1x128xf32, #tpu.memory_space<vmem>> -> memref<128xf32, #tpu.memory_space<vmem>>
      %dma_wait3A_872 = arith.constant 0 : i32
      %dma_wait3A_873 = tpu.memref_slice %arg10[%add3A_262, %dma_wait3A_872] : memref<80x128xi32, #tpu.memory_space<vmem>> -> memref<1x128xi32, #tpu.memory_space<vmem>>
      %dma_wait3A_874 = tpu.memref_squeeze %dma_wait3A_873 : memref<1x128xi32, #tpu.memory_space<vmem>> -> memref<128xi32, #tpu.memory_space<vmem>>
      %dma_wait3A_875 = arith.constant 0 : i32
      %dma_wait3A_876 = tpu.memref_slice %arg4[%dma_wait3A_875] : memref<10240xf32, #tpu.memory_space<hbm>> -> memref<10240xf32, #tpu.memory_space<hbm>>
      tpu.wait_indirect_dma semaphore(%arg14 : memref<!tpu.dma_semaphore, #tpu.memory_space<semaphore_mem>>) src(%dma_wait3A_876 : memref<10240xf32, #tpu.memory_space<hbm>>) dst(%dma_wait3A_871 : memref<128xf32, #tpu.memory_space<vmem>>)
      %dma_start3A_877 = arith.constant 10 : i32
      %dma_start3A_878 = arith.constant 0 : i32
      %dma_start3A_879 = tpu.memref_slice %arg12[%dma_start3A_877, %dma_start3A_878] : memref<16x128xf32, #tpu.memory_space<vmem>> -> memref<1x128xf32, #tpu.memory_space<vmem>>
      %dma_start3A_880 = tpu.memref_squeeze %dma_start3A_879 : memref<1x128xf32, #tpu.memory_space<vmem>> -> memref<128xf32, #tpu.memory_space<vmem>>
      %dma_start3A_881 = arith.constant 0 : i32
      %dma_start3A_882 = tpu.memref_slice %arg9[%add3A_845, %dma_start3A_881] : memref<80x128xi32, #tpu.memory_space<vmem>> -> memref<1x128xi32, #tpu.memory_space<vmem>>
      %dma_start3A_883 = tpu.memref_squeeze %dma_start3A_882 : memref<1x128xi32, #tpu.memory_space<vmem>> -> memref<128xi32, #tpu.memory_space<vmem>>
      %dma_start3A_884 = arith.constant 0 : i32
      %dma_start3A_885 = tpu.memref_slice %arg18[%dma_start3A_884] : memref<10240xf32, #tpu.memory_space<vmem_shared>> -> memref<10240xf32, #tpu.memory_space<vmem_shared>>
      tpu.enqueue_indirect_dma source(%dma_start3A_880 : memref<128xf32, #tpu.memory_space<vmem>>) target(%dma_start3A_885 : memref<10240xf32, #tpu.memory_space<vmem_shared>>) offsets(%dma_start3A_883 : memref<128xi32, #tpu.memory_space<vmem>>) semaphore(%arg16 : memref<!tpu.dma_semaphore, #tpu.memory_space<semaphore_mem>>) {add = true}
      %mul3A_886 = arith.constant 16 : i32
      %mul3A_887 = arith.muli %scan3A_19, %mul3A_886 : i32
      %add3A_888 = arith.constant 11 : i32
      %add3A_889 = arith.addi %mul3A_887, %add3A_888 : i32
      %dma_wait3A_890 = arith.constant 11 : i32
      %dma_wait3A_891 = arith.constant 0 : i32
      %dma_wait3A_892 = arith.constant 0 : i32
      %dma_wait3A_893 = tpu.memref_slice %arg11[%dma_wait3A_890, %dma_wait3A_891, %dma_wait3A_892] : memref<16x128x32xf32, #tpu.memory_space<vmem>> -> memref<1x128x32xf32, #tpu.memory_space<vmem>>
      %dma_wait3A_894 = tpu.memref_squeeze %dma_wait3A_893 : memref<1x128x32xf32, #tpu.memory_space<vmem>> -> memref<128x32xf32, #tpu.memory_space<vmem>>
      %dma_wait3A_895 = arith.constant 0 : i32
      %dma_wait3A_896 = tpu.memref_slice %arg9[%add3A_286, %dma_wait3A_895] : memref<80x128xi32, #tpu.memory_space<vmem>> -> memref<1x128xi32, #tpu.memory_space<vmem>>
      %dma_wait3A_897 = tpu.memref_squeeze %dma_wait3A_896 : memref<1x128xi32, #tpu.memory_space<vmem>> -> memref<128xi32, #tpu.memory_space<vmem>>
      %dma_wait3A_898 = arith.constant 0 : i32
      %dma_wait3A_899 = arith.constant 0 : i32
      %dma_wait3A_900 = tpu.memref_slice %arg3[%dma_wait3A_898, %dma_wait3A_899] : memref<10240x32xf32, #tpu.memory_space<hbm>> -> memref<10240x32xf32, #tpu.memory_space<hbm>>
      tpu.wait_indirect_dma semaphore(%arg13 : memref<!tpu.dma_semaphore, #tpu.memory_space<semaphore_mem>>) src(%dma_wait3A_900 : memref<10240x32xf32, #tpu.memory_space<hbm>>) dst(%dma_wait3A_894 : memref<128x32xf32, #tpu.memory_space<vmem>>)
      %dma_start3A_901 = arith.constant 11 : i32
      %dma_start3A_902 = arith.constant 0 : i32
      %dma_start3A_903 = arith.constant 0 : i32
      %dma_start3A_904 = tpu.memref_slice %arg11[%dma_start3A_901, %dma_start3A_902, %dma_start3A_903] : memref<16x128x32xf32, #tpu.memory_space<vmem>> -> memref<1x128x32xf32, #tpu.memory_space<vmem>>
      %dma_start3A_905 = tpu.memref_squeeze %dma_start3A_904 : memref<1x128x32xf32, #tpu.memory_space<vmem>> -> memref<128x32xf32, #tpu.memory_space<vmem>>
      %dma_start3A_906 = arith.constant 0 : i32
      %dma_start3A_907 = tpu.memref_slice %arg10[%add3A_889, %dma_start3A_906] : memref<80x128xi32, #tpu.memory_space<vmem>> -> memref<1x128xi32, #tpu.memory_space<vmem>>
      %dma_start3A_908 = tpu.memref_squeeze %dma_start3A_907 : memref<1x128xi32, #tpu.memory_space<vmem>> -> memref<128xi32, #tpu.memory_space<vmem>>
      %dma_start3A_909 = arith.constant 0 : i32
      %dma_start3A_910 = arith.constant 0 : i32
      %dma_start3A_911 = tpu.memref_slice %arg17[%dma_start3A_909, %dma_start3A_910] : memref<10240x32xf32, #tpu.memory_space<vmem_shared>> -> memref<10240x32xf32, #tpu.memory_space<vmem_shared>>
      tpu.enqueue_indirect_dma source(%dma_start3A_905 : memref<128x32xf32, #tpu.memory_space<vmem>>) target(%dma_start3A_911 : memref<10240x32xf32, #tpu.memory_space<vmem_shared>>) offsets(%dma_start3A_908 : memref<128xi32, #tpu.memory_space<vmem>>) semaphore(%arg15 : memref<!tpu.dma_semaphore, #tpu.memory_space<semaphore_mem>>) {add = true}
      %dma_wait3A_912 = arith.constant 11 : i32
      %dma_wait3A_913 = arith.constant 0 : i32
      %dma_wait3A_914 = tpu.memref_slice %arg12[%dma_wait3A_912, %dma_wait3A_913] : memref<16x128xf32, #tpu.memory_space<vmem>> -> memref<1x128xf32, #tpu.memory_space<vmem>>
      %dma_wait3A_915 = tpu.memref_squeeze %dma_wait3A_914 : memref<1x128xf32, #tpu.memory_space<vmem>> -> memref<128xf32, #tpu.memory_space<vmem>>
      %dma_wait3A_916 = arith.constant 0 : i32
      %dma_wait3A_917 = tpu.memref_slice %arg10[%add3A_286, %dma_wait3A_916] : memref<80x128xi32, #tpu.memory_space<vmem>> -> memref<1x128xi32, #tpu.memory_space<vmem>>
      %dma_wait3A_918 = tpu.memref_squeeze %dma_wait3A_917 : memref<1x128xi32, #tpu.memory_space<vmem>> -> memref<128xi32, #tpu.memory_space<vmem>>
      %dma_wait3A_919 = arith.constant 0 : i32
      %dma_wait3A_920 = tpu.memref_slice %arg4[%dma_wait3A_919] : memref<10240xf32, #tpu.memory_space<hbm>> -> memref<10240xf32, #tpu.memory_space<hbm>>
      tpu.wait_indirect_dma semaphore(%arg14 : memref<!tpu.dma_semaphore, #tpu.memory_space<semaphore_mem>>) src(%dma_wait3A_920 : memref<10240xf32, #tpu.memory_space<hbm>>) dst(%dma_wait3A_915 : memref<128xf32, #tpu.memory_space<vmem>>)
      %dma_start3A_921 = arith.constant 11 : i32
      %dma_start3A_922 = arith.constant 0 : i32
      %dma_start3A_923 = tpu.memref_slice %arg12[%dma_start3A_921, %dma_start3A_922] : memref<16x128xf32, #tpu.memory_space<vmem>> -> memref<1x128xf32, #tpu.memory_space<vmem>>
      %dma_start3A_924 = tpu.memref_squeeze %dma_start3A_923 : memref<1x128xf32, #tpu.memory_space<vmem>> -> memref<128xf32, #tpu.memory_space<vmem>>
      %dma_start3A_925 = arith.constant 0 : i32
      %dma_start3A_926 = tpu.memref_slice %arg9[%add3A_889, %dma_start3A_925] : memref<80x128xi32, #tpu.memory_space<vmem>> -> memref<1x128xi32, #tpu.memory_space<vmem>>
      %dma_start3A_927 = tpu.memref_squeeze %dma_start3A_926 : memref<1x128xi32, #tpu.memory_space<vmem>> -> memref<128xi32, #tpu.memory_space<vmem>>
      %dma_start3A_928 = arith.constant 0 : i32
      %dma_start3A_929 = tpu.memref_slice %arg18[%dma_start3A_928] : memref<10240xf32, #tpu.memory_space<vmem_shared>> -> memref<10240xf32, #tpu.memory_space<vmem_shared>>
      tpu.enqueue_indirect_dma source(%dma_start3A_924 : memref<128xf32, #tpu.memory_space<vmem>>) target(%dma_start3A_929 : memref<10240xf32, #tpu.memory_space<vmem_shared>>) offsets(%dma_start3A_927 : memref<128xi32, #tpu.memory_space<vmem>>) semaphore(%arg16 : memref<!tpu.dma_semaphore, #tpu.memory_space<semaphore_mem>>) {add = true}
      %mul3A_930 = arith.constant 16 : i32
      %mul3A_931 = arith.muli %scan3A_19, %mul3A_930 : i32
      %add3A_932 = arith.constant 12 : i32
      %add3A_933 = arith.addi %mul3A_931, %add3A_932 : i32
      %dma_wait3A_934 = arith.constant 12 : i32
      %dma_wait3A_935 = arith.constant 0 : i32
      %dma_wait3A_936 = arith.constant 0 : i32
      %dma_wait3A_937 = tpu.memref_slice %arg11[%dma_wait3A_934, %dma_wait3A_935, %dma_wait3A_936] : memref<16x128x32xf32, #tpu.memory_space<vmem>> -> memref<1x128x32xf32, #tpu.memory_space<vmem>>
      %dma_wait3A_938 = tpu.memref_squeeze %dma_wait3A_937 : memref<1x128x32xf32, #tpu.memory_space<vmem>> -> memref<128x32xf32, #tpu.memory_space<vmem>>
      %dma_wait3A_939 = arith.constant 0 : i32
      %dma_wait3A_940 = tpu.memref_slice %arg9[%add3A_310, %dma_wait3A_939] : memref<80x128xi32, #tpu.memory_space<vmem>> -> memref<1x128xi32, #tpu.memory_space<vmem>>
      %dma_wait3A_941 = tpu.memref_squeeze %dma_wait3A_940 : memref<1x128xi32, #tpu.memory_space<vmem>> -> memref<128xi32, #tpu.memory_space<vmem>>
      %dma_wait3A_942 = arith.constant 0 : i32
      %dma_wait3A_943 = arith.constant 0 : i32
      %dma_wait3A_944 = tpu.memref_slice %arg3[%dma_wait3A_942, %dma_wait3A_943] : memref<10240x32xf32, #tpu.memory_space<hbm>> -> memref<10240x32xf32, #tpu.memory_space<hbm>>
      tpu.wait_indirect_dma semaphore(%arg13 : memref<!tpu.dma_semaphore, #tpu.memory_space<semaphore_mem>>) src(%dma_wait3A_944 : memref<10240x32xf32, #tpu.memory_space<hbm>>) dst(%dma_wait3A_938 : memref<128x32xf32, #tpu.memory_space<vmem>>)
      %dma_start3A_945 = arith.constant 12 : i32
      %dma_start3A_946 = arith.constant 0 : i32
      %dma_start3A_947 = arith.constant 0 : i32
      %dma_start3A_948 = tpu.memref_slice %arg11[%dma_start3A_945, %dma_start3A_946, %dma_start3A_947] : memref<16x128x32xf32, #tpu.memory_space<vmem>> -> memref<1x128x32xf32, #tpu.memory_space<vmem>>
      %dma_start3A_949 = tpu.memref_squeeze %dma_start3A_948 : memref<1x128x32xf32, #tpu.memory_space<vmem>> -> memref<128x32xf32, #tpu.memory_space<vmem>>
      %dma_start3A_950 = arith.constant 0 : i32
      %dma_start3A_951 = tpu.memref_slice %arg10[%add3A_933, %dma_start3A_950] : memref<80x128xi32, #tpu.memory_space<vmem>> -> memref<1x128xi32, #tpu.memory_space<vmem>>
      %dma_start3A_952 = tpu.memref_squeeze %dma_start3A_951 : memref<1x128xi32, #tpu.memory_space<vmem>> -> memref<128xi32, #tpu.memory_space<vmem>>
      %dma_start3A_953 = arith.constant 0 : i32
      %dma_start3A_954 = arith.constant 0 : i32
      %dma_start3A_955 = tpu.memref_slice %arg17[%dma_start3A_953, %dma_start3A_954] : memref<10240x32xf32, #tpu.memory_space<vmem_shared>> -> memref<10240x32xf32, #tpu.memory_space<vmem_shared>>
      tpu.enqueue_indirect_dma source(%dma_start3A_949 : memref<128x32xf32, #tpu.memory_space<vmem>>) target(%dma_start3A_955 : memref<10240x32xf32, #tpu.memory_space<vmem_shared>>) offsets(%dma_start3A_952 : memref<128xi32, #tpu.memory_space<vmem>>) semaphore(%arg15 : memref<!tpu.dma_semaphore, #tpu.memory_space<semaphore_mem>>) {add = true}
      %dma_wait3A_956 = arith.constant 12 : i32
      %dma_wait3A_957 = arith.constant 0 : i32
      %dma_wait3A_958 = tpu.memref_slice %arg12[%dma_wait3A_956, %dma_wait3A_957] : memref<16x128xf32, #tpu.memory_space<vmem>> -> memref<1x128xf32, #tpu.memory_space<vmem>>
      %dma_wait3A_959 = tpu.memref_squeeze %dma_wait3A_958 : memref<1x128xf32, #tpu.memory_space<vmem>> -> memref<128xf32, #tpu.memory_space<vmem>>
      %dma_wait3A_960 = arith.constant 0 : i32
      %dma_wait3A_961 = tpu.memref_slice %arg10[%add3A_310, %dma_wait3A_960] : memref<80x128xi32, #tpu.memory_space<vmem>> -> memref<1x128xi32, #tpu.memory_space<vmem>>
      %dma_wait3A_962 = tpu.memref_squeeze %dma_wait3A_961 : memref<1x128xi32, #tpu.memory_space<vmem>> -> memref<128xi32, #tpu.memory_space<vmem>>
      %dma_wait3A_963 = arith.constant 0 : i32
      %dma_wait3A_964 = tpu.memref_slice %arg4[%dma_wait3A_963] : memref<10240xf32, #tpu.memory_space<hbm>> -> memref<10240xf32, #tpu.memory_space<hbm>>
      tpu.wait_indirect_dma semaphore(%arg14 : memref<!tpu.dma_semaphore, #tpu.memory_space<semaphore_mem>>) src(%dma_wait3A_964 : memref<10240xf32, #tpu.memory_space<hbm>>) dst(%dma_wait3A_959 : memref<128xf32, #tpu.memory_space<vmem>>)
      %dma_start3A_965 = arith.constant 12 : i32
      %dma_start3A_966 = arith.constant 0 : i32
      %dma_start3A_967 = tpu.memref_slice %arg12[%dma_start3A_965, %dma_start3A_966] : memref<16x128xf32, #tpu.memory_space<vmem>> -> memref<1x128xf32, #tpu.memory_space<vmem>>
      %dma_start3A_968 = tpu.memref_squeeze %dma_start3A_967 : memref<1x128xf32, #tpu.memory_space<vmem>> -> memref<128xf32, #tpu.memory_space<vmem>>
      %dma_start3A_969 = arith.constant 0 : i32
      %dma_start3A_970 = tpu.memref_slice %arg9[%add3A_933, %dma_start3A_969] : memref<80x128xi32, #tpu.memory_space<vmem>> -> memref<1x128xi32, #tpu.memory_space<vmem>>
      %dma_start3A_971 = tpu.memref_squeeze %dma_start3A_970 : memref<1x128xi32, #tpu.memory_space<vmem>> -> memref<128xi32, #tpu.memory_space<vmem>>
      %dma_start3A_972 = arith.constant 0 : i32
      %dma_start3A_973 = tpu.memref_slice %arg18[%dma_start3A_972] : memref<10240xf32, #tpu.memory_space<vmem_shared>> -> memref<10240xf32, #tpu.memory_space<vmem_shared>>
      tpu.enqueue_indirect_dma source(%dma_start3A_968 : memref<128xf32, #tpu.memory_space<vmem>>) target(%dma_start3A_973 : memref<10240xf32, #tpu.memory_space<vmem_shared>>) offsets(%dma_start3A_971 : memref<128xi32, #tpu.memory_space<vmem>>) semaphore(%arg16 : memref<!tpu.dma_semaphore, #tpu.memory_space<semaphore_mem>>) {add = true}
      %mul3A_974 = arith.constant 16 : i32
      %mul3A_975 = arith.muli %scan3A_19, %mul3A_974 : i32
      %add3A_976 = arith.constant 13 : i32
      %add3A_977 = arith.addi %mul3A_975, %add3A_976 : i32
      %dma_wait3A_978 = arith.constant 13 : i32
      %dma_wait3A_979 = arith.constant 0 : i32
      %dma_wait3A_980 = arith.constant 0 : i32
      %dma_wait3A_981 = tpu.memref_slice %arg11[%dma_wait3A_978, %dma_wait3A_979, %dma_wait3A_980] : memref<16x128x32xf32, #tpu.memory_space<vmem>> -> memref<1x128x32xf32, #tpu.memory_space<vmem>>
      %dma_wait3A_982 = tpu.memref_squeeze %dma_wait3A_981 : memref<1x128x32xf32, #tpu.memory_space<vmem>> -> memref<128x32xf32, #tpu.memory_space<vmem>>
      %dma_wait3A_983 = arith.constant 0 : i32
      %dma_wait3A_984 = tpu.memref_slice %arg9[%add3A_334, %dma_wait3A_983] : memref<80x128xi32, #tpu.memory_space<vmem>> -> memref<1x128xi32, #tpu.memory_space<vmem>>
      %dma_wait3A_985 = tpu.memref_squeeze %dma_wait3A_984 : memref<1x128xi32, #tpu.memory_space<vmem>> -> memref<128xi32, #tpu.memory_space<vmem>>
      %dma_wait3A_986 = arith.constant 0 : i32
      %dma_wait3A_987 = arith.constant 0 : i32
      %dma_wait3A_988 = tpu.memref_slice %arg3[%dma_wait3A_986, %dma_wait3A_987] : memref<10240x32xf32, #tpu.memory_space<hbm>> -> memref<10240x32xf32, #tpu.memory_space<hbm>>
      tpu.wait_indirect_dma semaphore(%arg13 : memref<!tpu.dma_semaphore, #tpu.memory_space<semaphore_mem>>) src(%dma_wait3A_988 : memref<10240x32xf32, #tpu.memory_space<hbm>>) dst(%dma_wait3A_982 : memref<128x32xf32, #tpu.memory_space<vmem>>)
      %dma_start3A_989 = arith.constant 13 : i32
      %dma_start3A_990 = arith.constant 0 : i32
      %dma_start3A_991 = arith.constant 0 : i32
      %dma_start3A_992 = tpu.memref_slice %arg11[%dma_start3A_989, %dma_start3A_990, %dma_start3A_991] : memref<16x128x32xf32, #tpu.memory_space<vmem>> -> memref<1x128x32xf32, #tpu.memory_space<vmem>>
      %dma_start3A_993 = tpu.memref_squeeze %dma_start3A_992 : memref<1x128x32xf32, #tpu.memory_space<vmem>> -> memref<128x32xf32, #tpu.memory_space<vmem>>
      %dma_start3A_994 = arith.constant 0 : i32
      %dma_start3A_995 = tpu.memref_slice %arg10[%add3A_977, %dma_start3A_994] : memref<80x128xi32, #tpu.memory_space<vmem>> -> memref<1x128xi32, #tpu.memory_space<vmem>>
      %dma_start3A_996 = tpu.memref_squeeze %dma_start3A_995 : memref<1x128xi32, #tpu.memory_space<vmem>> -> memref<128xi32, #tpu.memory_space<vmem>>
      %dma_start3A_997 = arith.constant 0 : i32
      %dma_start3A_998 = arith.constant 0 : i32
      %dma_start3A_999 = tpu.memref_slice %arg17[%dma_start3A_997, %dma_start3A_998] : memref<10240x32xf32, #tpu.memory_space<vmem_shared>> -> memref<10240x32xf32, #tpu.memory_space<vmem_shared>>
      tpu.enqueue_indirect_dma source(%dma_start3A_993 : memref<128x32xf32, #tpu.memory_space<vmem>>) target(%dma_start3A_999 : memref<10240x32xf32, #tpu.memory_space<vmem_shared>>) offsets(%dma_start3A_996 : memref<128xi32, #tpu.memory_space<vmem>>) semaphore(%arg15 : memref<!tpu.dma_semaphore, #tpu.memory_space<semaphore_mem>>) {add = true}
      %dma_wait3A_1000 = arith.constant 13 : i32
      %dma_wait3A_1001 = arith.constant 0 : i32
      %dma_wait3A_1002 = tpu.memref_slice %arg12[%dma_wait3A_1000, %dma_wait3A_1001] : memref<16x128xf32, #tpu.memory_space<vmem>> -> memref<1x128xf32, #tpu.memory_space<vmem>>
      %dma_wait3A_1003 = tpu.memref_squeeze %dma_wait3A_1002 : memref<1x128xf32, #tpu.memory_space<vmem>> -> memref<128xf32, #tpu.memory_space<vmem>>
      %dma_wait3A_1004 = arith.constant 0 : i32
      %dma_wait3A_1005 = tpu.memref_slice %arg10[%add3A_334, %dma_wait3A_1004] : memref<80x128xi32, #tpu.memory_space<vmem>> -> memref<1x128xi32, #tpu.memory_space<vmem>>
      %dma_wait3A_1006 = tpu.memref_squeeze %dma_wait3A_1005 : memref<1x128xi32, #tpu.memory_space<vmem>> -> memref<128xi32, #tpu.memory_space<vmem>>
      %dma_wait3A_1007 = arith.constant 0 : i32
      %dma_wait3A_1008 = tpu.memref_slice %arg4[%dma_wait3A_1007] : memref<10240xf32, #tpu.memory_space<hbm>> -> memref<10240xf32, #tpu.memory_space<hbm>>
      tpu.wait_indirect_dma semaphore(%arg14 : memref<!tpu.dma_semaphore, #tpu.memory_space<semaphore_mem>>) src(%dma_wait3A_1008 : memref<10240xf32, #tpu.memory_space<hbm>>) dst(%dma_wait3A_1003 : memref<128xf32, #tpu.memory_space<vmem>>)
      %dma_start3A_1009 = arith.constant 13 : i32
      %dma_start3A_1010 = arith.constant 0 : i32
      %dma_start3A_1011 = tpu.memref_slice %arg12[%dma_start3A_1009, %dma_start3A_1010] : memref<16x128xf32, #tpu.memory_space<vmem>> -> memref<1x128xf32, #tpu.memory_space<vmem>>
      %dma_start3A_1012 = tpu.memref_squeeze %dma_start3A_1011 : memref<1x128xf32, #tpu.memory_space<vmem>> -> memref<128xf32, #tpu.memory_space<vmem>>
      %dma_start3A_1013 = arith.constant 0 : i32
      %dma_start3A_1014 = tpu.memref_slice %arg9[%add3A_977, %dma_start3A_1013] : memref<80x128xi32, #tpu.memory_space<vmem>> -> memref<1x128xi32, #tpu.memory_space<vmem>>
      %dma_start3A_1015 = tpu.memref_squeeze %dma_start3A_1014 : memref<1x128xi32, #tpu.memory_space<vmem>> -> memref<128xi32, #tpu.memory_space<vmem>>
      %dma_start3A_1016 = arith.constant 0 : i32
      %dma_start3A_1017 = tpu.memref_slice %arg18[%dma_start3A_1016] : memref<10240xf32, #tpu.memory_space<vmem_shared>> -> memref<10240xf32, #tpu.memory_space<vmem_shared>>
      tpu.enqueue_indirect_dma source(%dma_start3A_1012 : memref<128xf32, #tpu.memory_space<vmem>>) target(%dma_start3A_1017 : memref<10240xf32, #tpu.memory_space<vmem_shared>>) offsets(%dma_start3A_1015 : memref<128xi32, #tpu.memory_space<vmem>>) semaphore(%arg16 : memref<!tpu.dma_semaphore, #tpu.memory_space<semaphore_mem>>) {add = true}
      %mul3A_1018 = arith.constant 16 : i32
      %mul3A_1019 = arith.muli %scan3A_19, %mul3A_1018 : i32
      %add3A_1020 = arith.constant 14 : i32
      %add3A_1021 = arith.addi %mul3A_1019, %add3A_1020 : i32
      %dma_wait3A_1022 = arith.constant 14 : i32
      %dma_wait3A_1023 = arith.constant 0 : i32
      %dma_wait3A_1024 = arith.constant 0 : i32
      %dma_wait3A_1025 = tpu.memref_slice %arg11[%dma_wait3A_1022, %dma_wait3A_1023, %dma_wait3A_1024] : memref<16x128x32xf32, #tpu.memory_space<vmem>> -> memref<1x128x32xf32, #tpu.memory_space<vmem>>
      %dma_wait3A_1026 = tpu.memref_squeeze %dma_wait3A_1025 : memref<1x128x32xf32, #tpu.memory_space<vmem>> -> memref<128x32xf32, #tpu.memory_space<vmem>>
      %dma_wait3A_1027 = arith.constant 0 : i32
      %dma_wait3A_1028 = tpu.memref_slice %arg9[%add3A_358, %dma_wait3A_1027] : memref<80x128xi32, #tpu.memory_space<vmem>> -> memref<1x128xi32, #tpu.memory_space<vmem>>
      %dma_wait3A_1029 = tpu.memref_squeeze %dma_wait3A_1028 : memref<1x128xi32, #tpu.memory_space<vmem>> -> memref<128xi32, #tpu.memory_space<vmem>>
      %dma_wait3A_1030 = arith.constant 0 : i32
      %dma_wait3A_1031 = arith.constant 0 : i32
      %dma_wait3A_1032 = tpu.memref_slice %arg3[%dma_wait3A_1030, %dma_wait3A_1031] : memref<10240x32xf32, #tpu.memory_space<hbm>> -> memref<10240x32xf32, #tpu.memory_space<hbm>>
      tpu.wait_indirect_dma semaphore(%arg13 : memref<!tpu.dma_semaphore, #tpu.memory_space<semaphore_mem>>) src(%dma_wait3A_1032 : memref<10240x32xf32, #tpu.memory_space<hbm>>) dst(%dma_wait3A_1026 : memref<128x32xf32, #tpu.memory_space<vmem>>)
      %dma_start3A_1033 = arith.constant 14 : i32
      %dma_start3A_1034 = arith.constant 0 : i32
      %dma_start3A_1035 = arith.constant 0 : i32
      %dma_start3A_1036 = tpu.memref_slice %arg11[%dma_start3A_1033, %dma_start3A_1034, %dma_start3A_1035] : memref<16x128x32xf32, #tpu.memory_space<vmem>> -> memref<1x128x32xf32, #tpu.memory_space<vmem>>
      %dma_start3A_1037 = tpu.memref_squeeze %dma_start3A_1036 : memref<1x128x32xf32, #tpu.memory_space<vmem>> -> memref<128x32xf32, #tpu.memory_space<vmem>>
      %dma_start3A_1038 = arith.constant 0 : i32
      %dma_start3A_1039 = tpu.memref_slice %arg10[%add3A_1021, %dma_start3A_1038] : memref<80x128xi32, #tpu.memory_space<vmem>> -> memref<1x128xi32, #tpu.memory_space<vmem>>
      %dma_start3A_1040 = tpu.memref_squeeze %dma_start3A_1039 : memref<1x128xi32, #tpu.memory_space<vmem>> -> memref<128xi32, #tpu.memory_space<vmem>>
      %dma_start3A_1041 = arith.constant 0 : i32
      %dma_start3A_1042 = arith.constant 0 : i32
      %dma_start3A_1043 = tpu.memref_slice %arg17[%dma_start3A_1041, %dma_start3A_1042] : memref<10240x32xf32, #tpu.memory_space<vmem_shared>> -> memref<10240x32xf32, #tpu.memory_space<vmem_shared>>
      tpu.enqueue_indirect_dma source(%dma_start3A_1037 : memref<128x32xf32, #tpu.memory_space<vmem>>) target(%dma_start3A_1043 : memref<10240x32xf32, #tpu.memory_space<vmem_shared>>) offsets(%dma_start3A_1040 : memref<128xi32, #tpu.memory_space<vmem>>) semaphore(%arg15 : memref<!tpu.dma_semaphore, #tpu.memory_space<semaphore_mem>>) {add = true}
      %dma_wait3A_1044 = arith.constant 14 : i32
      %dma_wait3A_1045 = arith.constant 0 : i32
      %dma_wait3A_1046 = tpu.memref_slice %arg12[%dma_wait3A_1044, %dma_wait3A_1045] : memref<16x128xf32, #tpu.memory_space<vmem>> -> memref<1x128xf32, #tpu.memory_space<vmem>>
      %dma_wait3A_1047 = tpu.memref_squeeze %dma_wait3A_1046 : memref<1x128xf32, #tpu.memory_space<vmem>> -> memref<128xf32, #tpu.memory_space<vmem>>
      %dma_wait3A_1048 = arith.constant 0 : i32
      %dma_wait3A_1049 = tpu.memref_slice %arg10[%add3A_358, %dma_wait3A_1048] : memref<80x128xi32, #tpu.memory_space<vmem>> -> memref<1x128xi32, #tpu.memory_space<vmem>>
      %dma_wait3A_1050 = tpu.memref_squeeze %dma_wait3A_1049 : memref<1x128xi32, #tpu.memory_space<vmem>> -> memref<128xi32, #tpu.memory_space<vmem>>
      %dma_wait3A_1051 = arith.constant 0 : i32
      %dma_wait3A_1052 = tpu.memref_slice %arg4[%dma_wait3A_1051] : memref<10240xf32, #tpu.memory_space<hbm>> -> memref<10240xf32, #tpu.memory_space<hbm>>
      tpu.wait_indirect_dma semaphore(%arg14 : memref<!tpu.dma_semaphore, #tpu.memory_space<semaphore_mem>>) src(%dma_wait3A_1052 : memref<10240xf32, #tpu.memory_space<hbm>>) dst(%dma_wait3A_1047 : memref<128xf32, #tpu.memory_space<vmem>>)
      %dma_start3A_1053 = arith.constant 14 : i32
      %dma_start3A_1054 = arith.constant 0 : i32
      %dma_start3A_1055 = tpu.memref_slice %arg12[%dma_start3A_1053, %dma_start3A_1054] : memref<16x128xf32, #tpu.memory_space<vmem>> -> memref<1x128xf32, #tpu.memory_space<vmem>>
      %dma_start3A_1056 = tpu.memref_squeeze %dma_start3A_1055 : memref<1x128xf32, #tpu.memory_space<vmem>> -> memref<128xf32, #tpu.memory_space<vmem>>
      %dma_start3A_1057 = arith.constant 0 : i32
      %dma_start3A_1058 = tpu.memref_slice %arg9[%add3A_1021, %dma_start3A_1057] : memref<80x128xi32, #tpu.memory_space<vmem>> -> memref<1x128xi32, #tpu.memory_space<vmem>>
      %dma_start3A_1059 = tpu.memref_squeeze %dma_start3A_1058 : memref<1x128xi32, #tpu.memory_space<vmem>> -> memref<128xi32, #tpu.memory_space<vmem>>
      %dma_start3A_1060 = arith.constant 0 : i32
      %dma_start3A_1061 = tpu.memref_slice %arg18[%dma_start3A_1060] : memref<10240xf32, #tpu.memory_space<vmem_shared>> -> memref<10240xf32, #tpu.memory_space<vmem_shared>>
      tpu.enqueue_indirect_dma source(%dma_start3A_1056 : memref<128xf32, #tpu.memory_space<vmem>>) target(%dma_start3A_1061 : memref<10240xf32, #tpu.memory_space<vmem_shared>>) offsets(%dma_start3A_1059 : memref<128xi32, #tpu.memory_space<vmem>>) semaphore(%arg16 : memref<!tpu.dma_semaphore, #tpu.memory_space<semaphore_mem>>) {add = true}
      %mul3A_1062 = arith.constant 16 : i32
      %mul3A_1063 = arith.muli %scan3A_19, %mul3A_1062 : i32
      %add3A_1064 = arith.constant 15 : i32
      %add3A_1065 = arith.addi %mul3A_1063, %add3A_1064 : i32
      %dma_wait3A_1066 = arith.constant 15 : i32
      %dma_wait3A_1067 = arith.constant 0 : i32
      %dma_wait3A_1068 = arith.constant 0 : i32
      %dma_wait3A_1069 = tpu.memref_slice %arg11[%dma_wait3A_1066, %dma_wait3A_1067, %dma_wait3A_1068] : memref<16x128x32xf32, #tpu.memory_space<vmem>> -> memref<1x128x32xf32, #tpu.memory_space<vmem>>
      %dma_wait3A_1070 = tpu.memref_squeeze %dma_wait3A_1069 : memref<1x128x32xf32, #tpu.memory_space<vmem>> -> memref<128x32xf32, #tpu.memory_space<vmem>>
      %dma_wait3A_1071 = arith.constant 0 : i32
      %dma_wait3A_1072 = tpu.memref_slice %arg9[%add3A_382, %dma_wait3A_1071] : memref<80x128xi32, #tpu.memory_space<vmem>> -> memref<1x128xi32, #tpu.memory_space<vmem>>
      %dma_wait3A_1073 = tpu.memref_squeeze %dma_wait3A_1072 : memref<1x128xi32, #tpu.memory_space<vmem>> -> memref<128xi32, #tpu.memory_space<vmem>>
      %dma_wait3A_1074 = arith.constant 0 : i32
      %dma_wait3A_1075 = arith.constant 0 : i32
      %dma_wait3A_1076 = tpu.memref_slice %arg3[%dma_wait3A_1074, %dma_wait3A_1075] : memref<10240x32xf32, #tpu.memory_space<hbm>> -> memref<10240x32xf32, #tpu.memory_space<hbm>>
      tpu.wait_indirect_dma semaphore(%arg13 : memref<!tpu.dma_semaphore, #tpu.memory_space<semaphore_mem>>) src(%dma_wait3A_1076 : memref<10240x32xf32, #tpu.memory_space<hbm>>) dst(%dma_wait3A_1070 : memref<128x32xf32, #tpu.memory_space<vmem>>)
      %dma_start3A_1077 = arith.constant 15 : i32
      %dma_start3A_1078 = arith.constant 0 : i32
      %dma_start3A_1079 = arith.constant 0 : i32
      %dma_start3A_1080 = tpu.memref_slice %arg11[%dma_start3A_1077, %dma_start3A_1078, %dma_start3A_1079] : memref<16x128x32xf32, #tpu.memory_space<vmem>> -> memref<1x128x32xf32, #tpu.memory_space<vmem>>
      %dma_start3A_1081 = tpu.memref_squeeze %dma_start3A_1080 : memref<1x128x32xf32, #tpu.memory_space<vmem>> -> memref<128x32xf32, #tpu.memory_space<vmem>>
      %dma_start3A_1082 = arith.constant 0 : i32
      %dma_start3A_1083 = tpu.memref_slice %arg10[%add3A_1065, %dma_start3A_1082] : memref<80x128xi32, #tpu.memory_space<vmem>> -> memref<1x128xi32, #tpu.memory_space<vmem>>
      %dma_start3A_1084 = tpu.memref_squeeze %dma_start3A_1083 : memref<1x128xi32, #tpu.memory_space<vmem>> -> memref<128xi32, #tpu.memory_space<vmem>>
      %dma_start3A_1085 = arith.constant 0 : i32
      %dma_start3A_1086 = arith.constant 0 : i32
      %dma_start3A_1087 = tpu.memref_slice %arg17[%dma_start3A_1085, %dma_start3A_1086] : memref<10240x32xf32, #tpu.memory_space<vmem_shared>> -> memref<10240x32xf32, #tpu.memory_space<vmem_shared>>
      tpu.enqueue_indirect_dma source(%dma_start3A_1081 : memref<128x32xf32, #tpu.memory_space<vmem>>) target(%dma_start3A_1087 : memref<10240x32xf32, #tpu.memory_space<vmem_shared>>) offsets(%dma_start3A_1084 : memref<128xi32, #tpu.memory_space<vmem>>) semaphore(%arg15 : memref<!tpu.dma_semaphore, #tpu.memory_space<semaphore_mem>>) {add = true}
      %dma_wait3A_1088 = arith.constant 15 : i32
      %dma_wait3A_1089 = arith.constant 0 : i32
      %dma_wait3A_1090 = tpu.memref_slice %arg12[%dma_wait3A_1088, %dma_wait3A_1089] : memref<16x128xf32, #tpu.memory_space<vmem>> -> memref<1x128xf32, #tpu.memory_space<vmem>>
      %dma_wait3A_1091 = tpu.memref_squeeze %dma_wait3A_1090 : memref<1x128xf32, #tpu.memory_space<vmem>> -> memref<128xf32, #tpu.memory_space<vmem>>
      %dma_wait3A_1092 = arith.constant 0 : i32
      %dma_wait3A_1093 = tpu.memref_slice %arg10[%add3A_382, %dma_wait3A_1092] : memref<80x128xi32, #tpu.memory_space<vmem>> -> memref<1x128xi32, #tpu.memory_space<vmem>>
      %dma_wait3A_1094 = tpu.memref_squeeze %dma_wait3A_1093 : memref<1x128xi32, #tpu.memory_space<vmem>> -> memref<128xi32, #tpu.memory_space<vmem>>
      %dma_wait3A_1095 = arith.constant 0 : i32
      %dma_wait3A_1096 = tpu.memref_slice %arg4[%dma_wait3A_1095] : memref<10240xf32, #tpu.memory_space<hbm>> -> memref<10240xf32, #tpu.memory_space<hbm>>
      tpu.wait_indirect_dma semaphore(%arg14 : memref<!tpu.dma_semaphore, #tpu.memory_space<semaphore_mem>>) src(%dma_wait3A_1096 : memref<10240xf32, #tpu.memory_space<hbm>>) dst(%dma_wait3A_1091 : memref<128xf32, #tpu.memory_space<vmem>>)
      %dma_start3A_1097 = arith.constant 15 : i32
      %dma_start3A_1098 = arith.constant 0 : i32
      %dma_start3A_1099 = tpu.memref_slice %arg12[%dma_start3A_1097, %dma_start3A_1098] : memref<16x128xf32, #tpu.memory_space<vmem>> -> memref<1x128xf32, #tpu.memory_space<vmem>>
      %dma_start3A_1100 = tpu.memref_squeeze %dma_start3A_1099 : memref<1x128xf32, #tpu.memory_space<vmem>> -> memref<128xf32, #tpu.memory_space<vmem>>
      %dma_start3A_1101 = arith.constant 0 : i32
      %dma_start3A_1102 = tpu.memref_slice %arg9[%add3A_1065, %dma_start3A_1101] : memref<80x128xi32, #tpu.memory_space<vmem>> -> memref<1x128xi32, #tpu.memory_space<vmem>>
      %dma_start3A_1103 = tpu.memref_squeeze %dma_start3A_1102 : memref<1x128xi32, #tpu.memory_space<vmem>> -> memref<128xi32, #tpu.memory_space<vmem>>
      %dma_start3A_1104 = arith.constant 0 : i32
      %dma_start3A_1105 = tpu.memref_slice %arg18[%dma_start3A_1104] : memref<10240xf32, #tpu.memory_space<vmem_shared>> -> memref<10240xf32, #tpu.memory_space<vmem_shared>>
      tpu.enqueue_indirect_dma source(%dma_start3A_1100 : memref<128xf32, #tpu.memory_space<vmem>>) target(%dma_start3A_1105 : memref<10240xf32, #tpu.memory_space<vmem_shared>>) offsets(%dma_start3A_1103 : memref<128xi32, #tpu.memory_space<vmem>>) semaphore(%arg16 : memref<!tpu.dma_semaphore, #tpu.memory_space<semaphore_mem>>) {add = true}
      %dma_wait3A_1106 = arith.constant 0 : i32
      %dma_wait3A_1107 = arith.constant 0 : i32
      %dma_wait3A_1108 = arith.constant 0 : i32
      %dma_wait3A_1109 = tpu.memref_slice %arg11[%dma_wait3A_1106, %dma_wait3A_1107, %dma_wait3A_1108] : memref<16x128x32xf32, #tpu.memory_space<vmem>> -> memref<1x128x32xf32, #tpu.memory_space<vmem>>
      %dma_wait3A_1110 = tpu.memref_squeeze %dma_wait3A_1109 : memref<1x128x32xf32, #tpu.memory_space<vmem>> -> memref<128x32xf32, #tpu.memory_space<vmem>>
      %dma_wait3A_1111 = arith.constant 0 : i32
      %dma_wait3A_1112 = tpu.memref_slice %arg10[%add3A_406, %dma_wait3A_1111] : memref<80x128xi32, #tpu.memory_space<vmem>> -> memref<1x128xi32, #tpu.memory_space<vmem>>
      %dma_wait3A_1113 = tpu.memref_squeeze %dma_wait3A_1112 : memref<1x128xi32, #tpu.memory_space<vmem>> -> memref<128xi32, #tpu.memory_space<vmem>>
      %dma_wait3A_1114 = arith.constant 0 : i32
      %dma_wait3A_1115 = arith.constant 0 : i32
      %dma_wait3A_1116 = tpu.memref_slice %arg17[%dma_wait3A_1114, %dma_wait3A_1115] : memref<10240x32xf32, #tpu.memory_space<vmem_shared>> -> memref<10240x32xf32, #tpu.memory_space<vmem_shared>>
      tpu.wait_indirect_dma semaphore(%arg15 : memref<!tpu.dma_semaphore, #tpu.memory_space<semaphore_mem>>) src(%dma_wait3A_1110 : memref<128x32xf32, #tpu.memory_space<vmem>>) dst(%dma_wait3A_1116 : memref<10240x32xf32, #tpu.memory_space<vmem_shared>>)
      %dma_wait3A_1117 = arith.constant 0 : i32
      %dma_wait3A_1118 = arith.constant 0 : i32
      %dma_wait3A_1119 = tpu.memref_slice %arg12[%dma_wait3A_1117, %dma_wait3A_1118] : memref<16x128xf32, #tpu.memory_space<vmem>> -> memref<1x128xf32, #tpu.memory_space<vmem>>
      %dma_wait3A_1120 = tpu.memref_squeeze %dma_wait3A_1119 : memref<1x128xf32, #tpu.memory_space<vmem>> -> memref<128xf32, #tpu.memory_space<vmem>>
      %dma_wait3A_1121 = arith.constant 0 : i32
      %dma_wait3A_1122 = tpu.memref_slice %arg9[%add3A_406, %dma_wait3A_1121] : memref<80x128xi32, #tpu.memory_space<vmem>> -> memref<1x128xi32, #tpu.memory_space<vmem>>
      %dma_wait3A_1123 = tpu.memref_squeeze %dma_wait3A_1122 : memref<1x128xi32, #tpu.memory_space<vmem>> -> memref<128xi32, #tpu.memory_space<vmem>>
      %dma_wait3A_1124 = arith.constant 0 : i32
      %dma_wait3A_1125 = tpu.memref_slice %arg18[%dma_wait3A_1124] : memref<10240xf32, #tpu.memory_space<vmem_shared>> -> memref<10240xf32, #tpu.memory_space<vmem_shared>>
      tpu.wait_indirect_dma semaphore(%arg16 : memref<!tpu.dma_semaphore, #tpu.memory_space<semaphore_mem>>) src(%dma_wait3A_1120 : memref<128xf32, #tpu.memory_space<vmem>>) dst(%dma_wait3A_1125 : memref<10240xf32, #tpu.memory_space<vmem_shared>>)
      %dma_wait3A_1126 = arith.constant 1 : i32
      %dma_wait3A_1127 = arith.constant 0 : i32
      %dma_wait3A_1128 = arith.constant 0 : i32
      %dma_wait3A_1129 = tpu.memref_slice %arg11[%dma_wait3A_1126, %dma_wait3A_1127, %dma_wait3A_1128] : memref<16x128x32xf32, #tpu.memory_space<vmem>> -> memref<1x128x32xf32, #tpu.memory_space<vmem>>
      %dma_wait3A_1130 = tpu.memref_squeeze %dma_wait3A_1129 : memref<1x128x32xf32, #tpu.memory_space<vmem>> -> memref<128x32xf32, #tpu.memory_space<vmem>>
      %dma_wait3A_1131 = arith.constant 0 : i32
      %dma_wait3A_1132 = tpu.memref_slice %arg10[%add3A_449, %dma_wait3A_1131] : memref<80x128xi32, #tpu.memory_space<vmem>> -> memref<1x128xi32, #tpu.memory_space<vmem>>
      %dma_wait3A_1133 = tpu.memref_squeeze %dma_wait3A_1132 : memref<1x128xi32, #tpu.memory_space<vmem>> -> memref<128xi32, #tpu.memory_space<vmem>>
      %dma_wait3A_1134 = arith.constant 0 : i32
      %dma_wait3A_1135 = arith.constant 0 : i32
      %dma_wait3A_1136 = tpu.memref_slice %arg17[%dma_wait3A_1134, %dma_wait3A_1135] : memref<10240x32xf32, #tpu.memory_space<vmem_shared>> -> memref<10240x32xf32, #tpu.memory_space<vmem_shared>>
      tpu.wait_indirect_dma semaphore(%arg15 : memref<!tpu.dma_semaphore, #tpu.memory_space<semaphore_mem>>) src(%dma_wait3A_1130 : memref<128x32xf32, #tpu.memory_space<vmem>>) dst(%dma_wait3A_1136 : memref<10240x32xf32, #tpu.memory_space<vmem_shared>>)
      %dma_wait3A_1137 = arith.constant 1 : i32
      %dma_wait3A_1138 = arith.constant 0 : i32
      %dma_wait3A_1139 = tpu.memref_slice %arg12[%dma_wait3A_1137, %dma_wait3A_1138] : memref<16x128xf32, #tpu.memory_space<vmem>> -> memref<1x128xf32, #tpu.memory_space<vmem>>
      %dma_wait3A_1140 = tpu.memref_squeeze %dma_wait3A_1139 : memref<1x128xf32, #tpu.memory_space<vmem>> -> memref<128xf32, #tpu.memory_space<vmem>>
      %dma_wait3A_1141 = arith.constant 0 : i32
      %dma_wait3A_1142 = tpu.memref_slice %arg9[%add3A_449, %dma_wait3A_1141] : memref<80x128xi32, #tpu.memory_space<vmem>> -> memref<1x128xi32, #tpu.memory_space<vmem>>
      %dma_wait3A_1143 = tpu.memref_squeeze %dma_wait3A_1142 : memref<1x128xi32, #tpu.memory_space<vmem>> -> memref<128xi32, #tpu.memory_space<vmem>>
      %dma_wait3A_1144 = arith.constant 0 : i32
      %dma_wait3A_1145 = tpu.memref_slice %arg18[%dma_wait3A_1144] : memref<10240xf32, #tpu.memory_space<vmem_shared>> -> memref<10240xf32, #tpu.memory_space<vmem_shared>>
      tpu.wait_indirect_dma semaphore(%arg16 : memref<!tpu.dma_semaphore, #tpu.memory_space<semaphore_mem>>) src(%dma_wait3A_1140 : memref<128xf32, #tpu.memory_space<vmem>>) dst(%dma_wait3A_1145 : memref<10240xf32, #tpu.memory_space<vmem_shared>>)
      %dma_wait3A_1146 = arith.constant 2 : i32
      %dma_wait3A_1147 = arith.constant 0 : i32
      %dma_wait3A_1148 = arith.constant 0 : i32
      %dma_wait3A_1149 = tpu.memref_slice %arg11[%dma_wait3A_1146, %dma_wait3A_1147, %dma_wait3A_1148] : memref<16x128x32xf32, #tpu.memory_space<vmem>> -> memref<1x128x32xf32, #tpu.memory_space<vmem>>
      %dma_wait3A_1150 = tpu.memref_squeeze %dma_wait3A_1149 : memref<1x128x32xf32, #tpu.memory_space<vmem>> -> memref<128x32xf32, #tpu.memory_space<vmem>>
      %dma_wait3A_1151 = arith.constant 0 : i32
      %dma_wait3A_1152 = tpu.memref_slice %arg10[%add3A_493, %dma_wait3A_1151] : memref<80x128xi32, #tpu.memory_space<vmem>> -> memref<1x128xi32, #tpu.memory_space<vmem>>
      %dma_wait3A_1153 = tpu.memref_squeeze %dma_wait3A_1152 : memref<1x128xi32, #tpu.memory_space<vmem>> -> memref<128xi32, #tpu.memory_space<vmem>>
      %dma_wait3A_1154 = arith.constant 0 : i32
      %dma_wait3A_1155 = arith.constant 0 : i32
      %dma_wait3A_1156 = tpu.memref_slice %arg17[%dma_wait3A_1154, %dma_wait3A_1155] : memref<10240x32xf32, #tpu.memory_space<vmem_shared>> -> memref<10240x32xf32, #tpu.memory_space<vmem_shared>>
      tpu.wait_indirect_dma semaphore(%arg15 : memref<!tpu.dma_semaphore, #tpu.memory_space<semaphore_mem>>) src(%dma_wait3A_1150 : memref<128x32xf32, #tpu.memory_space<vmem>>) dst(%dma_wait3A_1156 : memref<10240x32xf32, #tpu.memory_space<vmem_shared>>)
      %dma_wait3A_1157 = arith.constant 2 : i32
      %dma_wait3A_1158 = arith.constant 0 : i32
      %dma_wait3A_1159 = tpu.memref_slice %arg12[%dma_wait3A_1157, %dma_wait3A_1158] : memref<16x128xf32, #tpu.memory_space<vmem>> -> memref<1x128xf32, #tpu.memory_space<vmem>>
      %dma_wait3A_1160 = tpu.memref_squeeze %dma_wait3A_1159 : memref<1x128xf32, #tpu.memory_space<vmem>> -> memref<128xf32, #tpu.memory_space<vmem>>
      %dma_wait3A_1161 = arith.constant 0 : i32
      %dma_wait3A_1162 = tpu.memref_slice %arg9[%add3A_493, %dma_wait3A_1161] : memref<80x128xi32, #tpu.memory_space<vmem>> -> memref<1x128xi32, #tpu.memory_space<vmem>>
      %dma_wait3A_1163 = tpu.memref_squeeze %dma_wait3A_1162 : memref<1x128xi32, #tpu.memory_space<vmem>> -> memref<128xi32, #tpu.memory_space<vmem>>
      %dma_wait3A_1164 = arith.constant 0 : i32
      %dma_wait3A_1165 = tpu.memref_slice %arg18[%dma_wait3A_1164] : memref<10240xf32, #tpu.memory_space<vmem_shared>> -> memref<10240xf32, #tpu.memory_space<vmem_shared>>
      tpu.wait_indirect_dma semaphore(%arg16 : memref<!tpu.dma_semaphore, #tpu.memory_space<semaphore_mem>>) src(%dma_wait3A_1160 : memref<128xf32, #tpu.memory_space<vmem>>) dst(%dma_wait3A_1165 : memref<10240xf32, #tpu.memory_space<vmem_shared>>)
      %dma_wait3A_1166 = arith.constant 3 : i32
      %dma_wait3A_1167 = arith.constant 0 : i32
      %dma_wait3A_1168 = arith.constant 0 : i32
      %dma_wait3A_1169 = tpu.memref_slice %arg11[%dma_wait3A_1166, %dma_wait3A_1167, %dma_wait3A_1168] : memref<16x128x32xf32, #tpu.memory_space<vmem>> -> memref<1x128x32xf32, #tpu.memory_space<vmem>>
      %dma_wait3A_1170 = tpu.memref_squeeze %dma_wait3A_1169 : memref<1x128x32xf32, #tpu.memory_space<vmem>> -> memref<128x32xf32, #tpu.memory_space<vmem>>
      %dma_wait3A_1171 = arith.constant 0 : i32
      %dma_wait3A_1172 = tpu.memref_slice %arg10[%add3A_537, %dma_wait3A_1171] : memref<80x128xi32, #tpu.memory_space<vmem>> -> memref<1x128xi32, #tpu.memory_space<vmem>>
      %dma_wait3A_1173 = tpu.memref_squeeze %dma_wait3A_1172 : memref<1x128xi32, #tpu.memory_space<vmem>> -> memref<128xi32, #tpu.memory_space<vmem>>
      %dma_wait3A_1174 = arith.constant 0 : i32
      %dma_wait3A_1175 = arith.constant 0 : i32
      %dma_wait3A_1176 = tpu.memref_slice %arg17[%dma_wait3A_1174, %dma_wait3A_1175] : memref<10240x32xf32, #tpu.memory_space<vmem_shared>> -> memref<10240x32xf32, #tpu.memory_space<vmem_shared>>
      tpu.wait_indirect_dma semaphore(%arg15 : memref<!tpu.dma_semaphore, #tpu.memory_space<semaphore_mem>>) src(%dma_wait3A_1170 : memref<128x32xf32, #tpu.memory_space<vmem>>) dst(%dma_wait3A_1176 : memref<10240x32xf32, #tpu.memory_space<vmem_shared>>)
      %dma_wait3A_1177 = arith.constant 3 : i32
      %dma_wait3A_1178 = arith.constant 0 : i32
      %dma_wait3A_1179 = tpu.memref_slice %arg12[%dma_wait3A_1177, %dma_wait3A_1178] : memref<16x128xf32, #tpu.memory_space<vmem>> -> memref<1x128xf32, #tpu.memory_space<vmem>>
      %dma_wait3A_1180 = tpu.memref_squeeze %dma_wait3A_1179 : memref<1x128xf32, #tpu.memory_space<vmem>> -> memref<128xf32, #tpu.memory_space<vmem>>
      %dma_wait3A_1181 = arith.constant 0 : i32
      %dma_wait3A_1182 = tpu.memref_slice %arg9[%add3A_537, %dma_wait3A_1181] : memref<80x128xi32, #tpu.memory_space<vmem>> -> memref<1x128xi32, #tpu.memory_space<vmem>>
      %dma_wait3A_1183 = tpu.memref_squeeze %dma_wait3A_1182 : memref<1x128xi32, #tpu.memory_space<vmem>> -> memref<128xi32, #tpu.memory_space<vmem>>
      %dma_wait3A_1184 = arith.constant 0 : i32
      %dma_wait3A_1185 = tpu.memref_slice %arg18[%dma_wait3A_1184] : memref<10240xf32, #tpu.memory_space<vmem_shared>> -> memref<10240xf32, #tpu.memory_space<vmem_shared>>
      tpu.wait_indirect_dma semaphore(%arg16 : memref<!tpu.dma_semaphore, #tpu.memory_space<semaphore_mem>>) src(%dma_wait3A_1180 : memref<128xf32, #tpu.memory_space<vmem>>) dst(%dma_wait3A_1185 : memref<10240xf32, #tpu.memory_space<vmem_shared>>)
      %dma_wait3A_1186 = arith.constant 4 : i32
      %dma_wait3A_1187 = arith.constant 0 : i32
      %dma_wait3A_1188 = arith.constant 0 : i32
      %dma_wait3A_1189 = tpu.memref_slice %arg11[%dma_wait3A_1186, %dma_wait3A_1187, %dma_wait3A_1188] : memref<16x128x32xf32, #tpu.memory_space<vmem>> -> memref<1x128x32xf32, #tpu.memory_space<vmem>>
      %dma_wait3A_1190 = tpu.memref_squeeze %dma_wait3A_1189 : memref<1x128x32xf32, #tpu.memory_space<vmem>> -> memref<128x32xf32, #tpu.memory_space<vmem>>
      %dma_wait3A_1191 = arith.constant 0 : i32
      %dma_wait3A_1192 = tpu.memref_slice %arg10[%add3A_581, %dma_wait3A_1191] : memref<80x128xi32, #tpu.memory_space<vmem>> -> memref<1x128xi32, #tpu.memory_space<vmem>>
      %dma_wait3A_1193 = tpu.memref_squeeze %dma_wait3A_1192 : memref<1x128xi32, #tpu.memory_space<vmem>> -> memref<128xi32, #tpu.memory_space<vmem>>
      %dma_wait3A_1194 = arith.constant 0 : i32
      %dma_wait3A_1195 = arith.constant 0 : i32
      %dma_wait3A_1196 = tpu.memref_slice %arg17[%dma_wait3A_1194, %dma_wait3A_1195] : memref<10240x32xf32, #tpu.memory_space<vmem_shared>> -> memref<10240x32xf32, #tpu.memory_space<vmem_shared>>
      tpu.wait_indirect_dma semaphore(%arg15 : memref<!tpu.dma_semaphore, #tpu.memory_space<semaphore_mem>>) src(%dma_wait3A_1190 : memref<128x32xf32, #tpu.memory_space<vmem>>) dst(%dma_wait3A_1196 : memref<10240x32xf32, #tpu.memory_space<vmem_shared>>)
      %dma_wait3A_1197 = arith.constant 4 : i32
      %dma_wait3A_1198 = arith.constant 0 : i32
      %dma_wait3A_1199 = tpu.memref_slice %arg12[%dma_wait3A_1197, %dma_wait3A_1198] : memref<16x128xf32, #tpu.memory_space<vmem>> -> memref<1x128xf32, #tpu.memory_space<vmem>>
      %dma_wait3A_1200 = tpu.memref_squeeze %dma_wait3A_1199 : memref<1x128xf32, #tpu.memory_space<vmem>> -> memref<128xf32, #tpu.memory_space<vmem>>
      %dma_wait3A_1201 = arith.constant 0 : i32
      %dma_wait3A_1202 = tpu.memref_slice %arg9[%add3A_581, %dma_wait3A_1201] : memref<80x128xi32, #tpu.memory_space<vmem>> -> memref<1x128xi32, #tpu.memory_space<vmem>>
      %dma_wait3A_1203 = tpu.memref_squeeze %dma_wait3A_1202 : memref<1x128xi32, #tpu.memory_space<vmem>> -> memref<128xi32, #tpu.memory_space<vmem>>
      %dma_wait3A_1204 = arith.constant 0 : i32
      %dma_wait3A_1205 = tpu.memref_slice %arg18[%dma_wait3A_1204] : memref<10240xf32, #tpu.memory_space<vmem_shared>> -> memref<10240xf32, #tpu.memory_space<vmem_shared>>
      tpu.wait_indirect_dma semaphore(%arg16 : memref<!tpu.dma_semaphore, #tpu.memory_space<semaphore_mem>>) src(%dma_wait3A_1200 : memref<128xf32, #tpu.memory_space<vmem>>) dst(%dma_wait3A_1205 : memref<10240xf32, #tpu.memory_space<vmem_shared>>)
      %dma_wait3A_1206 = arith.constant 5 : i32
      %dma_wait3A_1207 = arith.constant 0 : i32
      %dma_wait3A_1208 = arith.constant 0 : i32
      %dma_wait3A_1209 = tpu.memref_slice %arg11[%dma_wait3A_1206, %dma_wait3A_1207, %dma_wait3A_1208] : memref<16x128x32xf32, #tpu.memory_space<vmem>> -> memref<1x128x32xf32, #tpu.memory_space<vmem>>
      %dma_wait3A_1210 = tpu.memref_squeeze %dma_wait3A_1209 : memref<1x128x32xf32, #tpu.memory_space<vmem>> -> memref<128x32xf32, #tpu.memory_space<vmem>>
      %dma_wait3A_1211 = arith.constant 0 : i32
      %dma_wait3A_1212 = tpu.memref_slice %arg10[%add3A_625, %dma_wait3A_1211] : memref<80x128xi32, #tpu.memory_space<vmem>> -> memref<1x128xi32, #tpu.memory_space<vmem>>
      %dma_wait3A_1213 = tpu.memref_squeeze %dma_wait3A_1212 : memref<1x128xi32, #tpu.memory_space<vmem>> -> memref<128xi32, #tpu.memory_space<vmem>>
      %dma_wait3A_1214 = arith.constant 0 : i32
      %dma_wait3A_1215 = arith.constant 0 : i32
      %dma_wait3A_1216 = tpu.memref_slice %arg17[%dma_wait3A_1214, %dma_wait3A_1215] : memref<10240x32xf32, #tpu.memory_space<vmem_shared>> -> memref<10240x32xf32, #tpu.memory_space<vmem_shared>>
      tpu.wait_indirect_dma semaphore(%arg15 : memref<!tpu.dma_semaphore, #tpu.memory_space<semaphore_mem>>) src(%dma_wait3A_1210 : memref<128x32xf32, #tpu.memory_space<vmem>>) dst(%dma_wait3A_1216 : memref<10240x32xf32, #tpu.memory_space<vmem_shared>>)
      %dma_wait3A_1217 = arith.constant 5 : i32
      %dma_wait3A_1218 = arith.constant 0 : i32
      %dma_wait3A_1219 = tpu.memref_slice %arg12[%dma_wait3A_1217, %dma_wait3A_1218] : memref<16x128xf32, #tpu.memory_space<vmem>> -> memref<1x128xf32, #tpu.memory_space<vmem>>
      %dma_wait3A_1220 = tpu.memref_squeeze %dma_wait3A_1219 : memref<1x128xf32, #tpu.memory_space<vmem>> -> memref<128xf32, #tpu.memory_space<vmem>>
      %dma_wait3A_1221 = arith.constant 0 : i32
      %dma_wait3A_1222 = tpu.memref_slice %arg9[%add3A_625, %dma_wait3A_1221] : memref<80x128xi32, #tpu.memory_space<vmem>> -> memref<1x128xi32, #tpu.memory_space<vmem>>
      %dma_wait3A_1223 = tpu.memref_squeeze %dma_wait3A_1222 : memref<1x128xi32, #tpu.memory_space<vmem>> -> memref<128xi32, #tpu.memory_space<vmem>>
      %dma_wait3A_1224 = arith.constant 0 : i32
      %dma_wait3A_1225 = tpu.memref_slice %arg18[%dma_wait3A_1224] : memref<10240xf32, #tpu.memory_space<vmem_shared>> -> memref<10240xf32, #tpu.memory_space<vmem_shared>>
      tpu.wait_indirect_dma semaphore(%arg16 : memref<!tpu.dma_semaphore, #tpu.memory_space<semaphore_mem>>) src(%dma_wait3A_1220 : memref<128xf32, #tpu.memory_space<vmem>>) dst(%dma_wait3A_1225 : memref<10240xf32, #tpu.memory_space<vmem_shared>>)
      %dma_wait3A_1226 = arith.constant 6 : i32
      %dma_wait3A_1227 = arith.constant 0 : i32
      %dma_wait3A_1228 = arith.constant 0 : i32
      %dma_wait3A_1229 = tpu.memref_slice %arg11[%dma_wait3A_1226, %dma_wait3A_1227, %dma_wait3A_1228] : memref<16x128x32xf32, #tpu.memory_space<vmem>> -> memref<1x128x32xf32, #tpu.memory_space<vmem>>
      %dma_wait3A_1230 = tpu.memref_squeeze %dma_wait3A_1229 : memref<1x128x32xf32, #tpu.memory_space<vmem>> -> memref<128x32xf32, #tpu.memory_space<vmem>>
      %dma_wait3A_1231 = arith.constant 0 : i32
      %dma_wait3A_1232 = tpu.memref_slice %arg10[%add3A_669, %dma_wait3A_1231] : memref<80x128xi32, #tpu.memory_space<vmem>> -> memref<1x128xi32, #tpu.memory_space<vmem>>
      %dma_wait3A_1233 = tpu.memref_squeeze %dma_wait3A_1232 : memref<1x128xi32, #tpu.memory_space<vmem>> -> memref<128xi32, #tpu.memory_space<vmem>>
      %dma_wait3A_1234 = arith.constant 0 : i32
      %dma_wait3A_1235 = arith.constant 0 : i32
      %dma_wait3A_1236 = tpu.memref_slice %arg17[%dma_wait3A_1234, %dma_wait3A_1235] : memref<10240x32xf32, #tpu.memory_space<vmem_shared>> -> memref<10240x32xf32, #tpu.memory_space<vmem_shared>>
      tpu.wait_indirect_dma semaphore(%arg15 : memref<!tpu.dma_semaphore, #tpu.memory_space<semaphore_mem>>) src(%dma_wait3A_1230 : memref<128x32xf32, #tpu.memory_space<vmem>>) dst(%dma_wait3A_1236 : memref<10240x32xf32, #tpu.memory_space<vmem_shared>>)
      %dma_wait3A_1237 = arith.constant 6 : i32
      %dma_wait3A_1238 = arith.constant 0 : i32
      %dma_wait3A_1239 = tpu.memref_slice %arg12[%dma_wait3A_1237, %dma_wait3A_1238] : memref<16x128xf32, #tpu.memory_space<vmem>> -> memref<1x128xf32, #tpu.memory_space<vmem>>
      %dma_wait3A_1240 = tpu.memref_squeeze %dma_wait3A_1239 : memref<1x128xf32, #tpu.memory_space<vmem>> -> memref<128xf32, #tpu.memory_space<vmem>>
      %dma_wait3A_1241 = arith.constant 0 : i32
      %dma_wait3A_1242 = tpu.memref_slice %arg9[%add3A_669, %dma_wait3A_1241] : memref<80x128xi32, #tpu.memory_space<vmem>> -> memref<1x128xi32, #tpu.memory_space<vmem>>
      %dma_wait3A_1243 = tpu.memref_squeeze %dma_wait3A_1242 : memref<1x128xi32, #tpu.memory_space<vmem>> -> memref<128xi32, #tpu.memory_space<vmem>>
      %dma_wait3A_1244 = arith.constant 0 : i32
      %dma_wait3A_1245 = tpu.memref_slice %arg18[%dma_wait3A_1244] : memref<10240xf32, #tpu.memory_space<vmem_shared>> -> memref<10240xf32, #tpu.memory_space<vmem_shared>>
      tpu.wait_indirect_dma semaphore(%arg16 : memref<!tpu.dma_semaphore, #tpu.memory_space<semaphore_mem>>) src(%dma_wait3A_1240 : memref<128xf32, #tpu.memory_space<vmem>>) dst(%dma_wait3A_1245 : memref<10240xf32, #tpu.memory_space<vmem_shared>>)
      %dma_wait3A_1246 = arith.constant 7 : i32
      %dma_wait3A_1247 = arith.constant 0 : i32
      %dma_wait3A_1248 = arith.constant 0 : i32
      %dma_wait3A_1249 = tpu.memref_slice %arg11[%dma_wait3A_1246, %dma_wait3A_1247, %dma_wait3A_1248] : memref<16x128x32xf32, #tpu.memory_space<vmem>> -> memref<1x128x32xf32, #tpu.memory_space<vmem>>
      %dma_wait3A_1250 = tpu.memref_squeeze %dma_wait3A_1249 : memref<1x128x32xf32, #tpu.memory_space<vmem>> -> memref<128x32xf32, #tpu.memory_space<vmem>>
      %dma_wait3A_1251 = arith.constant 0 : i32
      %dma_wait3A_1252 = tpu.memref_slice %arg10[%add3A_713, %dma_wait3A_1251] : memref<80x128xi32, #tpu.memory_space<vmem>> -> memref<1x128xi32, #tpu.memory_space<vmem>>
      %dma_wait3A_1253 = tpu.memref_squeeze %dma_wait3A_1252 : memref<1x128xi32, #tpu.memory_space<vmem>> -> memref<128xi32, #tpu.memory_space<vmem>>
      %dma_wait3A_1254 = arith.constant 0 : i32
      %dma_wait3A_1255 = arith.constant 0 : i32
      %dma_wait3A_1256 = tpu.memref_slice %arg17[%dma_wait3A_1254, %dma_wait3A_1255] : memref<10240x32xf32, #tpu.memory_space<vmem_shared>> -> memref<10240x32xf32, #tpu.memory_space<vmem_shared>>
      tpu.wait_indirect_dma semaphore(%arg15 : memref<!tpu.dma_semaphore, #tpu.memory_space<semaphore_mem>>) src(%dma_wait3A_1250 : memref<128x32xf32, #tpu.memory_space<vmem>>) dst(%dma_wait3A_1256 : memref<10240x32xf32, #tpu.memory_space<vmem_shared>>)
      %dma_wait3A_1257 = arith.constant 7 : i32
      %dma_wait3A_1258 = arith.constant 0 : i32
      %dma_wait3A_1259 = tpu.memref_slice %arg12[%dma_wait3A_1257, %dma_wait3A_1258] : memref<16x128xf32, #tpu.memory_space<vmem>> -> memref<1x128xf32, #tpu.memory_space<vmem>>
      %dma_wait3A_1260 = tpu.memref_squeeze %dma_wait3A_1259 : memref<1x128xf32, #tpu.memory_space<vmem>> -> memref<128xf32, #tpu.memory_space<vmem>>
      %dma_wait3A_1261 = arith.constant 0 : i32
      %dma_wait3A_1262 = tpu.memref_slice %arg9[%add3A_713, %dma_wait3A_1261] : memref<80x128xi32, #tpu.memory_space<vmem>> -> memref<1x128xi32, #tpu.memory_space<vmem>>
      %dma_wait3A_1263 = tpu.memref_squeeze %dma_wait3A_1262 : memref<1x128xi32, #tpu.memory_space<vmem>> -> memref<128xi32, #tpu.memory_space<vmem>>
      %dma_wait3A_1264 = arith.constant 0 : i32
      %dma_wait3A_1265 = tpu.memref_slice %arg18[%dma_wait3A_1264] : memref<10240xf32, #tpu.memory_space<vmem_shared>> -> memref<10240xf32, #tpu.memory_space<vmem_shared>>
      tpu.wait_indirect_dma semaphore(%arg16 : memref<!tpu.dma_semaphore, #tpu.memory_space<semaphore_mem>>) src(%dma_wait3A_1260 : memref<128xf32, #tpu.memory_space<vmem>>) dst(%dma_wait3A_1265 : memref<10240xf32, #tpu.memory_space<vmem_shared>>)
      %dma_wait3A_1266 = arith.constant 8 : i32
      %dma_wait3A_1267 = arith.constant 0 : i32
      %dma_wait3A_1268 = arith.constant 0 : i32
      %dma_wait3A_1269 = tpu.memref_slice %arg11[%dma_wait3A_1266, %dma_wait3A_1267, %dma_wait3A_1268] : memref<16x128x32xf32, #tpu.memory_space<vmem>> -> memref<1x128x32xf32, #tpu.memory_space<vmem>>
      %dma_wait3A_1270 = tpu.memref_squeeze %dma_wait3A_1269 : memref<1x128x32xf32, #tpu.memory_space<vmem>> -> memref<128x32xf32, #tpu.memory_space<vmem>>
      %dma_wait3A_1271 = arith.constant 0 : i32
      %dma_wait3A_1272 = tpu.memref_slice %arg10[%add3A_757, %dma_wait3A_1271] : memref<80x128xi32, #tpu.memory_space<vmem>> -> memref<1x128xi32, #tpu.memory_space<vmem>>
      %dma_wait3A_1273 = tpu.memref_squeeze %dma_wait3A_1272 : memref<1x128xi32, #tpu.memory_space<vmem>> -> memref<128xi32, #tpu.memory_space<vmem>>
      %dma_wait3A_1274 = arith.constant 0 : i32
      %dma_wait3A_1275 = arith.constant 0 : i32
      %dma_wait3A_1276 = tpu.memref_slice %arg17[%dma_wait3A_1274, %dma_wait3A_1275] : memref<10240x32xf32, #tpu.memory_space<vmem_shared>> -> memref<10240x32xf32, #tpu.memory_space<vmem_shared>>
      tpu.wait_indirect_dma semaphore(%arg15 : memref<!tpu.dma_semaphore, #tpu.memory_space<semaphore_mem>>) src(%dma_wait3A_1270 : memref<128x32xf32, #tpu.memory_space<vmem>>) dst(%dma_wait3A_1276 : memref<10240x32xf32, #tpu.memory_space<vmem_shared>>)
      %dma_wait3A_1277 = arith.constant 8 : i32
      %dma_wait3A_1278 = arith.constant 0 : i32
      %dma_wait3A_1279 = tpu.memref_slice %arg12[%dma_wait3A_1277, %dma_wait3A_1278] : memref<16x128xf32, #tpu.memory_space<vmem>> -> memref<1x128xf32, #tpu.memory_space<vmem>>
      %dma_wait3A_1280 = tpu.memref_squeeze %dma_wait3A_1279 : memref<1x128xf32, #tpu.memory_space<vmem>> -> memref<128xf32, #tpu.memory_space<vmem>>
      %dma_wait3A_1281 = arith.constant 0 : i32
      %dma_wait3A_1282 = tpu.memref_slice %arg9[%add3A_757, %dma_wait3A_1281] : memref<80x128xi32, #tpu.memory_space<vmem>> -> memref<1x128xi32, #tpu.memory_space<vmem>>
      %dma_wait3A_1283 = tpu.memref_squeeze %dma_wait3A_1282 : memref<1x128xi32, #tpu.memory_space<vmem>> -> memref<128xi32, #tpu.memory_space<vmem>>
      %dma_wait3A_1284 = arith.constant 0 : i32
      %dma_wait3A_1285 = tpu.memref_slice %arg18[%dma_wait3A_1284] : memref<10240xf32, #tpu.memory_space<vmem_shared>> -> memref<10240xf32, #tpu.memory_space<vmem_shared>>
      tpu.wait_indirect_dma semaphore(%arg16 : memref<!tpu.dma_semaphore, #tpu.memory_space<semaphore_mem>>) src(%dma_wait3A_1280 : memref<128xf32, #tpu.memory_space<vmem>>) dst(%dma_wait3A_1285 : memref<10240xf32, #tpu.memory_space<vmem_shared>>)
      %dma_wait3A_1286 = arith.constant 9 : i32
      %dma_wait3A_1287 = arith.constant 0 : i32
      %dma_wait3A_1288 = arith.constant 0 : i32
      %dma_wait3A_1289 = tpu.memref_slice %arg11[%dma_wait3A_1286, %dma_wait3A_1287, %dma_wait3A_1288] : memref<16x128x32xf32, #tpu.memory_space<vmem>> -> memref<1x128x32xf32, #tpu.memory_space<vmem>>
      %dma_wait3A_1290 = tpu.memref_squeeze %dma_wait3A_1289 : memref<1x128x32xf32, #tpu.memory_space<vmem>> -> memref<128x32xf32, #tpu.memory_space<vmem>>
      %dma_wait3A_1291 = arith.constant 0 : i32
      %dma_wait3A_1292 = tpu.memref_slice %arg10[%add3A_801, %dma_wait3A_1291] : memref<80x128xi32, #tpu.memory_space<vmem>> -> memref<1x128xi32, #tpu.memory_space<vmem>>
      %dma_wait3A_1293 = tpu.memref_squeeze %dma_wait3A_1292 : memref<1x128xi32, #tpu.memory_space<vmem>> -> memref<128xi32, #tpu.memory_space<vmem>>
      %dma_wait3A_1294 = arith.constant 0 : i32
      %dma_wait3A_1295 = arith.constant 0 : i32
      %dma_wait3A_1296 = tpu.memref_slice %arg17[%dma_wait3A_1294, %dma_wait3A_1295] : memref<10240x32xf32, #tpu.memory_space<vmem_shared>> -> memref<10240x32xf32, #tpu.memory_space<vmem_shared>>
      tpu.wait_indirect_dma semaphore(%arg15 : memref<!tpu.dma_semaphore, #tpu.memory_space<semaphore_mem>>) src(%dma_wait3A_1290 : memref<128x32xf32, #tpu.memory_space<vmem>>) dst(%dma_wait3A_1296 : memref<10240x32xf32, #tpu.memory_space<vmem_shared>>)
      %dma_wait3A_1297 = arith.constant 9 : i32
      %dma_wait3A_1298 = arith.constant 0 : i32
      %dma_wait3A_1299 = tpu.memref_slice %arg12[%dma_wait3A_1297, %dma_wait3A_1298] : memref<16x128xf32, #tpu.memory_space<vmem>> -> memref<1x128xf32, #tpu.memory_space<vmem>>
      %dma_wait3A_1300 = tpu.memref_squeeze %dma_wait3A_1299 : memref<1x128xf32, #tpu.memory_space<vmem>> -> memref<128xf32, #tpu.memory_space<vmem>>
      %dma_wait3A_1301 = arith.constant 0 : i32
      %dma_wait3A_1302 = tpu.memref_slice %arg9[%add3A_801, %dma_wait3A_1301] : memref<80x128xi32, #tpu.memory_space<vmem>> -> memref<1x128xi32, #tpu.memory_space<vmem>>
      %dma_wait3A_1303 = tpu.memref_squeeze %dma_wait3A_1302 : memref<1x128xi32, #tpu.memory_space<vmem>> -> memref<128xi32, #tpu.memory_space<vmem>>
      %dma_wait3A_1304 = arith.constant 0 : i32
      %dma_wait3A_1305 = tpu.memref_slice %arg18[%dma_wait3A_1304] : memref<10240xf32, #tpu.memory_space<vmem_shared>> -> memref<10240xf32, #tpu.memory_space<vmem_shared>>
      tpu.wait_indirect_dma semaphore(%arg16 : memref<!tpu.dma_semaphore, #tpu.memory_space<semaphore_mem>>) src(%dma_wait3A_1300 : memref<128xf32, #tpu.memory_space<vmem>>) dst(%dma_wait3A_1305 : memref<10240xf32, #tpu.memory_space<vmem_shared>>)
      %dma_wait3A_1306 = arith.constant 10 : i32
      %dma_wait3A_1307 = arith.constant 0 : i32
      %dma_wait3A_1308 = arith.constant 0 : i32
      %dma_wait3A_1309 = tpu.memref_slice %arg11[%dma_wait3A_1306, %dma_wait3A_1307, %dma_wait3A_1308] : memref<16x128x32xf32, #tpu.memory_space<vmem>> -> memref<1x128x32xf32, #tpu.memory_space<vmem>>
      %dma_wait3A_1310 = tpu.memref_squeeze %dma_wait3A_1309 : memref<1x128x32xf32, #tpu.memory_space<vmem>> -> memref<128x32xf32, #tpu.memory_space<vmem>>
      %dma_wait3A_1311 = arith.constant 0 : i32
      %dma_wait3A_1312 = tpu.memref_slice %arg10[%add3A_845, %dma_wait3A_1311] : memref<80x128xi32, #tpu.memory_space<vmem>> -> memref<1x128xi32, #tpu.memory_space<vmem>>
      %dma_wait3A_1313 = tpu.memref_squeeze %dma_wait3A_1312 : memref<1x128xi32, #tpu.memory_space<vmem>> -> memref<128xi32, #tpu.memory_space<vmem>>
      %dma_wait3A_1314 = arith.constant 0 : i32
      %dma_wait3A_1315 = arith.constant 0 : i32
      %dma_wait3A_1316 = tpu.memref_slice %arg17[%dma_wait3A_1314, %dma_wait3A_1315] : memref<10240x32xf32, #tpu.memory_space<vmem_shared>> -> memref<10240x32xf32, #tpu.memory_space<vmem_shared>>
      tpu.wait_indirect_dma semaphore(%arg15 : memref<!tpu.dma_semaphore, #tpu.memory_space<semaphore_mem>>) src(%dma_wait3A_1310 : memref<128x32xf32, #tpu.memory_space<vmem>>) dst(%dma_wait3A_1316 : memref<10240x32xf32, #tpu.memory_space<vmem_shared>>)
      %dma_wait3A_1317 = arith.constant 10 : i32
      %dma_wait3A_1318 = arith.constant 0 : i32
      %dma_wait3A_1319 = tpu.memref_slice %arg12[%dma_wait3A_1317, %dma_wait3A_1318] : memref<16x128xf32, #tpu.memory_space<vmem>> -> memref<1x128xf32, #tpu.memory_space<vmem>>
      %dma_wait3A_1320 = tpu.memref_squeeze %dma_wait3A_1319 : memref<1x128xf32, #tpu.memory_space<vmem>> -> memref<128xf32, #tpu.memory_space<vmem>>
      %dma_wait3A_1321 = arith.constant 0 : i32
      %dma_wait3A_1322 = tpu.memref_slice %arg9[%add3A_845, %dma_wait3A_1321] : memref<80x128xi32, #tpu.memory_space<vmem>> -> memref<1x128xi32, #tpu.memory_space<vmem>>
      %dma_wait3A_1323 = tpu.memref_squeeze %dma_wait3A_1322 : memref<1x128xi32, #tpu.memory_space<vmem>> -> memref<128xi32, #tpu.memory_space<vmem>>
      %dma_wait3A_1324 = arith.constant 0 : i32
      %dma_wait3A_1325 = tpu.memref_slice %arg18[%dma_wait3A_1324] : memref<10240xf32, #tpu.memory_space<vmem_shared>> -> memref<10240xf32, #tpu.memory_space<vmem_shared>>
      tpu.wait_indirect_dma semaphore(%arg16 : memref<!tpu.dma_semaphore, #tpu.memory_space<semaphore_mem>>) src(%dma_wait3A_1320 : memref<128xf32, #tpu.memory_space<vmem>>) dst(%dma_wait3A_1325 : memref<10240xf32, #tpu.memory_space<vmem_shared>>)
      %dma_wait3A_1326 = arith.constant 11 : i32
      %dma_wait3A_1327 = arith.constant 0 : i32
      %dma_wait3A_1328 = arith.constant 0 : i32
      %dma_wait3A_1329 = tpu.memref_slice %arg11[%dma_wait3A_1326, %dma_wait3A_1327, %dma_wait3A_1328] : memref<16x128x32xf32, #tpu.memory_space<vmem>> -> memref<1x128x32xf32, #tpu.memory_space<vmem>>
      %dma_wait3A_1330 = tpu.memref_squeeze %dma_wait3A_1329 : memref<1x128x32xf32, #tpu.memory_space<vmem>> -> memref<128x32xf32, #tpu.memory_space<vmem>>
      %dma_wait3A_1331 = arith.constant 0 : i32
      %dma_wait3A_1332 = tpu.memref_slice %arg10[%add3A_889, %dma_wait3A_1331] : memref<80x128xi32, #tpu.memory_space<vmem>> -> memref<1x128xi32, #tpu.memory_space<vmem>>
      %dma_wait3A_1333 = tpu.memref_squeeze %dma_wait3A_1332 : memref<1x128xi32, #tpu.memory_space<vmem>> -> memref<128xi32, #tpu.memory_space<vmem>>
      %dma_wait3A_1334 = arith.constant 0 : i32
      %dma_wait3A_1335 = arith.constant 0 : i32
      %dma_wait3A_1336 = tpu.memref_slice %arg17[%dma_wait3A_1334, %dma_wait3A_1335] : memref<10240x32xf32, #tpu.memory_space<vmem_shared>> -> memref<10240x32xf32, #tpu.memory_space<vmem_shared>>
      tpu.wait_indirect_dma semaphore(%arg15 : memref<!tpu.dma_semaphore, #tpu.memory_space<semaphore_mem>>) src(%dma_wait3A_1330 : memref<128x32xf32, #tpu.memory_space<vmem>>) dst(%dma_wait3A_1336 : memref<10240x32xf32, #tpu.memory_space<vmem_shared>>)
      %dma_wait3A_1337 = arith.constant 11 : i32
      %dma_wait3A_1338 = arith.constant 0 : i32
      %dma_wait3A_1339 = tpu.memref_slice %arg12[%dma_wait3A_1337, %dma_wait3A_1338] : memref<16x128xf32, #tpu.memory_space<vmem>> -> memref<1x128xf32, #tpu.memory_space<vmem>>
      %dma_wait3A_1340 = tpu.memref_squeeze %dma_wait3A_1339 : memref<1x128xf32, #tpu.memory_space<vmem>> -> memref<128xf32, #tpu.memory_space<vmem>>
      %dma_wait3A_1341 = arith.constant 0 : i32
      %dma_wait3A_1342 = tpu.memref_slice %arg9[%add3A_889, %dma_wait3A_1341] : memref<80x128xi32, #tpu.memory_space<vmem>> -> memref<1x128xi32, #tpu.memory_space<vmem>>
      %dma_wait3A_1343 = tpu.memref_squeeze %dma_wait3A_1342 : memref<1x128xi32, #tpu.memory_space<vmem>> -> memref<128xi32, #tpu.memory_space<vmem>>
      %dma_wait3A_1344 = arith.constant 0 : i32
      %dma_wait3A_1345 = tpu.memref_slice %arg18[%dma_wait3A_1344] : memref<10240xf32, #tpu.memory_space<vmem_shared>> -> memref<10240xf32, #tpu.memory_space<vmem_shared>>
      tpu.wait_indirect_dma semaphore(%arg16 : memref<!tpu.dma_semaphore, #tpu.memory_space<semaphore_mem>>) src(%dma_wait3A_1340 : memref<128xf32, #tpu.memory_space<vmem>>) dst(%dma_wait3A_1345 : memref<10240xf32, #tpu.memory_space<vmem_shared>>)
      %dma_wait3A_1346 = arith.constant 12 : i32
      %dma_wait3A_1347 = arith.constant 0 : i32
      %dma_wait3A_1348 = arith.constant 0 : i32
      %dma_wait3A_1349 = tpu.memref_slice %arg11[%dma_wait3A_1346, %dma_wait3A_1347, %dma_wait3A_1348] : memref<16x128x32xf32, #tpu.memory_space<vmem>> -> memref<1x128x32xf32, #tpu.memory_space<vmem>>
      %dma_wait3A_1350 = tpu.memref_squeeze %dma_wait3A_1349 : memref<1x128x32xf32, #tpu.memory_space<vmem>> -> memref<128x32xf32, #tpu.memory_space<vmem>>
      %dma_wait3A_1351 = arith.constant 0 : i32
      %dma_wait3A_1352 = tpu.memref_slice %arg10[%add3A_933, %dma_wait3A_1351] : memref<80x128xi32, #tpu.memory_space<vmem>> -> memref<1x128xi32, #tpu.memory_space<vmem>>
      %dma_wait3A_1353 = tpu.memref_squeeze %dma_wait3A_1352 : memref<1x128xi32, #tpu.memory_space<vmem>> -> memref<128xi32, #tpu.memory_space<vmem>>
      %dma_wait3A_1354 = arith.constant 0 : i32
      %dma_wait3A_1355 = arith.constant 0 : i32
      %dma_wait3A_1356 = tpu.memref_slice %arg17[%dma_wait3A_1354, %dma_wait3A_1355] : memref<10240x32xf32, #tpu.memory_space<vmem_shared>> -> memref<10240x32xf32, #tpu.memory_space<vmem_shared>>
      tpu.wait_indirect_dma semaphore(%arg15 : memref<!tpu.dma_semaphore, #tpu.memory_space<semaphore_mem>>) src(%dma_wait3A_1350 : memref<128x32xf32, #tpu.memory_space<vmem>>) dst(%dma_wait3A_1356 : memref<10240x32xf32, #tpu.memory_space<vmem_shared>>)
      %dma_wait3A_1357 = arith.constant 12 : i32
      %dma_wait3A_1358 = arith.constant 0 : i32
      %dma_wait3A_1359 = tpu.memref_slice %arg12[%dma_wait3A_1357, %dma_wait3A_1358] : memref<16x128xf32, #tpu.memory_space<vmem>> -> memref<1x128xf32, #tpu.memory_space<vmem>>
      %dma_wait3A_1360 = tpu.memref_squeeze %dma_wait3A_1359 : memref<1x128xf32, #tpu.memory_space<vmem>> -> memref<128xf32, #tpu.memory_space<vmem>>
      %dma_wait3A_1361 = arith.constant 0 : i32
      %dma_wait3A_1362 = tpu.memref_slice %arg9[%add3A_933, %dma_wait3A_1361] : memref<80x128xi32, #tpu.memory_space<vmem>> -> memref<1x128xi32, #tpu.memory_space<vmem>>
      %dma_wait3A_1363 = tpu.memref_squeeze %dma_wait3A_1362 : memref<1x128xi32, #tpu.memory_space<vmem>> -> memref<128xi32, #tpu.memory_space<vmem>>
      %dma_wait3A_1364 = arith.constant 0 : i32
      %dma_wait3A_1365 = tpu.memref_slice %arg18[%dma_wait3A_1364] : memref<10240xf32, #tpu.memory_space<vmem_shared>> -> memref<10240xf32, #tpu.memory_space<vmem_shared>>
      tpu.wait_indirect_dma semaphore(%arg16 : memref<!tpu.dma_semaphore, #tpu.memory_space<semaphore_mem>>) src(%dma_wait3A_1360 : memref<128xf32, #tpu.memory_space<vmem>>) dst(%dma_wait3A_1365 : memref<10240xf32, #tpu.memory_space<vmem_shared>>)
      %dma_wait3A_1366 = arith.constant 13 : i32
      %dma_wait3A_1367 = arith.constant 0 : i32
      %dma_wait3A_1368 = arith.constant 0 : i32
      %dma_wait3A_1369 = tpu.memref_slice %arg11[%dma_wait3A_1366, %dma_wait3A_1367, %dma_wait3A_1368] : memref<16x128x32xf32, #tpu.memory_space<vmem>> -> memref<1x128x32xf32, #tpu.memory_space<vmem>>
      %dma_wait3A_1370 = tpu.memref_squeeze %dma_wait3A_1369 : memref<1x128x32xf32, #tpu.memory_space<vmem>> -> memref<128x32xf32, #tpu.memory_space<vmem>>
      %dma_wait3A_1371 = arith.constant 0 : i32
      %dma_wait3A_1372 = tpu.memref_slice %arg10[%add3A_977, %dma_wait3A_1371] : memref<80x128xi32, #tpu.memory_space<vmem>> -> memref<1x128xi32, #tpu.memory_space<vmem>>
      %dma_wait3A_1373 = tpu.memref_squeeze %dma_wait3A_1372 : memref<1x128xi32, #tpu.memory_space<vmem>> -> memref<128xi32, #tpu.memory_space<vmem>>
      %dma_wait3A_1374 = arith.constant 0 : i32
      %dma_wait3A_1375 = arith.constant 0 : i32
      %dma_wait3A_1376 = tpu.memref_slice %arg17[%dma_wait3A_1374, %dma_wait3A_1375] : memref<10240x32xf32, #tpu.memory_space<vmem_shared>> -> memref<10240x32xf32, #tpu.memory_space<vmem_shared>>
      tpu.wait_indirect_dma semaphore(%arg15 : memref<!tpu.dma_semaphore, #tpu.memory_space<semaphore_mem>>) src(%dma_wait3A_1370 : memref<128x32xf32, #tpu.memory_space<vmem>>) dst(%dma_wait3A_1376 : memref<10240x32xf32, #tpu.memory_space<vmem_shared>>)
      %dma_wait3A_1377 = arith.constant 13 : i32
      %dma_wait3A_1378 = arith.constant 0 : i32
      %dma_wait3A_1379 = tpu.memref_slice %arg12[%dma_wait3A_1377, %dma_wait3A_1378] : memref<16x128xf32, #tpu.memory_space<vmem>> -> memref<1x128xf32, #tpu.memory_space<vmem>>
      %dma_wait3A_1380 = tpu.memref_squeeze %dma_wait3A_1379 : memref<1x128xf32, #tpu.memory_space<vmem>> -> memref<128xf32, #tpu.memory_space<vmem>>
      %dma_wait3A_1381 = arith.constant 0 : i32
      %dma_wait3A_1382 = tpu.memref_slice %arg9[%add3A_977, %dma_wait3A_1381] : memref<80x128xi32, #tpu.memory_space<vmem>> -> memref<1x128xi32, #tpu.memory_space<vmem>>
      %dma_wait3A_1383 = tpu.memref_squeeze %dma_wait3A_1382 : memref<1x128xi32, #tpu.memory_space<vmem>> -> memref<128xi32, #tpu.memory_space<vmem>>
      %dma_wait3A_1384 = arith.constant 0 : i32
      %dma_wait3A_1385 = tpu.memref_slice %arg18[%dma_wait3A_1384] : memref<10240xf32, #tpu.memory_space<vmem_shared>> -> memref<10240xf32, #tpu.memory_space<vmem_shared>>
      tpu.wait_indirect_dma semaphore(%arg16 : memref<!tpu.dma_semaphore, #tpu.memory_space<semaphore_mem>>) src(%dma_wait3A_1380 : memref<128xf32, #tpu.memory_space<vmem>>) dst(%dma_wait3A_1385 : memref<10240xf32, #tpu.memory_space<vmem_shared>>)
      %dma_wait3A_1386 = arith.constant 14 : i32
      %dma_wait3A_1387 = arith.constant 0 : i32
      %dma_wait3A_1388 = arith.constant 0 : i32
      %dma_wait3A_1389 = tpu.memref_slice %arg11[%dma_wait3A_1386, %dma_wait3A_1387, %dma_wait3A_1388] : memref<16x128x32xf32, #tpu.memory_space<vmem>> -> memref<1x128x32xf32, #tpu.memory_space<vmem>>
      %dma_wait3A_1390 = tpu.memref_squeeze %dma_wait3A_1389 : memref<1x128x32xf32, #tpu.memory_space<vmem>> -> memref<128x32xf32, #tpu.memory_space<vmem>>
      %dma_wait3A_1391 = arith.constant 0 : i32
      %dma_wait3A_1392 = tpu.memref_slice %arg10[%add3A_1021, %dma_wait3A_1391] : memref<80x128xi32, #tpu.memory_space<vmem>> -> memref<1x128xi32, #tpu.memory_space<vmem>>
      %dma_wait3A_1393 = tpu.memref_squeeze %dma_wait3A_1392 : memref<1x128xi32, #tpu.memory_space<vmem>> -> memref<128xi32, #tpu.memory_space<vmem>>
      %dma_wait3A_1394 = arith.constant 0 : i32
      %dma_wait3A_1395 = arith.constant 0 : i32
      %dma_wait3A_1396 = tpu.memref_slice %arg17[%dma_wait3A_1394, %dma_wait3A_1395] : memref<10240x32xf32, #tpu.memory_space<vmem_shared>> -> memref<10240x32xf32, #tpu.memory_space<vmem_shared>>
      tpu.wait_indirect_dma semaphore(%arg15 : memref<!tpu.dma_semaphore, #tpu.memory_space<semaphore_mem>>) src(%dma_wait3A_1390 : memref<128x32xf32, #tpu.memory_space<vmem>>) dst(%dma_wait3A_1396 : memref<10240x32xf32, #tpu.memory_space<vmem_shared>>)
      %dma_wait3A_1397 = arith.constant 14 : i32
      %dma_wait3A_1398 = arith.constant 0 : i32
      %dma_wait3A_1399 = tpu.memref_slice %arg12[%dma_wait3A_1397, %dma_wait3A_1398] : memref<16x128xf32, #tpu.memory_space<vmem>> -> memref<1x128xf32, #tpu.memory_space<vmem>>
      %dma_wait3A_1400 = tpu.memref_squeeze %dma_wait3A_1399 : memref<1x128xf32, #tpu.memory_space<vmem>> -> memref<128xf32, #tpu.memory_space<vmem>>
      %dma_wait3A_1401 = arith.constant 0 : i32
      %dma_wait3A_1402 = tpu.memref_slice %arg9[%add3A_1021, %dma_wait3A_1401] : memref<80x128xi32, #tpu.memory_space<vmem>> -> memref<1x128xi32, #tpu.memory_space<vmem>>
      %dma_wait3A_1403 = tpu.memref_squeeze %dma_wait3A_1402 : memref<1x128xi32, #tpu.memory_space<vmem>> -> memref<128xi32, #tpu.memory_space<vmem>>
      %dma_wait3A_1404 = arith.constant 0 : i32
      %dma_wait3A_1405 = tpu.memref_slice %arg18[%dma_wait3A_1404] : memref<10240xf32, #tpu.memory_space<vmem_shared>> -> memref<10240xf32, #tpu.memory_space<vmem_shared>>
      tpu.wait_indirect_dma semaphore(%arg16 : memref<!tpu.dma_semaphore, #tpu.memory_space<semaphore_mem>>) src(%dma_wait3A_1400 : memref<128xf32, #tpu.memory_space<vmem>>) dst(%dma_wait3A_1405 : memref<10240xf32, #tpu.memory_space<vmem_shared>>)
      %dma_wait3A_1406 = arith.constant 15 : i32
      %dma_wait3A_1407 = arith.constant 0 : i32
      %dma_wait3A_1408 = arith.constant 0 : i32
      %dma_wait3A_1409 = tpu.memref_slice %arg11[%dma_wait3A_1406, %dma_wait3A_1407, %dma_wait3A_1408] : memref<16x128x32xf32, #tpu.memory_space<vmem>> -> memref<1x128x32xf32, #tpu.memory_space<vmem>>
      %dma_wait3A_1410 = tpu.memref_squeeze %dma_wait3A_1409 : memref<1x128x32xf32, #tpu.memory_space<vmem>> -> memref<128x32xf32, #tpu.memory_space<vmem>>
      %dma_wait3A_1411 = arith.constant 0 : i32
      %dma_wait3A_1412 = tpu.memref_slice %arg10[%add3A_1065, %dma_wait3A_1411] : memref<80x128xi32, #tpu.memory_space<vmem>> -> memref<1x128xi32, #tpu.memory_space<vmem>>
      %dma_wait3A_1413 = tpu.memref_squeeze %dma_wait3A_1412 : memref<1x128xi32, #tpu.memory_space<vmem>> -> memref<128xi32, #tpu.memory_space<vmem>>
      %dma_wait3A_1414 = arith.constant 0 : i32
      %dma_wait3A_1415 = arith.constant 0 : i32
      %dma_wait3A_1416 = tpu.memref_slice %arg17[%dma_wait3A_1414, %dma_wait3A_1415] : memref<10240x32xf32, #tpu.memory_space<vmem_shared>> -> memref<10240x32xf32, #tpu.memory_space<vmem_shared>>
      tpu.wait_indirect_dma semaphore(%arg15 : memref<!tpu.dma_semaphore, #tpu.memory_space<semaphore_mem>>) src(%dma_wait3A_1410 : memref<128x32xf32, #tpu.memory_space<vmem>>) dst(%dma_wait3A_1416 : memref<10240x32xf32, #tpu.memory_space<vmem_shared>>)
      %dma_wait3A_1417 = arith.constant 15 : i32
      %dma_wait3A_1418 = arith.constant 0 : i32
      %dma_wait3A_1419 = tpu.memref_slice %arg12[%dma_wait3A_1417, %dma_wait3A_1418] : memref<16x128xf32, #tpu.memory_space<vmem>> -> memref<1x128xf32, #tpu.memory_space<vmem>>
      %dma_wait3A_1420 = tpu.memref_squeeze %dma_wait3A_1419 : memref<1x128xf32, #tpu.memory_space<vmem>> -> memref<128xf32, #tpu.memory_space<vmem>>
      %dma_wait3A_1421 = arith.constant 0 : i32
      %dma_wait3A_1422 = tpu.memref_slice %arg9[%add3A_1065, %dma_wait3A_1421] : memref<80x128xi32, #tpu.memory_space<vmem>> -> memref<1x128xi32, #tpu.memory_space<vmem>>
      %dma_wait3A_1423 = tpu.memref_squeeze %dma_wait3A_1422 : memref<1x128xi32, #tpu.memory_space<vmem>> -> memref<128xi32, #tpu.memory_space<vmem>>
      %dma_wait3A_1424 = arith.constant 0 : i32
      %dma_wait3A_1425 = tpu.memref_slice %arg18[%dma_wait3A_1424] : memref<10240xf32, #tpu.memory_space<vmem_shared>> -> memref<10240xf32, #tpu.memory_space<vmem_shared>>
      tpu.wait_indirect_dma semaphore(%arg16 : memref<!tpu.dma_semaphore, #tpu.memory_space<semaphore_mem>>) src(%dma_wait3A_1420 : memref<128xf32, #tpu.memory_space<vmem>>) dst(%dma_wait3A_1425 : memref<10240xf32, #tpu.memory_space<vmem_shared>>)
    }
    %scan3A_12 = arith.constant 5 : i32
    %barrier3A_13 = arith.constant 0 : index
    tpu.barrier barrier_id(%barrier3A_13)
    %eq3A_14 = arith.constant 0 : i32
    %eq3A_15 = arith.cmpi eq, %arg1, %eq3A_14 : i32
    %convert_element_type3A_16 = arith.extui %eq3A_15 : i1 to i32
    %cond3A_17 = arith.constant 0 : i32
    %cond3A_18 = arith.cmpi ne, %convert_element_type3A_16, %cond3A_17 : i32
    scf.if %cond3A_18 {
      "tpu.region"() ({
        %run_scoped3A_19 = tpu.sem_alloc : memref<!tpu.dma_semaphore, #tpu.memory_space<semaphore_mem>>
        %dma_start3A = arith.constant 0 : i32
        %dma_start3A_20 = arith.constant 0 : i32
        %dma_start3A_21 = tpu.memref_slice %arg7[%arg0, %dma_start3A, %dma_start3A_20] : memref<2x10240x32xf32, #tpu.memory_space<hbm>> -> memref<1x10240x32xf32, #tpu.memory_space<hbm>>
        %dma_start3A_22 = tpu.memref_squeeze %dma_start3A_21 : memref<1x10240x32xf32, #tpu.memory_space<hbm>> -> memref<10240x32xf32, #tpu.memory_space<hbm>>
        tpu.enqueue_dma source(%arg17 : memref<10240x32xf32, #tpu.memory_space<vmem_shared>>) target(%dma_start3A_22 : memref<10240x32xf32, #tpu.memory_space<hbm>>) target_semaphore(%run_scoped3A_19 : memref<!tpu.dma_semaphore, #tpu.memory_space<semaphore_mem>>)
        %dma_wait3A = arith.constant 0 : i32
        %dma_wait3A_23 = arith.constant 0 : i32
        %dma_wait3A_24 = tpu.memref_slice %arg7[%arg0, %dma_wait3A, %dma_wait3A_23] : memref<2x10240x32xf32, #tpu.memory_space<hbm>> -> memref<1x10240x32xf32, #tpu.memory_space<hbm>>
        %dma_wait3A_25 = tpu.memref_squeeze %dma_wait3A_24 : memref<1x10240x32xf32, #tpu.memory_space<hbm>> -> memref<10240x32xf32, #tpu.memory_space<hbm>>
        tpu.wait_dma2 semaphore(%run_scoped3A_19 : memref<!tpu.dma_semaphore, #tpu.memory_space<semaphore_mem>>) src(%arg17 : memref<10240x32xf32, #tpu.memory_space<vmem_shared>>) dst(%dma_wait3A_25 : memref<10240x32xf32, #tpu.memory_space<hbm>>)
        tpu.yield
      }) : () -> ()
      "tpu.region"() ({
        %run_scoped3A_19 = tpu.sem_alloc : memref<!tpu.dma_semaphore, #tpu.memory_space<semaphore_mem>>
        %dma_start3A = arith.constant 0 : i32
        %dma_start3A_20 = tpu.memref_slice %arg8[%arg0, %dma_start3A] : memref<2x10240xf32, #tpu.memory_space<hbm>> -> memref<1x10240xf32, #tpu.memory_space<hbm>>
        %dma_start3A_21 = tpu.memref_squeeze %dma_start3A_20 : memref<1x10240xf32, #tpu.memory_space<hbm>> -> memref<10240xf32, #tpu.memory_space<hbm>>
        tpu.enqueue_dma source(%arg18 : memref<10240xf32, #tpu.memory_space<vmem_shared>>) target(%dma_start3A_21 : memref<10240xf32, #tpu.memory_space<hbm>>) target_semaphore(%run_scoped3A_19 : memref<!tpu.dma_semaphore, #tpu.memory_space<semaphore_mem>>)
        %dma_wait3A = arith.constant 0 : i32
        %dma_wait3A_22 = tpu.memref_slice %arg8[%arg0, %dma_wait3A] : memref<2x10240xf32, #tpu.memory_space<hbm>> -> memref<1x10240xf32, #tpu.memory_space<hbm>>
        %dma_wait3A_23 = tpu.memref_squeeze %dma_wait3A_22 : memref<1x10240xf32, #tpu.memory_space<hbm>> -> memref<10240xf32, #tpu.memory_space<hbm>>
        tpu.wait_dma2 semaphore(%run_scoped3A_19 : memref<!tpu.dma_semaphore, #tpu.memory_space<semaphore_mem>>) src(%arg18 : memref<10240xf32, #tpu.memory_space<vmem_shared>>) dst(%dma_wait3A_23 : memref<10240xf32, #tpu.memory_space<hbm>>)
        tpu.yield
      }) : () -> ()
    } else {
    }
    return
  }
}

module attributes {stable_mosaic.version = 14 : i64} {
  func.func @_dense1_body(%arg0: i32, %arg1: memref<1024x128xf32, #tpu.memory_space<vmem>>, %arg2: memref<128x32xf32, #tpu.memory_space<vmem>>, %arg3: memref<2x1024x1xf32, #tpu.memory_space<vmem>>, %arg4: memref<1024x32xf32, #tpu.memory_space<vmem>>, %arg5: memref<1024x1xf32, #tpu.memory_space<vmem>>) attributes {dimension_semantics = [#tpu.dimension_semantics<arbitrary>], iteration_bounds = array<i64: 10>, scalar_prefetch = 0 : i64, scratch_operands = 0 : i64, tpu.core_type = #tpu.core_type<tc>, window_params = [{transform_indices = @transform_0, window_bounds = array<i64: 1024, 128>}, {pipeline_mode = #tpu.pipeline_mode<synchronous>, transform_indices = @transform_1, window_bounds = array<i64: 128, 32>}, {transform_indices = @transform_2, window_bounds = array<i64: 2, 1024, 1>}, {transform_indices = @transform_3, window_bounds = array<i64: 1024, 32>}, {transform_indices = @transform_4, window_bounds = array<i64: 1024, 1>}]} {
    %get3A = arith.constant 0 : index
    %get3A_0 = arith.constant 0 : index
    %get3A_1 = arith.constant 0 : index
    %get3A_2 = vector.load %arg3[%get3A, %get3A_0, %get3A_1] : memref<2x1024x1xf32, #tpu.memory_space<vmem>>, vector<1x1024x1xf32>
    %get3A_3 = vector.shape_cast %get3A_2 : vector<1x1024x1xf32> to vector<1024x1xf32>
    %get3A_4 = arith.constant 1 : index
    %get3A_5 = arith.constant 0 : index
    %get3A_6 = arith.constant 0 : index
    %get3A_7 = vector.load %arg3[%get3A_4, %get3A_5, %get3A_6] : memref<2x1024x1xf32, #tpu.memory_space<vmem>>, vector<1x1024x1xf32>
    %get3A_8 = vector.shape_cast %get3A_7 : vector<1x1024x1xf32> to vector<1024x1xf32>
    %add3A = arith.addf %get3A_3, %get3A_8 : vector<1024x1xf32>
    %add3A_9 = arith.constant 1.000000e+00 : f32
    %add3A_10 = vector.broadcast %add3A_9 : f32 to vector<1024x1xf32>
    %add3A_11 = arith.addf %add3A, %add3A_10 : vector<1024x1xf32>
    %rsqrt3A = math.rsqrt %add3A_11 : vector<1024x1xf32>
    %get3A_12 = arith.constant 0 : index
    %get3A_13 = arith.constant 0 : index
    %get3A_14 = vector.load %arg1[%get3A_12, %get3A_13] : memref<1024x128xf32, #tpu.memory_space<vmem>>, vector<1024x128xf32>
    %get3A_15 = arith.constant 0 : index
    %get3A_16 = arith.constant 0 : index
    %get3A_17 = vector.load %arg2[%get3A_15, %get3A_16] : memref<128x32xf32, #tpu.memory_space<vmem>>, vector<128x32xf32>
    %dot_general3A = arith.constant dense<0.000000e+00> : vector<1024x32xf32>
    %dot_general3A_18 = tpu.matmul %get3A_14, %get3A_17, %dot_general3A {dimension_numbers = #tpu.dot_dimension_numbers<[1], [0], [0], [1], [0, 0, 1, 1], [], []>, transpose_lhs_hint = false} : vector<1024x128xf32>, vector<128x32xf32>, vector<1024x32xf32> -> vector<1024x32xf32>
    %mul3A = vector.broadcast %rsqrt3A : vector<1024x1xf32> to vector<1024x32xf32>
    %mul3A_19 = arith.mulf %dot_general3A_18, %mul3A : vector<1024x32xf32>
    %swap3A = arith.constant 0 : index
    %swap3A_20 = arith.constant 0 : index
    %swap3A_21 = vector.load %arg4[%swap3A, %swap3A_20] : memref<1024x32xf32, #tpu.memory_space<vmem>>, vector<1024x32xf32>
    tpu.vector_store %arg4[%swap3A, %swap3A_20], %mul3A_19 {strides = array<i32>} : memref<1024x32xf32, #tpu.memory_space<vmem>>, vector<1024x32xf32>,
    %swap3A_22 = arith.constant 0 : index
    %swap3A_23 = arith.constant 0 : index
    %swap3A_24 = vector.load %arg5[%swap3A_22, %swap3A_23] : memref<1024x1xf32, #tpu.memory_space<vmem>>, vector<1024x1xf32>
    tpu.vector_store %arg5[%swap3A_22, %swap3A_23], %rsqrt3A {strides = array<i32>} : memref<1024x1xf32, #tpu.memory_space<vmem>>, vector<1024x1xf32>,
    return
  }
  func.func @transform_0(%arg0: i32) -> (i32, i32) {
    %c0_i32 = arith.constant 0 : i32
    %c0_i32_0 = arith.constant 0 : i32
    return %arg0, %c0_i32 : i32, i32
  }
  func.func @transform_1(%arg0: i32) -> (i32, i32) {
    %c0_i32 = arith.constant 0 : i32
    %c0_i32_0 = arith.constant 0 : i32
    %c0_i32_1 = arith.constant 0 : i32
    return %c0_i32, %c0_i32_0 : i32, i32
  }
  func.func @transform_2(%arg0: i32) -> (i32, i32, i32) {
    %c0_i32 = arith.constant 0 : i32
    %c0_i32_0 = arith.constant 0 : i32
    %c0_i32_1 = arith.constant 0 : i32
    return %c0_i32, %arg0, %c0_i32_0 : i32, i32, i32
  }
  func.func @transform_3(%arg0: i32) -> (i32, i32) {
    %c0_i32 = arith.constant 0 : i32
    %c0_i32_0 = arith.constant 0 : i32
    return %arg0, %c0_i32 : i32, i32
  }
  func.func @transform_4(%arg0: i32) -> (i32, i32) {
    %c0_i32 = arith.constant 0 : i32
    %c0_i32_0 = arith.constant 0 : i32
    return %arg0, %c0_i32 : i32, i32
  }
}

module attributes {stable_mosaic.version = 14 : i64} {
  func.func @_head_body(%arg0: i32, %arg1: memref<2x1024x32xf32, #tpu.memory_space<vmem>>, %arg2: memref<2x1024x1xf32, #tpu.memory_space<vmem>>, %arg3: memref<1024x32xf32, #tpu.memory_space<vmem>>, %arg4: memref<1024x1xf32, #tpu.memory_space<vmem>>, %arg5: memref<1x32xf32, #tpu.memory_space<vmem>>, %arg6: memref<32x32xf32, #tpu.memory_space<vmem>>, %arg7: memref<1x32xf32, #tpu.memory_space<vmem>>, %arg8: memref<32x3xf32, #tpu.memory_space<vmem>>, %arg9: memref<1x3xf32, #tpu.memory_space<vmem>>, %arg10: memref<1x3xf32, #tpu.memory_space<vmem>>, %arg11: memref<1x32xf32, #tpu.memory_space<vmem>>) attributes {dimension_semantics = [#tpu.dimension_semantics<arbitrary>], iteration_bounds = array<i64: 10>, scalar_prefetch = 0 : i64, scratch_operands = 1 : i64, tpu.core_type = #tpu.core_type<tc>, window_params = [{transform_indices = @transform_0, window_bounds = array<i64: 2, 1024, 32>}, {transform_indices = @transform_1, window_bounds = array<i64: 2, 1024, 1>}, {transform_indices = @transform_2, window_bounds = array<i64: 1024, 32>}, {transform_indices = @transform_3, window_bounds = array<i64: 1024, 1>}, {pipeline_mode = #tpu.pipeline_mode<synchronous>, transform_indices = @transform_4, window_bounds = array<i64: 1, 32>}, {pipeline_mode = #tpu.pipeline_mode<synchronous>, transform_indices = @transform_5, window_bounds = array<i64: 32, 32>}, {pipeline_mode = #tpu.pipeline_mode<synchronous>, transform_indices = @transform_6, window_bounds = array<i64: 1, 32>}, {pipeline_mode = #tpu.pipeline_mode<synchronous>, transform_indices = @transform_7, window_bounds = array<i64: 32, 3>}, {pipeline_mode = #tpu.pipeline_mode<synchronous>, transform_indices = @transform_8, window_bounds = array<i64: 1, 3>}, {pipeline_mode = #tpu.pipeline_mode<synchronous>, transform_indices = @transform_9, window_bounds = array<i64: 1, 3>}]} {
    %eq3A = arith.constant 0 : i32
    %eq3A_0 = arith.cmpi eq, %arg0, %eq3A : i32
    %convert_element_type3A = arith.extui %eq3A_0 : i1 to i32
    %cond3A = arith.constant 0 : i32
    %cond3A_1 = arith.cmpi ne, %convert_element_type3A, %cond3A : i32
    scf.if %cond3A_1 {
      %broadcast_in_dim3A_60 = arith.constant 0.000000e+00 : f32
      %broadcast_in_dim3A_61 = vector.broadcast %broadcast_in_dim3A_60 : f32 to vector<1x32xf32>
      %swap3A_62 = arith.constant 0 : index
      %swap3A_63 = arith.constant 0 : index
      %swap3A_64 = vector.load %arg11[%swap3A_62, %swap3A_63] : memref<1x32xf32, #tpu.memory_space<vmem>>, vector<1x32xf32>
      tpu.vector_store %arg11[%swap3A_62, %swap3A_63], %broadcast_in_dim3A_61 {strides = array<i32>} : memref<1x32xf32, #tpu.memory_space<vmem>>, vector<1x32xf32>,
    } else {
    }
    %get3A = arith.constant 0 : index
    %get3A_2 = arith.constant 0 : index
    %get3A_3 = vector.load %arg4[%get3A, %get3A_2] : memref<1024x1xf32, #tpu.memory_space<vmem>>, vector<1024x1xf32>
    %get3A_4 = arith.constant 0 : index
    %get3A_5 = arith.constant 0 : index
    %get3A_6 = arith.constant 0 : index
    %get3A_7 = vector.load %arg1[%get3A_4, %get3A_5, %get3A_6] : memref<2x1024x32xf32, #tpu.memory_space<vmem>>, vector<1x1024x32xf32>
    %get3A_8 = vector.shape_cast %get3A_7 : vector<1x1024x32xf32> to vector<1024x32xf32>
    %get3A_9 = arith.constant 1 : index
    %get3A_10 = arith.constant 0 : index
    %get3A_11 = arith.constant 0 : index
    %get3A_12 = vector.load %arg1[%get3A_9, %get3A_10, %get3A_11] : memref<2x1024x32xf32, #tpu.memory_space<vmem>>, vector<1x1024x32xf32>
    %get3A_13 = vector.shape_cast %get3A_12 : vector<1x1024x32xf32> to vector<1024x32xf32>
    %add3A = arith.addf %get3A_8, %get3A_13 : vector<1024x32xf32>
    %get3A_14 = arith.constant 0 : index
    %get3A_15 = arith.constant 0 : index
    %get3A_16 = vector.load %arg3[%get3A_14, %get3A_15] : memref<1024x32xf32, #tpu.memory_space<vmem>>, vector<1024x32xf32>
    %add3A_17 = arith.addf %add3A, %get3A_16 : vector<1024x32xf32>
    %mul3A = vector.broadcast %get3A_3 : vector<1024x1xf32> to vector<1024x32xf32>
    %mul3A_18 = arith.mulf %add3A_17, %mul3A : vector<1024x32xf32>
    %get3A_19 = arith.constant 0 : index
    %get3A_20 = arith.constant 0 : index
    %get3A_21 = vector.load %arg5[%get3A_19, %get3A_20] : memref<1x32xf32, #tpu.memory_space<vmem>>, vector<1x32xf32>
    %add3A_22 = vector.broadcast %get3A_21 : vector<1x32xf32> to vector<1024x32xf32>
    %add3A_23 = arith.addf %mul3A_18, %add3A_22 : vector<1024x32xf32>
    %max3A = arith.constant 0.000000e+00 : f32
    %max3A_24 = vector.broadcast %max3A : f32 to vector<1024x32xf32>
    %max3A_25 = arith.maximumf %add3A_23, %max3A_24 : vector<1024x32xf32>
    %get3A_26 = arith.constant 0 : index
    %get3A_27 = arith.constant 0 : index
    %get3A_28 = arith.constant 0 : index
    %get3A_29 = vector.load %arg2[%get3A_26, %get3A_27, %get3A_28] : memref<2x1024x1xf32, #tpu.memory_space<vmem>>, vector<1x1024x1xf32>
    %get3A_30 = vector.shape_cast %get3A_29 : vector<1x1024x1xf32> to vector<1024x1xf32>
    %get3A_31 = arith.constant 1 : index
    %get3A_32 = arith.constant 0 : index
    %get3A_33 = arith.constant 0 : index
    %get3A_34 = vector.load %arg2[%get3A_31, %get3A_32, %get3A_33] : memref<2x1024x1xf32, #tpu.memory_space<vmem>>, vector<1x1024x1xf32>
    %get3A_35 = vector.shape_cast %get3A_34 : vector<1x1024x1xf32> to vector<1024x1xf32>
    %add3A_36 = arith.addf %get3A_30, %get3A_35 : vector<1024x1xf32>
    %add3A_37 = arith.addf %add3A_36, %get3A_3 : vector<1024x1xf32>
    %mul3A_38 = arith.mulf %get3A_3, %add3A_37 : vector<1024x1xf32>
    %mul3A_39 = arith.constant 1024 : i32
    %mul3A_40 = arith.muli %arg0, %mul3A_39 : i32
    %iota3A = tpu.iota {dimensions = array<i32: 0>} : vector<1024x1xi32>
    %add3A_41 = vector.broadcast %mul3A_40 : i32 to vector<1024x1xi32>
    %add3A_42 = arith.addi %add3A_41, %iota3A : vector<1024x1xi32>
    %lt3A = arith.constant 10000 : i32
    %lt3A_43 = vector.broadcast %lt3A : i32 to vector<1024x1xi32>
    %lt3A_44 = arith.cmpi slt, %add3A_42, %lt3A_43 : vector<1024x1xi32>
    %jit3A = arith.constant 0.000000e+00 : f32
    %broadcast_in_dim3A = vector.broadcast %jit3A : f32 to vector<1024x1xf32>
    %select_n3A = arith.select %lt3A_44, %mul3A_38, %broadcast_in_dim3A : vector<1024x1xi1>, vector<1024x1xf32>
    %get3A_45 = arith.constant 0 : index
    %get3A_46 = arith.constant 0 : index
    %get3A_47 = vector.load %arg11[%get3A_45, %get3A_46] : memref<1x32xf32, #tpu.memory_space<vmem>>, vector<1x32xf32>
    %mul3A_48 = vector.broadcast %select_n3A : vector<1024x1xf32> to vector<1024x32xf32>
    %mul3A_49 = arith.mulf %max3A_25, %mul3A_48 : vector<1024x32xf32>
    %reduce_sum3A = arith.constant dense<0.000000e+00> : vector<32xf32>
    %reduce_sum3A_50 = vector.multi_reduction <add>, %mul3A_49, %reduce_sum3A [0] : vector<1024x32xf32> to vector<32xf32>
    %broadcast_in_dim3A_51 = vector.shape_cast %reduce_sum3A_50 : vector<32xf32> to vector<1x32xf32>
    %add3A_52 = arith.addf %get3A_47, %broadcast_in_dim3A_51 : vector<1x32xf32>
    %swap3A = arith.constant 0 : index
    %swap3A_53 = arith.constant 0 : index
    %swap3A_54 = vector.load %arg11[%swap3A, %swap3A_53] : memref<1x32xf32, #tpu.memory_space<vmem>>, vector<1x32xf32>
    tpu.vector_store %arg11[%swap3A, %swap3A_53], %add3A_52 {strides = array<i32>} : memref<1x32xf32, #tpu.memory_space<vmem>>, vector<1x32xf32>,
    %eq3A_55 = arith.constant 9 : i32
    %eq3A_56 = arith.cmpi eq, %arg0, %eq3A_55 : i32
    %convert_element_type3A_57 = arith.extui %eq3A_56 : i1 to i32
    %cond3A_58 = arith.constant 0 : i32
    %cond3A_59 = arith.cmpi ne, %convert_element_type3A_57, %cond3A_58 : i32
    scf.if %cond3A_59 {
      %get3A_60 = arith.constant 0 : index
      %get3A_61 = arith.constant 0 : index
      %get3A_62 = vector.load %arg11[%get3A_60, %get3A_61] : memref<1x32xf32, #tpu.memory_space<vmem>>, vector<1x32xf32>
      %get3A_63 = arith.constant 0 : index
      %get3A_64 = arith.constant 0 : index
      %get3A_65 = vector.load %arg6[%get3A_63, %get3A_64] : memref<32x32xf32, #tpu.memory_space<vmem>>, vector<32x32xf32>
      %dot_general3A = arith.constant dense<0.000000e+00> : vector<1x32xf32>
      %dot_general3A_66 = tpu.matmul %get3A_62, %get3A_65, %dot_general3A {dimension_numbers = #tpu.dot_dimension_numbers<[1], [0], [0], [1], [0, 0, 1, 1], [], []>, transpose_lhs_hint = false} : vector<1x32xf32>, vector<32x32xf32>, vector<1x32xf32> -> vector<1x32xf32>
      %mul3A_67 = arith.constant 9.99999974E-5 : f32
      %mul3A_68 = vector.broadcast %mul3A_67 : f32 to vector<1x32xf32>
      %mul3A_69 = arith.mulf %dot_general3A_66, %mul3A_68 : vector<1x32xf32>
      %get3A_70 = arith.constant 0 : index
      %get3A_71 = arith.constant 0 : index
      %get3A_72 = vector.load %arg7[%get3A_70, %get3A_71] : memref<1x32xf32, #tpu.memory_space<vmem>>, vector<1x32xf32>
      %add3A_73 = arith.addf %mul3A_69, %get3A_72 : vector<1x32xf32>
      %get3A_74 = arith.constant 0 : index
      %get3A_75 = arith.constant 0 : index
      %get3A_76 = vector.load %arg8[%get3A_74, %get3A_75] : memref<32x3xf32, #tpu.memory_space<vmem>>, vector<32x3xf32>
      %dot_general3A_77 = arith.constant dense<0.000000e+00> : vector<1x3xf32>
      %dot_general3A_78 = tpu.matmul %add3A_73, %get3A_76, %dot_general3A_77 {dimension_numbers = #tpu.dot_dimension_numbers<[1], [0], [0], [1], [0, 0, 1, 1], [], []>, transpose_lhs_hint = false} : vector<1x32xf32>, vector<32x3xf32>, vector<1x3xf32> -> vector<1x3xf32>
      %get3A_79 = arith.constant 0 : index
      %get3A_80 = arith.constant 0 : index
      %get3A_81 = vector.load %arg9[%get3A_79, %get3A_80] : memref<1x3xf32, #tpu.memory_space<vmem>>, vector<1x3xf32>
      %add3A_82 = arith.addf %dot_general3A_78, %get3A_81 : vector<1x3xf32>
      %reduce_max3A = arith.constant dense<0xFF800000> : vector<1xf32>
      %reduce_max3A_83 = vector.multi_reduction <maximumf>, %add3A_82, %reduce_max3A [1] : vector<1x3xf32> to vector<1xf32>
      %broadcast_in_dim3A_84 = vector.shape_cast %reduce_max3A_83 : vector<1xf32> to vector<1x1xf32>
      %sub3A = vector.broadcast %broadcast_in_dim3A_84 : vector<1x1xf32> to vector<1x3xf32>
      %sub3A_85 = arith.subf %add3A_82, %sub3A : vector<1x3xf32>
      %exp3A = math.exp %sub3A_85 : vector<1x3xf32>
      %reduce_sum3A_86 = arith.constant dense<0.000000e+00> : vector<1xf32>
      %reduce_sum3A_87 = vector.multi_reduction <add>, %exp3A, %reduce_sum3A_86 [1] : vector<1x3xf32> to vector<1xf32>
      %broadcast_in_dim3A_88 = vector.shape_cast %reduce_sum3A_87 : vector<1xf32> to vector<1x1xf32>
      %div3A = vector.broadcast %broadcast_in_dim3A_88 : vector<1x1xf32> to vector<1x3xf32>
      %div3A_89 = arith.divf %exp3A, %div3A : vector<1x3xf32>
      %swap3A_90 = arith.constant 0 : index
      %swap3A_91 = arith.constant 0 : index
      %swap3A_92 = vector.load %arg10[%swap3A_90, %swap3A_91] : memref<1x3xf32, #tpu.memory_space<vmem>>, vector<1x3xf32>
      tpu.vector_store %arg10[%swap3A_90, %swap3A_91], %div3A_89 {strides = array<i32>} : memref<1x3xf32, #tpu.memory_space<vmem>>, vector<1x3xf32>,
    } else {
    }
    return
  }
  func.func @transform_0(%arg0: i32) -> (i32, i32, i32) {
    %c0_i32 = arith.constant 0 : i32
    %c0_i32_0 = arith.constant 0 : i32
    %c0_i32_1 = arith.constant 0 : i32
    return %c0_i32, %arg0, %c0_i32_0 : i32, i32, i32
  }
  func.func @transform_1(%arg0: i32) -> (i32, i32, i32) {
    %c0_i32 = arith.constant 0 : i32
    %c0_i32_0 = arith.constant 0 : i32
    %c0_i32_1 = arith.constant 0 : i32
    return %c0_i32, %arg0, %c0_i32_0 : i32, i32, i32
  }
  func.func @transform_2(%arg0: i32) -> (i32, i32) {
    %c0_i32 = arith.constant 0 : i32
    %c0_i32_0 = arith.constant 0 : i32
    return %arg0, %c0_i32 : i32, i32
  }
  func.func @transform_3(%arg0: i32) -> (i32, i32) {
    %c0_i32 = arith.constant 0 : i32
    %c0_i32_0 = arith.constant 0 : i32
    return %arg0, %c0_i32 : i32, i32
  }
  func.func @transform_4(%arg0: i32) -> (i32, i32) {
    %c0_i32 = arith.constant 0 : i32
    %c0_i32_0 = arith.constant 0 : i32
    %c0_i32_1 = arith.constant 0 : i32
    return %c0_i32, %c0_i32_0 : i32, i32
  }
  func.func @transform_5(%arg0: i32) -> (i32, i32) {
    %c0_i32 = arith.constant 0 : i32
    %c0_i32_0 = arith.constant 0 : i32
    %c0_i32_1 = arith.constant 0 : i32
    return %c0_i32, %c0_i32_0 : i32, i32
  }
  func.func @transform_6(%arg0: i32) -> (i32, i32) {
    %c0_i32 = arith.constant 0 : i32
    %c0_i32_0 = arith.constant 0 : i32
    %c0_i32_1 = arith.constant 0 : i32
    return %c0_i32, %c0_i32_0 : i32, i32
  }
  func.func @transform_7(%arg0: i32) -> (i32, i32) {
    %c0_i32 = arith.constant 0 : i32
    %c0_i32_0 = arith.constant 0 : i32
    %c0_i32_1 = arith.constant 0 : i32
    return %c0_i32, %c0_i32_0 : i32, i32
  }
  func.func @transform_8(%arg0: i32) -> (i32, i32) {
    %c0_i32 = arith.constant 0 : i32
    %c0_i32_0 = arith.constant 0 : i32
    %c0_i32_1 = arith.constant 0 : i32
    return %c0_i32, %c0_i32_0 : i32, i32
  }
  func.func @transform_9(%arg0: i32) -> (i32, i32) {
    %c0_i32 = arith.constant 0 : i32
    %c0_i32_0 = arith.constant 0 : i32
    %c0_i32_1 = arith.constant 0 : i32
    return %c0_i32, %c0_i32_0 : i32, i32
  }
}

</mosaic_0001>

<sc_bundles>
// kernel: kernel.6.cloned.1.call-start
scs
__scs_entry_jumppad:
0x0: {  	(pc) =	sbr.rel $0x88, $3  }
0x1: {  	(tag) =	ssettag $0x0;
	lr =	simm.s32 $0x1  }
0x2: {  	[smem:$0x3F99] =	sst lr;
	_ =	strace $0xD0000000  }
0x3: {  	_ = 	snop  }
0x4: {  	_ = 	snop  }
0x5: {  	_ = 	snop  }
0x6: {  	_ = 	snop  }
0x7: {  	_ = 	snop  }
__scs_overlays_trampoline_lowered:
0x8: {  	[smem:$0x3FA8] =	sst s0  }
0x9: {  	[smem:$0x3FA9] =	sst s1  }
0xa: {  	[smem:$0x3FAA] =	sst s2  }
0xb: {  	[smem:$0x3FAB] =	sst s3  }
0xc: {  	[smem:$0x3FAC] =	sst s4  }
0xd: {  	[smem:$0x3FAD] =	sst s5  }
0xe: {  	[smem:$0x3FAE] =	sst s6  }
0xf: {  	[smem:$0x3FAF] =	sst s7  }
0x10: {  	[smem:$0x3FB0] =	sst s8  }
0x11: {  	[smem:$0x3FB1] =	sst s9;
	s0 =	simm.s32 @!p0 $0x0  }
0x12: {  	s1 =	sld [smem:$0x3F97];
	s0 =	simm.s32 @p0 $0x1  }
0x13: {  	[smem:$0x3FB2] =	sst s0;
	s0 =	simm.s32 @!p1 $0x0  }
0x14: {  	s2 =	sld [smem:$0x3F96];
	s0 =	simm.s32 @p1 $0x1  }
0x15: {  	[smem:$0x3FB3] =	sst s0;
	s0 =	simm.s32 @!p2 $0x0  }
0x16: {  	s3 =	sld [smem:$0x3FDB];
	s0 =	simm.s32 @p2 $0x1  }
0x17: {  	s4 =	simm.s32 $0x1BF5;
	[smem:$0x3FB5] =	sst s0  }
0x18: {  	s0 =	sld [smem:$0x3F98];
	_ =	swait.ge [sflag:s4], $0x0  }
0x19: {  	s7 =	sld [smem:$0x3F99]  }
0x1a: {  	s8 =	sadd.s32 $0xFFFFE003, lr  }
0x1b: {  	s9 =	sadd.s32 $0xFFFFFEF7, lr;
	s5 =	simm.s32 $0xFFFFFFFF;
	p2 =	slt.u32 s8, $0xFFFFF086  }
0x1c: {  	p1 =	slt.u32 s9, $0xF7A;
	s5 =	simm.s32 @!p2 $0x0  }
0x1d: {  	s5 =	simm.s32 @p1 $0x1;
	p0 =	seq.s32 s7, s2  }
0x1e: {  	s7 =	smul.u32 @!p0 $0xF7A, s2;
	p2 =	seq.s32 @!p0 s5, $0x0  }
0x1f: {  	s9 =	smul.u32 $0xF7A, s1;
	s8 =	simm.s32 @!p0 $0x1BF5;
	p2 =	por !p2, p0  }
0x20: {  	[sflag:s8] =	ssyncset.s32 @!p0 $0xFFFFF086;
	s6 =	sadd.s32 @!p0 s3, s7;
	s7 =	simm.s32 @!p0 $0x108  }
0x21: {  	s3 =	sadd.s32 s3, s9;
	s6 =	sadd.s32 @!p0 $0x88, s6;
	s7 =	simm.s32 @p2 $0x1082  }
0x22: {  	[simem:s7], [sflag:s8] =	dma.local @!p0 [hbm:s6], $0xF7A  }
0x23: {  	s9 =	sor.u32 $0xD0000000, s2;
	s6 =	simm.s32 $0x108;
	_ =	swait.ge @!p0 [sflag:s8], $0x0  }
0x24: {  	s3 =	sadd.s32 $0x88, s3;
	s6 =	simm.s32 @!p1 $0x1082;
	[sflag:s4] =	ssyncset.s32 $0xFFFFF086  }
0x25: {  	[simem:s6], [sflag:s4] =	dma.local [hbm:s3], $0xF7A  }
0x26: {  	[smem:$0x3F99] =	sst s1;
	(tag) =	ssettag s2;
	_ =	strace s9  }
0x27: {  	s1 =	sld [smem:$0x3FA9]  }
0x28: {  	s2 =	sld [smem:$0x3FAA]  }
0x29: {  	s4 =	sld [smem:$0x3FAC]  }
0x2a: {  	p0 =	seq.s32 s5, $0x0;
	s5 =	sld [smem:$0x3FAD]  }
0x2b: {  	s6 =	sld [smem:$0x3FAE]  }
0x2c: {  	s7 =	sld [smem:$0x3FAF]  }
0x2d: {  	s3 =	simm.s32 $0x108;
	s8 =	sld [smem:$0x3FB0]  }
0x2e: {  	s3 =	simm.s32 @!p0 $0x1082;
	s9 =	sld [smem:$0x3FB1]  }
0x2f: {  	lr =	sadd.s32 s0, s3;
	s0 =	sld [smem:$0x3FA8]  }
0x30: {  	s3 =	sld [smem:$0x3FAB]  }
0x31: {  	[smem:$0x3FB4] =	sst s10  }
0x32: {  	s10 =	sld [smem:$0x3FB2];
	_ =	sdelay $0x3  }
0x33: {  	p0 =	seq.s32 s10, $0x1;
	s10 =	sld [smem:$0x3FB4];
	_ =	sdelay $0x3  }
0x34: {  	[smem:$0x3FB4] =	sst s10  }
0x35: {  	s10 =	sld [smem:$0x3FB3];
	_ =	sdelay $0x3  }
0x36: {  	p1 =	seq.s32 s10, $0x1;
	s10 =	sld [smem:$0x3FB4];
	_ =	sdelay $0x3  }
0x37: {  	[smem:$0x3FB4] =	sst s10  }
0x38: {  	s10 =	sld [smem:$0x3FB5]  }
0x39: {  	_ = 	snop;
	(pc) =	sbr.ind lr, $3  }
0x3a: {  	_ = 	snop  }
0x3b: {  	_ = 	snop  }
0x3c: {  	p2 =	seq.s32 s10, $0x1;
	s10 =	sld [smem:$0x3FB4]  }
0x3d: {  	_ =	shalt  }
0x3e: {  	_ =	shalt  }
0x3f: {  	_ =	shalt  }
0x40: {  	_ =	shalt  }
0x41: {  	_ =	shalt  }
0x42: {  	_ =	shalt  }
0x43: {  	_ =	shalt  }
0x44: {  	_ =	shalt  }
0x45: {  	_ =	shalt  }
0x46: {  	_ =	shalt  }
0x47: {  	_ =	shalt  }
0x48: {  	_ =	shalt  }
0x49: {  	_ =	shalt  }
0x4a: {  	_ =	shalt  }
0x4b: {  	_ =	shalt  }
0x4c: {  	_ =	shalt  }
0x4d: {  	_ =	shalt  }
0x4e: {  	_ =	shalt  }
0x4f: {  	_ =	shalt  }
0x50: {  	_ =	shalt  }
0x51: {  	_ =	shalt  }
0x52: {  	_ =	shalt  }
0x53: {  	_ =	shalt  }
0x54: {  	_ =	shalt  }
0x55: {  	_ =	shalt  }
0x56: {  	_ =	shalt  }
0x57: {  	_ =	shalt  }
0x58: {  	_ =	shalt  }
0x59: {  	_ =	shalt  }
0x5a: {  	_ =	shalt  }
0x5b: {  	_ =	shalt  }
0x5c: {  	_ =	shalt  }
0x5d: {  	_ =	shalt  }
0x5e: {  	_ =	shalt  }
0x5f: {  	_ =	shalt  }
0x60: {  	_ =	shalt  }
0x61: {  	_ =	shalt  }
0x62: {  	_ =	shalt  }
0x63: {  	_ =	shalt  }
0x64: {  	_ =	shalt  }
0x65: {  	_ =	shalt  }
0x66: {  	_ =	shalt  }
0x67: {  	_ =	shalt  }
0x68: {  	_ =	shalt  }
0x69: {  	_ =	shalt  }
0x6a: {  	_ =	shalt  }
0x6b: {  	_ =	shalt  }
0x6c: {  	_ =	shalt  }
0x6d: {  	_ =	shalt  }
0x6e: {  	_ =	shalt  }
0x6f: {  	_ =	shalt  }
0x70: {  	_ =	shalt  }
0x71: {  	_ =	shalt  }
0x72: {  	_ =	shalt  }
0x73: {  	_ =	shalt  }
0x74: {  	_ =	shalt  }
0x75: {  	_ =	shalt  }
0x76: {  	_ =	shalt  }
0x77: {  	_ =	shalt  }
0x78: {  	_ =	shalt  }
0x79: {  	_ =	shalt  }
0x7a: {  	_ =	shalt  }
0x7b: {  	_ =	shalt  }
0x7c: {  	_ =	shalt  }
0x7d: {  	_ =	shalt  }
0x7e: {  	_ =	shalt  }
0x7f: {  	_ =	shalt  }
0x80: {  	_ =	shalt  }
0x81: {  	_ =	shalt  }
0x82: {  	_ =	shalt  }
0x83: {  	_ =	shalt  }
0x84: {  	_ =	shalt  }
0x85: {  	_ =	shalt  }
0x86: {  	_ =	shalt  }
0x87: {  	_ =	shalt  }
.Lfunc_end0:
.L_simem_size_0:
called_computation_lowered:
.L_overlay_start_0:
0x88: {  	s2 =	sld [smem:$0x3FD9]  }
0x89: {  	s3 =	sld [smem:$0x3FFE];
	_ =	sdelay $0x1  }
0x8a: {  	s1 =	srdreg.scid  }
0x8b: {  	s0 =	sand.u32 $0x1, s1  }
0x8c: {  	s16 =	sshll.u32 s0, $0xA;
	s2 =	sadd.s32 s3, s2  }
0x8d: {  	s2 =	sadd.s32 s2, s16  }
0x8e: {  	[smem:$0x3FC0] =	sst s2  }
0x8f: {  	_ = 	snop  }
0x90: {  	(tm) =	ssettm $0x1  }
0x91: {  	s17 =	sld [smem:$0x3FFB];
	_ =	sdelay $0x3  }
0x92: {  	_ =	strace s17  }
0x93: {  	s2 =	sld [smem:$0x3FFC];
	_ =	sdelay $0x3  }
0x94: {  	_ =	strace s2  }
0x95: {  	s2 =	sld [smem:$0x3FFD];
	_ =	sdelay $0x3  }
0x96: {  	_ =	strace s2  }
0x97: {  	_ =	strace $0x8FFFFFFF  }
0x98: {  	s18 =	sld [smem:$0x3FDB];
	_ =	sdelay $0x1  }
0x99: {  	s19 =	simm.s32 $_scs_section_size  }
0x9a: {  	s4 =	simm.s32 $_size__tile_overlayer_lowered;
	s5 =	simm.s32 $_tile_overlayer_lowered  }
0x9b: {  	s22 =	simm.s32 $0x1BFF;
	s21 =	sshll.u32 s5, $0x1;
	s2 =	sadd.s32 s19, s18  }
0x9c: {  	s6 =	simm.s32 $0x0;
	s20 =	sshll.u32 s4, $0x1;
	s4 =	sadd.s32 s21, s2  }
0x9d: {  	[timem:s6], [sflag:s22] =	dma.local [hbm:s4], s20  }
0x9e: {  	_ =	swait.ge [sflag:s22], s20  }
0x9f: {  	s3 =	ssub.s32 $0x0, s20;
	[sflag:s22] =	ssyncset.done $0x0  }
0xa0: {  	[sflag:s22] =	ssyncadd.s32 s3;
	_ =	sdelay $0x1  }
0xa1: {  	s23 =	simm.s32 $0x1B8B  }
0xa2: {  	_ =	swait.ge [sflag:s23], $0x1  }
0xa3: {  	[sflag:s23] =	ssyncset.done $0x0  }
0xa4: {  	s25 =	simm.s32 $0x1B8E;
	s24 =	sld [smem:$0x3FFE];
	[sflag:s23] =	ssyncadd.s32 $0xFFFFFFFF  }
0xa5: {  	s26 =	simm.s32 $execute0_lowered;
	[smem:$0x3FD2] =	sst s25  }
0xa6: {  	s4 =	sshll.u32 s26, $0x1;
	_ =	strace $0x80000046;
	[dreg:$0x1] =	wrdreg $0xFFFFFFFF  }
0xa7: {  	s28 =	simm.s32 $_size_execute0_lowered;
	s2 =	sadd.s32 s2, s4;
	[dreg:$0x0] =	wrdreg $0x0  }
0xa8: {  	s4 =	sshll.u32 s28, $0x1;
	[dreg:$0x2] =	wrdreg s2  }
0xa9: {  	[dreg:$0x3] =	wrdreg s4  }
0xaa: {  	[dreg:$0x4] =	wrdreg $0xC0  }
0xab: {  	_ =	task [dreg:s6], $0x5FFFF  }
0xac: {  	[dreg:$0x1] =	wrdreg $0xFFFFFFFF  }
0xad: {  	[dreg:$0x0] =	wrdreg $0x60  }
0xae: {  	[dreg:$0x2] =	wrdreg s24  }
0xaf: {  	[dreg:$0x3] =	wrdreg $0x28800  }
0xb0: {  	[dreg:$0x4] =	wrdreg $0x9  }
0xb1: {  	_ =	task.clear_ibuf [dreg:s6], $0x5FFFF;
	_ =	strace $0x90000046  }
0xb2: {  	s29 =	simm.s32 $0x9;
	_ =	strace $0x80000048  }
0xb3: {  	_ =	swait.ge [sflag:s29], $0x1  }
0xb4: {  	[sflag:s29] =	ssyncadd.s32 $0xFFFFFFFF  }
0xb5: {  	_ =	strace $0x90000048  }
0xb6: {  	_ =	sfence  }
0xb7: {  	s30 =	sld [smem:$0x0];
	_ =	sdelay $0x2  }
0xb8: {  	s31 =	sshll.u32 s1, $0xD;
	s1 =	sshrl.u32 s1, $0x2  }
0xb9: {  	s3 =	sand.u32 $0x4000, s31;
	s1 =	sadd.s32 s1, s30  }
0xba: {  	s0 =	sor.u32 s3, s0;
	s1 =	sshll.u32 s1, $0x11  }
0xbb: {  	s0 =	sor.u32 s1, s0  }
0xbc: {  	s0 =	sadd.s32 $0x8F2B, s0  }
0xbd: {  	[sflag:s0] =	ssyncadd.remote.s32 $0x1  }
0xbe: {  	_ =	sfence.sel $0xFFFF  }
0xbf: {  	[dreg:$0x0] =	wrdreg $0xFFFFFFFF;
	(pc) =	sbr.abs _section_cstart, $3  }
0xc0: {  	[dreg:$0x1] =	wrdreg $0xFFFFFFFF  }
0xc1: {  	_ =	task.clear_ibuf [dreg:s6], $0x2FFFF;
	_ =	strace $0x9FFFFFFF  }
0xc2: {  	(tm) =	ssettm $0x7FFFFFFF  }
0xc3: {  	_ =	shalt  }
tec
execute0_lowered:
.L_overlay_start_1:
0x0: {  	(tag) =	ssettag $0x1  }
0x1: {  	s4 =	rddreg [dreg:$0x0]  }
0x2: {  	s0 =	srdreg.scid;
	s7 =	stileid.u32  }
0x3: {  	s1 =	rddreg [dreg:$0x1];
	s2 =	simm.s32 $0x0;
	s10 =	simm.s32 $0x2800  }
0x4: {  	s11 =	simm.s32 $0x1;
	s3 =	sand.u32 $0x1, s0;
	s5 =	sshll.u32 s7, $0x1  }
0x5: {  	s12 =	simm.s32 $0x0;
	s0 =	rddreg [dreg:$0x2];
	s5 =	sor.u32 s3, s5  }
0x6: {  	[smem:$0x7FF] =	sst s2;
	p0 =	sne.s32 s7, $0x0;
	s5 =	smul.u32 $0x2800, s5  }
0x7: {  	_ =	strace $0x80000047;
	s6 =	smul.u32 $0x500, s3;
	s8 =	ssub.s32 $0x2, s3  }
0x8: {  	s3 =	sadd.s32 $0x16000, s4;
	s7 =	sshrl.u32 @!p0 s1, $0x3;
	s5 =	sshrl.u32 s5, $0x3  }
0x9: {  	s9 =	sshrl.u32 s8, $0x1;
	s6 =	sadd.s32 s6, s4;
	s5 =	sadd.s32 s4, s5  }
0xa: {  	s8 =	ssub.s32 s8, s9;
	s9 =	simm.s32 $0x80;
	s4 =	sadd.s32 $0xC000, s5  }
0xb: {  	v0 =	vimm.f32 $1.000000000e+00;
	s5 =	sadd.s32 $0x16600, s6;
	s6 =	smax.u32 s8, $0x1;
	s8 =	simm.s32 $0x2  }
.LBB2_1:
0xc: {  	[tilespmem:$0x2800] =	vst v0  }
0xd: {  	[tilespmem:$0x2810] =	vst v0  }
0xe: {  	[tilespmem:$0x2820] =	vst v0  }
0xf: {  	[tilespmem:$0x2830] =	vst v0  }
0x10: {  	[tilespmem:$0x2840] =	vst v0  }
0x11: {  	[tilespmem:$0x2850] =	vst v0  }
0x12: {  	[tilespmem:$0x2860] =	vst v0  }
0x13: {  	[tilespmem:$0x2870] =	vst v0;
	s13 =	simm.s32 @!p0 $0x1C02  }
0x14: {  	[spmem:s7], [sflag:s13] =	dma.local @!p0 [hbm:s3], $0x500  }
0x15: {  	s13 =	simm.s32 @!p0 $0x2  }
0x16: {  	_ =	swait.ge @!p0 [sflag:s13], $0x500  }
0x17: {  	[sflag:s13] =	ssyncset.done @!p0 $0x0  }
0x18: {  	[sflag:s13] =	ssyncadd.s32 @!p0 $0xFFFFFB00  }
0x19: {  	[tilespmem:s2], [sflag:$0x2] =	stream.linear.gather [hbm4b:s4+s2], $0x2800, $0x38;
	[tilespmem:$0x2B00] =	vst v63  }
0x1a: {  	_ =	swait.ge [sflag:s8], $0x2800  }
0x1b: {  	[sflag:s8] =	ssyncset.done $0x0  }
0x1c: {  	[sflag:s8] =	ssyncadd.s32 $0xFFFFD800  }
0x1d: {  	s15 =	simm.s32 $0x0;
	[bflag:$0x0] =	sbarrier.arrive $0xFFFF  }
0x1e: {  	[spmem:s1] =	stream.indirect.scatter.add.f32 [tilespmem:s10], [sflag:$0x1], $0x1, s15, s9, $0xb8;
	[tilespmem:$0x2B00] =	vst v63  }
0x1f: {  	s16 =	simm.s32 $0x80  }
0x20: {  	[spmem:s1] =	stream.indirect.scatter.add.f32 [tilespmem:s10], [sflag:$0x1], $0x1, s16, s9, $0xb8;
	[tilespmem:$0x2B00] =	vst v63  }
0x21: {  	s17 =	simm.s32 $0x100  }
0x22: {  	[spmem:s1] =	stream.indirect.scatter.add.f32 [tilespmem:s10], [sflag:$0x1], $0x1, s17, s9, $0xb8;
	[tilespmem:$0x2B00] =	vst v63  }
0x23: {  	s18 =	simm.s32 $0x180  }
0x24: {  	[spmem:s1] =	stream.indirect.scatter.add.f32 [tilespmem:s10], [sflag:$0x1], $0x1, s18, s9, $0xb8;
	[tilespmem:$0x2B00] =	vst v63  }
0x25: {  	s19 =	simm.s32 $0x200  }
0x26: {  	[spmem:s1] =	stream.indirect.scatter.add.f32 [tilespmem:s10], [sflag:$0x1], $0x1, s19, s9, $0xb8;
	[tilespmem:$0x2B00] =	vst v63  }
0x27: {  	s20 =	simm.s32 $0x280  }
0x28: {  	[spmem:s1] =	stream.indirect.scatter.add.f32 [tilespmem:s10], [sflag:$0x1], $0x1, s20, s9, $0xb8;
	[tilespmem:$0x2B00] =	vst v63  }
0x29: {  	s21 =	simm.s32 $0x300  }
0x2a: {  	[spmem:s1] =	stream.indirect.scatter.add.f32 [tilespmem:s10], [sflag:$0x1], $0x1, s21, s9, $0xb8;
	[tilespmem:$0x2B00] =	vst v63  }
0x2b: {  	s22 =	simm.s32 $0x380  }
0x2c: {  	[spmem:s1] =	stream.indirect.scatter.add.f32 [tilespmem:s10], [sflag:$0x1], $0x1, s22, s9, $0xb8;
	[tilespmem:$0x2B00] =	vst v63  }
0x2d: {  	s23 =	simm.s32 $0x400  }
0x2e: {  	[spmem:s1] =	stream.indirect.scatter.add.f32 [tilespmem:s10], [sflag:$0x1], $0x1, s23, s9, $0xb8;
	[tilespmem:$0x2B00] =	vst v63  }
0x2f: {  	s24 =	simm.s32 $0x480  }
0x30: {  	[spmem:s1] =	stream.indirect.scatter.add.f32 [tilespmem:s10], [sflag:$0x1], $0x1, s24, s9, $0xb8;
	[tilespmem:$0x2B00] =	vst v63  }
0x31: {  	s25 =	simm.s32 $0x500  }
0x32: {  	[spmem:s1] =	stream.indirect.scatter.add.f32 [tilespmem:s10], [sflag:$0x1], $0x1, s25, s9, $0xb8;
	[tilespmem:$0x2B00] =	vst v63  }
0x33: {  	s26 =	simm.s32 $0x580  }
0x34: {  	[spmem:s1] =	stream.indirect.scatter.add.f32 [tilespmem:s10], [sflag:$0x1], $0x1, s26, s9, $0xb8;
	[tilespmem:$0x2B00] =	vst v63  }
0x35: {  	s28 =	simm.s32 $0x600  }
0x36: {  	[spmem:s1] =	stream.indirect.scatter.add.f32 [tilespmem:s10], [sflag:$0x1], $0x1, s28, s9, $0xb8;
	[tilespmem:$0x2B00] =	vst v63  }
0x37: {  	s29 =	simm.s32 $0x680  }
0x38: {  	[spmem:s1] =	stream.indirect.scatter.add.f32 [tilespmem:s10], [sflag:$0x1], $0x1, s29, s9, $0xb8;
	[tilespmem:$0x2B00] =	vst v63  }
0x39: {  	s30 =	simm.s32 $0x700  }
0x3a: {  	[spmem:s1] =	stream.indirect.scatter.add.f32 [tilespmem:s10], [sflag:$0x1], $0x1, s30, s9, $0xb8;
	[tilespmem:$0x2B00] =	vst v63  }
0x3b: {  	s31 =	simm.s32 $0x780  }
0x3c: {  	[spmem:s1] =	stream.indirect.scatter.add.f32 [tilespmem:s10], [sflag:$0x1], $0x1, s31, s9, $0xb8;
	[tilespmem:$0x2B00] =	vst v63  }
0x3d: {  	_ =	swait.ge [sflag:s11], $0x80  }
0x3e: {  	[sflag:s11] =	ssyncset.done $0x0  }
0x3f: {  	[sflag:s11] =	ssyncadd.s32 $0xFFFFFF80  }
0x40: {  	_ =	swait.ge [sflag:s11], $0x80  }
0x41: {  	[sflag:s11] =	ssyncset.done $0x0  }
0x42: {  	[sflag:s11] =	ssyncadd.s32 $0xFFFFFF80  }
0x43: {  	_ =	swait.ge [sflag:s11], $0x80  }
0x44: {  	[sflag:s11] =	ssyncset.done $0x0  }
0x45: {  	[sflag:s11] =	ssyncadd.s32 $0xFFFFFF80  }
0x46: {  	_ =	swait.ge [sflag:s11], $0x80  }
0x47: {  	[sflag:s11] =	ssyncset.done $0x0  }
0x48: {  	[sflag:s11] =	ssyncadd.s32 $0xFFFFFF80  }
0x49: {  	_ =	swait.ge [sflag:s11], $0x80  }
0x4a: {  	[sflag:s11] =	ssyncset.done $0x0  }
0x4b: {  	[sflag:s11] =	ssyncadd.s32 $0xFFFFFF80  }
0x4c: {  	_ =	swait.ge [sflag:s11], $0x80  }
0x4d: {  	[sflag:s11] =	ssyncset.done $0x0  }
0x4e: {  	[sflag:s11] =	ssyncadd.s32 $0xFFFFFF80  }
0x4f: {  	_ =	swait.ge [sflag:s11], $0x80  }
0x50: {  	[sflag:s11] =	ssyncset.done $0x0  }
0x51: {  	[sflag:s11] =	ssyncadd.s32 $0xFFFFFF80  }
0x52: {  	_ =	swait.ge [sflag:s11], $0x80  }
0x53: {  	[sflag:s11] =	ssyncset.done $0x0  }
0x54: {  	[sflag:s11] =	ssyncadd.s32 $0xFFFFFF80  }
0x55: {  	_ =	swait.ge [sflag:s11], $0x80  }
0x56: {  	[sflag:s11] =	ssyncset.done $0x0  }
0x57: {  	[sflag:s11] =	ssyncadd.s32 $0xFFFFFF80  }
0x58: {  	_ =	swait.ge [sflag:s11], $0x80  }
0x59: {  	[sflag:s11] =	ssyncset.done $0x0  }
0x5a: {  	[sflag:s11] =	ssyncadd.s32 $0xFFFFFF80  }
0x5b: {  	_ =	swait.ge [sflag:s11], $0x80  }
0x5c: {  	[sflag:s11] =	ssyncset.done $0x0  }
0x5d: {  	[sflag:s11] =	ssyncadd.s32 $0xFFFFFF80  }
0x5e: {  	_ =	swait.ge [sflag:s11], $0x80  }
0x5f: {  	[sflag:s11] =	ssyncset.done $0x0  }
0x60: {  	[sflag:s11] =	ssyncadd.s32 $0xFFFFFF80  }
0x61: {  	_ =	swait.ge [sflag:s11], $0x80  }
0x62: {  	[sflag:s11] =	ssyncset.done $0x0  }
0x63: {  	[sflag:s11] =	ssyncadd.s32 $0xFFFFFF80  }
0x64: {  	_ =	swait.ge [sflag:s11], $0x80  }
0x65: {  	[sflag:s11] =	ssyncset.done $0x0  }
0x66: {  	[sflag:s11] =	ssyncadd.s32 $0xFFFFFF80  }
0x67: {  	_ =	swait.ge [sflag:s11], $0x80  }
0x68: {  	[sflag:s11] =	ssyncset.done $0x0  }
0x69: {  	[sflag:s11] =	ssyncadd.s32 $0xFFFFFF80  }
0x6a: {  	_ =	swait.ge [sflag:s11], $0x80  }
0x6b: {  	s13 =	simm.s32 $0x2000;
	s16 =	simm.s32 $0x4000;
	[sflag:s11] =	ssyncset.done $0x0  }
.LBB2_2:
0x6c: {  	s15 =	sshra.s32 s13, $0x2  }
0x6d: {  	[sflag:s11] =	ssyncadd.s32 $0xFFFFFF80;
	s13 =	smov.u32 s16;
	s14 =	sadd.s32 $0x2000, s16  }
0x6e: {  	[spmem:s1] =	stream.indirect.scatter.add.f32 [tilespmem:s10], [sflag:$0x1], $0x1, s15, s9, $0xb8;
	[tilespmem:$0x2B00] =	vst v63  }
0x6f: {  	p1 =	sne.s32 s16, $0x8000;
	s16 =	sadd.s32 $0x80, s15  }
0x70: {  	[spmem:s1] =	stream.indirect.scatter.add.f32 [tilespmem:s10], [sflag:$0x1], $0x1, s16, s9, $0xb8;
	[tilespmem:$0x2B00] =	vst v63  }
0x71: {  	s16 =	sadd.s32 $0x100, s15  }
0x72: {  	[spmem:s1] =	stream.indirect.scatter.add.f32 [tilespmem:s10], [sflag:$0x1], $0x1, s16, s9, $0xb8;
	[tilespmem:$0x2B00] =	vst v63  }
0x73: {  	s16 =	sadd.s32 $0x180, s15  }
0x74: {  	[spmem:s1] =	stream.indirect.scatter.add.f32 [tilespmem:s10], [sflag:$0x1], $0x1, s16, s9, $0xb8;
	[tilespmem:$0x2B00] =	vst v63  }
0x75: {  	s16 =	sadd.s32 $0x200, s15  }
0x76: {  	[spmem:s1] =	stream.indirect.scatter.add.f32 [tilespmem:s10], [sflag:$0x1], $0x1, s16, s9, $0xb8;
	[tilespmem:$0x2B00] =	vst v63  }
0x77: {  	s16 =	sadd.s32 $0x280, s15  }
0x78: {  	[spmem:s1] =	stream.indirect.scatter.add.f32 [tilespmem:s10], [sflag:$0x1], $0x1, s16, s9, $0xb8;
	[tilespmem:$0x2B00] =	vst v63  }
0x79: {  	s16 =	sadd.s32 $0x300, s15  }
0x7a: {  	[spmem:s1] =	stream.indirect.scatter.add.f32 [tilespmem:s10], [sflag:$0x1], $0x1, s16, s9, $0xb8;
	[tilespmem:$0x2B00] =	vst v63  }
0x7b: {  	s16 =	sadd.s32 $0x380, s15  }
0x7c: {  	[spmem:s1] =	stream.indirect.scatter.add.f32 [tilespmem:s10], [sflag:$0x1], $0x1, s16, s9, $0xb8;
	[tilespmem:$0x2B00] =	vst v63  }
0x7d: {  	s16 =	sadd.s32 $0x400, s15  }
0x7e: {  	[spmem:s1] =	stream.indirect.scatter.add.f32 [tilespmem:s10], [sflag:$0x1], $0x1, s16, s9, $0xb8;
	[tilespmem:$0x2B00] =	vst v63  }
0x7f: {  	s16 =	sadd.s32 $0x480, s15  }
0x80: {  	[spmem:s1] =	stream.indirect.scatter.add.f32 [tilespmem:s10], [sflag:$0x1], $0x1, s16, s9, $0xb8;
	[tilespmem:$0x2B00] =	vst v63  }
0x81: {  	s16 =	sadd.s32 $0x500, s15  }
0x82: {  	[spmem:s1] =	stream.indirect.scatter.add.f32 [tilespmem:s10], [sflag:$0x1], $0x1, s16, s9, $0xb8;
	[tilespmem:$0x2B00] =	vst v63  }
0x83: {  	s16 =	sadd.s32 $0x580, s15  }
0x84: {  	[spmem:s1] =	stream.indirect.scatter.add.f32 [tilespmem:s10], [sflag:$0x1], $0x1, s16, s9, $0xb8;
	[tilespmem:$0x2B00] =	vst v63  }
0x85: {  	s16 =	sadd.s32 $0x600, s15  }
0x86: {  	[spmem:s1] =	stream.indirect.scatter.add.f32 [tilespmem:s10], [sflag:$0x1], $0x1, s16, s9, $0xb8;
	[tilespmem:$0x2B00] =	vst v63  }
0x87: {  	s16 =	sadd.s32 $0x680, s15  }
0x88: {  	[spmem:s1] =	stream.indirect.scatter.add.f32 [tilespmem:s10], [sflag:$0x1], $0x1, s16, s9, $0xb8;
	[tilespmem:$0x2B00] =	vst v63  }
0x89: {  	s16 =	sadd.s32 $0x700, s15  }
0x8a: {  	[spmem:s1] =	stream.indirect.scatter.add.f32 [tilespmem:s10], [sflag:$0x1], $0x1, s16, s9, $0xb8;
	[tilespmem:$0x2B00] =	vst v63  }
0x8b: {  	s15 =	sadd.s32 $0x780, s15  }
0x8c: {  	[spmem:s1] =	stream.indirect.scatter.add.f32 [tilespmem:s10], [sflag:$0x1], $0x1, s15, s9, $0xb8;
	[tilespmem:$0x2B00] =	vst v63  }
0x8d: {  	_ =	swait.ge [sflag:s11], $0x80  }
0x8e: {  	[sflag:s11] =	ssyncset.done $0x0  }
0x8f: {  	[sflag:s11] =	ssyncadd.s32 $0xFFFFFF80  }
0x90: {  	_ =	swait.ge [sflag:s11], $0x80  }
0x91: {  	[sflag:s11] =	ssyncset.done $0x0  }
0x92: {  	[sflag:s11] =	ssyncadd.s32 $0xFFFFFF80  }
0x93: {  	_ =	swait.ge [sflag:s11], $0x80  }
0x94: {  	[sflag:s11] =	ssyncset.done $0x0  }
0x95: {  	[sflag:s11] =	ssyncadd.s32 $0xFFFFFF80  }
0x96: {  	_ =	swait.ge [sflag:s11], $0x80  }
0x97: {  	[sflag:s11] =	ssyncset.done $0x0  }
0x98: {  	[sflag:s11] =	ssyncadd.s32 $0xFFFFFF80  }
0x99: {  	_ =	swait.ge [sflag:s11], $0x80  }
0x9a: {  	[sflag:s11] =	ssyncset.done $0x0  }
0x9b: {  	[sflag:s11] =	ssyncadd.s32 $0xFFFFFF80  }
0x9c: {  	_ =	swait.ge [sflag:s11], $0x80  }
0x9d: {  	[sflag:s11] =	ssyncset.done $0x0  }
0x9e: {  	[sflag:s11] =	ssyncadd.s32 $0xFFFFFF80  }
0x9f: {  	_ =	swait.ge [sflag:s11], $0x80  }
0xa0: {  	[sflag:s11] =	ssyncset.done $0x0  }
0xa1: {  	[sflag:s11] =	ssyncadd.s32 $0xFFFFFF80  }
0xa2: {  	_ =	swait.ge [sflag:s11], $0x80  }
0xa3: {  	[sflag:s11] =	ssyncset.done $0x0  }
0xa4: {  	[sflag:s11] =	ssyncadd.s32 $0xFFFFFF80  }
0xa5: {  	_ =	swait.ge [sflag:s11], $0x80  }
0xa6: {  	[sflag:s11] =	ssyncset.done $0x0  }
0xa7: {  	[sflag:s11] =	ssyncadd.s32 $0xFFFFFF80  }
0xa8: {  	_ =	swait.ge [sflag:s11], $0x80  }
0xa9: {  	[sflag:s11] =	ssyncset.done $0x0  }
0xaa: {  	[sflag:s11] =	ssyncadd.s32 $0xFFFFFF80  }
0xab: {  	_ =	swait.ge [sflag:s11], $0x80  }
0xac: {  	[sflag:s11] =	ssyncset.done $0x0  }
0xad: {  	[sflag:s11] =	ssyncadd.s32 $0xFFFFFF80  }
0xae: {  	_ =	swait.ge [sflag:s11], $0x80  }
0xaf: {  	[sflag:s11] =	ssyncset.done $0x0  }
0xb0: {  	[sflag:s11] =	ssyncadd.s32 $0xFFFFFF80  }
0xb1: {  	_ =	swait.ge [sflag:s11], $0x80  }
0xb2: {  	[sflag:s11] =	ssyncset.done $0x0  }
0xb3: {  	[sflag:s11] =	ssyncadd.s32 $0xFFFFFF80  }
0xb4: {  	_ =	swait.ge [sflag:s11], $0x80  }
0xb5: {  	[sflag:s11] =	ssyncset.done $0x0  }
0xb6: {  	[sflag:s11] =	ssyncadd.s32 $0xFFFFFF80  }
.Ltmp0:
0xb7: {  	_ =	swait.ge [sflag:s11], $0x80;
	(pc) =	sbr.rel @p1 .LBB2_2-.Ltmp0, $4  }
0xb8: {  	[sflag:s11] =	ssyncset.done $0x0  }
0xb9: {  	[sflag:s11] =	ssyncadd.s32 $0xFFFFFF80  }
0xba: {  	_ =	swait.ge [sflag:s11], $0x80  }
0xbb: {  	s16 =	smov.u32 s14;
	[sflag:s11] =	ssyncset.done $0x0  }
0xbc: {  	s13 =	sshra.s32 s13, $0x2;
	[sflag:s11] =	ssyncadd.s32 $0xFFFFFF80  }
0xbd: {  	[spmem:s1] =	stream.indirect.scatter.add.f32 [tilespmem:s10], [sflag:$0x1], $0x1, s13, s9, $0xb8;
	[tilespmem:$0x2B00] =	vst v63  }
0xbe: {  	s14 =	sadd.s32 $0x80, s13  }
0xbf: {  	[spmem:s1] =	stream.indirect.scatter.add.f32 [tilespmem:s10], [sflag:$0x1], $0x1, s14, s9, $0xb8;
	[tilespmem:$0x2B00] =	vst v63  }
0xc0: {  	s18 =	sadd.s32 $0x100, s13  }
0xc1: {  	[spmem:s1] =	stream.indirect.scatter.add.f32 [tilespmem:s10], [sflag:$0x1], $0x1, s18, s9, $0xb8;
	[tilespmem:$0x2B00] =	vst v63  }
0xc2: {  	s19 =	sadd.s32 $0x180, s13  }
0xc3: {  	[spmem:s1] =	stream.indirect.scatter.add.f32 [tilespmem:s10], [sflag:$0x1], $0x1, s19, s9, $0xb8;
	[tilespmem:$0x2B00] =	vst v63  }
0xc4: {  	s20 =	sadd.s32 $0x200, s13  }
0xc5: {  	[spmem:s1] =	stream.indirect.scatter.add.f32 [tilespmem:s10], [sflag:$0x1], $0x1, s20, s9, $0xb8;
	[tilespmem:$0x2B00] =	vst v63  }
0xc6: {  	s21 =	sadd.s32 $0x280, s13  }
0xc7: {  	[spmem:s1] =	stream.indirect.scatter.add.f32 [tilespmem:s10], [sflag:$0x1], $0x1, s21, s9, $0xb8;
	[tilespmem:$0x2B00] =	vst v63  }
0xc8: {  	s22 =	sadd.s32 $0x300, s13  }
0xc9: {  	[spmem:s1] =	stream.indirect.scatter.add.f32 [tilespmem:s10], [sflag:$0x1], $0x1, s22, s9, $0xb8;
	[tilespmem:$0x2B00] =	vst v63  }
0xca: {  	s23 =	sadd.s32 $0x380, s13  }
0xcb: {  	[spmem:s1] =	stream.indirect.scatter.add.f32 [tilespmem:s10], [sflag:$0x1], $0x1, s23, s9, $0xb8;
	[tilespmem:$0x2B00] =	vst v63  }
0xcc: {  	s24 =	sadd.s32 $0x400, s13  }
0xcd: {  	[spmem:s1] =	stream.indirect.scatter.add.f32 [tilespmem:s10], [sflag:$0x1], $0x1, s24, s9, $0xb8;
	[tilespmem:$0x2B00] =	vst v63  }
0xce: {  	s25 =	sadd.s32 $0x480, s13  }
0xcf: {  	[spmem:s1] =	stream.indirect.scatter.add.f32 [tilespmem:s10], [sflag:$0x1], $0x1, s25, s9, $0xb8;
	[tilespmem:$0x2B00] =	vst v63  }
0xd0: {  	s26 =	sadd.s32 $0x500, s13  }
0xd1: {  	[spmem:s1] =	stream.indirect.scatter.add.f32 [tilespmem:s10], [sflag:$0x1], $0x1, s26, s9, $0xb8;
	[tilespmem:$0x2B00] =	vst v63  }
0xd2: {  	s28 =	sadd.s32 $0x580, s13  }
0xd3: {  	[spmem:s1] =	stream.indirect.scatter.add.f32 [tilespmem:s10], [sflag:$0x1], $0x1, s28, s9, $0xb8;
	[tilespmem:$0x2B00] =	vst v63  }
0xd4: {  	s29 =	sadd.s32 $0x600, s13  }
0xd5: {  	[spmem:s1] =	stream.indirect.scatter.add.f32 [tilespmem:s10], [sflag:$0x1], $0x1, s29, s9, $0xb8;
	[tilespmem:$0x2B00] =	vst v63  }
0xd6: {  	s30 =	sadd.s32 $0x680, s13  }
0xd7: {  	[spmem:s1] =	stream.indirect.scatter.add.f32 [tilespmem:s10], [sflag:$0x1], $0x1, s30, s9, $0xb8;
	[tilespmem:$0x2B00] =	vst v63  }
0xd8: {  	s31 =	sadd.s32 $0x700, s13  }
0xd9: {  	[spmem:s1] =	stream.indirect.scatter.add.f32 [tilespmem:s10], [sflag:$0x1], $0x1, s31, s9, $0xb8;
	[tilespmem:$0x2B00] =	vst v63  }
0xda: {  	s13 =	sadd.s32 $0x780, s13  }
0xdb: {  	[spmem:s1] =	stream.indirect.scatter.add.f32 [tilespmem:s10], [sflag:$0x1], $0x1, s13, s9, $0xb8;
	[tilespmem:$0x2B00] =	vst v63  }
0xdc: {  	_ =	swait.ge [sflag:s11], $0x80  }
0xdd: {  	[sflag:s11] =	ssyncset.done $0x0  }
0xde: {  	[sflag:s11] =	ssyncadd.s32 $0xFFFFFF80  }
0xdf: {  	_ =	swait.ge [sflag:s11], $0x80  }
0xe0: {  	[sflag:s11] =	ssyncset.done $0x0  }
0xe1: {  	[sflag:s11] =	ssyncadd.s32 $0xFFFFFF80  }
0xe2: {  	_ =	swait.ge [sflag:s11], $0x80  }
0xe3: {  	[sflag:s11] =	ssyncset.done $0x0  }
0xe4: {  	[sflag:s11] =	ssyncadd.s32 $0xFFFFFF80  }
0xe5: {  	_ =	swait.ge [sflag:s11], $0x80  }
0xe6: {  	[sflag:s11] =	ssyncset.done $0x0  }
0xe7: {  	[sflag:s11] =	ssyncadd.s32 $0xFFFFFF80  }
0xe8: {  	_ =	swait.ge [sflag:s11], $0x80  }
0xe9: {  	[sflag:s11] =	ssyncset.done $0x0  }
0xea: {  	[sflag:s11] =	ssyncadd.s32 $0xFFFFFF80  }
0xeb: {  	_ =	swait.ge [sflag:s11], $0x80  }
0xec: {  	[sflag:s11] =	ssyncset.done $0x0  }
0xed: {  	[sflag:s11] =	ssyncadd.s32 $0xFFFFFF80  }
0xee: {  	_ =	swait.ge [sflag:s11], $0x80  }
0xef: {  	[sflag:s11] =	ssyncset.done $0x0  }
0xf0: {  	[sflag:s11] =	ssyncadd.s32 $0xFFFFFF80  }
0xf1: {  	_ =	swait.ge [sflag:s11], $0x80  }
0xf2: {  	[sflag:s11] =	ssyncset.done $0x0  }
0xf3: {  	[sflag:s11] =	ssyncadd.s32 $0xFFFFFF80  }
0xf4: {  	_ =	swait.ge [sflag:s11], $0x80  }
0xf5: {  	[sflag:s11] =	ssyncset.done $0x0  }
0xf6: {  	[sflag:s11] =	ssyncadd.s32 $0xFFFFFF80  }
0xf7: {  	_ =	swait.ge [sflag:s11], $0x80  }
0xf8: {  	[sflag:s11] =	ssyncset.done $0x0  }
0xf9: {  	[sflag:s11] =	ssyncadd.s32 $0xFFFFFF80  }
0xfa: {  	_ =	swait.ge [sflag:s11], $0x80  }
0xfb: {  	[sflag:s11] =	ssyncset.done $0x0  }
0xfc: {  	[sflag:s11] =	ssyncadd.s32 $0xFFFFFF80  }
0xfd: {  	_ =	swait.ge [sflag:s11], $0x80  }
0xfe: {  	[sflag:s11] =	ssyncset.done $0x0  }
0xff: {  	[sflag:s11] =	ssyncadd.s32 $0xFFFFFF80  }
0x100: {  	_ =	swait.ge [sflag:s11], $0x80  }
0x101: {  	[sflag:s11] =	ssyncset.done $0x0  }
0x102: {  	[sflag:s11] =	ssyncadd.s32 $0xFFFFFF80  }
0x103: {  	_ =	swait.ge [sflag:s11], $0x80  }
0x104: {  	[sflag:s11] =	ssyncset.done $0x0  }
0x105: {  	[sflag:s11] =	ssyncadd.s32 $0xFFFFFF80  }
0x106: {  	_ =	swait.ge [sflag:s11], $0x80  }
0x107: {  	[sflag:s11] =	ssyncset.done $0x0  }
0x108: {  	[sflag:s11] =	ssyncadd.s32 $0xFFFFFF80  }
0x109: {  	_ =	swait.ge [sflag:s11], $0x80  }
0x10a: {  	[sflag:s11] =	ssyncset.done $0x0  }
0x10b: {  	s12 =	sadd.s32 $0x1, s12;
	[sflag:s11] =	ssyncadd.s32 $0xFFFFFF80  }
0x10c: {  	p1 =	sne.s32 s12, s6;
	s13 =	simm.s32 @!p0 $0x1C02;
	[bflag:$0x0] =	sbarrier.arrive $0xFFFF  }
0x10d: {  	[hbm:s5], [sflag:s13] =	dma.local @!p0 [spmem:s7], $0x500  }
.Ltmp1:
0x10e: {  	_ = 	snop;
	(pc) =	sbr.rel @p1 .LBB2_1-.Ltmp1, $4  }
0x10f: {  	s13 =	simm.s32 @!p0 $0x2  }
0x110: {  	_ =	swait.ge @!p0 [sflag:s13], $0x500  }
0x111: {  	[sflag:s13] =	ssyncset.done @!p0 $0x0  }
0x112: {  	[sflag:s13] =	ssyncadd.s32 @!p0 $0xFFFFFB00  }
0x113: {  	_ =	sfence.sel $0x180000  }
0x114: {  	[bflag:$0x0] =	sbarrier.arrive $0xFFFF  }
0x115: {  	_ =	strace $0x90000047  }
0x116: {  	s0 =	sadd.s32 @!p0 $0x100000, s0;
	[bflag:$0x2] =	sbarrier.arrive $0xFFFF  }
0x117: {  	[sflag:s0] =	ssyncadd.tile.s32 @!p0 $0x1;
	_ =	shalt  }
.Lfunc_end2:
_tile_overlayer_lowered:
.L_overlay_start_2:
0x118: {  	(tag) =	ssettag $0x2  }
0x119: {  	s0 =	rddreg [dreg:$0x0];
	s2 =	stileid.u32  }
0x11a: {  	s1 =	rddreg [dreg:$0x1];
	p0 =	sne.s32 s2, $0x0  }
0x11b: {  	s3 =	rddreg [dreg:$0x2];
	[bflag:$0x3] =	sbarrier.arrive $0xFFFF;
	s2 =	simm.s32 @!p0 $0x1C02  }
0x11c: {  	[timem:s3], [sflag:s2] =	dma.local @!p0 [hbm:s0], s1  }
0x11d: {  	s0 =	simm.s32 @!p0 $0x2  }
0x11e: {  	_ =	swait.ge @!p0 [sflag:s0], s1  }
0x11f: {  	s1 =	ssub.s32 @!p0 $0x0, s1;
	[sflag:s0] =	ssyncset.done @!p0 $0x0  }
0x120: {  	[sflag:s0] =	ssyncadd.s32 @!p0 s1  }
0x121: {  	[bflag:$0x3] =	sbarrier.arrive $0xFFFF  }
0x122: {  	_ =	shalt  }

// kernel: kernel.9.cloned.1.call-start
scs
__scs_entry_jumppad:
0x0: {  	(pc) =	sbr.rel $0x88, $3  }
0x1: {  	(tag) =	ssettag $0x0;
	lr =	simm.s32 $0x1  }
0x2: {  	[smem:$0x3F99] =	sst lr;
	_ =	strace $0xD0000000  }
0x3: {  	_ = 	snop  }
0x4: {  	_ = 	snop  }
0x5: {  	_ = 	snop  }
0x6: {  	_ = 	snop  }
0x7: {  	_ = 	snop  }
__scs_overlays_trampoline_lowered:
0x8: {  	[smem:$0x3FA8] =	sst s0  }
0x9: {  	[smem:$0x3FA9] =	sst s1  }
0xa: {  	[smem:$0x3FAA] =	sst s2  }
0xb: {  	[smem:$0x3FAB] =	sst s3  }
0xc: {  	[smem:$0x3FAC] =	sst s4  }
0xd: {  	[smem:$0x3FAD] =	sst s5  }
0xe: {  	[smem:$0x3FAE] =	sst s6  }
0xf: {  	[smem:$0x3FAF] =	sst s7  }
0x10: {  	[smem:$0x3FB0] =	sst s8  }
0x11: {  	[smem:$0x3FB1] =	sst s9;
	s0 =	simm.s32 @!p0 $0x0  }
0x12: {  	s1 =	sld [smem:$0x3F97];
	s0 =	simm.s32 @p0 $0x1  }
0x13: {  	[smem:$0x3FB2] =	sst s0;
	s0 =	simm.s32 @!p1 $0x0  }
0x14: {  	s2 =	sld [smem:$0x3F96];
	s0 =	simm.s32 @p1 $0x1  }
0x15: {  	[smem:$0x3FB3] =	sst s0;
	s0 =	simm.s32 @!p2 $0x0  }
0x16: {  	s3 =	sld [smem:$0x3FDB];
	s0 =	simm.s32 @p2 $0x1  }
0x17: {  	s4 =	simm.s32 $0x1BF5;
	[smem:$0x3FB5] =	sst s0  }
0x18: {  	s0 =	sld [smem:$0x3F98];
	_ =	swait.ge [sflag:s4], $0x0  }
0x19: {  	s7 =	sld [smem:$0x3F99]  }
0x1a: {  	s8 =	sadd.s32 $0xFFFFE003, lr  }
0x1b: {  	s9 =	sadd.s32 $0xFFFFFEF7, lr;
	s5 =	simm.s32 $0xFFFFFFFF;
	p2 =	slt.u32 s8, $0xFFFFF086  }
0x1c: {  	p1 =	slt.u32 s9, $0xF7A;
	s5 =	simm.s32 @!p2 $0x0  }
0x1d: {  	s5 =	simm.s32 @p1 $0x1;
	p0 =	seq.s32 s7, s2  }
0x1e: {  	s7 =	smul.u32 @!p0 $0xF7A, s2;
	p2 =	seq.s32 @!p0 s5, $0x0  }
0x1f: {  	s9 =	smul.u32 $0xF7A, s1;
	s8 =	simm.s32 @!p0 $0x1BF5;
	p2 =	por !p2, p0  }
0x20: {  	[sflag:s8] =	ssyncset.s32 @!p0 $0xFFFFF086;
	s6 =	sadd.s32 @!p0 s3, s7;
	s7 =	simm.s32 @!p0 $0x108  }
0x21: {  	s3 =	sadd.s32 s3, s9;
	s6 =	sadd.s32 @!p0 $0x88, s6;
	s7 =	simm.s32 @p2 $0x1082  }
0x22: {  	[simem:s7], [sflag:s8] =	dma.local @!p0 [hbm:s6], $0xF7A  }
0x23: {  	s9 =	sor.u32 $0xD0000000, s2;
	s6 =	simm.s32 $0x108;
	_ =	swait.ge @!p0 [sflag:s8], $0x0  }
0x24: {  	s3 =	sadd.s32 $0x88, s3;
	s6 =	simm.s32 @!p1 $0x1082;
	[sflag:s4] =	ssyncset.s32 $0xFFFFF086  }
0x25: {  	[simem:s6], [sflag:s4] =	dma.local [hbm:s3], $0xF7A  }
0x26: {  	[smem:$0x3F99] =	sst s1;
	(tag) =	ssettag s2;
	_ =	strace s9  }
0x27: {  	s1 =	sld [smem:$0x3FA9]  }
0x28: {  	s2 =	sld [smem:$0x3FAA]  }
0x29: {  	s4 =	sld [smem:$0x3FAC]  }
0x2a: {  	p0 =	seq.s32 s5, $0x0;
	s5 =	sld [smem:$0x3FAD]  }
0x2b: {  	s6 =	sld [smem:$0x3FAE]  }
0x2c: {  	s7 =	sld [smem:$0x3FAF]  }
0x2d: {  	s3 =	simm.s32 $0x108;
	s8 =	sld [smem:$0x3FB0]  }
0x2e: {  	s3 =	simm.s32 @!p0 $0x1082;
	s9 =	sld [smem:$0x3FB1]  }
0x2f: {  	lr =	sadd.s32 s0, s3;
	s0 =	sld [smem:$0x3FA8]  }
0x30: {  	s3 =	sld [smem:$0x3FAB]  }
0x31: {  	[smem:$0x3FB4] =	sst s10  }
0x32: {  	s10 =	sld [smem:$0x3FB2];
	_ =	sdelay $0x3  }
0x33: {  	p0 =	seq.s32 s10, $0x1;
	s10 =	sld [smem:$0x3FB4];
	_ =	sdelay $0x3  }
0x34: {  	[smem:$0x3FB4] =	sst s10  }
0x35: {  	s10 =	sld [smem:$0x3FB3];
	_ =	sdelay $0x3  }
0x36: {  	p1 =	seq.s32 s10, $0x1;
	s10 =	sld [smem:$0x3FB4];
	_ =	sdelay $0x3  }
0x37: {  	[smem:$0x3FB4] =	sst s10  }
0x38: {  	s10 =	sld [smem:$0x3FB5]  }
0x39: {  	_ = 	snop;
	(pc) =	sbr.ind lr, $3  }
0x3a: {  	_ = 	snop  }
0x3b: {  	_ = 	snop  }
0x3c: {  	p2 =	seq.s32 s10, $0x1;
	s10 =	sld [smem:$0x3FB4]  }
0x3d: {  	_ =	shalt  }
0x3e: {  	_ =	shalt  }
0x3f: {  	_ =	shalt  }
0x40: {  	_ =	shalt  }
0x41: {  	_ =	shalt  }
0x42: {  	_ =	shalt  }
0x43: {  	_ =	shalt  }
0x44: {  	_ =	shalt  }
0x45: {  	_ =	shalt  }
0x46: {  	_ =	shalt  }
0x47: {  	_ =	shalt  }
0x48: {  	_ =	shalt  }
0x49: {  	_ =	shalt  }
0x4a: {  	_ =	shalt  }
0x4b: {  	_ =	shalt  }
0x4c: {  	_ =	shalt  }
0x4d: {  	_ =	shalt  }
0x4e: {  	_ =	shalt  }
0x4f: {  	_ =	shalt  }
0x50: {  	_ =	shalt  }
0x51: {  	_ =	shalt  }
0x52: {  	_ =	shalt  }
0x53: {  	_ =	shalt  }
0x54: {  	_ =	shalt  }
0x55: {  	_ =	shalt  }
0x56: {  	_ =	shalt  }
0x57: {  	_ =	shalt  }
0x58: {  	_ =	shalt  }
0x59: {  	_ =	shalt  }
0x5a: {  	_ =	shalt  }
0x5b: {  	_ =	shalt  }
0x5c: {  	_ =	shalt  }
0x5d: {  	_ =	shalt  }
0x5e: {  	_ =	shalt  }
0x5f: {  	_ =	shalt  }
0x60: {  	_ =	shalt  }
0x61: {  	_ =	shalt  }
0x62: {  	_ =	shalt  }
0x63: {  	_ =	shalt  }
0x64: {  	_ =	shalt  }
0x65: {  	_ =	shalt  }
0x66: {  	_ =	shalt  }
0x67: {  	_ =	shalt  }
0x68: {  	_ =	shalt  }
0x69: {  	_ =	shalt  }
0x6a: {  	_ =	shalt  }
0x6b: {  	_ =	shalt  }
0x6c: {  	_ =	shalt  }
0x6d: {  	_ =	shalt  }
0x6e: {  	_ =	shalt  }
0x6f: {  	_ =	shalt  }
0x70: {  	_ =	shalt  }
0x71: {  	_ =	shalt  }
0x72: {  	_ =	shalt  }
0x73: {  	_ =	shalt  }
0x74: {  	_ =	shalt  }
0x75: {  	_ =	shalt  }
0x76: {  	_ =	shalt  }
0x77: {  	_ =	shalt  }
0x78: {  	_ =	shalt  }
0x79: {  	_ =	shalt  }
0x7a: {  	_ =	shalt  }
0x7b: {  	_ =	shalt  }
0x7c: {  	_ =	shalt  }
0x7d: {  	_ =	shalt  }
0x7e: {  	_ =	shalt  }
0x7f: {  	_ =	shalt  }
0x80: {  	_ =	shalt  }
0x81: {  	_ =	shalt  }
0x82: {  	_ =	shalt  }
0x83: {  	_ =	shalt  }
0x84: {  	_ =	shalt  }
0x85: {  	_ =	shalt  }
0x86: {  	_ =	shalt  }
0x87: {  	_ =	shalt  }
.Lfunc_end0:
.L_simem_size_0:
called_computation.1_lowered:
.L_overlay_start_0:
0x88: {  	s2 =	sld [smem:$0x3FD9]  }
0x89: {  	s3 =	sld [smem:$0x3FFE];
	_ =	sdelay $0x1  }
0x8a: {  	s1 =	srdreg.scid  }
0x8b: {  	s0 =	sand.u32 $0x1, s1  }
0x8c: {  	s16 =	sshll.u32 s0, $0xA;
	s2 =	sadd.s32 s3, s2  }
0x8d: {  	s2 =	sadd.s32 s2, s16  }
0x8e: {  	[smem:$0x3FC0] =	sst s2  }
0x8f: {  	_ = 	snop  }
0x90: {  	(tm) =	ssettm $0x1  }
0x91: {  	s17 =	sld [smem:$0x3FFB];
	_ =	sdelay $0x3  }
0x92: {  	_ =	strace s17  }
0x93: {  	s2 =	sld [smem:$0x3FFC];
	_ =	sdelay $0x3  }
0x94: {  	_ =	strace s2  }
0x95: {  	s2 =	sld [smem:$0x3FFD];
	_ =	sdelay $0x3  }
0x96: {  	_ =	strace s2  }
0x97: {  	_ =	strace $0x8FFFFFFF  }
0x98: {  	s18 =	sld [smem:$0x3FDB];
	_ =	sdelay $0x1  }
0x99: {  	s19 =	simm.s32 $_scs_section_size  }
0x9a: {  	s4 =	simm.s32 $_size__tile_overlayer_lowered;
	s5 =	simm.s32 $_tile_overlayer_lowered  }
0x9b: {  	s22 =	simm.s32 $0x1BFF;
	s21 =	sshll.u32 s5, $0x1;
	s2 =	sadd.s32 s19, s18  }
0x9c: {  	s6 =	simm.s32 $0x0;
	s20 =	sshll.u32 s4, $0x1;
	s4 =	sadd.s32 s21, s2  }
0x9d: {  	[timem:s6], [sflag:s22] =	dma.local [hbm:s4], s20  }
0x9e: {  	_ =	swait.ge [sflag:s22], s20  }
0x9f: {  	s3 =	ssub.s32 $0x0, s20;
	[sflag:s22] =	ssyncset.done $0x0  }
0xa0: {  	[sflag:s22] =	ssyncadd.s32 s3;
	_ =	sdelay $0x1  }
0xa1: {  	s23 =	simm.s32 $0x1B8B  }
0xa2: {  	_ =	swait.ge [sflag:s23], $0x1  }
0xa3: {  	[sflag:s23] =	ssyncset.done $0x0  }
0xa4: {  	s25 =	simm.s32 $0x1B8E;
	s24 =	sld [smem:$0x3FFE];
	[sflag:s23] =	ssyncadd.s32 $0xFFFFFFFF  }
0xa5: {  	s26 =	simm.s32 $execute0_lowered;
	[smem:$0x3FD2] =	sst s25  }
0xa6: {  	s4 =	sshll.u32 s26, $0x1;
	_ =	strace $0x80000049;
	[dreg:$0x1] =	wrdreg $0xFFFFFFFF  }
0xa7: {  	s28 =	simm.s32 $_size_execute0_lowered;
	s2 =	sadd.s32 s2, s4;
	[dreg:$0x0] =	wrdreg $0x0  }
0xa8: {  	s4 =	sshll.u32 s28, $0x1;
	[dreg:$0x2] =	wrdreg s2  }
0xa9: {  	[dreg:$0x3] =	wrdreg s4  }
0xaa: {  	[dreg:$0x4] =	wrdreg $0xC0  }
0xab: {  	_ =	task [dreg:s6], $0x5FFFF  }
0xac: {  	[dreg:$0x1] =	wrdreg $0xFFFFFFFF  }
0xad: {  	[dreg:$0x0] =	wrdreg $0x60  }
0xae: {  	[dreg:$0x2] =	wrdreg s24  }
0xaf: {  	[dreg:$0x3] =	wrdreg $0x158000  }
0xb0: {  	[dreg:$0x4] =	wrdreg $0x1A8000  }
0xb1: {  	[dreg:$0x5] =	wrdreg $0x9  }
0xb2: {  	_ =	task.clear_ibuf [dreg:s6], $0x6FFFF;
	_ =	strace $0x90000049  }
0xb3: {  	s29 =	simm.s32 $0x9;
	_ =	strace $0x8000004B  }
0xb4: {  	_ =	swait.ge [sflag:s29], $0x1  }
0xb5: {  	[sflag:s29] =	ssyncadd.s32 $0xFFFFFFFF  }
0xb6: {  	_ =	strace $0x9000004B  }
0xb7: {  	_ =	sfence  }
0xb8: {  	s30 =	sld [smem:$0x0];
	_ =	sdelay $0x2  }
0xb9: {  	s31 =	sshll.u32 s1, $0xD;
	s1 =	sshrl.u32 s1, $0x2  }
0xba: {  	s3 =	sand.u32 $0x4000, s31;
	s1 =	sadd.s32 s1, s30  }
0xbb: {  	s0 =	sor.u32 s3, s0;
	s1 =	sshll.u32 s1, $0x11  }
0xbc: {  	s0 =	sor.u32 s1, s0  }
0xbd: {  	s0 =	sadd.s32 $0x8F2B, s0  }
0xbe: {  	[sflag:s0] =	ssyncadd.remote.s32 $0x1  }
0xbf: {  	_ =	sfence.sel $0xFFFF  }
0xc0: {  	[dreg:$0x0] =	wrdreg $0xFFFFFFFF;
	(pc) =	sbr.abs _section_cstart, $3  }
0xc1: {  	[dreg:$0x1] =	wrdreg $0xFFFFFFFF  }
0xc2: {  	_ =	task.clear_ibuf [dreg:s6], $0x2FFFF;
	_ =	strace $0x9FFFFFFF  }
0xc3: {  	(tm) =	ssettm $0x7FFFFFFF  }
tec
execute0_lowered:
.L_overlay_start_1:
0x0: {  	(tag) =	ssettag $0x1  }
0x1: {  	s0 =	rddreg [dreg:$0x0]  }
0x2: {  	s1 =	srdreg.scid;
	s8 =	rddreg [dreg:$0x1]  }
0x3: {  	s2 =	stileid.u32;
	s9 =	rddreg [dreg:$0x2];
	s4 =	simm.s32 $0x0  }
0x4: {  	s17 =	simm.s32 $0x80;
	s28 =	simm.s32 $0x4;
	s1 =	sand.u32 $0x1, s1  }
0x5: {  	s3 =	sshll.u32 s2, $0x1;
	[smem:$0x7FF] =	sst s4;
	s10 =	sadd.s32 $0x16600, s0  }
0x6: {  	s7 =	sadd.s32 $0x20C00, s0;
	s25 =	sadd.s32 $0x16000, s0;
	p0 =	sne.s32 s2, $0x0  }
0x7: {  	s3 =	sor.u32 s1, s3;
	_ =	strace $0x8000004A;
	s24 =	smul.u32 $0xA000, s1  }
0x8: {  	s6 =	smul.u32 $0x500, s1;
	s1 =	ssub.s32 $0x2, s1;
	[dreg:$0x10] =	wrdreg s7  }
0x9: {  	s3 =	smul.u32 $0x2800, s3;
	s26 =	sshrl.u32 s1, $0x1;
	s4 =	sadd.s32 s24, s0  }
0xa: {  	[dreg:$0x11] =	wrdreg s25;
	s1 =	ssub.s32 s1, s26;
	s30 =	sadd.s32 $0x2AC00, s4  }
0xb: {  	s3 =	sshrl.u32 s3, $0x3;
	s31 =	smax.u32 s1, $0x1;
	[dreg:$0x14] =	wrdreg s30  }
0xc: {  	s4 =	sshrl.u32 @!p0 s9, $0x3;
	s3 =	sadd.s32 s3, s0;
	[dreg:$0x16] =	wrdreg s31  }
0xd: {  	s5 =	sadd.s32 $0x20600, s0;
	[dreg:$0x18] =	wrdreg s4;
	s29 =	sadd.s32 $0x2000, s3  }
0xe: {  	s0 =	sadd.s32 s6, s0;
	s3 =	sadd.s32 $0xC000, s3;
	[dreg:$0x12] =	wrdreg s29  }
0xf: {  	s2 =	simm.s32 $0x0;
	s0 =	sadd.s32 $0x3EC00, s0;
	[dreg:$0x13] =	wrdreg s3  }
0x10: {  	s25 =	simm.s32 $0x2;
	[dreg:$0x15] =	wrdreg s0;
	s3 =	sshrl.u32 @!p0 s8, $0x3  }
0x11: {  	s24 =	simm.s32 $0x1;
	s26 =	simm.s32 $0x3;
	[dreg:$0x17] =	wrdreg s3  }
.LBB2_1:
0x12: {  	[dreg:$0x19] =	wrdreg s2  }
0x13: {  	s0 =	simm.s32 @!p0 $0x1C05;
	s1 =	rddreg [dreg:$0x10]  }
0x14: {  	[spmem:s3], [sflag:s0] =	dma.local @!p0 [hbm:s1], $0xA000  }
0x15: {  	s1 =	simm.s32 @!p0 $0x5  }
0x16: {  	_ =	swait.ge @!p0 [sflag:s1], $0xA000  }
0x17: {  	[sflag:s1] =	ssyncset.done @!p0 $0x0  }
0x18: {  	s2 =	rddreg [dreg:$0x11];
	[sflag:s1] =	ssyncadd.s32 @!p0 $0xFFFF6000  }
0x19: {  	[spmem:s4], [sflag:s0] =	dma.local @!p0 [hbm:s2], $0x500  }
0x1a: {  	_ =	swait.ge @!p0 [sflag:s1], $0x500  }
0x1b: {  	s18 =	simm.s32 $0x0;
	[sflag:s1] =	ssyncset.done @!p0 $0x0  }
0x1c: {  	s20 =	simm.s32 $0x5;
	s19 =	rddreg [dreg:$0x12];
	[sflag:s1] =	ssyncadd.s32 @!p0 $0xFFFFFB00  }
0x1d: {  	[tilespmem:s18], [sflag:$0x5] =	stream.linear.gather [hbm4b:s19+s18], $0x2800, $0x38;
	[tilespmem:$0x1AA80] =	vst v63  }
0x1e: {  	_ =	swait.ge [sflag:s20], $0x2800  }
0x1f: {  	[sflag:s20] =	ssyncset.done $0x0  }
0x20: {  	s22 =	simm.s32 $0x2800;
	s21 =	rddreg [dreg:$0x13];
	[sflag:s20] =	ssyncadd.s32 $0xFFFFD800  }
0x21: {  	[tilespmem:s22], [sflag:$0x5] =	stream.linear.gather [hbm4b:s21+s18], $0x2800, $0x38;
	[tilespmem:$0x1AA80] =	vst v63  }
0x22: {  	_ =	swait.ge [sflag:s20], $0x2800  }
0x23: {  	[sflag:s20] =	ssyncset.done $0x0  }
0x24: {  	[sflag:s20] =	ssyncadd.s32 $0xFFFFD800  }
0x25: {  	s6 =	simm.s32 $0x0;
	s1 =	simm.s32 $0x5000;
	[bflag:$0x0] =	sbarrier.arrive $0xFFFF  }
0x26: {  	[tilespmem:s1], [sflag:$0x1] =	stream.indirect.gather [hbm4b:s10+s17], $0x20, s6, s17, $0xb8;
	[tilespmem:$0x1AA80] =	vst v63  }
0x27: {  	s0 =	simm.s32 $0x2800;
	s2 =	simm.s32 $0x15000  }
0x28: {  	[tilespmem:s2], [sflag:$0x2] =	stream.indirect.gather [hbm4b:s5+s17], $0x1, s0, s17, $0xb8;
	[tilespmem:$0x1AA80] =	vst v63  }
0x29: {  	s12 =	simm.s32 $0x80;
	s4 =	simm.s32 $0x6000  }
0x2a: {  	[tilespmem:s4], [sflag:$0x1] =	stream.indirect.gather [hbm4b:s10+s17], $0x20, s12, s17, $0xb8;
	[tilespmem:$0x1AA80] =	vst v63  }
0x2b: {  	s7 =	simm.s32 $0x15080;
	s3 =	simm.s32 $0x2880  }
0x2c: {  	[tilespmem:s7], [sflag:$0x2] =	stream.indirect.gather [hbm4b:s5+s17], $0x1, s3, s17, $0xb8;
	[tilespmem:$0x1AA80] =	vst v63  }
0x2d: {  	s16 =	simm.s32 $0x100;
	s11 =	simm.s32 $0x7000  }
0x2e: {  	[tilespmem:s11], [sflag:$0x1] =	stream.indirect.gather [hbm4b:s10+s17], $0x20, s16, s17, $0xb8;
	[tilespmem:$0x1AA80] =	vst v63  }
0x2f: {  	s8 =	simm.s32 $0x2900;
	s13 =	simm.s32 $0x15100  }
0x30: {  	[tilespmem:s13], [sflag:$0x2] =	stream.indirect.gather [hbm4b:s5+s17], $0x1, s8, s17, $0xb8;
	[tilespmem:$0x1AA80] =	vst v63  }
0x31: {  	s31 =	simm.s32 $0x180;
	s15 =	simm.s32 $0x8000  }
0x32: {  	[tilespmem:s15], [sflag:$0x1] =	stream.indirect.gather [hbm4b:s10+s17], $0x20, s31, s17, $0xb8;
	[tilespmem:$0x1AA80] =	vst v63  }
0x33: {  	s14 =	simm.s32 $0x2980;
	s18 =	simm.s32 $0x15180  }
0x34: {  	[tilespmem:s18], [sflag:$0x2] =	stream.indirect.gather [hbm4b:s5+s17], $0x1, s14, s17, $0xb8;
	[tilespmem:$0x1AA80] =	vst v63  }
0x35: {  	s29 =	simm.s32 $0x200;
	s20 =	simm.s32 $0x9000  }
0x36: {  	[tilespmem:s20], [sflag:$0x1] =	stream.indirect.gather [hbm4b:s10+s17], $0x20, s29, s17, $0xb8;
	[tilespmem:$0x1AA80] =	vst v63  }
0x37: {  	s19 =	simm.s32 $0x2A00;
	s21 =	simm.s32 $0x15200  }
0x38: {  	[tilespmem:s21], [sflag:$0x2] =	stream.indirect.gather [hbm4b:s5+s17], $0x1, s19, s17, $0xb8;
	[tilespmem:$0x1AA80] =	vst v63  }
0x39: {  	s9 =	simm.s32 $0x280;
	s22 =	simm.s32 $0xA000  }
0x3a: {  	[tilespmem:s22], [sflag:$0x1] =	stream.indirect.gather [hbm4b:s10+s17], $0x20, s9, s17, $0xb8;
	[tilespmem:$0x1AA80] =	vst v63  }
0x3b: {  	s30 =	simm.s32 $0x2A80;
	s23 =	simm.s32 $0x15280  }
0x3c: {  	[tilespmem:s23], [sflag:$0x2] =	stream.indirect.gather [hbm4b:s5+s17], $0x1, s30, s17, $0xb8;
	[tilespmem:$0x1AA80] =	vst v63  }
0x3d: {  	s9 =	simm.s32 $0x300;
	s23 =	simm.s32 $0xB000  }
0x3e: {  	[tilespmem:s23], [sflag:$0x1] =	stream.indirect.gather [hbm4b:s10+s17], $0x20, s9, s17, $0xb8;
	[tilespmem:$0x1AA80] =	vst v63  }
0x3f: {  	s23 =	simm.s32 $0x2B00;
	s9 =	simm.s32 $0x15300  }
0x40: {  	[tilespmem:s9], [sflag:$0x2] =	stream.indirect.gather [hbm4b:s5+s17], $0x1, s23, s17, $0xb8;
	[tilespmem:$0x1AA80] =	vst v63  }
0x41: {  	s9 =	simm.s32 $0x380;
	s23 =	simm.s32 $0xC000  }
0x42: {  	[tilespmem:s23], [sflag:$0x1] =	stream.indirect.gather [hbm4b:s10+s17], $0x20, s9, s17, $0xb8;
	[tilespmem:$0x1AA80] =	vst v63  }
0x43: {  	s23 =	simm.s32 $0x2B80;
	s9 =	simm.s32 $0x15380  }
0x44: {  	[tilespmem:s9], [sflag:$0x2] =	stream.indirect.gather [hbm4b:s5+s17], $0x1, s23, s17, $0xb8;
	[tilespmem:$0x1AA80] =	vst v63  }
0x45: {  	s9 =	simm.s32 $0x400;
	s23 =	simm.s32 $0xD000  }
0x46: {  	[tilespmem:s23], [sflag:$0x1] =	stream.indirect.gather [hbm4b:s10+s17], $0x20, s9, s17, $0xb8;
	[tilespmem:$0x1AA80] =	vst v63  }
0x47: {  	s23 =	simm.s32 $0x2C00;
	s9 =	simm.s32 $0x15400  }
0x48: {  	[tilespmem:s9], [sflag:$0x2] =	stream.indirect.gather [hbm4b:s5+s17], $0x1, s23, s17, $0xb8;
	[tilespmem:$0x1AA80] =	vst v63  }
0x49: {  	s9 =	simm.s32 $0x480;
	s23 =	simm.s32 $0xE000  }
0x4a: {  	[tilespmem:s23], [sflag:$0x1] =	stream.indirect.gather [hbm4b:s10+s17], $0x20, s9, s17, $0xb8;
	[tilespmem:$0x1AA80] =	vst v63  }
0x4b: {  	s23 =	simm.s32 $0x2C80;
	s9 =	simm.s32 $0x15480  }
0x4c: {  	[tilespmem:s9], [sflag:$0x2] =	stream.indirect.gather [hbm4b:s5+s17], $0x1, s23, s17, $0xb8;
	[tilespmem:$0x1AA80] =	vst v63  }
0x4d: {  	s9 =	simm.s32 $0x500;
	s23 =	simm.s32 $0xF000  }
0x4e: {  	[tilespmem:s23], [sflag:$0x1] =	stream.indirect.gather [hbm4b:s10+s17], $0x20, s9, s17, $0xb8;
	[tilespmem:$0x1AA80] =	vst v63  }
0x4f: {  	s23 =	simm.s32 $0x2D00;
	s9 =	simm.s32 $0x15500  }
0x50: {  	[tilespmem:s9], [sflag:$0x2] =	stream.indirect.gather [hbm4b:s5+s17], $0x1, s23, s17, $0xb8;
	[tilespmem:$0x1AA80] =	vst v63  }
0x51: {  	s9 =	simm.s32 $0x580;
	s23 =	simm.s32 $0x10000  }
0x52: {  	[tilespmem:s23], [sflag:$0x1] =	stream.indirect.gather [hbm4b:s10+s17], $0x20, s9, s17, $0xb8;
	[tilespmem:$0x1AA80] =	vst v63  }
0x53: {  	s23 =	simm.s32 $0x2D80;
	s9 =	simm.s32 $0x15580  }
0x54: {  	[tilespmem:s9], [sflag:$0x2] =	stream.indirect.gather [hbm4b:s5+s17], $0x1, s23, s17, $0xb8;
	[tilespmem:$0x1AA80] =	vst v63  }
0x55: {  	s9 =	simm.s32 $0x600;
	s23 =	simm.s32 $0x11000  }
0x56: {  	[tilespmem:s23], [sflag:$0x1] =	stream.indirect.gather [hbm4b:s10+s17], $0x20, s9, s17, $0xb8;
	[tilespmem:$0x1AA80] =	vst v63  }
0x57: {  	s23 =	simm.s32 $0x2E00;
	s9 =	simm.s32 $0x15600  }
0x58: {  	[tilespmem:s9], [sflag:$0x2] =	stream.indirect.gather [hbm4b:s5+s17], $0x1, s23, s17, $0xb8;
	[tilespmem:$0x1AA80] =	vst v63  }
0x59: {  	s9 =	simm.s32 $0x680;
	s23 =	simm.s32 $0x12000  }
0x5a: {  	[tilespmem:s23], [sflag:$0x1] =	stream.indirect.gather [hbm4b:s10+s17], $0x20, s9, s17, $0xb8;
	[tilespmem:$0x1AA80] =	vst v63  }
0x5b: {  	s23 =	simm.s32 $0x2E80;
	s9 =	simm.s32 $0x15680  }
0x5c: {  	[tilespmem:s9], [sflag:$0x2] =	stream.indirect.gather [hbm4b:s5+s17], $0x1, s23, s17, $0xb8;
	[tilespmem:$0x1AA80] =	vst v63  }
0x5d: {  	s9 =	simm.s32 $0x700;
	s23 =	simm.s32 $0x13000  }
0x5e: {  	[tilespmem:s23], [sflag:$0x1] =	stream.indirect.gather [hbm4b:s10+s17], $0x20, s9, s17, $0xb8;
	[tilespmem:$0x1AA80] =	vst v63  }
0x5f: {  	s23 =	simm.s32 $0x2F00;
	s9 =	simm.s32 $0x15700  }
0x60: {  	[tilespmem:s9], [sflag:$0x2] =	stream.indirect.gather [hbm4b:s5+s17], $0x1, s23, s17, $0xb8;
	[tilespmem:$0x1AA80] =	vst v63  }
0x61: {  	s9 =	simm.s32 $0x780;
	s23 =	simm.s32 $0x14000  }
0x62: {  	[tilespmem:s23], [sflag:$0x1] =	stream.indirect.gather [hbm4b:s10+s17], $0x20, s9, s17, $0xb8;
	[tilespmem:$0x1AA80] =	vst v63  }
0x63: {  	s23 =	simm.s32 $0x2F80;
	s9 =	simm.s32 $0x15780  }
0x64: {  	[tilespmem:s9], [sflag:$0x2] =	stream.indirect.gather [hbm4b:s5+s17], $0x1, s23, s17, $0xb8;
	[tilespmem:$0x1AA80] =	vst v63  }
0x65: {  	_ =	swait.ge [sflag:s24], $0x1000  }
0x66: {  	[sflag:s24] =	ssyncset.done $0x0  }
0x67: {  	[sflag:s24] =	ssyncadd.s32 $0xFFFFF000  }
0x68: {  	s9 =	rddreg [dreg:$0x1]  }
0x69: {  	[spmem:s9] =	stream.indirect.scatter.add.f32 [tilespmem:s1], [sflag:$0x3], $0x20, s0, s17, $0xb8;
	[tilespmem:$0x1AA80] =	vst v63  }
0x6a: {  	_ =	swait.ge [sflag:s25], $0x80  }
0x6b: {  	[sflag:s25] =	ssyncset.done $0x0  }
0x6c: {  	[sflag:s25] =	ssyncadd.s32 $0xFFFFFF80  }
0x6d: {  	s0 =	rddreg [dreg:$0x2]  }
0x6e: {  	[spmem:s0] =	stream.indirect.scatter.add.f32 [tilespmem:s2], [sflag:$0x4], $0x1, s6, s17, $0xb8;
	[tilespmem:$0x1AA80] =	vst v63  }
0x6f: {  	_ =	swait.ge [sflag:s24], $0x1000  }
0x70: {  	[sflag:s24] =	ssyncset.done $0x0  }
0x71: {  	[sflag:s24] =	ssyncadd.s32 $0xFFFFF000  }
0x72: {  	[spmem:s9] =	stream.indirect.scatter.add.f32 [tilespmem:s4], [sflag:$0x3], $0x20, s3, s17, $0xb8;
	[tilespmem:$0x1AA80] =	vst v63  }
0x73: {  	_ =	swait.ge [sflag:s25], $0x80  }
0x74: {  	[sflag:s25] =	ssyncset.done $0x0  }
0x75: {  	[sflag:s25] =	ssyncadd.s32 $0xFFFFFF80  }
0x76: {  	[spmem:s0] =	stream.indirect.scatter.add.f32 [tilespmem:s7], [sflag:$0x4], $0x1, s12, s17, $0xb8;
	[tilespmem:$0x1AA80] =	vst v63  }
0x77: {  	_ =	swait.ge [sflag:s24], $0x1000  }
0x78: {  	[sflag:s24] =	ssyncset.done $0x0  }
0x79: {  	[sflag:s24] =	ssyncadd.s32 $0xFFFFF000  }
0x7a: {  	[spmem:s9] =	stream.indirect.scatter.add.f32 [tilespmem:s11], [sflag:$0x3], $0x20, s8, s17, $0xb8;
	[tilespmem:$0x1AA80] =	vst v63  }
0x7b: {  	_ =	swait.ge [sflag:s25], $0x80  }
0x7c: {  	[sflag:s25] =	ssyncset.done $0x0  }
0x7d: {  	[sflag:s25] =	ssyncadd.s32 $0xFFFFFF80  }
0x7e: {  	[spmem:s0] =	stream.indirect.scatter.add.f32 [tilespmem:s13], [sflag:$0x4], $0x1, s16, s17, $0xb8;
	[tilespmem:$0x1AA80] =	vst v63  }
0x7f: {  	_ =	swait.ge [sflag:s24], $0x1000  }
0x80: {  	[sflag:s24] =	ssyncset.done $0x0  }
0x81: {  	[sflag:s24] =	ssyncadd.s32 $0xFFFFF000  }
0x82: {  	[spmem:s9] =	stream.indirect.scatter.add.f32 [tilespmem:s15], [sflag:$0x3], $0x20, s14, s17, $0xb8;
	[tilespmem:$0x1AA80] =	vst v63  }
0x83: {  	_ =	swait.ge [sflag:s25], $0x80  }
0x84: {  	[sflag:s25] =	ssyncset.done $0x0  }
0x85: {  	[sflag:s25] =	ssyncadd.s32 $0xFFFFFF80  }
0x86: {  	[spmem:s0] =	stream.indirect.scatter.add.f32 [tilespmem:s18], [sflag:$0x4], $0x1, s31, s17, $0xb8;
	[tilespmem:$0x1AA80] =	vst v63  }
0x87: {  	_ =	swait.ge [sflag:s24], $0x1000  }
0x88: {  	[sflag:s24] =	ssyncset.done $0x0  }
0x89: {  	[sflag:s24] =	ssyncadd.s32 $0xFFFFF000  }
0x8a: {  	[spmem:s9] =	stream.indirect.scatter.add.f32 [tilespmem:s20], [sflag:$0x3], $0x20, s19, s17, $0xb8;
	[tilespmem:$0x1AA80] =	vst v63  }
0x8b: {  	_ =	swait.ge [sflag:s25], $0x80  }
0x8c: {  	[sflag:s25] =	ssyncset.done $0x0  }
0x8d: {  	[sflag:s25] =	ssyncadd.s32 $0xFFFFFF80  }
0x8e: {  	[spmem:s0] =	stream.indirect.scatter.add.f32 [tilespmem:s21], [sflag:$0x4], $0x1, s29, s17, $0xb8;
	[tilespmem:$0x1AA80] =	vst v63  }
0x8f: {  	_ =	swait.ge [sflag:s24], $0x1000  }
0x90: {  	[sflag:s24] =	ssyncset.done $0x0  }
0x91: {  	[sflag:s24] =	ssyncadd.s32 $0xFFFFF000  }
0x92: {  	[spmem:s9] =	stream.indirect.scatter.add.f32 [tilespmem:s22], [sflag:$0x3], $0x20, s30, s17, $0xb8;
	[tilespmem:$0x1AA80] =	vst v63  }
0x93: {  	_ =	swait.ge [sflag:s25], $0x80  }
0x94: {  	[sflag:s25] =	ssyncset.done $0x0  }
0x95: {  	s31 =	simm.s32 $0x15280;
	s30 =	simm.s32 $0x280;
	[sflag:s25] =	ssyncadd.s32 $0xFFFFFF80  }
0x96: {  	[spmem:s0] =	stream.indirect.scatter.add.f32 [tilespmem:s31], [sflag:$0x4], $0x1, s30, s17, $0xb8;
	[tilespmem:$0x1AA80] =	vst v63  }
0x97: {  	_ =	swait.ge [sflag:s24], $0x1000  }
0x98: {  	[sflag:s24] =	ssyncset.done $0x0  }
0x99: {  	s2 =	simm.s32 $0xB000;
	s3 =	simm.s32 $0x2B00;
	[sflag:s24] =	ssyncadd.s32 $0xFFFFF000  }
0x9a: {  	[spmem:s9] =	stream.indirect.scatter.add.f32 [tilespmem:s2], [sflag:$0x3], $0x20, s3, s17, $0xb8;
	[tilespmem:$0x1AA80] =	vst v63  }
0x9b: {  	_ =	swait.ge [sflag:s25], $0x80  }
0x9c: {  	[sflag:s25] =	ssyncset.done $0x0  }
0x9d: {  	s6 =	simm.s32 $0x15300;
	s4 =	simm.s32 $0x300;
	[sflag:s25] =	ssyncadd.s32 $0xFFFFFF80  }
0x9e: {  	[spmem:s0] =	stream.indirect.scatter.add.f32 [tilespmem:s6], [sflag:$0x4], $0x1, s4, s17, $0xb8;
	[tilespmem:$0x1AA80] =	vst v63  }
0x9f: {  	_ =	swait.ge [sflag:s24], $0x1000  }
0xa0: {  	[sflag:s24] =	ssyncset.done $0x0  }
0xa1: {  	s7 =	simm.s32 $0xC000;
	s8 =	simm.s32 $0x2B80;
	[sflag:s24] =	ssyncadd.s32 $0xFFFFF000  }
0xa2: {  	[spmem:s9] =	stream.indirect.scatter.add.f32 [tilespmem:s7], [sflag:$0x3], $0x20, s8, s17, $0xb8;
	[tilespmem:$0x1AA80] =	vst v63  }
0xa3: {  	_ =	swait.ge [sflag:s25], $0x80  }
0xa4: {  	[sflag:s25] =	ssyncset.done $0x0  }
0xa5: {  	s12 =	simm.s32 $0x15380;
	s11 =	simm.s32 $0x380;
	[sflag:s25] =	ssyncadd.s32 $0xFFFFFF80  }
0xa6: {  	[spmem:s0] =	stream.indirect.scatter.add.f32 [tilespmem:s12], [sflag:$0x4], $0x1, s11, s17, $0xb8;
	[tilespmem:$0x1AA80] =	vst v63  }
0xa7: {  	_ =	swait.ge [sflag:s24], $0x1000  }
0xa8: {  	[sflag:s24] =	ssyncset.done $0x0  }
0xa9: {  	s13 =	simm.s32 $0xD000;
	s14 =	simm.s32 $0x2C00;
	[sflag:s24] =	ssyncadd.s32 $0xFFFFF000  }
0xaa: {  	[spmem:s9] =	stream.indirect.scatter.add.f32 [tilespmem:s13], [sflag:$0x3], $0x20, s14, s17, $0xb8;
	[tilespmem:$0x1AA80] =	vst v63  }
0xab: {  	_ =	swait.ge [sflag:s25], $0x80  }
0xac: {  	[sflag:s25] =	ssyncset.done $0x0  }
0xad: {  	s16 =	simm.s32 $0x15400;
	s15 =	simm.s32 $0x400;
	[sflag:s25] =	ssyncadd.s32 $0xFFFFFF80  }
0xae: {  	[spmem:s0] =	stream.indirect.scatter.add.f32 [tilespmem:s16], [sflag:$0x4], $0x1, s15, s17, $0xb8;
	[tilespmem:$0x1AA80] =	vst v63  }
0xaf: {  	_ =	swait.ge [sflag:s24], $0x1000  }
0xb0: {  	[sflag:s24] =	ssyncset.done $0x0  }
0xb1: {  	s18 =	simm.s32 $0xE000;
	s19 =	simm.s32 $0x2C80;
	[sflag:s24] =	ssyncadd.s32 $0xFFFFF000  }
0xb2: {  	[spmem:s9] =	stream.indirect.scatter.add.f32 [tilespmem:s18], [sflag:$0x3], $0x20, s19, s17, $0xb8;
	[tilespmem:$0x1AA80] =	vst v63  }
0xb3: {  	_ =	swait.ge [sflag:s25], $0x80  }
0xb4: {  	[sflag:s25] =	ssyncset.done $0x0  }
0xb5: {  	s20 =	simm.s32 $0x480;
	s21 =	simm.s32 $0x15480;
	[sflag:s25] =	ssyncadd.s32 $0xFFFFFF80  }
0xb6: {  	[spmem:s0] =	stream.indirect.scatter.add.f32 [tilespmem:s21], [sflag:$0x4], $0x1, s20, s17, $0xb8;
	[tilespmem:$0x1AA80] =	vst v63  }
0xb7: {  	_ =	swait.ge [sflag:s24], $0x1000  }
0xb8: {  	[sflag:s24] =	ssyncset.done $0x0  }
0xb9: {  	s29 =	simm.s32 $0x2D00;
	s22 =	simm.s32 $0xF000;
	[sflag:s24] =	ssyncadd.s32 $0xFFFFF000  }
0xba: {  	[spmem:s9] =	stream.indirect.scatter.add.f32 [tilespmem:s22], [sflag:$0x3], $0x20, s29, s17, $0xb8;
	[tilespmem:$0x1AA80] =	vst v63  }
0xbb: {  	_ =	swait.ge [sflag:s25], $0x80  }
0xbc: {  	[sflag:s25] =	ssyncset.done $0x0  }
0xbd: {  	s30 =	simm.s32 $0x500;
	s31 =	simm.s32 $0x15500;
	[sflag:s25] =	ssyncadd.s32 $0xFFFFFF80  }
0xbe: {  	[spmem:s0] =	stream.indirect.scatter.add.f32 [tilespmem:s31], [sflag:$0x4], $0x1, s30, s17, $0xb8;
	[tilespmem:$0x1AA80] =	vst v63  }
0xbf: {  	_ =	swait.ge [sflag:s24], $0x1000  }
0xc0: {  	[sflag:s24] =	ssyncset.done $0x0  }
0xc1: {  	s3 =	simm.s32 $0x10000;
	s4 =	simm.s32 $0x2D80;
	[sflag:s24] =	ssyncadd.s32 $0xFFFFF000  }
0xc2: {  	[spmem:s9] =	stream.indirect.scatter.add.f32 [tilespmem:s3], [sflag:$0x3], $0x20, s4, s17, $0xb8;
	[tilespmem:$0x1AA80] =	vst v63  }
0xc3: {  	_ =	swait.ge [sflag:s25], $0x80  }
0xc4: {  	[sflag:s25] =	ssyncset.done $0x0  }
0xc5: {  	s6 =	simm.s32 $0x580;
	s7 =	simm.s32 $0x15580;
	[sflag:s25] =	ssyncadd.s32 $0xFFFFFF80  }
0xc6: {  	[spmem:s0] =	stream.indirect.scatter.add.f32 [tilespmem:s7], [sflag:$0x4], $0x1, s6, s17, $0xb8;
	[tilespmem:$0x1AA80] =	vst v63  }
0xc7: {  	_ =	swait.ge [sflag:s24], $0x1000  }
0xc8: {  	[sflag:s24] =	ssyncset.done $0x0  }
0xc9: {  	s8 =	simm.s32 $0x11000;
	s11 =	simm.s32 $0x2E00;
	[sflag:s24] =	ssyncadd.s32 $0xFFFFF000  }
0xca: {  	[spmem:s9] =	stream.indirect.scatter.add.f32 [tilespmem:s8], [sflag:$0x3], $0x20, s11, s17, $0xb8;
	[tilespmem:$0x1AA80] =	vst v63  }
0xcb: {  	_ =	swait.ge [sflag:s25], $0x80  }
0xcc: {  	[sflag:s25] =	ssyncset.done $0x0  }
0xcd: {  	s12 =	simm.s32 $0x600;
	s13 =	simm.s32 $0x15600;
	[sflag:s25] =	ssyncadd.s32 $0xFFFFFF80  }
0xce: {  	[spmem:s0] =	stream.indirect.scatter.add.f32 [tilespmem:s13], [sflag:$0x4], $0x1, s12, s17, $0xb8;
	[tilespmem:$0x1AA80] =	vst v63  }
0xcf: {  	_ =	swait.ge [sflag:s24], $0x1000  }
0xd0: {  	[sflag:s24] =	ssyncset.done $0x0  }
0xd1: {  	s14 =	simm.s32 $0x12000;
	s15 =	simm.s32 $0x2E80;
	[sflag:s24] =	ssyncadd.s32 $0xFFFFF000  }
0xd2: {  	[spmem:s9] =	stream.indirect.scatter.add.f32 [tilespmem:s14], [sflag:$0x3], $0x20, s15, s17, $0xb8;
	[tilespmem:$0x1AA80] =	vst v63  }
0xd3: {  	_ =	swait.ge [sflag:s25], $0x80  }
0xd4: {  	[sflag:s25] =	ssyncset.done $0x0  }
0xd5: {  	s16 =	simm.s32 $0x680;
	s18 =	simm.s32 $0x15680;
	[sflag:s25] =	ssyncadd.s32 $0xFFFFFF80  }
0xd6: {  	[spmem:s0] =	stream.indirect.scatter.add.f32 [tilespmem:s18], [sflag:$0x4], $0x1, s16, s17, $0xb8;
	[tilespmem:$0x1AA80] =	vst v63  }
0xd7: {  	_ =	swait.ge [sflag:s24], $0x1000  }
0xd8: {  	[sflag:s24] =	ssyncset.done $0x0  }
0xd9: {  	s19 =	simm.s32 $0x13000;
	s20 =	simm.s32 $0x2F00;
	[sflag:s24] =	ssyncadd.s32 $0xFFFFF000  }
0xda: {  	[spmem:s9] =	stream.indirect.scatter.add.f32 [tilespmem:s19], [sflag:$0x3], $0x20, s20, s17, $0xb8;
	[tilespmem:$0x1AA80] =	vst v63  }
0xdb: {  	_ =	swait.ge [sflag:s25], $0x80  }
0xdc: {  	[sflag:s25] =	ssyncset.done $0x0  }
0xdd: {  	s21 =	simm.s32 $0x700;
	s22 =	simm.s32 $0x15700;
	[sflag:s25] =	ssyncadd.s32 $0xFFFFFF80  }
0xde: {  	[spmem:s0] =	stream.indirect.scatter.add.f32 [tilespmem:s22], [sflag:$0x4], $0x1, s21, s17, $0xb8;
	[tilespmem:$0x1AA80] =	vst v63  }
0xdf: {  	_ =	swait.ge [sflag:s24], $0x1000  }
0xe0: {  	[sflag:s24] =	ssyncset.done $0x0  }
0xe1: {  	s23 =	simm.s32 $0x2F80;
	s29 =	simm.s32 $0x14000;
	[sflag:s24] =	ssyncadd.s32 $0xFFFFF000  }
0xe2: {  	[spmem:s9] =	stream.indirect.scatter.add.f32 [tilespmem:s29], [sflag:$0x3], $0x20, s23, s17, $0xb8;
	[tilespmem:$0x1AA80] =	vst v63  }
0xe3: {  	_ =	swait.ge [sflag:s25], $0x80  }
0xe4: {  	[sflag:s25] =	ssyncset.done $0x0  }
0xe5: {  	s30 =	simm.s32 $0x780;
	s31 =	simm.s32 $0x15780;
	[sflag:s25] =	ssyncadd.s32 $0xFFFFFF80  }
0xe6: {  	[spmem:s0] =	stream.indirect.scatter.add.f32 [tilespmem:s31], [sflag:$0x4], $0x1, s30, s17, $0xb8;
	[tilespmem:$0x1AA80] =	vst v63  }
0xe7: {  	_ =	swait.ge [sflag:s26], $0x1000  }
0xe8: {  	[sflag:s26] =	ssyncset.done $0x0  }
0xe9: {  	[sflag:s26] =	ssyncadd.s32 $0xFFFFF000  }
0xea: {  	_ =	swait.ge [sflag:s28], $0x80  }
0xeb: {  	[sflag:s28] =	ssyncset.done $0x0  }
0xec: {  	[sflag:s28] =	ssyncadd.s32 $0xFFFFFF80  }
0xed: {  	_ =	swait.ge [sflag:s26], $0x1000  }
0xee: {  	[sflag:s26] =	ssyncset.done $0x0  }
0xef: {  	[sflag:s26] =	ssyncadd.s32 $0xFFFFF000  }
0xf0: {  	_ =	swait.ge [sflag:s28], $0x80  }
0xf1: {  	[sflag:s28] =	ssyncset.done $0x0  }
0xf2: {  	[sflag:s28] =	ssyncadd.s32 $0xFFFFFF80  }
0xf3: {  	_ =	swait.ge [sflag:s26], $0x1000  }
0xf4: {  	[sflag:s26] =	ssyncset.done $0x0  }
0xf5: {  	[sflag:s26] =	ssyncadd.s32 $0xFFFFF000  }
0xf6: {  	_ =	swait.ge [sflag:s28], $0x80  }
0xf7: {  	[sflag:s28] =	ssyncset.done $0x0  }
0xf8: {  	[sflag:s28] =	ssyncadd.s32 $0xFFFFFF80  }
0xf9: {  	_ =	swait.ge [sflag:s26], $0x1000  }
0xfa: {  	[sflag:s26] =	ssyncset.done $0x0  }
0xfb: {  	[sflag:s26] =	ssyncadd.s32 $0xFFFFF000  }
0xfc: {  	_ =	swait.ge [sflag:s28], $0x80  }
0xfd: {  	[sflag:s28] =	ssyncset.done $0x0  }
0xfe: {  	[sflag:s28] =	ssyncadd.s32 $0xFFFFFF80  }
0xff: {  	_ =	swait.ge [sflag:s26], $0x1000  }
0x100: {  	[sflag:s26] =	ssyncset.done $0x0  }
0x101: {  	[sflag:s26] =	ssyncadd.s32 $0xFFFFF000  }
0x102: {  	_ =	swait.ge [sflag:s28], $0x80  }
0x103: {  	[sflag:s28] =	ssyncset.done $0x0  }
0x104: {  	[sflag:s28] =	ssyncadd.s32 $0xFFFFFF80  }
0x105: {  	_ =	swait.ge [sflag:s26], $0x1000  }
0x106: {  	[sflag:s26] =	ssyncset.done $0x0  }
0x107: {  	[sflag:s26] =	ssyncadd.s32 $0xFFFFF000  }
0x108: {  	_ =	swait.ge [sflag:s28], $0x80  }
0x109: {  	[sflag:s28] =	ssyncset.done $0x0  }
0x10a: {  	[sflag:s28] =	ssyncadd.s32 $0xFFFFFF80  }
0x10b: {  	_ =	swait.ge [sflag:s26], $0x1000  }
0x10c: {  	[sflag:s26] =	ssyncset.done $0x0  }
0x10d: {  	[sflag:s26] =	ssyncadd.s32 $0xFFFFF000  }
0x10e: {  	_ =	swait.ge [sflag:s28], $0x80  }
0x10f: {  	[sflag:s28] =	ssyncset.done $0x0  }
0x110: {  	[sflag:s28] =	ssyncadd.s32 $0xFFFFFF80  }
0x111: {  	_ =	swait.ge [sflag:s26], $0x1000  }
0x112: {  	[sflag:s26] =	ssyncset.done $0x0  }
0x113: {  	[sflag:s26] =	ssyncadd.s32 $0xFFFFF000  }
0x114: {  	_ =	swait.ge [sflag:s28], $0x80  }
0x115: {  	[sflag:s28] =	ssyncset.done $0x0  }
0x116: {  	[sflag:s28] =	ssyncadd.s32 $0xFFFFFF80  }
0x117: {  	_ =	swait.ge [sflag:s26], $0x1000  }
0x118: {  	[sflag:s26] =	ssyncset.done $0x0  }
0x119: {  	[sflag:s26] =	ssyncadd.s32 $0xFFFFF000  }
0x11a: {  	_ =	swait.ge [sflag:s28], $0x80  }
0x11b: {  	[sflag:s28] =	ssyncset.done $0x0  }
0x11c: {  	[sflag:s28] =	ssyncadd.s32 $0xFFFFFF80  }
0x11d: {  	_ =	swait.ge [sflag:s26], $0x1000  }
0x11e: {  	[sflag:s26] =	ssyncset.done $0x0  }
0x11f: {  	[sflag:s26] =	ssyncadd.s32 $0xFFFFF000  }
0x120: {  	_ =	swait.ge [sflag:s28], $0x80  }
0x121: {  	[sflag:s28] =	ssyncset.done $0x0  }
0x122: {  	[sflag:s28] =	ssyncadd.s32 $0xFFFFFF80  }
0x123: {  	_ =	swait.ge [sflag:s26], $0x1000  }
0x124: {  	[sflag:s26] =	ssyncset.done $0x0  }
0x125: {  	[sflag:s26] =	ssyncadd.s32 $0xFFFFF000  }
0x126: {  	_ =	swait.ge [sflag:s28], $0x80  }
0x127: {  	[sflag:s28] =	ssyncset.done $0x0  }
0x128: {  	[sflag:s28] =	ssyncadd.s32 $0xFFFFFF80  }
0x129: {  	_ =	swait.ge [sflag:s26], $0x1000  }
0x12a: {  	[sflag:s26] =	ssyncset.done $0x0  }
0x12b: {  	[sflag:s26] =	ssyncadd.s32 $0xFFFFF000  }
0x12c: {  	_ =	swait.ge [sflag:s28], $0x80  }
0x12d: {  	[sflag:s28] =	ssyncset.done $0x0  }
0x12e: {  	[sflag:s28] =	ssyncadd.s32 $0xFFFFFF80  }
0x12f: {  	_ =	swait.ge [sflag:s26], $0x1000  }
0x130: {  	[sflag:s26] =	ssyncset.done $0x0  }
0x131: {  	[sflag:s26] =	ssyncadd.s32 $0xFFFFF000  }
0x132: {  	_ =	swait.ge [sflag:s28], $0x80  }
0x133: {  	[sflag:s28] =	ssyncset.done $0x0  }
0x134: {  	[sflag:s28] =	ssyncadd.s32 $0xFFFFFF80  }
0x135: {  	_ =	swait.ge [sflag:s26], $0x1000  }
0x136: {  	[sflag:s26] =	ssyncset.done $0x0  }
0x137: {  	[sflag:s26] =	ssyncadd.s32 $0xFFFFF000  }
0x138: {  	_ =	swait.ge [sflag:s28], $0x80  }
0x139: {  	[sflag:s28] =	ssyncset.done $0x0  }
0x13a: {  	[sflag:s28] =	ssyncadd.s32 $0xFFFFFF80  }
0x13b: {  	_ =	swait.ge [sflag:s26], $0x1000  }
0x13c: {  	[sflag:s26] =	ssyncset.done $0x0  }
0x13d: {  	[sflag:s26] =	ssyncadd.s32 $0xFFFFF000  }
0x13e: {  	_ =	swait.ge [sflag:s28], $0x80  }
0x13f: {  	[sflag:s28] =	ssyncset.done $0x0  }
0x140: {  	[sflag:s28] =	ssyncadd.s32 $0xFFFFFF80  }
0x141: {  	_ =	swait.ge [sflag:s26], $0x1000  }
0x142: {  	[sflag:s26] =	ssyncset.done $0x0  }
0x143: {  	[sflag:s26] =	ssyncadd.s32 $0xFFFFF000  }
0x144: {  	_ =	swait.ge [sflag:s28], $0x80  }
0x145: {  	s1 =	simm.s32 $0x2000;
	s0 =	simm.s32 $0x4000;
	[sflag:s28] =	ssyncset.done $0x0  }
.LBB2_2:
0x146: {  	s3 =	sshra.s32 s1, $0x2;
	[sflag:s28] =	ssyncadd.s32 $0xFFFFFF80;
	s12 =	simm.s32 $0x5000  }
0x147: {  	[tilespmem:s12], [sflag:$0x1] =	stream.indirect.gather [hbm4b:s10+s17], $0x20, s3, s17, $0xb8;
	[tilespmem:$0x1AA80] =	vst v63  }
0x148: {  	s1 =	simm.s32 $0x15000;
	s8 =	sadd.s32 $0x2800, s3  }
0x149: {  	[tilespmem:s1], [sflag:$0x2] =	stream.indirect.gather [hbm4b:s5+s17], $0x1, s8, s17, $0xb8;
	[tilespmem:$0x1AA80] =	vst v63  }
0x14a: {  	s2 =	simm.s32 $0x6000;
	s16 =	sadd.s32 $0x80, s3  }
0x14b: {  	[tilespmem:s2], [sflag:$0x1] =	stream.indirect.gather [hbm4b:s10+s17], $0x20, s16, s17, $0xb8;
	[tilespmem:$0x1AA80] =	vst v63  }
0x14c: {  	s4 =	simm.s32 $0x15080;
	s7 =	sadd.s32 $0x2880, s3  }
0x14d: {  	[tilespmem:s4], [sflag:$0x2] =	stream.indirect.gather [hbm4b:s5+s17], $0x1, s7, s17, $0xb8;
	[tilespmem:$0x1AA80] =	vst v63  }
0x14e: {  	s6 =	simm.s32 $0x7000;
	s4 =	sadd.s32 $0x100, s3  }
0x14f: {  	[tilespmem:s6], [sflag:$0x1] =	stream.indirect.gather [hbm4b:s10+s17], $0x20, s4, s17, $0xb8;
	[tilespmem:$0x1AA80] =	vst v63  }
0x150: {  	s30 =	smov.u32 s0;
	s9 =	simm.s32 $0x15100;
	s6 =	sadd.s32 $0x2900, s3  }
0x151: {  	[tilespmem:s9], [sflag:$0x2] =	stream.indirect.gather [hbm4b:s5+s17], $0x1, s6, s17, $0xb8;
	[tilespmem:$0x1AA80] =	vst v63  }
0x152: {  	s31 =	sadd.s32 $0x2000, s0;
	s11 =	simm.s32 $0x8000;
	s29 =	sadd.s32 $0x180, s3  }
0x153: {  	[tilespmem:s11], [sflag:$0x1] =	stream.indirect.gather [hbm4b:s10+s17], $0x20, s29, s17, $0xb8;
	[tilespmem:$0x1AA80] =	vst v63  }
0x154: {  	s13 =	simm.s32 $0x15180;
	[dreg:$0x4] =	wrdreg s31;
	s31 =	sadd.s32 $0x2980, s3  }
0x155: {  	[tilespmem:s13], [sflag:$0x2] =	stream.indirect.gather [hbm4b:s5+s17], $0x1, s31, s17, $0xb8;
	[tilespmem:$0x1AA80] =	vst v63  }
0x156: {  	s14 =	simm.s32 $0x9000;
	[dreg:$0xa] =	wrdreg s30;
	s30 =	sadd.s32 $0x200, s3  }
0x157: {  	[tilespmem:s14], [sflag:$0x1] =	stream.indirect.gather [hbm4b:s10+s17], $0x20, s30, s17, $0xb8;
	[tilespmem:$0x1AA80] =	vst v63  }
0x158: {  	p1 =	sne.s32 s0, $0x8000;
	s15 =	simm.s32 $0x15200;
	s0 =	sadd.s32 $0x2A00, s3  }
0x159: {  	[tilespmem:s15], [sflag:$0x2] =	stream.indirect.gather [hbm4b:s5+s17], $0x1, s0, s17, $0xb8;
	[tilespmem:$0x1AA80] =	vst v63  }
0x15a: {  	s18 =	simm.s32 $0xA000;
	s23 =	sadd.s32 $0x280, s3  }
0x15b: {  	[tilespmem:s18], [sflag:$0x1] =	stream.indirect.gather [hbm4b:s10+s17], $0x20, s23, s17, $0xb8;
	[tilespmem:$0x1AA80] =	vst v63  }
0x15c: {  	s19 =	simm.s32 $0x15280;
	s2 =	sadd.s32 $0x2A80, s3  }
0x15d: {  	[tilespmem:s19], [sflag:$0x2] =	stream.indirect.gather [hbm4b:s5+s17], $0x1, s2, s17, $0xb8;
	[tilespmem:$0x1AA80] =	vst v63  }
0x15e: {  	s20 =	simm.s32 $0xB000;
	s21 =	sadd.s32 $0x300, s3  }
0x15f: {  	[tilespmem:s20], [sflag:$0x1] =	stream.indirect.gather [hbm4b:s10+s17], $0x20, s21, s17, $0xb8;
	[tilespmem:$0x1AA80] =	vst v63  }
0x160: {  	s1 =	sadd.s32 $0x2B00, s3;
	s9 =	simm.s32 $0x15300  }
0x161: {  	[tilespmem:s9], [sflag:$0x2] =	stream.indirect.gather [hbm4b:s5+s17], $0x1, s1, s17, $0xb8;
	[tilespmem:$0x1AA80] =	vst v63  }
0x162: {  	s22 =	simm.s32 $0xC000;
	s19 =	sadd.s32 $0x380, s3  }
0x163: {  	[tilespmem:s22], [sflag:$0x1] =	stream.indirect.gather [hbm4b:s10+s17], $0x20, s19, s17, $0xb8;
	[tilespmem:$0x1AA80] =	vst v63  }
0x164: {  	s11 =	simm.s32 $0x15380;
	s22 =	sadd.s32 $0x2B80, s3  }
0x165: {  	[tilespmem:s11], [sflag:$0x2] =	stream.indirect.gather [hbm4b:s5+s17], $0x1, s22, s17, $0xb8;
	[tilespmem:$0x1AA80] =	vst v63  }
0x166: {  	s13 =	simm.s32 $0xD000;
	s15 =	sadd.s32 $0x400, s3  }
0x167: {  	[tilespmem:s13], [sflag:$0x1] =	stream.indirect.gather [hbm4b:s10+s17], $0x20, s15, s17, $0xb8;
	[tilespmem:$0x1AA80] =	vst v63  }
0x168: {  	s14 =	simm.s32 $0x15400;
	s20 =	sadd.s32 $0x2C00, s3  }
0x169: {  	[tilespmem:s14], [sflag:$0x2] =	stream.indirect.gather [hbm4b:s5+s17], $0x1, s20, s17, $0xb8;
	[tilespmem:$0x1AA80] =	vst v63  }
0x16a: {  	s18 =	simm.s32 $0xE000;
	s13 =	sadd.s32 $0x480, s3  }
0x16b: {  	[tilespmem:s18], [sflag:$0x1] =	stream.indirect.gather [hbm4b:s10+s17], $0x20, s13, s17, $0xb8;
	[tilespmem:$0x1AA80] =	vst v63  }
0x16c: {  	s11 =	simm.s32 $0x15480;
	s18 =	sadd.s32 $0x2C80, s3  }
0x16d: {  	[tilespmem:s11], [sflag:$0x2] =	stream.indirect.gather [hbm4b:s5+s17], $0x1, s18, s17, $0xb8;
	[tilespmem:$0x1AA80] =	vst v63  }
0x16e: {  	s14 =	sadd.s32 $0x500, s3;
	s11 =	simm.s32 $0xF000  }
0x16f: {  	[tilespmem:s11], [sflag:$0x1] =	stream.indirect.gather [hbm4b:s10+s17], $0x20, s14, s17, $0xb8;
	[tilespmem:$0x1AA80] =	vst v63  }
0x170: {  	[dreg:$0xe] =	wrdreg s14;
	s14 =	sadd.s32 $0x2D00, s3;
	s11 =	simm.s32 $0x15500  }
0x171: {  	[tilespmem:s11], [sflag:$0x2] =	stream.indirect.gather [hbm4b:s5+s17], $0x1, s14, s17, $0xb8;
	[tilespmem:$0x1AA80] =	vst v63  }
0x172: {  	s9 =	sadd.s32 $0x580, s3;
	s11 =	simm.s32 $0x10000  }
0x173: {  	[tilespmem:s11], [sflag:$0x1] =	stream.indirect.gather [hbm4b:s10+s17], $0x20, s9, s17, $0xb8;
	[tilespmem:$0x1AA80] =	vst v63  }
0x174: {  	[dreg:$0xc] =	wrdreg s9;
	s11 =	sadd.s32 $0x2D80, s3;
	s9 =	simm.s32 $0x15580  }
0x175: {  	[tilespmem:s9], [sflag:$0x2] =	stream.indirect.gather [hbm4b:s5+s17], $0x1, s11, s17, $0xb8;
	[tilespmem:$0x1AA80] =	vst v63  }
0x176: {  	[dreg:$0xf] =	wrdreg s11;
	s9 =	sadd.s32 $0x600, s3;
	s11 =	simm.s32 $0x11000  }
0x177: {  	[tilespmem:s11], [sflag:$0x1] =	stream.indirect.gather [hbm4b:s10+s17], $0x20, s9, s17, $0xb8;
	[tilespmem:$0x1AA80] =	vst v63  }
0x178: {  	[dreg:$0x9] =	wrdreg s9;
	s11 =	sadd.s32 $0x2E00, s3;
	s9 =	simm.s32 $0x15600  }
0x179: {  	[tilespmem:s9], [sflag:$0x2] =	stream.indirect.gather [hbm4b:s5+s17], $0x1, s11, s17, $0xb8;
	[tilespmem:$0x1AA80] =	vst v63  }
0x17a: {  	[dreg:$0xd] =	wrdreg s11;
	s9 =	sadd.s32 $0x680, s3;
	s11 =	simm.s32 $0x12000  }
0x17b: {  	[tilespmem:s11], [sflag:$0x1] =	stream.indirect.gather [hbm4b:s10+s17], $0x20, s9, s17, $0xb8;
	[tilespmem:$0x1AA80] =	vst v63  }
0x17c: {  	[dreg:$0x7] =	wrdreg s9;
	s11 =	sadd.s32 $0x2E80, s3;
	s9 =	simm.s32 $0x15680  }
0x17d: {  	[tilespmem:s9], [sflag:$0x2] =	stream.indirect.gather [hbm4b:s5+s17], $0x1, s11, s17, $0xb8;
	[tilespmem:$0x1AA80] =	vst v63  }
0x17e: {  	[dreg:$0xb] =	wrdreg s11;
	s9 =	sadd.s32 $0x700, s3;
	s11 =	simm.s32 $0x13000  }
0x17f: {  	[tilespmem:s11], [sflag:$0x1] =	stream.indirect.gather [hbm4b:s10+s17], $0x20, s9, s17, $0xb8;
	[tilespmem:$0x1AA80] =	vst v63  }
0x180: {  	[dreg:$0x6] =	wrdreg s9;
	s11 =	sadd.s32 $0x2F00, s3;
	s9 =	simm.s32 $0x15700  }
0x181: {  	[tilespmem:s9], [sflag:$0x2] =	stream.indirect.gather [hbm4b:s5+s17], $0x1, s11, s17, $0xb8;
	[tilespmem:$0x1AA80] =	vst v63  }
0x182: {  	[dreg:$0x8] =	wrdreg s11;
	s9 =	sadd.s32 $0x780, s3;
	s11 =	simm.s32 $0x14000  }
0x183: {  	[tilespmem:s11], [sflag:$0x1] =	stream.indirect.gather [hbm4b:s10+s17], $0x20, s9, s17, $0xb8;
	[tilespmem:$0x1AA80] =	vst v63  }
0x184: {  	[dreg:$0x5] =	wrdreg s9;
	s11 =	sadd.s32 $0x2F80, s3;
	s9 =	simm.s32 $0x15780  }
0x185: {  	[tilespmem:s9], [sflag:$0x2] =	stream.indirect.gather [hbm4b:s5+s17], $0x1, s11, s17, $0xb8;
	[tilespmem:$0x1AA80] =	vst v63  }
0x186: {  	_ =	swait.ge [sflag:s24], $0x1000  }
0x187: {  	[sflag:s24] =	ssyncset.done $0x0  }
0x188: {  	[sflag:s24] =	ssyncadd.s32 $0xFFFFF000  }
0x189: {  	s9 =	rddreg [dreg:$0x1]  }
0x18a: {  	[spmem:s9] =	stream.indirect.scatter.add.f32 [tilespmem:s12], [sflag:$0x3], $0x20, s8, s17, $0xb8;
	[tilespmem:$0x1AA80] =	vst v63  }
0x18b: {  	_ =	swait.ge [sflag:s25], $0x80  }
0x18c: {  	[sflag:s25] =	ssyncset.done $0x0  }
0x18d: {  	[sflag:s25] =	ssyncadd.s32 $0xFFFFFF80  }
0x18e: {  	s12 =	simm.s32 $0x15000;
	s8 =	rddreg [dreg:$0x2]  }
0x18f: {  	[spmem:s8] =	stream.indirect.scatter.add.f32 [tilespmem:s12], [sflag:$0x4], $0x1, s3, s17, $0xb8;
	[tilespmem:$0x1AA80] =	vst v63  }
0x190: {  	_ =	swait.ge [sflag:s24], $0x1000  }
0x191: {  	[sflag:s24] =	ssyncset.done $0x0  }
0x192: {  	s12 =	simm.s32 $0x6000;
	[sflag:s24] =	ssyncadd.s32 $0xFFFFF000  }
0x193: {  	[spmem:s9] =	stream.indirect.scatter.add.f32 [tilespmem:s12], [sflag:$0x3], $0x20, s7, s17, $0xb8;
	[tilespmem:$0x1AA80] =	vst v63  }
0x194: {  	_ =	swait.ge [sflag:s25], $0x80  }
0x195: {  	[sflag:s25] =	ssyncset.done $0x0  }
0x196: {  	s12 =	simm.s32 $0x15080;
	[sflag:s25] =	ssyncadd.s32 $0xFFFFFF80  }
0x197: {  	[spmem:s8] =	stream.indirect.scatter.add.f32 [tilespmem:s12], [sflag:$0x4], $0x1, s16, s17, $0xb8;
	[tilespmem:$0x1AA80] =	vst v63  }
0x198: {  	_ =	swait.ge [sflag:s24], $0x1000  }
0x199: {  	[sflag:s24] =	ssyncset.done $0x0  }
0x19a: {  	s16 =	simm.s32 $0x7000;
	[sflag:s24] =	ssyncadd.s32 $0xFFFFF000  }
0x19b: {  	[spmem:s9] =	stream.indirect.scatter.add.f32 [tilespmem:s16], [sflag:$0x3], $0x20, s6, s17, $0xb8;
	[tilespmem:$0x1AA80] =	vst v63  }
0x19c: {  	_ =	swait.ge [sflag:s25], $0x80  }
0x19d: {  	[sflag:s25] =	ssyncset.done $0x0  }
0x19e: {  	s7 =	simm.s32 $0x15100;
	[sflag:s25] =	ssyncadd.s32 $0xFFFFFF80  }
0x19f: {  	[spmem:s8] =	stream.indirect.scatter.add.f32 [tilespmem:s7], [sflag:$0x4], $0x1, s4, s17, $0xb8;
	[tilespmem:$0x1AA80] =	vst v63  }
0x1a0: {  	_ =	swait.ge [sflag:s24], $0x1000  }
0x1a1: {  	[sflag:s24] =	ssyncset.done $0x0  }
0x1a2: {  	s12 =	simm.s32 $0x8000;
	[sflag:s24] =	ssyncadd.s32 $0xFFFFF000  }
0x1a3: {  	[spmem:s9] =	stream.indirect.scatter.add.f32 [tilespmem:s12], [sflag:$0x3], $0x20, s31, s17, $0xb8;
	[tilespmem:$0x1AA80] =	vst v63  }
0x1a4: {  	_ =	swait.ge [sflag:s25], $0x80  }
0x1a5: {  	[sflag:s25] =	ssyncset.done $0x0  }
0x1a6: {  	s16 =	simm.s32 $0x15180;
	[sflag:s25] =	ssyncadd.s32 $0xFFFFFF80  }
0x1a7: {  	[spmem:s8] =	stream.indirect.scatter.add.f32 [tilespmem:s16], [sflag:$0x4], $0x1, s29, s17, $0xb8;
	[tilespmem:$0x1AA80] =	vst v63  }
0x1a8: {  	_ =	swait.ge [sflag:s24], $0x1000  }
0x1a9: {  	[sflag:s24] =	ssyncset.done $0x0  }
0x1aa: {  	s29 =	simm.s32 $0x9000;
	[sflag:s24] =	ssyncadd.s32 $0xFFFFF000  }
0x1ab: {  	[spmem:s9] =	stream.indirect.scatter.add.f32 [tilespmem:s29], [sflag:$0x3], $0x20, s0, s17, $0xb8;
	[tilespmem:$0x1AA80] =	vst v63  }
0x1ac: {  	_ =	swait.ge [sflag:s25], $0x80  }
0x1ad: {  	[sflag:s25] =	ssyncset.done $0x0  }
0x1ae: {  	s31 =	simm.s32 $0x15200;
	[sflag:s25] =	ssyncadd.s32 $0xFFFFFF80  }
0x1af: {  	[spmem:s8] =	stream.indirect.scatter.add.f32 [tilespmem:s31], [sflag:$0x4], $0x1, s30, s17, $0xb8;
	[tilespmem:$0x1AA80] =	vst v63  }
0x1b0: {  	_ =	swait.ge [sflag:s24], $0x1000  }
0x1b1: {  	[sflag:s24] =	ssyncset.done $0x0  }
0x1b2: {  	s3 =	simm.s32 $0xA000;
	[sflag:s24] =	ssyncadd.s32 $0xFFFFF000  }
0x1b3: {  	[spmem:s9] =	stream.indirect.scatter.add.f32 [tilespmem:s3], [sflag:$0x3], $0x20, s2, s17, $0xb8;
	[tilespmem:$0x1AA80] =	vst v63  }
0x1b4: {  	_ =	swait.ge [sflag:s25], $0x80  }
0x1b5: {  	[sflag:s25] =	ssyncset.done $0x0  }
0x1b6: {  	s4 =	simm.s32 $0x15280;
	[sflag:s25] =	ssyncadd.s32 $0xFFFFFF80  }
0x1b7: {  	[spmem:s8] =	stream.indirect.scatter.add.f32 [tilespmem:s4], [sflag:$0x4], $0x1, s23, s17, $0xb8;
	[tilespmem:$0x1AA80] =	vst v63  }
0x1b8: {  	_ =	swait.ge [sflag:s24], $0x1000  }
0x1b9: {  	[sflag:s24] =	ssyncset.done $0x0  }
0x1ba: {  	s6 =	simm.s32 $0xB000;
	[sflag:s24] =	ssyncadd.s32 $0xFFFFF000  }
0x1bb: {  	[spmem:s9] =	stream.indirect.scatter.add.f32 [tilespmem:s6], [sflag:$0x3], $0x20, s1, s17, $0xb8;
	[tilespmem:$0x1AA80] =	vst v63  }
0x1bc: {  	s1 =	rddreg [dreg:$0xa];
	_ =	swait.ge [sflag:s25], $0x80  }
0x1bd: {  	[sflag:s25] =	ssyncset.done $0x0  }
0x1be: {  	s7 =	simm.s32 $0x15300;
	[sflag:s25] =	ssyncadd.s32 $0xFFFFFF80  }
0x1bf: {  	[spmem:s8] =	stream.indirect.scatter.add.f32 [tilespmem:s7], [sflag:$0x4], $0x1, s21, s17, $0xb8;
	[tilespmem:$0x1AA80] =	vst v63  }
0x1c0: {  	_ =	swait.ge [sflag:s24], $0x1000  }
0x1c1: {  	[sflag:s24] =	ssyncset.done $0x0  }
0x1c2: {  	s12 =	simm.s32 $0xC000;
	[sflag:s24] =	ssyncadd.s32 $0xFFFFF000  }
0x1c3: {  	[spmem:s9] =	stream.indirect.scatter.add.f32 [tilespmem:s12], [sflag:$0x3], $0x20, s22, s17, $0xb8;
	[tilespmem:$0x1AA80] =	vst v63  }
0x1c4: {  	_ =	swait.ge [sflag:s25], $0x80  }
0x1c5: {  	[sflag:s25] =	ssyncset.done $0x0  }
0x1c6: {  	s16 =	simm.s32 $0x15380;
	[sflag:s25] =	ssyncadd.s32 $0xFFFFFF80  }
0x1c7: {  	[spmem:s8] =	stream.indirect.scatter.add.f32 [tilespmem:s16], [sflag:$0x4], $0x1, s19, s17, $0xb8;
	[tilespmem:$0x1AA80] =	vst v63  }
0x1c8: {  	_ =	swait.ge [sflag:s24], $0x1000  }
0x1c9: {  	[sflag:s24] =	ssyncset.done $0x0  }
0x1ca: {  	s19 =	simm.s32 $0xD000;
	[sflag:s24] =	ssyncadd.s32 $0xFFFFF000  }
0x1cb: {  	[spmem:s9] =	stream.indirect.scatter.add.f32 [tilespmem:s19], [sflag:$0x3], $0x20, s20, s17, $0xb8;
	[tilespmem:$0x1AA80] =	vst v63  }
0x1cc: {  	_ =	swait.ge [sflag:s25], $0x80  }
0x1cd: {  	[sflag:s25] =	ssyncset.done $0x0  }
0x1ce: {  	s21 =	simm.s32 $0x15400;
	[sflag:s25] =	ssyncadd.s32 $0xFFFFFF80  }
0x1cf: {  	[spmem:s8] =	stream.indirect.scatter.add.f32 [tilespmem:s21], [sflag:$0x4], $0x1, s15, s17, $0xb8;
	[tilespmem:$0x1AA80] =	vst v63  }
0x1d0: {  	_ =	swait.ge [sflag:s24], $0x1000  }
0x1d1: {  	[sflag:s24] =	ssyncset.done $0x0  }
0x1d2: {  	s22 =	simm.s32 $0xE000;
	[sflag:s24] =	ssyncadd.s32 $0xFFFFF000  }
0x1d3: {  	[spmem:s9] =	stream.indirect.scatter.add.f32 [tilespmem:s22], [sflag:$0x3], $0x20, s18, s17, $0xb8;
	[tilespmem:$0x1AA80] =	vst v63  }
0x1d4: {  	_ =	swait.ge [sflag:s25], $0x80  }
0x1d5: {  	[sflag:s25] =	ssyncset.done $0x0  }
0x1d6: {  	s23 =	simm.s32 $0x15480;
	[sflag:s25] =	ssyncadd.s32 $0xFFFFFF80  }
0x1d7: {  	[spmem:s8] =	stream.indirect.scatter.add.f32 [tilespmem:s23], [sflag:$0x4], $0x1, s13, s17, $0xb8;
	[tilespmem:$0x1AA80] =	vst v63  }
0x1d8: {  	_ =	swait.ge [sflag:s24], $0x1000  }
0x1d9: {  	[sflag:s24] =	ssyncset.done $0x0  }
0x1da: {  	s29 =	simm.s32 $0xF000;
	[sflag:s24] =	ssyncadd.s32 $0xFFFFF000  }
0x1db: {  	[spmem:s9] =	stream.indirect.scatter.add.f32 [tilespmem:s29], [sflag:$0x3], $0x20, s14, s17, $0xb8;
	[tilespmem:$0x1AA80] =	vst v63  }
0x1dc: {  	_ =	swait.ge [sflag:s25], $0x80  }
0x1dd: {  	[sflag:s25] =	ssyncset.done $0x0  }
0x1de: {  	s31 =	simm.s32 $0x15500;
	s30 =	rddreg [dreg:$0xe];
	[sflag:s25] =	ssyncadd.s32 $0xFFFFFF80  }
0x1df: {  	[spmem:s8] =	stream.indirect.scatter.add.f32 [tilespmem:s31], [sflag:$0x4], $0x1, s30, s17, $0xb8;
	[tilespmem:$0x1AA80] =	vst v63  }
0x1e0: {  	_ =	swait.ge [sflag:s24], $0x1000  }
0x1e1: {  	[sflag:s24] =	ssyncset.done $0x0  }
0x1e2: {  	s2 =	simm.s32 $0x10000;
	s3 =	rddreg [dreg:$0xf];
	[sflag:s24] =	ssyncadd.s32 $0xFFFFF000  }
0x1e3: {  	[spmem:s9] =	stream.indirect.scatter.add.f32 [tilespmem:s2], [sflag:$0x3], $0x20, s3, s17, $0xb8;
	[tilespmem:$0x1AA80] =	vst v63  }
0x1e4: {  	_ =	swait.ge [sflag:s25], $0x80  }
0x1e5: {  	[sflag:s25] =	ssyncset.done $0x0  }
0x1e6: {  	s6 =	simm.s32 $0x15580;
	s4 =	rddreg [dreg:$0xc];
	[sflag:s25] =	ssyncadd.s32 $0xFFFFFF80  }
0x1e7: {  	[spmem:s8] =	stream.indirect.scatter.add.f32 [tilespmem:s6], [sflag:$0x4], $0x1, s4, s17, $0xb8;
	[tilespmem:$0x1AA80] =	vst v63  }
0x1e8: {  	_ =	swait.ge [sflag:s24], $0x1000  }
0x1e9: {  	[sflag:s24] =	ssyncset.done $0x0  }
0x1ea: {  	s7 =	simm.s32 $0x11000;
	s12 =	rddreg [dreg:$0xd];
	[sflag:s24] =	ssyncadd.s32 $0xFFFFF000  }
0x1eb: {  	[spmem:s9] =	stream.indirect.scatter.add.f32 [tilespmem:s7], [sflag:$0x3], $0x20, s12, s17, $0xb8;
	[tilespmem:$0x1AA80] =	vst v63  }
0x1ec: {  	_ =	swait.ge [sflag:s25], $0x80  }
0x1ed: {  	[sflag:s25] =	ssyncset.done $0x0  }
0x1ee: {  	s14 =	simm.s32 $0x15600;
	s13 =	rddreg [dreg:$0x9];
	[sflag:s25] =	ssyncadd.s32 $0xFFFFFF80  }
0x1ef: {  	[spmem:s8] =	stream.indirect.scatter.add.f32 [tilespmem:s14], [sflag:$0x4], $0x1, s13, s17, $0xb8;
	[tilespmem:$0x1AA80] =	vst v63  }
0x1f0: {  	_ =	swait.ge [sflag:s24], $0x1000  }
0x1f1: {  	[sflag:s24] =	ssyncset.done $0x0  }
0x1f2: {  	s15 =	simm.s32 $0x12000;
	s16 =	rddreg [dreg:$0xb];
	[sflag:s24] =	ssyncadd.s32 $0xFFFFF000  }
0x1f3: {  	[spmem:s9] =	stream.indirect.scatter.add.f32 [tilespmem:s15], [sflag:$0x3], $0x20, s16, s17, $0xb8;
	[tilespmem:$0x1AA80] =	vst v63  }
0x1f4: {  	_ =	swait.ge [sflag:s25], $0x80  }
0x1f5: {  	[sflag:s25] =	ssyncset.done $0x0  }
0x1f6: {  	s19 =	simm.s32 $0x15680;
	s18 =	rddreg [dreg:$0x7];
	[sflag:s25] =	ssyncadd.s32 $0xFFFFFF80  }
0x1f7: {  	[spmem:s8] =	stream.indirect.scatter.add.f32 [tilespmem:s19], [sflag:$0x4], $0x1, s18, s17, $0xb8;
	[tilespmem:$0x1AA80] =	vst v63  }
0x1f8: {  	_ =	swait.ge [sflag:s24], $0x1000  }
0x1f9: {  	[sflag:s24] =	ssyncset.done $0x0  }
0x1fa: {  	s20 =	simm.s32 $0x13000;
	s21 =	rddreg [dreg:$0x8];
	[sflag:s24] =	ssyncadd.s32 $0xFFFFF000  }
0x1fb: {  	[spmem:s9] =	stream.indirect.scatter.add.f32 [tilespmem:s20], [sflag:$0x3], $0x20, s21, s17, $0xb8;
	[tilespmem:$0x1AA80] =	vst v63  }
0x1fc: {  	_ =	swait.ge [sflag:s25], $0x80  }
0x1fd: {  	[sflag:s25] =	ssyncset.done $0x0  }
0x1fe: {  	s23 =	simm.s32 $0x15700;
	s22 =	rddreg [dreg:$0x6];
	[sflag:s25] =	ssyncadd.s32 $0xFFFFFF80  }
0x1ff: {  	[spmem:s8] =	stream.indirect.scatter.add.f32 [tilespmem:s23], [sflag:$0x4], $0x1, s22, s17, $0xb8;
	[tilespmem:$0x1AA80] =	vst v63  }
0x200: {  	_ =	swait.ge [sflag:s24], $0x1000  }
0x201: {  	[sflag:s24] =	ssyncset.done $0x0  }
0x202: {  	s29 =	simm.s32 $0x14000;
	[sflag:s24] =	ssyncadd.s32 $0xFFFFF000  }
0x203: {  	[spmem:s9] =	stream.indirect.scatter.add.f32 [tilespmem:s29], [sflag:$0x3], $0x20, s11, s17, $0xb8;
	[tilespmem:$0x1AA80] =	vst v63  }
0x204: {  	_ =	swait.ge [sflag:s25], $0x80  }
0x205: {  	[sflag:s25] =	ssyncset.done $0x0  }
0x206: {  	s31 =	simm.s32 $0x15780;
	s30 =	rddreg [dreg:$0x5];
	[sflag:s25] =	ssyncadd.s32 $0xFFFFFF80  }
0x207: {  	[spmem:s8] =	stream.indirect.scatter.add.f32 [tilespmem:s31], [sflag:$0x4], $0x1, s30, s17, $0xb8;
	[tilespmem:$0x1AA80] =	vst v63  }
0x208: {  	_ =	swait.ge [sflag:s26], $0x1000  }
0x209: {  	[sflag:s26] =	ssyncset.done $0x0  }
0x20a: {  	[sflag:s26] =	ssyncadd.s32 $0xFFFFF000  }
0x20b: {  	_ =	swait.ge [sflag:s28], $0x80  }
0x20c: {  	[sflag:s28] =	ssyncset.done $0x0  }
0x20d: {  	[sflag:s28] =	ssyncadd.s32 $0xFFFFFF80  }
0x20e: {  	_ =	swait.ge [sflag:s26], $0x1000  }
0x20f: {  	[sflag:s26] =	ssyncset.done $0x0  }
0x210: {  	[sflag:s26] =	ssyncadd.s32 $0xFFFFF000  }
0x211: {  	_ =	swait.ge [sflag:s28], $0x80  }
0x212: {  	[sflag:s28] =	ssyncset.done $0x0  }
0x213: {  	[sflag:s28] =	ssyncadd.s32 $0xFFFFFF80  }
0x214: {  	_ =	swait.ge [sflag:s26], $0x1000  }
0x215: {  	[sflag:s26] =	ssyncset.done $0x0  }
0x216: {  	[sflag:s26] =	ssyncadd.s32 $0xFFFFF000  }
0x217: {  	_ =	swait.ge [sflag:s28], $0x80  }
0x218: {  	[sflag:s28] =	ssyncset.done $0x0  }
0x219: {  	[sflag:s28] =	ssyncadd.s32 $0xFFFFFF80  }
0x21a: {  	_ =	swait.ge [sflag:s26], $0x1000  }
0x21b: {  	[sflag:s26] =	ssyncset.done $0x0  }
0x21c: {  	[sflag:s26] =	ssyncadd.s32 $0xFFFFF000  }
0x21d: {  	_ =	swait.ge [sflag:s28], $0x80  }
0x21e: {  	[sflag:s28] =	ssyncset.done $0x0  }
0x21f: {  	[sflag:s28] =	ssyncadd.s32 $0xFFFFFF80  }
0x220: {  	_ =	swait.ge [sflag:s26], $0x1000  }
0x221: {  	[sflag:s26] =	ssyncset.done $0x0  }
0x222: {  	[sflag:s26] =	ssyncadd.s32 $0xFFFFF000  }
0x223: {  	_ =	swait.ge [sflag:s28], $0x80  }
0x224: {  	[sflag:s28] =	ssyncset.done $0x0  }
0x225: {  	[sflag:s28] =	ssyncadd.s32 $0xFFFFFF80  }
0x226: {  	_ =	swait.ge [sflag:s26], $0x1000  }
0x227: {  	[sflag:s26] =	ssyncset.done $0x0  }
0x228: {  	[sflag:s26] =	ssyncadd.s32 $0xFFFFF000  }
0x229: {  	_ =	swait.ge [sflag:s28], $0x80  }
0x22a: {  	[sflag:s28] =	ssyncset.done $0x0  }
0x22b: {  	[sflag:s28] =	ssyncadd.s32 $0xFFFFFF80  }
0x22c: {  	_ =	swait.ge [sflag:s26], $0x1000  }
0x22d: {  	[sflag:s26] =	ssyncset.done $0x0  }
0x22e: {  	[sflag:s26] =	ssyncadd.s32 $0xFFFFF000  }
0x22f: {  	_ =	swait.ge [sflag:s28], $0x80  }
0x230: {  	[sflag:s28] =	ssyncset.done $0x0  }
0x231: {  	[sflag:s28] =	ssyncadd.s32 $0xFFFFFF80  }
0x232: {  	_ =	swait.ge [sflag:s26], $0x1000  }
0x233: {  	[sflag:s26] =	ssyncset.done $0x0  }
0x234: {  	[sflag:s26] =	ssyncadd.s32 $0xFFFFF000  }
0x235: {  	_ =	swait.ge [sflag:s28], $0x80  }
0x236: {  	[sflag:s28] =	ssyncset.done $0x0  }
0x237: {  	[sflag:s28] =	ssyncadd.s32 $0xFFFFFF80  }
0x238: {  	_ =	swait.ge [sflag:s26], $0x1000  }
0x239: {  	[sflag:s26] =	ssyncset.done $0x0  }
0x23a: {  	[sflag:s26] =	ssyncadd.s32 $0xFFFFF000  }
0x23b: {  	_ =	swait.ge [sflag:s28], $0x80  }
0x23c: {  	[sflag:s28] =	ssyncset.done $0x0  }
0x23d: {  	[sflag:s28] =	ssyncadd.s32 $0xFFFFFF80  }
0x23e: {  	_ =	swait.ge [sflag:s26], $0x1000  }
0x23f: {  	[sflag:s26] =	ssyncset.done $0x0  }
0x240: {  	[sflag:s26] =	ssyncadd.s32 $0xFFFFF000  }
0x241: {  	_ =	swait.ge [sflag:s28], $0x80  }
0x242: {  	[sflag:s28] =	ssyncset.done $0x0  }
0x243: {  	[sflag:s28] =	ssyncadd.s32 $0xFFFFFF80  }
0x244: {  	_ =	swait.ge [sflag:s26], $0x1000  }
0x245: {  	[sflag:s26] =	ssyncset.done $0x0  }
0x246: {  	[sflag:s26] =	ssyncadd.s32 $0xFFFFF000  }
0x247: {  	_ =	swait.ge [sflag:s28], $0x80  }
0x248: {  	[sflag:s28] =	ssyncset.done $0x0  }
0x249: {  	[sflag:s28] =	ssyncadd.s32 $0xFFFFFF80  }
0x24a: {  	_ =	swait.ge [sflag:s26], $0x1000  }
0x24b: {  	[sflag:s26] =	ssyncset.done $0x0  }
0x24c: {  	[sflag:s26] =	ssyncadd.s32 $0xFFFFF000  }
0x24d: {  	_ =	swait.ge [sflag:s28], $0x80  }
0x24e: {  	[sflag:s28] =	ssyncset.done $0x0  }
0x24f: {  	[sflag:s28] =	ssyncadd.s32 $0xFFFFFF80  }
0x250: {  	_ =	swait.ge [sflag:s26], $0x1000  }
0x251: {  	[sflag:s26] =	ssyncset.done $0x0  }
0x252: {  	[sflag:s26] =	ssyncadd.s32 $0xFFFFF000  }
0x253: {  	_ =	swait.ge [sflag:s28], $0x80  }
0x254: {  	[sflag:s28] =	ssyncset.done $0x0  }
0x255: {  	[sflag:s28] =	ssyncadd.s32 $0xFFFFFF80  }
0x256: {  	_ =	swait.ge [sflag:s26], $0x1000  }
0x257: {  	[sflag:s26] =	ssyncset.done $0x0  }
0x258: {  	[sflag:s26] =	ssyncadd.s32 $0xFFFFF000  }
0x259: {  	_ =	swait.ge [sflag:s28], $0x80  }
0x25a: {  	[sflag:s28] =	ssyncset.done $0x0  }
0x25b: {  	[sflag:s28] =	ssyncadd.s32 $0xFFFFFF80  }
0x25c: {  	_ =	swait.ge [sflag:s26], $0x1000  }
0x25d: {  	[sflag:s26] =	ssyncset.done $0x0  }
0x25e: {  	[sflag:s26] =	ssyncadd.s32 $0xFFFFF000  }
0x25f: {  	_ =	swait.ge [sflag:s28], $0x80  }
0x260: {  	[sflag:s28] =	ssyncset.done $0x0  }
0x261: {  	[sflag:s28] =	ssyncadd.s32 $0xFFFFFF80  }
.Ltmp0:
0x262: {  	_ =	swait.ge [sflag:s26], $0x1000;
	(pc) =	sbr.rel @p1 .LBB2_2-.Ltmp0, $4  }
0x263: {  	[sflag:s26] =	ssyncset.done $0x0  }
0x264: {  	[sflag:s26] =	ssyncadd.s32 $0xFFFFF000  }
0x265: {  	_ =	swait.ge [sflag:s28], $0x80  }
0x266: {  	[sflag:s28] =	ssyncset.done $0x0;
	s0 =	rddreg [dreg:$0x4]  }
0x267: {  	s0 =	sshra.s32 s1, $0x2;
	[sflag:s28] =	ssyncadd.s32 $0xFFFFFF80;
	s12 =	simm.s32 $0x5000  }
0x268: {  	[tilespmem:s12], [sflag:$0x1] =	stream.indirect.gather [hbm4b:s10+s17], $0x20, s0, s17, $0xb8;
	[tilespmem:$0x1AA80] =	vst v63  }
0x269: {  	s2 =	simm.s32 $0x15000;
	s1 =	sadd.s32 $0x2800, s0  }
0x26a: {  	[tilespmem:s2], [sflag:$0x2] =	stream.indirect.gather [hbm4b:s5+s17], $0x1, s1, s17, $0xb8;
	[tilespmem:$0x1AA80] =	vst v63  }
0x26b: {  	s9 =	simm.s32 $0x6000;
	s4 =	sadd.s32 $0x80, s0  }
0x26c: {  	[tilespmem:s9], [sflag:$0x1] =	stream.indirect.gather [hbm4b:s10+s17], $0x20, s4, s17, $0xb8;
	[tilespmem:$0x1AA80] =	vst v63  }
0x26d: {  	s3 =	simm.s32 $0x15080;
	s2 =	sadd.s32 $0x2880, s0  }
0x26e: {  	[tilespmem:s3], [sflag:$0x2] =	stream.indirect.gather [hbm4b:s5+s17], $0x1, s2, s17, $0xb8;
	[tilespmem:$0x1AA80] =	vst v63  }
0x26f: {  	s11 =	simm.s32 $0x7000;
	s7 =	sadd.s32 $0x100, s0  }
0x270: {  	[tilespmem:s11], [sflag:$0x1] =	stream.indirect.gather [hbm4b:s10+s17], $0x20, s7, s17, $0xb8;
	[tilespmem:$0x1AA80] =	vst v63  }
0x271: {  	s6 =	simm.s32 $0x15100;
	s3 =	sadd.s32 $0x2900, s0  }
0x272: {  	[tilespmem:s6], [sflag:$0x2] =	stream.indirect.gather [hbm4b:s5+s17], $0x1, s3, s17, $0xb8;
	[tilespmem:$0x1AA80] =	vst v63  }
0x273: {  	s13 =	simm.s32 $0x8000;
	s31 =	sadd.s32 $0x180, s0  }
0x274: {  	[tilespmem:s13], [sflag:$0x1] =	stream.indirect.gather [hbm4b:s10+s17], $0x20, s31, s17, $0xb8;
	[tilespmem:$0x1AA80] =	vst v63  }
0x275: {  	s8 =	simm.s32 $0x15180;
	s6 =	sadd.s32 $0x2980, s0  }
0x276: {  	[tilespmem:s8], [sflag:$0x2] =	stream.indirect.gather [hbm4b:s5+s17], $0x1, s6, s17, $0xb8;
	[tilespmem:$0x1AA80] =	vst v63  }
0x277: {  	s14 =	simm.s32 $0x9000;
	s29 =	sadd.s32 $0x200, s0  }
0x278: {  	[tilespmem:s14], [sflag:$0x1] =	stream.indirect.gather [hbm4b:s10+s17], $0x20, s29, s17, $0xb8;
	[tilespmem:$0x1AA80] =	vst v63  }
0x279: {  	s9 =	simm.s32 $0x15200;
	s8 =	sadd.s32 $0x2A00, s0  }
0x27a: {  	[tilespmem:s9], [sflag:$0x2] =	stream.indirect.gather [hbm4b:s5+s17], $0x1, s8, s17, $0xb8;
	[tilespmem:$0x1AA80] =	vst v63  }
0x27b: {  	s15 =	simm.s32 $0xA000;
	s22 =	sadd.s32 $0x280, s0  }
0x27c: {  	[tilespmem:s15], [sflag:$0x1] =	stream.indirect.gather [hbm4b:s10+s17], $0x20, s22, s17, $0xb8;
	[tilespmem:$0x1AA80] =	vst v63  }
0x27d: {  	s16 =	simm.s32 $0x15280;
	s30 =	sadd.s32 $0x2A80, s0  }
0x27e: {  	[tilespmem:s16], [sflag:$0x2] =	stream.indirect.gather [hbm4b:s5+s17], $0x1, s30, s17, $0xb8;
	[tilespmem:$0x1AA80] =	vst v63  }
0x27f: {  	s18 =	simm.s32 $0xB000;
	s20 =	sadd.s32 $0x300, s0  }
0x280: {  	[tilespmem:s18], [sflag:$0x1] =	stream.indirect.gather [hbm4b:s10+s17], $0x20, s20, s17, $0xb8;
	[tilespmem:$0x1AA80] =	vst v63  }
0x281: {  	s19 =	simm.s32 $0x15300;
	s23 =	sadd.s32 $0x2B00, s0  }
0x282: {  	[tilespmem:s19], [sflag:$0x2] =	stream.indirect.gather [hbm4b:s5+s17], $0x1, s23, s17, $0xb8;
	[tilespmem:$0x1AA80] =	vst v63  }
0x283: {  	s21 =	simm.s32 $0xC000;
	s18 =	sadd.s32 $0x380, s0  }
0x284: {  	[tilespmem:s21], [sflag:$0x1] =	stream.indirect.gather [hbm4b:s10+s17], $0x20, s18, s17, $0xb8;
	[tilespmem:$0x1AA80] =	vst v63  }
0x285: {  	s11 =	simm.s32 $0x15380;
	s21 =	sadd.s32 $0x2B80, s0  }
0x286: {  	[tilespmem:s11], [sflag:$0x2] =	stream.indirect.gather [hbm4b:s5+s17], $0x1, s21, s17, $0xb8;
	[tilespmem:$0x1AA80] =	vst v63  }
0x287: {  	s13 =	simm.s32 $0xD000;
	s15 =	sadd.s32 $0x400, s0  }
0x288: {  	[tilespmem:s13], [sflag:$0x1] =	stream.indirect.gather [hbm4b:s10+s17], $0x20, s15, s17, $0xb8;
	[tilespmem:$0x1AA80] =	vst v63  }
0x289: {  	s14 =	simm.s32 $0x15400;
	s19 =	sadd.s32 $0x2C00, s0  }
0x28a: {  	[tilespmem:s14], [sflag:$0x2] =	stream.indirect.gather [hbm4b:s5+s17], $0x1, s19, s17, $0xb8;
	[tilespmem:$0x1AA80] =	vst v63  }
0x28b: {  	s16 =	simm.s32 $0xE000;
	s13 =	sadd.s32 $0x480, s0  }
0x28c: {  	[tilespmem:s16], [sflag:$0x1] =	stream.indirect.gather [hbm4b:s10+s17], $0x20, s13, s17, $0xb8;
	[tilespmem:$0x1AA80] =	vst v63  }
0x28d: {  	s11 =	simm.s32 $0x15480;
	s16 =	sadd.s32 $0x2C80, s0  }
0x28e: {  	[tilespmem:s11], [sflag:$0x2] =	stream.indirect.gather [hbm4b:s5+s17], $0x1, s16, s17, $0xb8;
	[tilespmem:$0x1AA80] =	vst v63  }
0x28f: {  	s14 =	sadd.s32 $0x500, s0;
	s11 =	simm.s32 $0xF000  }
0x290: {  	[tilespmem:s11], [sflag:$0x1] =	stream.indirect.gather [hbm4b:s10+s17], $0x20, s14, s17, $0xb8;
	[tilespmem:$0x1AA80] =	vst v63  }
0x291: {  	[smem:$0x7FA] =	sst s14;
	s14 =	sadd.s32 $0x2D00, s0;
	s11 =	simm.s32 $0x15500  }
0x292: {  	[tilespmem:s11], [sflag:$0x2] =	stream.indirect.gather [hbm4b:s5+s17], $0x1, s14, s17, $0xb8;
	[tilespmem:$0x1AA80] =	vst v63  }
0x293: {  	s9 =	sadd.s32 $0x580, s0;
	s11 =	simm.s32 $0x10000  }
0x294: {  	[tilespmem:s11], [sflag:$0x1] =	stream.indirect.gather [hbm4b:s10+s17], $0x20, s9, s17, $0xb8;
	[tilespmem:$0x1AA80] =	vst v63  }
0x295: {  	[smem:$0x7FC] =	sst s9;
	s11 =	sadd.s32 $0x2D80, s0;
	s9 =	simm.s32 $0x15580  }
0x296: {  	[tilespmem:s9], [sflag:$0x2] =	stream.indirect.gather [hbm4b:s5+s17], $0x1, s11, s17, $0xb8;
	[tilespmem:$0x1AA80] =	vst v63  }
0x297: {  	[smem:$0x7FB] =	sst s11;
	s9 =	sadd.s32 $0x600, s0;
	s11 =	simm.s32 $0x11000  }
0x298: {  	[tilespmem:s11], [sflag:$0x1] =	stream.indirect.gather [hbm4b:s10+s17], $0x20, s9, s17, $0xb8;
	[tilespmem:$0x1AA80] =	vst v63  }
0x299: {  	[dreg:$0x1e] =	wrdreg s9;
	s11 =	sadd.s32 $0x2E00, s0;
	s9 =	simm.s32 $0x15600  }
0x29a: {  	[tilespmem:s9], [sflag:$0x2] =	stream.indirect.gather [hbm4b:s5+s17], $0x1, s11, s17, $0xb8;
	[tilespmem:$0x1AA80] =	vst v63  }
0x29b: {  	[smem:$0x7FD] =	sst s11;
	s9 =	sadd.s32 $0x680, s0;
	s11 =	simm.s32 $0x12000  }
0x29c: {  	[tilespmem:s11], [sflag:$0x1] =	stream.indirect.gather [hbm4b:s10+s17], $0x20, s9, s17, $0xb8;
	[tilespmem:$0x1AA80] =	vst v63  }
0x29d: {  	[dreg:$0x1c] =	wrdreg s9;
	s11 =	sadd.s32 $0x2E80, s0;
	s9 =	simm.s32 $0x15680  }
0x29e: {  	[tilespmem:s9], [sflag:$0x2] =	stream.indirect.gather [hbm4b:s5+s17], $0x1, s11, s17, $0xb8;
	[tilespmem:$0x1AA80] =	vst v63  }
0x29f: {  	[dreg:$0x1f] =	wrdreg s11;
	s9 =	sadd.s32 $0x700, s0;
	s11 =	simm.s32 $0x13000  }
0x2a0: {  	[tilespmem:s11], [sflag:$0x1] =	stream.indirect.gather [hbm4b:s10+s17], $0x20, s9, s17, $0xb8;
	[tilespmem:$0x1AA80] =	vst v63  }
0x2a1: {  	[dreg:$0x1b] =	wrdreg s9;
	s11 =	sadd.s32 $0x2F00, s0;
	s9 =	simm.s32 $0x15700  }
0x2a2: {  	[tilespmem:s9], [sflag:$0x2] =	stream.indirect.gather [hbm4b:s5+s17], $0x1, s11, s17, $0xb8;
	[tilespmem:$0x1AA80] =	vst v63  }
0x2a3: {  	[dreg:$0x1d] =	wrdreg s11;
	s9 =	sadd.s32 $0x780, s0;
	s11 =	simm.s32 $0x14000  }
0x2a4: {  	[tilespmem:s11], [sflag:$0x1] =	stream.indirect.gather [hbm4b:s10+s17], $0x20, s9, s17, $0xb8;
	[tilespmem:$0x1AA80] =	vst v63  }
0x2a5: {  	[dreg:$0x1a] =	wrdreg s9;
	s11 =	sadd.s32 $0x2F80, s0;
	s9 =	simm.s32 $0x15780  }
0x2a6: {  	[tilespmem:s9], [sflag:$0x2] =	stream.indirect.gather [hbm4b:s5+s17], $0x1, s11, s17, $0xb8;
	[tilespmem:$0x1AA80] =	vst v63  }
0x2a7: {  	_ =	swait.ge [sflag:s24], $0x1000  }
0x2a8: {  	[sflag:s24] =	ssyncset.done $0x0  }
0x2a9: {  	[sflag:s24] =	ssyncadd.s32 $0xFFFFF000  }
0x2aa: {  	s9 =	rddreg [dreg:$0x1]  }
0x2ab: {  	[spmem:s9] =	stream.indirect.scatter.add.f32 [tilespmem:s12], [sflag:$0x3], $0x20, s1, s17, $0xb8;
	[tilespmem:$0x1AA80] =	vst v63  }
0x2ac: {  	_ =	swait.ge [sflag:s25], $0x80  }
0x2ad: {  	[sflag:s25] =	ssyncset.done $0x0  }
0x2ae: {  	[sflag:s25] =	ssyncadd.s32 $0xFFFFFF80  }
0x2af: {  	s12 =	simm.s32 $0x15000;
	s1 =	rddreg [dreg:$0x2]  }
0x2b0: {  	[spmem:s1] =	stream.indirect.scatter.add.f32 [tilespmem:s12], [sflag:$0x4], $0x1, s0, s17, $0xb8;
	[tilespmem:$0x1AA80] =	vst v63  }
0x2b1: {  	_ =	swait.ge [sflag:s24], $0x1000  }
0x2b2: {  	[sflag:s24] =	ssyncset.done $0x0  }
0x2b3: {  	s12 =	simm.s32 $0x6000;
	[sflag:s24] =	ssyncadd.s32 $0xFFFFF000  }
0x2b4: {  	[spmem:s9] =	stream.indirect.scatter.add.f32 [tilespmem:s12], [sflag:$0x3], $0x20, s2, s17, $0xb8;
	[tilespmem:$0x1AA80] =	vst v63  }
0x2b5: {  	_ =	swait.ge [sflag:s25], $0x80  }
0x2b6: {  	[sflag:s25] =	ssyncset.done $0x0  }
0x2b7: {  	s12 =	simm.s32 $0x15080;
	[sflag:s25] =	ssyncadd.s32 $0xFFFFFF80  }
0x2b8: {  	[spmem:s1] =	stream.indirect.scatter.add.f32 [tilespmem:s12], [sflag:$0x4], $0x1, s4, s17, $0xb8;
	[tilespmem:$0x1AA80] =	vst v63  }
0x2b9: {  	_ =	swait.ge [sflag:s24], $0x1000  }
0x2ba: {  	[sflag:s24] =	ssyncset.done $0x0  }
0x2bb: {  	s2 =	simm.s32 $0x7000;
	[sflag:s24] =	ssyncadd.s32 $0xFFFFF000  }
0x2bc: {  	[spmem:s9] =	stream.indirect.scatter.add.f32 [tilespmem:s2], [sflag:$0x3], $0x20, s3, s17, $0xb8;
	[tilespmem:$0x1AA80] =	vst v63  }
0x2bd: {  	_ =	swait.ge [sflag:s25], $0x80  }
0x2be: {  	[sflag:s25] =	ssyncset.done $0x0  }
0x2bf: {  	s4 =	simm.s32 $0x15100;
	[sflag:s25] =	ssyncadd.s32 $0xFFFFFF80  }
0x2c0: {  	[spmem:s1] =	stream.indirect.scatter.add.f32 [tilespmem:s4], [sflag:$0x4], $0x1, s7, s17, $0xb8;
	[tilespmem:$0x1AA80] =	vst v63  }
0x2c1: {  	_ =	swait.ge [sflag:s24], $0x1000  }
0x2c2: {  	[sflag:s24] =	ssyncset.done $0x0  }
0x2c3: {  	s7 =	simm.s32 $0x8000;
	[sflag:s24] =	ssyncadd.s32 $0xFFFFF000  }
0x2c4: {  	[spmem:s9] =	stream.indirect.scatter.add.f32 [tilespmem:s7], [sflag:$0x3], $0x20, s6, s17, $0xb8;
	[tilespmem:$0x1AA80] =	vst v63  }
0x2c5: {  	_ =	swait.ge [sflag:s25], $0x80  }
0x2c6: {  	[sflag:s25] =	ssyncset.done $0x0  }
0x2c7: {  	s12 =	simm.s32 $0x15180;
	[sflag:s25] =	ssyncadd.s32 $0xFFFFFF80  }
0x2c8: {  	[spmem:s1] =	stream.indirect.scatter.add.f32 [tilespmem:s12], [sflag:$0x4], $0x1, s31, s17, $0xb8;
	[tilespmem:$0x1AA80] =	vst v63  }
0x2c9: {  	_ =	swait.ge [sflag:s24], $0x1000  }
0x2ca: {  	[sflag:s24] =	ssyncset.done $0x0  }
0x2cb: {  	s31 =	simm.s32 $0x9000;
	[sflag:s24] =	ssyncadd.s32 $0xFFFFF000  }
0x2cc: {  	[spmem:s9] =	stream.indirect.scatter.add.f32 [tilespmem:s31], [sflag:$0x3], $0x20, s8, s17, $0xb8;
	[tilespmem:$0x1AA80] =	vst v63  }
0x2cd: {  	_ =	swait.ge [sflag:s25], $0x80  }
0x2ce: {  	[sflag:s25] =	ssyncset.done $0x0  }
0x2cf: {  	s2 =	simm.s32 $0x15200;
	[sflag:s25] =	ssyncadd.s32 $0xFFFFFF80  }
0x2d0: {  	[spmem:s1] =	stream.indirect.scatter.add.f32 [tilespmem:s2], [sflag:$0x4], $0x1, s29, s17, $0xb8;
	[tilespmem:$0x1AA80] =	vst v63  }
0x2d1: {  	_ =	swait.ge [sflag:s24], $0x1000  }
0x2d2: {  	[sflag:s24] =	ssyncset.done $0x0  }
0x2d3: {  	s3 =	simm.s32 $0xA000;
	[sflag:s24] =	ssyncadd.s32 $0xFFFFF000  }
0x2d4: {  	[spmem:s9] =	stream.indirect.scatter.add.f32 [tilespmem:s3], [sflag:$0x3], $0x20, s30, s17, $0xb8;
	[tilespmem:$0x1AA80] =	vst v63  }
0x2d5: {  	_ =	swait.ge [sflag:s25], $0x80  }
0x2d6: {  	[sflag:s25] =	ssyncset.done $0x0  }
0x2d7: {  	s4 =	simm.s32 $0x15280;
	[sflag:s25] =	ssyncadd.s32 $0xFFFFFF80  }
0x2d8: {  	[spmem:s1] =	stream.indirect.scatter.add.f32 [tilespmem:s4], [sflag:$0x4], $0x1, s22, s17, $0xb8;
	[tilespmem:$0x1AA80] =	vst v63  }
0x2d9: {  	_ =	swait.ge [sflag:s24], $0x1000  }
0x2da: {  	[sflag:s24] =	ssyncset.done $0x0  }
0x2db: {  	s6 =	simm.s32 $0xB000;
	[sflag:s24] =	ssyncadd.s32 $0xFFFFF000  }
0x2dc: {  	[spmem:s9] =	stream.indirect.scatter.add.f32 [tilespmem:s6], [sflag:$0x3], $0x20, s23, s17, $0xb8;
	[tilespmem:$0x1AA80] =	vst v63  }
0x2dd: {  	_ =	swait.ge [sflag:s25], $0x80  }
0x2de: {  	[sflag:s25] =	ssyncset.done $0x0  }
0x2df: {  	s7 =	simm.s32 $0x15300;
	[sflag:s25] =	ssyncadd.s32 $0xFFFFFF80  }
0x2e0: {  	[spmem:s1] =	stream.indirect.scatter.add.f32 [tilespmem:s7], [sflag:$0x4], $0x1, s20, s17, $0xb8;
	[tilespmem:$0x1AA80] =	vst v63  }
0x2e1: {  	_ =	swait.ge [sflag:s24], $0x1000  }
0x2e2: {  	[sflag:s24] =	ssyncset.done $0x0  }
0x2e3: {  	s8 =	simm.s32 $0xC000;
	[sflag:s24] =	ssyncadd.s32 $0xFFFFF000  }
0x2e4: {  	[spmem:s9] =	stream.indirect.scatter.add.f32 [tilespmem:s8], [sflag:$0x3], $0x20, s21, s17, $0xb8;
	[tilespmem:$0x1AA80] =	vst v63  }
0x2e5: {  	_ =	swait.ge [sflag:s25], $0x80  }
0x2e6: {  	[sflag:s25] =	ssyncset.done $0x0  }
0x2e7: {  	s12 =	simm.s32 $0x15380;
	[sflag:s25] =	ssyncadd.s32 $0xFFFFFF80  }
0x2e8: {  	[spmem:s1] =	stream.indirect.scatter.add.f32 [tilespmem:s12], [sflag:$0x4], $0x1, s18, s17, $0xb8;
	[tilespmem:$0x1AA80] =	vst v63  }
0x2e9: {  	_ =	swait.ge [sflag:s24], $0x1000  }
0x2ea: {  	[sflag:s24] =	ssyncset.done $0x0  }
0x2eb: {  	s18 =	simm.s32 $0xD000;
	[sflag:s24] =	ssyncadd.s32 $0xFFFFF000  }
0x2ec: {  	[spmem:s9] =	stream.indirect.scatter.add.f32 [tilespmem:s18], [sflag:$0x3], $0x20, s19, s17, $0xb8;
	[tilespmem:$0x1AA80] =	vst v63  }
0x2ed: {  	_ =	swait.ge [sflag:s25], $0x80  }
0x2ee: {  	[sflag:s25] =	ssyncset.done $0x0  }
0x2ef: {  	s19 =	simm.s32 $0x15400;
	[sflag:s25] =	ssyncadd.s32 $0xFFFFFF80  }
0x2f0: {  	[spmem:s1] =	stream.indirect.scatter.add.f32 [tilespmem:s19], [sflag:$0x4], $0x1, s15, s17, $0xb8;
	[tilespmem:$0x1AA80] =	vst v63  }
0x2f1: {  	_ =	swait.ge [sflag:s24], $0x1000  }
0x2f2: {  	[sflag:s24] =	ssyncset.done $0x0  }
0x2f3: {  	s20 =	simm.s32 $0xE000;
	[sflag:s24] =	ssyncadd.s32 $0xFFFFF000  }
0x2f4: {  	[spmem:s9] =	stream.indirect.scatter.add.f32 [tilespmem:s20], [sflag:$0x3], $0x20, s16, s17, $0xb8;
	[tilespmem:$0x1AA80] =	vst v63  }
0x2f5: {  	_ =	swait.ge [sflag:s25], $0x80  }
0x2f6: {  	[sflag:s25] =	ssyncset.done $0x0  }
0x2f7: {  	s21 =	simm.s32 $0x15480;
	[sflag:s25] =	ssyncadd.s32 $0xFFFFFF80  }
0x2f8: {  	[spmem:s1] =	stream.indirect.scatter.add.f32 [tilespmem:s21], [sflag:$0x4], $0x1, s13, s17, $0xb8;
	[tilespmem:$0x1AA80] =	vst v63  }
0x2f9: {  	_ =	swait.ge [sflag:s24], $0x1000  }
0x2fa: {  	[sflag:s24] =	ssyncset.done $0x0  }
0x2fb: {  	s22 =	simm.s32 $0xF000;
	[sflag:s24] =	ssyncadd.s32 $0xFFFFF000  }
0x2fc: {  	[spmem:s9] =	stream.indirect.scatter.add.f32 [tilespmem:s22], [sflag:$0x3], $0x20, s14, s17, $0xb8;
	[tilespmem:$0x1AA80] =	vst v63  }
0x2fd: {  	_ =	swait.ge [sflag:s25], $0x80  }
0x2fe: {  	s23 =	sld [smem:$0x7FA]  }
0x2ff: {  	[sflag:s25] =	ssyncset.done $0x0  }
0x300: {  	s29 =	simm.s32 $0x15500;
	[sflag:s25] =	ssyncadd.s32 $0xFFFFFF80  }
0x301: {  	[spmem:s1] =	stream.indirect.scatter.add.f32 [tilespmem:s29], [sflag:$0x4], $0x1, s23, s17, $0xb8;
	[tilespmem:$0x1AA80] =	vst v63  }
0x302: {  	_ =	swait.ge [sflag:s24], $0x1000  }
0x303: {  	s31 =	sld [smem:$0x7FB]  }
0x304: {  	[sflag:s24] =	ssyncset.done $0x0  }
0x305: {  	s30 =	simm.s32 $0x10000;
	[sflag:s24] =	ssyncadd.s32 $0xFFFFF000  }
0x306: {  	[spmem:s9] =	stream.indirect.scatter.add.f32 [tilespmem:s30], [sflag:$0x3], $0x20, s31, s17, $0xb8;
	[tilespmem:$0x1AA80] =	vst v63  }
0x307: {  	_ =	swait.ge [sflag:s25], $0x80  }
0x308: {  	s3 =	sld [smem:$0x7FC]  }
0x309: {  	[sflag:s25] =	ssyncset.done $0x0  }
0x30a: {  	s4 =	simm.s32 $0x15580;
	[sflag:s25] =	ssyncadd.s32 $0xFFFFFF80  }
0x30b: {  	[spmem:s1] =	stream.indirect.scatter.add.f32 [tilespmem:s4], [sflag:$0x4], $0x1, s3, s17, $0xb8;
	[tilespmem:$0x1AA80] =	vst v63  }
0x30c: {  	_ =	swait.ge [sflag:s24], $0x1000  }
0x30d: {  	s7 =	sld [smem:$0x7FD]  }
0x30e: {  	[sflag:s24] =	ssyncset.done $0x0  }
0x30f: {  	s6 =	simm.s32 $0x11000;
	[sflag:s24] =	ssyncadd.s32 $0xFFFFF000  }
0x310: {  	[spmem:s9] =	stream.indirect.scatter.add.f32 [tilespmem:s6], [sflag:$0x3], $0x20, s7, s17, $0xb8;
	[tilespmem:$0x1AA80] =	vst v63  }
0x311: {  	_ =	swait.ge [sflag:s25], $0x80  }
0x312: {  	[sflag:s25] =	ssyncset.done $0x0  }
0x313: {  	s12 =	simm.s32 $0x15600;
	s8 =	rddreg [dreg:$0x1e];
	[sflag:s25] =	ssyncadd.s32 $0xFFFFFF80  }
0x314: {  	[spmem:s1] =	stream.indirect.scatter.add.f32 [tilespmem:s12], [sflag:$0x4], $0x1, s8, s17, $0xb8;
	[tilespmem:$0x1AA80] =	vst v63  }
0x315: {  	_ =	swait.ge [sflag:s24], $0x1000  }
0x316: {  	[sflag:s24] =	ssyncset.done $0x0  }
0x317: {  	s13 =	simm.s32 $0x12000;
	s14 =	rddreg [dreg:$0x1f];
	[sflag:s24] =	ssyncadd.s32 $0xFFFFF000  }
0x318: {  	[spmem:s9] =	stream.indirect.scatter.add.f32 [tilespmem:s13], [sflag:$0x3], $0x20, s14, s17, $0xb8;
	[tilespmem:$0x1AA80] =	vst v63  }
0x319: {  	_ =	swait.ge [sflag:s25], $0x80  }
0x31a: {  	[sflag:s25] =	ssyncset.done $0x0  }
0x31b: {  	s16 =	simm.s32 $0x15680;
	s15 =	rddreg [dreg:$0x1c];
	[sflag:s25] =	ssyncadd.s32 $0xFFFFFF80  }
0x31c: {  	[spmem:s1] =	stream.indirect.scatter.add.f32 [tilespmem:s16], [sflag:$0x4], $0x1, s15, s17, $0xb8;
	[tilespmem:$0x1AA80] =	vst v63  }
0x31d: {  	_ =	swait.ge [sflag:s24], $0x1000  }
0x31e: {  	[sflag:s24] =	ssyncset.done $0x0  }
0x31f: {  	s18 =	simm.s32 $0x13000;
	s19 =	rddreg [dreg:$0x1d];
	[sflag:s24] =	ssyncadd.s32 $0xFFFFF000  }
0x320: {  	[spmem:s9] =	stream.indirect.scatter.add.f32 [tilespmem:s18], [sflag:$0x3], $0x20, s19, s17, $0xb8;
	[tilespmem:$0x1AA80] =	vst v63  }
0x321: {  	_ =	swait.ge [sflag:s25], $0x80  }
0x322: {  	[sflag:s25] =	ssyncset.done $0x0  }
0x323: {  	s21 =	simm.s32 $0x15700;
	s20 =	rddreg [dreg:$0x1b];
	[sflag:s25] =	ssyncadd.s32 $0xFFFFFF80  }
0x324: {  	[spmem:s1] =	stream.indirect.scatter.add.f32 [tilespmem:s21], [sflag:$0x4], $0x1, s20, s17, $0xb8;
	[tilespmem:$0x1AA80] =	vst v63  }
0x325: {  	_ =	swait.ge [sflag:s24], $0x1000  }
0x326: {  	[sflag:s24] =	ssyncset.done $0x0  }
0x327: {  	s22 =	simm.s32 $0x14000;
	[sflag:s24] =	ssyncadd.s32 $0xFFFFF000  }
0x328: {  	[spmem:s9] =	stream.indirect.scatter.add.f32 [tilespmem:s22], [sflag:$0x3], $0x20, s11, s17, $0xb8;
	[tilespmem:$0x1AA80] =	vst v63  }
0x329: {  	_ =	swait.ge [sflag:s25], $0x80  }
0x32a: {  	[sflag:s25] =	ssyncset.done $0x0  }
0x32b: {  	s29 =	simm.s32 $0x15780;
	s23 =	rddreg [dreg:$0x1a];
	[sflag:s25] =	ssyncadd.s32 $0xFFFFFF80  }
0x32c: {  	[spmem:s1] =	stream.indirect.scatter.add.f32 [tilespmem:s29], [sflag:$0x4], $0x1, s23, s17, $0xb8;
	[tilespmem:$0x1AA80] =	vst v63  }
0x32d: {  	_ =	swait.ge [sflag:s26], $0x1000  }
0x32e: {  	[sflag:s26] =	ssyncset.done $0x0  }
0x32f: {  	[sflag:s26] =	ssyncadd.s32 $0xFFFFF000  }
0x330: {  	_ =	swait.ge [sflag:s28], $0x80  }
0x331: {  	[sflag:s28] =	ssyncset.done $0x0  }
0x332: {  	[sflag:s28] =	ssyncadd.s32 $0xFFFFFF80  }
0x333: {  	_ =	swait.ge [sflag:s26], $0x1000  }
0x334: {  	[sflag:s26] =	ssyncset.done $0x0  }
0x335: {  	[sflag:s26] =	ssyncadd.s32 $0xFFFFF000  }
0x336: {  	_ =	swait.ge [sflag:s28], $0x80  }
0x337: {  	[sflag:s28] =	ssyncset.done $0x0  }
0x338: {  	[sflag:s28] =	ssyncadd.s32 $0xFFFFFF80  }
0x339: {  	_ =	swait.ge [sflag:s26], $0x1000  }
0x33a: {  	[sflag:s26] =	ssyncset.done $0x0  }
0x33b: {  	[sflag:s26] =	ssyncadd.s32 $0xFFFFF000  }
0x33c: {  	_ =	swait.ge [sflag:s28], $0x80  }
0x33d: {  	[sflag:s28] =	ssyncset.done $0x0  }
0x33e: {  	[sflag:s28] =	ssyncadd.s32 $0xFFFFFF80  }
0x33f: {  	_ =	swait.ge [sflag:s26], $0x1000  }
0x340: {  	[sflag:s26] =	ssyncset.done $0x0  }
0x341: {  	[sflag:s26] =	ssyncadd.s32 $0xFFFFF000  }
0x342: {  	_ =	swait.ge [sflag:s28], $0x80  }
0x343: {  	[sflag:s28] =	ssyncset.done $0x0  }
0x344: {  	[sflag:s28] =	ssyncadd.s32 $0xFFFFFF80  }
0x345: {  	_ =	swait.ge [sflag:s26], $0x1000  }
0x346: {  	[sflag:s26] =	ssyncset.done $0x0  }
0x347: {  	[sflag:s26] =	ssyncadd.s32 $0xFFFFF000  }
0x348: {  	_ =	swait.ge [sflag:s28], $0x80  }
0x349: {  	[sflag:s28] =	ssyncset.done $0x0  }
0x34a: {  	[sflag:s28] =	ssyncadd.s32 $0xFFFFFF80  }
0x34b: {  	_ =	swait.ge [sflag:s26], $0x1000  }
0x34c: {  	[sflag:s26] =	ssyncset.done $0x0  }
0x34d: {  	[sflag:s26] =	ssyncadd.s32 $0xFFFFF000  }
0x34e: {  	_ =	swait.ge [sflag:s28], $0x80  }
0x34f: {  	[sflag:s28] =	ssyncset.done $0x0  }
0x350: {  	[sflag:s28] =	ssyncadd.s32 $0xFFFFFF80  }
0x351: {  	_ =	swait.ge [sflag:s26], $0x1000  }
0x352: {  	[sflag:s26] =	ssyncset.done $0x0  }
0x353: {  	[sflag:s26] =	ssyncadd.s32 $0xFFFFF000  }
0x354: {  	_ =	swait.ge [sflag:s28], $0x80  }
0x355: {  	[sflag:s28] =	ssyncset.done $0x0  }
0x356: {  	[sflag:s28] =	ssyncadd.s32 $0xFFFFFF80  }
0x357: {  	_ =	swait.ge [sflag:s26], $0x1000  }
0x358: {  	[sflag:s26] =	ssyncset.done $0x0  }
0x359: {  	[sflag:s26] =	ssyncadd.s32 $0xFFFFF000  }
0x35a: {  	_ =	swait.ge [sflag:s28], $0x80  }
0x35b: {  	[sflag:s28] =	ssyncset.done $0x0  }
0x35c: {  	[sflag:s28] =	ssyncadd.s32 $0xFFFFFF80  }
0x35d: {  	_ =	swait.ge [sflag:s26], $0x1000  }
0x35e: {  	[sflag:s26] =	ssyncset.done $0x0  }
0x35f: {  	[sflag:s26] =	ssyncadd.s32 $0xFFFFF000  }
0x360: {  	_ =	swait.ge [sflag:s28], $0x80  }
0x361: {  	[sflag:s28] =	ssyncset.done $0x0  }
0x362: {  	[sflag:s28] =	ssyncadd.s32 $0xFFFFFF80  }
0x363: {  	_ =	swait.ge [sflag:s26], $0x1000  }
0x364: {  	[sflag:s26] =	ssyncset.done $0x0  }
0x365: {  	[sflag:s26] =	ssyncadd.s32 $0xFFFFF000  }
0x366: {  	_ =	swait.ge [sflag:s28], $0x80  }
0x367: {  	[sflag:s28] =	ssyncset.done $0x0  }
0x368: {  	[sflag:s28] =	ssyncadd.s32 $0xFFFFFF80  }
0x369: {  	_ =	swait.ge [sflag:s26], $0x1000  }
0x36a: {  	[sflag:s26] =	ssyncset.done $0x0  }
0x36b: {  	[sflag:s26] =	ssyncadd.s32 $0xFFFFF000  }
0x36c: {  	_ =	swait.ge [sflag:s28], $0x80  }
0x36d: {  	[sflag:s28] =	ssyncset.done $0x0  }
0x36e: {  	[sflag:s28] =	ssyncadd.s32 $0xFFFFFF80  }
0x36f: {  	_ =	swait.ge [sflag:s26], $0x1000  }
0x370: {  	[sflag:s26] =	ssyncset.done $0x0  }
0x371: {  	[sflag:s26] =	ssyncadd.s32 $0xFFFFF000  }
0x372: {  	_ =	swait.ge [sflag:s28], $0x80  }
0x373: {  	[sflag:s28] =	ssyncset.done $0x0  }
0x374: {  	[sflag:s28] =	ssyncadd.s32 $0xFFFFFF80  }
0x375: {  	_ =	swait.ge [sflag:s26], $0x1000  }
0x376: {  	[sflag:s26] =	ssyncset.done $0x0  }
0x377: {  	[sflag:s26] =	ssyncadd.s32 $0xFFFFF000  }
0x378: {  	_ =	swait.ge [sflag:s28], $0x80  }
0x379: {  	[sflag:s28] =	ssyncset.done $0x0  }
0x37a: {  	[sflag:s28] =	ssyncadd.s32 $0xFFFFFF80  }
0x37b: {  	_ =	swait.ge [sflag:s26], $0x1000  }
0x37c: {  	[sflag:s26] =	ssyncset.done $0x0  }
0x37d: {  	[sflag:s26] =	ssyncadd.s32 $0xFFFFF000  }
0x37e: {  	_ =	swait.ge [sflag:s28], $0x80  }
0x37f: {  	[sflag:s28] =	ssyncset.done $0x0  }
0x380: {  	[sflag:s28] =	ssyncadd.s32 $0xFFFFFF80  }
0x381: {  	_ =	swait.ge [sflag:s26], $0x1000  }
0x382: {  	[sflag:s26] =	ssyncset.done $0x0  }
0x383: {  	[sflag:s26] =	ssyncadd.s32 $0xFFFFF000  }
0x384: {  	_ =	swait.ge [sflag:s28], $0x80  }
0x385: {  	[sflag:s28] =	ssyncset.done $0x0  }
0x386: {  	[sflag:s28] =	ssyncadd.s32 $0xFFFFFF80  }
0x387: {  	_ =	swait.ge [sflag:s26], $0x1000  }
0x388: {  	[sflag:s26] =	ssyncset.done $0x0  }
0x389: {  	[sflag:s26] =	ssyncadd.s32 $0xFFFFF000  }
0x38a: {  	_ =	swait.ge [sflag:s28], $0x80  }
0x38b: {  	[sflag:s28] =	ssyncset.done $0x0  }
0x38c: {  	[sflag:s28] =	ssyncadd.s32 $0xFFFFFF80  }
0x38d: {  	[bflag:$0x0] =	sbarrier.arrive $0xFFFF  }
0x38e: {  	s1 =	rddreg [dreg:$0x14]  }
0x38f: {  	s0 =	simm.s32 @!p0 $0x1C05;
	s3 =	rddreg [dreg:$0x17]  }
0x390: {  	[hbm:s1], [sflag:s0] =	dma.local @!p0 [spmem:s3], $0xA000  }
0x391: {  	s1 =	simm.s32 @!p0 $0x5  }
0x392: {  	_ =	swait.ge @!p0 [sflag:s1], $0xA000  }
0x393: {  	[sflag:s1] =	ssyncset.done @!p0 $0x0;
	s2 =	rddreg [dreg:$0x15]  }
0x394: {  	s4 =	rddreg [dreg:$0x18];
	[sflag:s1] =	ssyncadd.s32 @!p0 $0xFFFF6000  }
0x395: {  	[hbm:s2], [sflag:s0] =	dma.local @!p0 [spmem:s4], $0x500  }
0x396: {  	_ =	swait.ge @!p0 [sflag:s1], $0x500  }
0x397: {  	s30 =	rddreg [dreg:$0x19]  }
0x398: {  	s31 =	rddreg [dreg:$0x16];
	s2 =	sadd.s32 $0x1, s30  }
0x399: {  	p1 =	sne.s32 s2, s31  }
.Ltmp1:
0x39a: {  	_ = 	snop;
	(pc) =	sbr.rel @p1 .LBB2_1-.Ltmp1, $3  }
0x39b: {  	_ =	sdelay $0x1  }
0x39c: {  	[sflag:s1] =	ssyncset.done @!p0 $0x0  }
0x39d: {  	[sflag:s1] =	ssyncadd.s32 @!p0 $0xFFFFFB00  }
0x39e: {  	_ =	sfence.sel $0x180000  }
0x39f: {  	[bflag:$0x0] =	sbarrier.arrive $0xFFFF  }
0x3a0: {  	_ =	strace $0x9000004A  }
0x3a1: {  	[bflag:$0x2] =	sbarrier.arrive $0xFFFF  }
0x3a2: {  	s0 =	rddreg [dreg:$0x3]  }
0x3a3: {  	s0 =	sadd.s32 @!p0 $0x100000, s0  }
0x3a4: {  	[sflag:s0] =	ssyncadd.tile.s32 @!p0 $0x1;
	_ =	shalt  }
.Lfunc_end2:
_tile_overlayer_lowered:
.L_overlay_start_2:
0x3a5: {  	(tag) =	ssettag $0x2  }
0x3a6: {  	s0 =	rddreg [dreg:$0x0];
	s2 =	stileid.u32  }
0x3a7: {  	s1 =	rddreg [dreg:$0x1];
	p0 =	sne.s32 s2, $0x0  }
0x3a8: {  	s3 =	rddreg [dreg:$0x2];
	[bflag:$0x3] =	sbarrier.arrive $0xFFFF;
	s2 =	simm.s32 @!p0 $0x1C05  }
0x3a9: {  	[timem:s3], [sflag:s2] =	dma.local @!p0 [hbm:s0], s1  }
0x3aa: {  	s0 =	simm.s32 @!p0 $0x5  }
0x3ab: {  	_ =	swait.ge @!p0 [sflag:s0], s1  }
0x3ac: {  	s1 =	ssub.s32 @!p0 $0x0, s1;
	[sflag:s0] =	ssyncset.done @!p0 $0x0  }
0x3ad: {  	[sflag:s0] =	ssyncadd.s32 @!p0 s1  }
0x3ae: {  	[bflag:$0x3] =	sbarrier.arrive $0xFFFF  }
0x3af: {  	_ =	shalt  }

</sc_bundles>
